<compile_context>
chip_gen: v7x
topology: tpu7x:2x2x1
jax: 0.10.2.dev20260603
libtpu: 0.0.44.dev20260713+nightly
codegen_flags: <defaults>
</compile_context>

<pallas_src>
import functools

import jax
import jax.numpy as jnp
from jax import lax
from jax.experimental import pallas as pl
from jax.experimental.pallas import tpu as pltpu
from jax.experimental.pallas import tpu_sc as plsc

NC = 2
NS = 16
LANES = 16
NW = NC * NS


def _lse_pad_body(t_ref, lse_ref, tp_ref):
    x = t_ref[...]
    m = jnp.max(x, axis=1, keepdims=True)
    s = jnp.sum(jnp.exp(x - m), axis=1, keepdims=True)
    lse_ref[...] = m + jnp.log(s)
    tp_ref[...] = jnp.pad(x, ((0, 0), (0, tp_ref.shape[1] - x.shape[1])))


def _loss_body(p_ref, o_ref, *, inv_n):
    o_ref[...] = jnp.full((1, 1), inv_n, jnp.float32) * jnp.sum(p_ref[...])


def _sc_gather_fn(V, C, CP, N, CH):
    b_per_w = N // NW
    n_ch = b_per_w // CH
    mesh = plsc.VectorSubcoreMesh(core_axis_name="c", subcore_axis_name="s")

    def body(table_h, idx_h, tgt_h, lse_h, out_h, part_h,
             idx_v, tgt_v, lse_v, rows_v, acc_v, gsem0, gsem1, osem0, osem1):
        cid = lax.axis_index("c")
        sid = lax.axis_index("s")
        wid = sid * NC + cid
        base = wid * b_per_w
        pltpu.sync_copy(idx_h.at[pl.ds(base, b_per_w)], idx_v)
        pltpu.sync_copy(tgt_h.at[pl.ds(base, b_per_w)], tgt_v)
        pltpu.sync_copy(lse_h, lse_v)

        gsems = (gsem0, gsem1)
        osems = (osem0, osem1)
        iot = lax.iota(jnp.int32, LANES)
        gcp = [None] * n_ch
        ocp = [None] * n_ch

        def start_gather(c):
            p = c % 2
            gcp[c] = pltpu.async_copy(
                table_h.at[idx_v.at[pl.ds(c * CH, CH)]], rows_v.at[p], gsems[p])

        start_gather(0)
        acc = jnp.zeros((LANES,), jnp.float32)
        for c in range(n_ch):
            p = c % 2
            gcp[c].wait()
            if c + 1 < n_ch:
                if c >= 1:
                    ocp[c - 1].wait()
                start_gather(c + 1)
            for g in range(CH // LANES):
                off = c * CH + g * LANES
                idx_vals = idx_v[pl.ds(off, LANES)]
                tgt_vals = tgt_v[pl.ds(off, LANES)]
                lse_g = plsc.load_gather(lse_v, [idx_vals])
                t_log = plsc.load_gather(rows_v.at[p], [iot + g * LANES, tgt_vals])
                acc = acc + (lse_g - t_log)
            ocp[c] = pltpu.async_copy(
                rows_v.at[p], out_h.at[pl.ds(base + c * CH, CH)], osems[p])
        ocp[n_ch - 2].wait()
        ocp[n_ch - 1].wait()
        acc_v[...] = acc
        pltpu.sync_copy(acc_v, part_h.at[pl.ds(wid * LANES, LANES)])

    return pl.kernel(
        body,
        out_type=[
            jax.ShapeDtypeStruct((N, CP), jnp.float32),
            jax.ShapeDtypeStruct((NW * LANES,), jnp.float32),
        ],
        mesh=mesh,
        compiler_params=pltpu.CompilerParams(needs_layout_passes=False),
        scratch_types=[
            pltpu.VMEM((b_per_w,), jnp.int32),
            pltpu.VMEM((b_per_w,), jnp.int32),
            pltpu.VMEM((V,), jnp.float32),
            pltpu.VMEM((2, CH, CP), jnp.float32),
            pltpu.VMEM((LANES,), jnp.float32),
            pltpu.SemaphoreType.DMA,
            pltpu.SemaphoreType.DMA,
            pltpu.SemaphoreType.DMA,
            pltpu.SemaphoreType.DMA,
        ],
    )


def kernel(idx, targets, table):
    V, C = table.shape
    CP = (C + 127) // 128 * 128
    Bb, Tt = idx.shape
    N = Bb * Tt
    idx_f = idx.reshape(N).astype(jnp.int32)
    tgt_f = targets.reshape(N).astype(jnp.int32)

    lse, table_p = pl.pallas_call(
        _lse_pad_body,
        out_shape=[
            jax.ShapeDtypeStruct((V, 1), jnp.float32),
            jax.ShapeDtypeStruct((V, CP), jnp.float32),
        ],
    )(table)

    out_p, part = _sc_gather_fn(V, C, CP, N, CH=32)(
        table_p, idx_f, tgt_f, lse.reshape(V))
    out = out_p[:, :C]

    loss = pl.pallas_call(
        functools.partial(_loss_body, inv_n=1.0 / N),
        out_shape=jax.ShapeDtypeStruct((1, 1), jnp.float32),
    )(part.reshape(NW, LANES))[0, 0]

    return out, loss

# --- scband reference (transcript-rebuilt; emitter-appended) ---
"""Pipeline reference for scband-bpe-31756988187300 (READ-ONLY COPY).

The authoritative reference and input builder live on the scoring server;
editing this copy changes nothing except your own understanding.
"""

import jax, jax.numpy as jnp
import numpy as np

VOCAB = 1000
B = 1024
T = 20

def setup_inputs(seed: int = 0) -> dict:
    key = jax.random.key(seed)
    k1, k2, k3 = jax.random.split(key, 3)
    idx = jax.random.randint(k1, (B, T), 0, VOCAB)
    targets = jax.random.randint(k2, (B, T), 0, VOCAB)
    # learned parameter: nn.Embedding(vocab_size, vocab_size) weight
    table = jax.random.normal(k3, (VOCAB, VOCAB), dtype=jnp.float32) * 0.02
    return {"idx": idx, "targets": targets, "table": table}

def reference(idx, targets, table):
    # logits = self.token_embedding(idx)
    logits = jnp.take(table, idx, axis=0)  # [B, T, C]
    Bs, Ts, C = logits.shape
    logits2 = logits.reshape(Bs * Ts, C)
    tgt = targets.reshape(Bs * Ts)
    # F.cross_entropy with mean reduction
    logp = jax.nn.log_softmax(logits2, axis=-1)
    nll = -jnp.take_along_axis(logp, tgt[:, None], axis=1)[:, 0]
    loss = jnp.mean(nll)
    return (logits2, loss)

if __name__ == "__main__":
    import jax
    _d = setup_inputs()
    print(jax.jit(kernel)(*tuple(_d.values())))

</pallas_src>

<mosaic_0001>
#map = affine_map<(d0, d1) -> (0, 0)>
#map1 = affine_map<(d0, d1) -> (0)>
module attributes {stable_mosaic.version = 14 : i64} {
  func.func @body(%arg0: i32, %arg1: i32, %arg2: memref<1000x1024xf32, #tpu.memory_space<hbm>>, %arg3: memref<20480xi32, #tpu.memory_space<hbm>>, %arg4: memref<20480xi32, #tpu.memory_space<hbm>>, %arg5: memref<1000xf32, #tpu.memory_space<hbm>>, %arg6: memref<20480x1024xf32, #tpu.memory_space<hbm>>, %arg7: memref<512xf32, #tpu.memory_space<hbm>>, %arg8: memref<640xi32, #tpu.memory_space<vmem>>, %arg9: memref<640xi32, #tpu.memory_space<vmem>>, %arg10: memref<1000xf32, #tpu.memory_space<vmem>>, %arg11: memref<2x32x1024xf32, #tpu.memory_space<vmem>>, %arg12: memref<16xf32, #tpu.memory_space<vmem>>, %arg13: memref<!tpu.dma_semaphore, #tpu.memory_space<semaphore_mem>>, %arg14: memref<!tpu.dma_semaphore, #tpu.memory_space<semaphore_mem>>, %arg15: memref<!tpu.dma_semaphore, #tpu.memory_space<semaphore_mem>>, %arg16: memref<!tpu.dma_semaphore, #tpu.memory_space<semaphore_mem>>) attributes {dimension_semantics = [#tpu.dimension_semantics<core_parallel>, #tpu.dimension_semantics<subcore_parallel>], iteration_bounds = array<i64: 2, 16>, scalar_prefetch = 0 : i64, scratch_operands = 9 : i64, tpu.core_type = #tpu.core_type<sc_vector_subcore>, window_params = [{transform_indices = #map}, {transform_indices = #map1}, {transform_indices = #map1}, {transform_indices = #map1}, {transform_indices = #map}, {transform_indices = #map1}]} {
    %mul3A = arith.constant 2 : i32
    %mul3A_0 = arith.muli %arg1, %mul3A : i32
    %add3A = arith.addi %mul3A_0, %arg0 : i32
    %mul3A_1 = arith.constant 640 : i32
    %mul3A_2 = arith.muli %add3A, %mul3A_1 : i32
    "tpu.region"() ({
      %run_scoped3A = tpu.sem_alloc : memref<!tpu.dma_semaphore, #tpu.memory_space<semaphore_mem>>
      %dma_start3A_1602 = tpu.memref_slice %arg3[%mul3A_2] : memref<20480xi32, #tpu.memory_space<hbm>> -> memref<640xi32, #tpu.memory_space<hbm>>
      %dma_start3A_1603 = tpu.memref_slice %arg3[%mul3A_2] : memref<20480xi32, #tpu.memory_space<hbm>> -> memref<640xi32, #tpu.memory_space<hbm>>
      tpu.enqueue_dma source(%dma_start3A_1603 : memref<640xi32, #tpu.memory_space<hbm>>) target(%arg8 : memref<640xi32, #tpu.memory_space<vmem>>) target_semaphore(%run_scoped3A : memref<!tpu.dma_semaphore, #tpu.memory_space<semaphore_mem>>)
      %dma_wait3A_1604 = tpu.memref_slice %arg3[%mul3A_2] : memref<20480xi32, #tpu.memory_space<hbm>> -> memref<640xi32, #tpu.memory_space<hbm>>
      %dma_wait3A_1605 = tpu.memref_slice %arg3[%mul3A_2] : memref<20480xi32, #tpu.memory_space<hbm>> -> memref<640xi32, #tpu.memory_space<hbm>>
      tpu.wait_dma2 semaphore(%run_scoped3A : memref<!tpu.dma_semaphore, #tpu.memory_space<semaphore_mem>>) src(%dma_wait3A_1605 : memref<640xi32, #tpu.memory_space<hbm>>) dst(%arg8 : memref<640xi32, #tpu.memory_space<vmem>>)
      tpu.yield
    }) : () -> ()
    "tpu.region"() ({
      %run_scoped3A = tpu.sem_alloc : memref<!tpu.dma_semaphore, #tpu.memory_space<semaphore_mem>>
      %dma_start3A_1602 = tpu.memref_slice %arg4[%mul3A_2] : memref<20480xi32, #tpu.memory_space<hbm>> -> memref<640xi32, #tpu.memory_space<hbm>>
      %dma_start3A_1603 = tpu.memref_slice %arg4[%mul3A_2] : memref<20480xi32, #tpu.memory_space<hbm>> -> memref<640xi32, #tpu.memory_space<hbm>>
      tpu.enqueue_dma source(%dma_start3A_1603 : memref<640xi32, #tpu.memory_space<hbm>>) target(%arg9 : memref<640xi32, #tpu.memory_space<vmem>>) target_semaphore(%run_scoped3A : memref<!tpu.dma_semaphore, #tpu.memory_space<semaphore_mem>>)
      %dma_wait3A_1604 = tpu.memref_slice %arg4[%mul3A_2] : memref<20480xi32, #tpu.memory_space<hbm>> -> memref<640xi32, #tpu.memory_space<hbm>>
      %dma_wait3A_1605 = tpu.memref_slice %arg4[%mul3A_2] : memref<20480xi32, #tpu.memory_space<hbm>> -> memref<640xi32, #tpu.memory_space<hbm>>
      tpu.wait_dma2 semaphore(%run_scoped3A : memref<!tpu.dma_semaphore, #tpu.memory_space<semaphore_mem>>) src(%dma_wait3A_1605 : memref<640xi32, #tpu.memory_space<hbm>>) dst(%arg9 : memref<640xi32, #tpu.memory_space<vmem>>)
      tpu.yield
    }) : () -> ()
    "tpu.region"() ({
      %run_scoped3A = tpu.sem_alloc : memref<!tpu.dma_semaphore, #tpu.memory_space<semaphore_mem>>
      tpu.enqueue_dma source(%arg5 : memref<1000xf32, #tpu.memory_space<hbm>>) target(%arg10 : memref<1000xf32, #tpu.memory_space<vmem>>) target_semaphore(%run_scoped3A : memref<!tpu.dma_semaphore, #tpu.memory_space<semaphore_mem>>)
      tpu.wait_dma2 semaphore(%run_scoped3A : memref<!tpu.dma_semaphore, #tpu.memory_space<semaphore_mem>>) src(%arg5 : memref<1000xf32, #tpu.memory_space<hbm>>) dst(%arg10 : memref<1000xf32, #tpu.memory_space<vmem>>)
      tpu.yield
    }) : () -> ()
    %iota3A = tpu.iota {dimensions = array<i32: 0>} : vector<16xi32>
    %dma_start3A = arith.constant 0 : i32
    %dma_start3A_3 = arith.constant 0 : i32
    %dma_start3A_4 = arith.constant 0 : i32
    %dma_start3A_5 = tpu.memref_slice %arg11[%dma_start3A, %dma_start3A_3, %dma_start3A_4] : memref<2x32x1024xf32, #tpu.memory_space<vmem>> -> memref<1x32x1024xf32, #tpu.memory_space<vmem>>
    %dma_start3A_6 = tpu.memref_squeeze %dma_start3A_5 : memref<1x32x1024xf32, #tpu.memory_space<vmem>> -> memref<32x1024xf32, #tpu.memory_space<vmem>>
    %dma_start3A_7 = arith.constant 0 : i32
    %dma_start3A_8 = tpu.memref_slice %arg8[%dma_start3A_7] : memref<640xi32, #tpu.memory_space<vmem>> -> memref<32xi32, #tpu.memory_space<vmem>>
    %dma_start3A_9 = arith.constant 0 : i32
    %dma_start3A_10 = arith.constant 0 : i32
    %dma_start3A_11 = tpu.memref_slice %arg2[%dma_start3A_9, %dma_start3A_10] : memref<1000x1024xf32, #tpu.memory_space<hbm>> -> memref<1000x1024xf32, #tpu.memory_space<hbm>>
    tpu.enqueue_indirect_dma source(%dma_start3A_11 : memref<1000x1024xf32, #tpu.memory_space<hbm>>) target(%dma_start3A_6 : memref<32x1024xf32, #tpu.memory_space<vmem>>) offsets(%dma_start3A_8 : memref<32xi32, #tpu.memory_space<vmem>>) semaphore(%arg13 : memref<!tpu.dma_semaphore, #tpu.memory_space<semaphore_mem>>)
    %broadcast_in_dim3A = arith.constant 0.000000e+00 : f32
    %broadcast_in_dim3A_12 = vector.broadcast %broadcast_in_dim3A : f32 to vector<16xf32>
    %dma_wait3A = arith.constant 0 : i32
    %dma_wait3A_13 = arith.constant 0 : i32
    %dma_wait3A_14 = arith.constant 0 : i32
    %dma_wait3A_15 = tpu.memref_slice %arg11[%dma_wait3A, %dma_wait3A_13, %dma_wait3A_14] : memref<2x32x1024xf32, #tpu.memory_space<vmem>> -> memref<1x32x1024xf32, #tpu.memory_space<vmem>>
    %dma_wait3A_16 = tpu.memref_squeeze %dma_wait3A_15 : memref<1x32x1024xf32, #tpu.memory_space<vmem>> -> memref<32x1024xf32, #tpu.memory_space<vmem>>
    %dma_wait3A_17 = arith.constant 0 : i32
    %dma_wait3A_18 = tpu.memref_slice %arg8[%dma_wait3A_17] : memref<640xi32, #tpu.memory_space<vmem>> -> memref<32xi32, #tpu.memory_space<vmem>>
    %dma_wait3A_19 = arith.constant 0 : i32
    %dma_wait3A_20 = arith.constant 0 : i32
    %dma_wait3A_21 = tpu.memref_slice %arg2[%dma_wait3A_19, %dma_wait3A_20] : memref<1000x1024xf32, #tpu.memory_space<hbm>> -> memref<1000x1024xf32, #tpu.memory_space<hbm>>
    tpu.wait_indirect_dma semaphore(%arg13 : memref<!tpu.dma_semaphore, #tpu.memory_space<semaphore_mem>>) src(%dma_wait3A_21 : memref<1000x1024xf32, #tpu.memory_space<hbm>>) dst(%dma_wait3A_16 : memref<32x1024xf32, #tpu.memory_space<vmem>>)
    %dma_start3A_22 = arith.constant 1 : i32
    %dma_start3A_23 = arith.constant 0 : i32
    %dma_start3A_24 = arith.constant 0 : i32
    %dma_start3A_25 = tpu.memref_slice %arg11[%dma_start3A_22, %dma_start3A_23, %dma_start3A_24] : memref<2x32x1024xf32, #tpu.memory_space<vmem>> -> memref<1x32x1024xf32, #tpu.memory_space<vmem>>
    %dma_start3A_26 = tpu.memref_squeeze %dma_start3A_25 : memref<1x32x1024xf32, #tpu.memory_space<vmem>> -> memref<32x1024xf32, #tpu.memory_space<vmem>>
    %dma_start3A_27 = arith.constant 32 : i32
    %dma_start3A_28 = tpu.memref_slice %arg8[%dma_start3A_27] : memref<640xi32, #tpu.memory_space<vmem>> -> memref<32xi32, #tpu.memory_space<vmem>>
    %dma_start3A_29 = arith.constant 0 : i32
    %dma_start3A_30 = arith.constant 0 : i32
    %dma_start3A_31 = tpu.memref_slice %arg2[%dma_start3A_29, %dma_start3A_30] : memref<1000x1024xf32, #tpu.memory_space<hbm>> -> memref<1000x1024xf32, #tpu.memory_space<hbm>>
    tpu.enqueue_indirect_dma source(%dma_start3A_31 : memref<1000x1024xf32, #tpu.memory_space<hbm>>) target(%dma_start3A_26 : memref<32x1024xf32, #tpu.memory_space<vmem>>) offsets(%dma_start3A_28 : memref<32xi32, #tpu.memory_space<vmem>>) semaphore(%arg14 : memref<!tpu.dma_semaphore, #tpu.memory_space<semaphore_mem>>)
    %get3A = arith.constant 0 : index
    %get3A_32 = tpu.vector_load %arg8[%get3A] {strides = array<i32>} : memref<640xi32, #tpu.memory_space<vmem>>, vector<16xi32>,
    %get3A_33 = arith.constant 0 : index
    %get3A_34 = tpu.vector_load %arg9[%get3A_33] {strides = array<i32>} : memref<640xi32, #tpu.memory_space<vmem>>, vector<16xi32>,
    %gather3A = tpu.vector_load_idx %arg10[%get3A_32] : memref<1000xf32, #tpu.memory_space<vmem>>[vector<16xi32>], vector<16xf32>,
    %add3A_35 = arith.constant 0 : i32
    %add3A_36 = vector.broadcast %add3A_35 : i32 to vector<16xi32>
    %add3A_37 = arith.addi %iota3A, %add3A_36 : vector<16xi32>
    %gather3A_38 = arith.constant 0 : i32
    %gather3A_39 = arith.constant 0 : i32
    %gather3A_40 = arith.constant 0 : i32
    %gather3A_41 = tpu.memref_slice %arg11[%gather3A_38, %gather3A_39, %gather3A_40] : memref<2x32x1024xf32, #tpu.memory_space<vmem>> -> memref<1x32x1024xf32, #tpu.memory_space<vmem>>
    %gather3A_42 = tpu.memref_squeeze %gather3A_41 : memref<1x32x1024xf32, #tpu.memory_space<vmem>> -> memref<32x1024xf32, #tpu.memory_space<vmem>>
    %gather3A_43 = tpu.vector_load_idx %gather3A_42[%add3A_37, %get3A_34] : memref<32x1024xf32, #tpu.memory_space<vmem>>[vector<16xi32>, vector<16xi32>], vector<16xf32>,
    %sub3A = arith.subf %gather3A, %gather3A_43 : vector<16xf32>
    %add3A_44 = arith.addf %broadcast_in_dim3A_12, %sub3A : vector<16xf32>
    %get3A_45 = arith.constant 16 : index
    %get3A_46 = tpu.vector_load %arg8[%get3A_45] {strides = array<i32>} : memref<640xi32, #tpu.memory_space<vmem>>, vector<16xi32>,
    %get3A_47 = arith.constant 16 : index
    %get3A_48 = tpu.vector_load %arg9[%get3A_47] {strides = array<i32>} : memref<640xi32, #tpu.memory_space<vmem>>, vector<16xi32>,
    %gather3A_49 = tpu.vector_load_idx %arg10[%get3A_46] : memref<1000xf32, #tpu.memory_space<vmem>>[vector<16xi32>], vector<16xf32>,
    %add3A_50 = arith.constant 16 : i32
    %add3A_51 = vector.broadcast %add3A_50 : i32 to vector<16xi32>
    %add3A_52 = arith.addi %iota3A, %add3A_51 : vector<16xi32>
    %gather3A_53 = arith.constant 0 : i32
    %gather3A_54 = arith.constant 0 : i32
    %gather3A_55 = arith.constant 0 : i32
    %gather3A_56 = tpu.memref_slice %arg11[%gather3A_53, %gather3A_54, %gather3A_55] : memref<2x32x1024xf32, #tpu.memory_space<vmem>> -> memref<1x32x1024xf32, #tpu.memory_space<vmem>>
    %gather3A_57 = tpu.memref_squeeze %gather3A_56 : memref<1x32x1024xf32, #tpu.memory_space<vmem>> -> memref<32x1024xf32, #tpu.memory_space<vmem>>
    %gather3A_58 = tpu.vector_load_idx %gather3A_57[%add3A_52, %get3A_48] : memref<32x1024xf32, #tpu.memory_space<vmem>>[vector<16xi32>, vector<16xi32>], vector<16xf32>,
    %sub3A_59 = arith.subf %gather3A_49, %gather3A_58 : vector<16xf32>
    %add3A_60 = arith.addf %add3A_44, %sub3A_59 : vector<16xf32>
    %add3A_61 = arith.constant 0 : i32
    %add3A_62 = arith.addi %mul3A_2, %add3A_61 : i32
    %dma_start3A_63 = arith.constant 0 : i32
    %dma_start3A_64 = arith.constant 0 : i32
    %dma_start3A_65 = arith.constant 0 : i32
    %dma_start3A_66 = tpu.memref_slice %arg11[%dma_start3A_63, %dma_start3A_64, %dma_start3A_65] : memref<2x32x1024xf32, #tpu.memory_space<vmem>> -> memref<1x32x1024xf32, #tpu.memory_space<vmem>>
    %dma_start3A_67 = tpu.memref_squeeze %dma_start3A_66 : memref<1x32x1024xf32, #tpu.memory_space<vmem>> -> memref<32x1024xf32, #tpu.memory_space<vmem>>
    %dma_start3A_68 = arith.constant 0 : i32
    %dma_start3A_69 = tpu.memref_slice %arg6[%add3A_62, %dma_start3A_68] : memref<20480x1024xf32, #tpu.memory_space<hbm>> -> memref<32x1024xf32, #tpu.memory_space<hbm>>
    %dma_start3A_70 = arith.constant 0 : i32
    %dma_start3A_71 = tpu.memref_slice %arg6[%add3A_62, %dma_start3A_70] : memref<20480x1024xf32, #tpu.memory_space<hbm>> -> memref<32x1024xf32, #tpu.memory_space<hbm>>
    %dma_start3A_72 = arith.constant 0 : i32
    %dma_start3A_73 = arith.constant 0 : i32
    %dma_start3A_74 = tpu.memref_slice %arg11[%dma_start3A_63, %dma_start3A_72, %dma_start3A_73] : memref<2x32x1024xf32, #tpu.memory_space<vmem>> -> memref<1x32x1024xf32, #tpu.memory_space<vmem>>
    %dma_start3A_75 = tpu.memref_squeeze %dma_start3A_74 : memref<1x32x1024xf32, #tpu.memory_space<vmem>> -> memref<32x1024xf32, #tpu.memory_space<vmem>>
    tpu.enqueue_dma source(%dma_start3A_75 : memref<32x1024xf32, #tpu.memory_space<vmem>>) target(%dma_start3A_71 : memref<32x1024xf32, #tpu.memory_space<hbm>>) target_semaphore(%arg15 : memref<!tpu.dma_semaphore, #tpu.memory_space<semaphore_mem>>)
    %dma_wait3A_76 = arith.constant 1 : i32
    %dma_wait3A_77 = arith.constant 0 : i32
    %dma_wait3A_78 = arith.constant 0 : i32
    %dma_wait3A_79 = tpu.memref_slice %arg11[%dma_wait3A_76, %dma_wait3A_77, %dma_wait3A_78] : memref<2x32x1024xf32, #tpu.memory_space<vmem>> -> memref<1x32x1024xf32, #tpu.memory_space<vmem>>
    %dma_wait3A_80 = tpu.memref_squeeze %dma_wait3A_79 : memref<1x32x1024xf32, #tpu.memory_space<vmem>> -> memref<32x1024xf32, #tpu.memory_space<vmem>>
    %dma_wait3A_81 = arith.constant 32 : i32
    %dma_wait3A_82 = tpu.memref_slice %arg8[%dma_wait3A_81] : memref<640xi32, #tpu.memory_space<vmem>> -> memref<32xi32, #tpu.memory_space<vmem>>
    %dma_wait3A_83 = arith.constant 0 : i32
    %dma_wait3A_84 = arith.constant 0 : i32
    %dma_wait3A_85 = tpu.memref_slice %arg2[%dma_wait3A_83, %dma_wait3A_84] : memref<1000x1024xf32, #tpu.memory_space<hbm>> -> memref<1000x1024xf32, #tpu.memory_space<hbm>>
    tpu.wait_indirect_dma semaphore(%arg14 : memref<!tpu.dma_semaphore, #tpu.memory_space<semaphore_mem>>) src(%dma_wait3A_85 : memref<1000x1024xf32, #tpu.memory_space<hbm>>) dst(%dma_wait3A_80 : memref<32x1024xf32, #tpu.memory_space<vmem>>)
    %dma_wait3A_86 = arith.constant 0 : i32
    %dma_wait3A_87 = arith.constant 0 : i32
    %dma_wait3A_88 = arith.constant 0 : i32
    %dma_wait3A_89 = tpu.memref_slice %arg11[%dma_wait3A_86, %dma_wait3A_87, %dma_wait3A_88] : memref<2x32x1024xf32, #tpu.memory_space<vmem>> -> memref<1x32x1024xf32, #tpu.memory_space<vmem>>
    %dma_wait3A_90 = tpu.memref_squeeze %dma_wait3A_89 : memref<1x32x1024xf32, #tpu.memory_space<vmem>> -> memref<32x1024xf32, #tpu.memory_space<vmem>>
    %dma_wait3A_91 = arith.constant 0 : i32
    %dma_wait3A_92 = tpu.memref_slice %arg6[%add3A_62, %dma_wait3A_91] : memref<20480x1024xf32, #tpu.memory_space<hbm>> -> memref<32x1024xf32, #tpu.memory_space<hbm>>
    %dma_wait3A_93 = arith.constant 0 : i32
    %dma_wait3A_94 = tpu.memref_slice %arg6[%add3A_62, %dma_wait3A_93] : memref<20480x1024xf32, #tpu.memory_space<hbm>> -> memref<32x1024xf32, #tpu.memory_space<hbm>>
    %dma_wait3A_95 = arith.constant 0 : i32
    %dma_wait3A_96 = arith.constant 0 : i32
    %dma_wait3A_97 = tpu.memref_slice %arg11[%dma_wait3A_86, %dma_wait3A_95, %dma_wait3A_96] : memref<2x32x1024xf32, #tpu.memory_space<vmem>> -> memref<1x32x1024xf32, #tpu.memory_space<vmem>>
    %dma_wait3A_98 = tpu.memref_squeeze %dma_wait3A_97 : memref<1x32x1024xf32, #tpu.memory_space<vmem>> -> memref<32x1024xf32, #tpu.memory_space<vmem>>
    tpu.wait_dma2 semaphore(%arg15 : memref<!tpu.dma_semaphore, #tpu.memory_space<semaphore_mem>>) src(%dma_wait3A_98 : memref<32x1024xf32, #tpu.memory_space<vmem>>) dst(%dma_wait3A_94 : memref<32x1024xf32, #tpu.memory_space<hbm>>)
    %dma_start3A_99 = arith.constant 0 : i32
    %dma_start3A_100 = arith.constant 0 : i32
    %dma_start3A_101 = arith.constant 0 : i32
    %dma_start3A_102 = tpu.memref_slice %arg11[%dma_start3A_99, %dma_start3A_100, %dma_start3A_101] : memref<2x32x1024xf32, #tpu.memory_space<vmem>> -> memref<1x32x1024xf32, #tpu.memory_space<vmem>>
    %dma_start3A_103 = tpu.memref_squeeze %dma_start3A_102 : memref<1x32x1024xf32, #tpu.memory_space<vmem>> -> memref<32x1024xf32, #tpu.memory_space<vmem>>
    %dma_start3A_104 = arith.constant 64 : i32
    %dma_start3A_105 = tpu.memref_slice %arg8[%dma_start3A_104] : memref<640xi32, #tpu.memory_space<vmem>> -> memref<32xi32, #tpu.memory_space<vmem>>
    %dma_start3A_106 = arith.constant 0 : i32
    %dma_start3A_107 = arith.constant 0 : i32
    %dma_start3A_108 = tpu.memref_slice %arg2[%dma_start3A_106, %dma_start3A_107] : memref<1000x1024xf32, #tpu.memory_space<hbm>> -> memref<1000x1024xf32, #tpu.memory_space<hbm>>
    tpu.enqueue_indirect_dma source(%dma_start3A_108 : memref<1000x1024xf32, #tpu.memory_space<hbm>>) target(%dma_start3A_103 : memref<32x1024xf32, #tpu.memory_space<vmem>>) offsets(%dma_start3A_105 : memref<32xi32, #tpu.memory_space<vmem>>) semaphore(%arg13 : memref<!tpu.dma_semaphore, #tpu.memory_space<semaphore_mem>>)
    %get3A_109 = arith.constant 32 : index
    %get3A_110 = tpu.vector_load %arg8[%get3A_109] {strides = array<i32>} : memref<640xi32, #tpu.memory_space<vmem>>, vector<16xi32>,
    %get3A_111 = arith.constant 32 : index
    %get3A_112 = tpu.vector_load %arg9[%get3A_111] {strides = array<i32>} : memref<640xi32, #tpu.memory_space<vmem>>, vector<16xi32>,
    %gather3A_113 = tpu.vector_load_idx %arg10[%get3A_110] : memref<1000xf32, #tpu.memory_space<vmem>>[vector<16xi32>], vector<16xf32>,
    %add3A_114 = arith.constant 0 : i32
    %add3A_115 = vector.broadcast %add3A_114 : i32 to vector<16xi32>
    %add3A_116 = arith.addi %iota3A, %add3A_115 : vector<16xi32>
    %gather3A_117 = arith.constant 1 : i32
    %gather3A_118 = arith.constant 0 : i32
    %gather3A_119 = arith.constant 0 : i32
    %gather3A_120 = tpu.memref_slice %arg11[%gather3A_117, %gather3A_118, %gather3A_119] : memref<2x32x1024xf32, #tpu.memory_space<vmem>> -> memref<1x32x1024xf32, #tpu.memory_space<vmem>>
    %gather3A_121 = tpu.memref_squeeze %gather3A_120 : memref<1x32x1024xf32, #tpu.memory_space<vmem>> -> memref<32x1024xf32, #tpu.memory_space<vmem>>
    %gather3A_122 = tpu.vector_load_idx %gather3A_121[%add3A_116, %get3A_112] : memref<32x1024xf32, #tpu.memory_space<vmem>>[vector<16xi32>, vector<16xi32>], vector<16xf32>,
    %sub3A_123 = arith.subf %gather3A_113, %gather3A_122 : vector<16xf32>
    %add3A_124 = arith.addf %add3A_60, %sub3A_123 : vector<16xf32>
    %get3A_125 = arith.constant 48 : index
    %get3A_126 = tpu.vector_load %arg8[%get3A_125] {strides = array<i32>} : memref<640xi32, #tpu.memory_space<vmem>>, vector<16xi32>,
    %get3A_127 = arith.constant 48 : index
    %get3A_128 = tpu.vector_load %arg9[%get3A_127] {strides = array<i32>} : memref<640xi32, #tpu.memory_space<vmem>>, vector<16xi32>,
    %gather3A_129 = tpu.vector_load_idx %arg10[%get3A_126] : memref<1000xf32, #tpu.memory_space<vmem>>[vector<16xi32>], vector<16xf32>,
    %add3A_130 = arith.constant 16 : i32
    %add3A_131 = vector.broadcast %add3A_130 : i32 to vector<16xi32>
    %add3A_132 = arith.addi %iota3A, %add3A_131 : vector<16xi32>
    %gather3A_133 = arith.constant 1 : i32
    %gather3A_134 = arith.constant 0 : i32
    %gather3A_135 = arith.constant 0 : i32
    %gather3A_136 = tpu.memref_slice %arg11[%gather3A_133, %gather3A_134, %gather3A_135] : memref<2x32x1024xf32, #tpu.memory_space<vmem>> -> memref<1x32x1024xf32, #tpu.memory_space<vmem>>
    %gather3A_137 = tpu.memref_squeeze %gather3A_136 : memref<1x32x1024xf32, #tpu.memory_space<vmem>> -> memref<32x1024xf32, #tpu.memory_space<vmem>>
    %gather3A_138 = tpu.vector_load_idx %gather3A_137[%add3A_132, %get3A_128] : memref<32x1024xf32, #tpu.memory_space<vmem>>[vector<16xi32>, vector<16xi32>], vector<16xf32>,
    %sub3A_139 = arith.subf %gather3A_129, %gather3A_138 : vector<16xf32>
    %add3A_140 = arith.addf %add3A_124, %sub3A_139 : vector<16xf32>
    %add3A_141 = arith.constant 32 : i32
    %add3A_142 = arith.addi %mul3A_2, %add3A_141 : i32
    %dma_start3A_143 = arith.constant 1 : i32
    %dma_start3A_144 = arith.constant 0 : i32
    %dma_start3A_145 = arith.constant 0 : i32
    %dma_start3A_146 = tpu.memref_slice %arg11[%dma_start3A_143, %dma_start3A_144, %dma_start3A_145] : memref<2x32x1024xf32, #tpu.memory_space<vmem>> -> memref<1x32x1024xf32, #tpu.memory_space<vmem>>
    %dma_start3A_147 = tpu.memref_squeeze %dma_start3A_146 : memref<1x32x1024xf32, #tpu.memory_space<vmem>> -> memref<32x1024xf32, #tpu.memory_space<vmem>>
    %dma_start3A_148 = arith.constant 0 : i32
    %dma_start3A_149 = tpu.memref_slice %arg6[%add3A_142, %dma_start3A_148] : memref<20480x1024xf32, #tpu.memory_space<hbm>> -> memref<32x1024xf32, #tpu.memory_space<hbm>>
    %dma_start3A_150 = arith.constant 0 : i32
    %dma_start3A_151 = tpu.memref_slice %arg6[%add3A_142, %dma_start3A_150] : memref<20480x1024xf32, #tpu.memory_space<hbm>> -> memref<32x1024xf32, #tpu.memory_space<hbm>>
    %dma_start3A_152 = arith.constant 0 : i32
    %dma_start3A_153 = arith.constant 0 : i32
    %dma_start3A_154 = tpu.memref_slice %arg11[%dma_start3A_143, %dma_start3A_152, %dma_start3A_153] : memref<2x32x1024xf32, #tpu.memory_space<vmem>> -> memref<1x32x1024xf32, #tpu.memory_space<vmem>>
    %dma_start3A_155 = tpu.memref_squeeze %dma_start3A_154 : memref<1x32x1024xf32, #tpu.memory_space<vmem>> -> memref<32x1024xf32, #tpu.memory_space<vmem>>
    tpu.enqueue_dma source(%dma_start3A_155 : memref<32x1024xf32, #tpu.memory_space<vmem>>) target(%dma_start3A_151 : memref<32x1024xf32, #tpu.memory_space<hbm>>) target_semaphore(%arg16 : memref<!tpu.dma_semaphore, #tpu.memory_space<semaphore_mem>>)
    %dma_wait3A_156 = arith.constant 0 : i32
    %dma_wait3A_157 = arith.constant 0 : i32
    %dma_wait3A_158 = arith.constant 0 : i32
    %dma_wait3A_159 = tpu.memref_slice %arg11[%dma_wait3A_156, %dma_wait3A_157, %dma_wait3A_158] : memref<2x32x1024xf32, #tpu.memory_space<vmem>> -> memref<1x32x1024xf32, #tpu.memory_space<vmem>>
    %dma_wait3A_160 = tpu.memref_squeeze %dma_wait3A_159 : memref<1x32x1024xf32, #tpu.memory_space<vmem>> -> memref<32x1024xf32, #tpu.memory_space<vmem>>
    %dma_wait3A_161 = arith.constant 64 : i32
    %dma_wait3A_162 = tpu.memref_slice %arg8[%dma_wait3A_161] : memref<640xi32, #tpu.memory_space<vmem>> -> memref<32xi32, #tpu.memory_space<vmem>>
    %dma_wait3A_163 = arith.constant 0 : i32
    %dma_wait3A_164 = arith.constant 0 : i32
    %dma_wait3A_165 = tpu.memref_slice %arg2[%dma_wait3A_163, %dma_wait3A_164] : memref<1000x1024xf32, #tpu.memory_space<hbm>> -> memref<1000x1024xf32, #tpu.memory_space<hbm>>
    tpu.wait_indirect_dma semaphore(%arg13 : memref<!tpu.dma_semaphore, #tpu.memory_space<semaphore_mem>>) src(%dma_wait3A_165 : memref<1000x1024xf32, #tpu.memory_space<hbm>>) dst(%dma_wait3A_160 : memref<32x1024xf32, #tpu.memory_space<vmem>>)
    %dma_wait3A_166 = arith.constant 1 : i32
    %dma_wait3A_167 = arith.constant 0 : i32
    %dma_wait3A_168 = arith.constant 0 : i32
    %dma_wait3A_169 = tpu.memref_slice %arg11[%dma_wait3A_166, %dma_wait3A_167, %dma_wait3A_168] : memref<2x32x1024xf32, #tpu.memory_space<vmem>> -> memref<1x32x1024xf32, #tpu.memory_space<vmem>>
    %dma_wait3A_170 = tpu.memref_squeeze %dma_wait3A_169 : memref<1x32x1024xf32, #tpu.memory_space<vmem>> -> memref<32x1024xf32, #tpu.memory_space<vmem>>
    %dma_wait3A_171 = arith.constant 0 : i32
    %dma_wait3A_172 = tpu.memref_slice %arg6[%add3A_142, %dma_wait3A_171] : memref<20480x1024xf32, #tpu.memory_space<hbm>> -> memref<32x1024xf32, #tpu.memory_space<hbm>>
    %dma_wait3A_173 = arith.constant 0 : i32
    %dma_wait3A_174 = tpu.memref_slice %arg6[%add3A_142, %dma_wait3A_173] : memref<20480x1024xf32, #tpu.memory_space<hbm>> -> memref<32x1024xf32, #tpu.memory_space<hbm>>
    %dma_wait3A_175 = arith.constant 0 : i32
    %dma_wait3A_176 = arith.constant 0 : i32
    %dma_wait3A_177 = tpu.memref_slice %arg11[%dma_wait3A_166, %dma_wait3A_175, %dma_wait3A_176] : memref<2x32x1024xf32, #tpu.memory_space<vmem>> -> memref<1x32x1024xf32, #tpu.memory_space<vmem>>
    %dma_wait3A_178 = tpu.memref_squeeze %dma_wait3A_177 : memref<1x32x1024xf32, #tpu.memory_space<vmem>> -> memref<32x1024xf32, #tpu.memory_space<vmem>>
    tpu.wait_dma2 semaphore(%arg16 : memref<!tpu.dma_semaphore, #tpu.memory_space<semaphore_mem>>) src(%dma_wait3A_178 : memref<32x1024xf32, #tpu.memory_space<vmem>>) dst(%dma_wait3A_174 : memref<32x1024xf32, #tpu.memory_space<hbm>>)
    %dma_start3A_179 = arith.constant 1 : i32
    %dma_start3A_180 = arith.constant 0 : i32
    %dma_start3A_181 = arith.constant 0 : i32
    %dma_start3A_182 = tpu.memref_slice %arg11[%dma_start3A_179, %dma_start3A_180, %dma_start3A_181] : memref<2x32x1024xf32, #tpu.memory_space<vmem>> -> memref<1x32x1024xf32, #tpu.memory_space<vmem>>
    %dma_start3A_183 = tpu.memref_squeeze %dma_start3A_182 : memref<1x32x1024xf32, #tpu.memory_space<vmem>> -> memref<32x1024xf32, #tpu.memory_space<vmem>>
    %dma_start3A_184 = arith.constant 96 : i32
    %dma_start3A_185 = tpu.memref_slice %arg8[%dma_start3A_184] : memref<640xi32, #tpu.memory_space<vmem>> -> memref<32xi32, #tpu.memory_space<vmem>>
    %dma_start3A_186 = arith.constant 0 : i32
    %dma_start3A_187 = arith.constant 0 : i32
    %dma_start3A_188 = tpu.memref_slice %arg2[%dma_start3A_186, %dma_start3A_187] : memref<1000x1024xf32, #tpu.memory_space<hbm>> -> memref<1000x1024xf32, #tpu.memory_space<hbm>>
    tpu.enqueue_indirect_dma source(%dma_start3A_188 : memref<1000x1024xf32, #tpu.memory_space<hbm>>) target(%dma_start3A_183 : memref<32x1024xf32, #tpu.memory_space<vmem>>) offsets(%dma_start3A_185 : memref<32xi32, #tpu.memory_space<vmem>>) semaphore(%arg14 : memref<!tpu.dma_semaphore, #tpu.memory_space<semaphore_mem>>)
    %get3A_189 = arith.constant 64 : index
    %get3A_190 = tpu.vector_load %arg8[%get3A_189] {strides = array<i32>} : memref<640xi32, #tpu.memory_space<vmem>>, vector<16xi32>,
    %get3A_191 = arith.constant 64 : index
    %get3A_192 = tpu.vector_load %arg9[%get3A_191] {strides = array<i32>} : memref<640xi32, #tpu.memory_space<vmem>>, vector<16xi32>,
    %gather3A_193 = tpu.vector_load_idx %arg10[%get3A_190] : memref<1000xf32, #tpu.memory_space<vmem>>[vector<16xi32>], vector<16xf32>,
    %add3A_194 = arith.constant 0 : i32
    %add3A_195 = vector.broadcast %add3A_194 : i32 to vector<16xi32>
    %add3A_196 = arith.addi %iota3A, %add3A_195 : vector<16xi32>
    %gather3A_197 = arith.constant 0 : i32
    %gather3A_198 = arith.constant 0 : i32
    %gather3A_199 = arith.constant 0 : i32
    %gather3A_200 = tpu.memref_slice %arg11[%gather3A_197, %gather3A_198, %gather3A_199] : memref<2x32x1024xf32, #tpu.memory_space<vmem>> -> memref<1x32x1024xf32, #tpu.memory_space<vmem>>
    %gather3A_201 = tpu.memref_squeeze %gather3A_200 : memref<1x32x1024xf32, #tpu.memory_space<vmem>> -> memref<32x1024xf32, #tpu.memory_space<vmem>>
    %gather3A_202 = tpu.vector_load_idx %gather3A_201[%add3A_196, %get3A_192] : memref<32x1024xf32, #tpu.memory_space<vmem>>[vector<16xi32>, vector<16xi32>], vector<16xf32>,
    %sub3A_203 = arith.subf %gather3A_193, %gather3A_202 : vector<16xf32>
    %add3A_204 = arith.addf %add3A_140, %sub3A_203 : vector<16xf32>
    %get3A_205 = arith.constant 80 : index
    %get3A_206 = tpu.vector_load %arg8[%get3A_205] {strides = array<i32>} : memref<640xi32, #tpu.memory_space<vmem>>, vector<16xi32>,
    %get3A_207 = arith.constant 80 : index
    %get3A_208 = tpu.vector_load %arg9[%get3A_207] {strides = array<i32>} : memref<640xi32, #tpu.memory_space<vmem>>, vector<16xi32>,
    %gather3A_209 = tpu.vector_load_idx %arg10[%get3A_206] : memref<1000xf32, #tpu.memory_space<vmem>>[vector<16xi32>], vector<16xf32>,
    %add3A_210 = arith.constant 16 : i32
    %add3A_211 = vector.broadcast %add3A_210 : i32 to vector<16xi32>
    %add3A_212 = arith.addi %iota3A, %add3A_211 : vector<16xi32>
    %gather3A_213 = arith.constant 0 : i32
    %gather3A_214 = arith.constant 0 : i32
    %gather3A_215 = arith.constant 0 : i32
    %gather3A_216 = tpu.memref_slice %arg11[%gather3A_213, %gather3A_214, %gather3A_215] : memref<2x32x1024xf32, #tpu.memory_space<vmem>> -> memref<1x32x1024xf32, #tpu.memory_space<vmem>>
    %gather3A_217 = tpu.memref_squeeze %gather3A_216 : memref<1x32x1024xf32, #tpu.memory_space<vmem>> -> memref<32x1024xf32, #tpu.memory_space<vmem>>
    %gather3A_218 = tpu.vector_load_idx %gather3A_217[%add3A_212, %get3A_208] : memref<32x1024xf32, #tpu.memory_space<vmem>>[vector<16xi32>, vector<16xi32>], vector<16xf32>,
    %sub3A_219 = arith.subf %gather3A_209, %gather3A_218 : vector<16xf32>
    %add3A_220 = arith.addf %add3A_204, %sub3A_219 : vector<16xf32>
    %add3A_221 = arith.constant 64 : i32
    %add3A_222 = arith.addi %mul3A_2, %add3A_221 : i32
    %dma_start3A_223 = arith.constant 0 : i32
    %dma_start3A_224 = arith.constant 0 : i32
    %dma_start3A_225 = arith.constant 0 : i32
    %dma_start3A_226 = tpu.memref_slice %arg11[%dma_start3A_223, %dma_start3A_224, %dma_start3A_225] : memref<2x32x1024xf32, #tpu.memory_space<vmem>> -> memref<1x32x1024xf32, #tpu.memory_space<vmem>>
    %dma_start3A_227 = tpu.memref_squeeze %dma_start3A_226 : memref<1x32x1024xf32, #tpu.memory_space<vmem>> -> memref<32x1024xf32, #tpu.memory_space<vmem>>
    %dma_start3A_228 = arith.constant 0 : i32
    %dma_start3A_229 = tpu.memref_slice %arg6[%add3A_222, %dma_start3A_228] : memref<20480x1024xf32, #tpu.memory_space<hbm>> -> memref<32x1024xf32, #tpu.memory_space<hbm>>
    %dma_start3A_230 = arith.constant 0 : i32
    %dma_start3A_231 = tpu.memref_slice %arg6[%add3A_222, %dma_start3A_230] : memref<20480x1024xf32, #tpu.memory_space<hbm>> -> memref<32x1024xf32, #tpu.memory_space<hbm>>
    %dma_start3A_232 = arith.constant 0 : i32
    %dma_start3A_233 = arith.constant 0 : i32
    %dma_start3A_234 = tpu.memref_slice %arg11[%dma_start3A_223, %dma_start3A_232, %dma_start3A_233] : memref<2x32x1024xf32, #tpu.memory_space<vmem>> -> memref<1x32x1024xf32, #tpu.memory_space<vmem>>
    %dma_start3A_235 = tpu.memref_squeeze %dma_start3A_234 : memref<1x32x1024xf32, #tpu.memory_space<vmem>> -> memref<32x1024xf32, #tpu.memory_space<vmem>>
    tpu.enqueue_dma source(%dma_start3A_235 : memref<32x1024xf32, #tpu.memory_space<vmem>>) target(%dma_start3A_231 : memref<32x1024xf32, #tpu.memory_space<hbm>>) target_semaphore(%arg15 : memref<!tpu.dma_semaphore, #tpu.memory_space<semaphore_mem>>)
    %dma_wait3A_236 = arith.constant 1 : i32
    %dma_wait3A_237 = arith.constant 0 : i32
    %dma_wait3A_238 = arith.constant 0 : i32
    %dma_wait3A_239 = tpu.memref_slice %arg11[%dma_wait3A_236, %dma_wait3A_237, %dma_wait3A_238] : memref<2x32x1024xf32, #tpu.memory_space<vmem>> -> memref<1x32x1024xf32, #tpu.memory_space<vmem>>
    %dma_wait3A_240 = tpu.memref_squeeze %dma_wait3A_239 : memref<1x32x1024xf32, #tpu.memory_space<vmem>> -> memref<32x1024xf32, #tpu.memory_space<vmem>>
    %dma_wait3A_241 = arith.constant 96 : i32
    %dma_wait3A_242 = tpu.memref_slice %arg8[%dma_wait3A_241] : memref<640xi32, #tpu.memory_space<vmem>> -> memref<32xi32, #tpu.memory_space<vmem>>
    %dma_wait3A_243 = arith.constant 0 : i32
    %dma_wait3A_244 = arith.constant 0 : i32
    %dma_wait3A_245 = tpu.memref_slice %arg2[%dma_wait3A_243, %dma_wait3A_244] : memref<1000x1024xf32, #tpu.memory_space<hbm>> -> memref<1000x1024xf32, #tpu.memory_space<hbm>>
    tpu.wait_indirect_dma semaphore(%arg14 : memref<!tpu.dma_semaphore, #tpu.memory_space<semaphore_mem>>) src(%dma_wait3A_245 : memref<1000x1024xf32, #tpu.memory_space<hbm>>) dst(%dma_wait3A_240 : memref<32x1024xf32, #tpu.memory_space<vmem>>)
    %dma_wait3A_246 = arith.constant 0 : i32
    %dma_wait3A_247 = arith.constant 0 : i32
    %dma_wait3A_248 = arith.constant 0 : i32
    %dma_wait3A_249 = tpu.memref_slice %arg11[%dma_wait3A_246, %dma_wait3A_247, %dma_wait3A_248] : memref<2x32x1024xf32, #tpu.memory_space<vmem>> -> memref<1x32x1024xf32, #tpu.memory_space<vmem>>
    %dma_wait3A_250 = tpu.memref_squeeze %dma_wait3A_249 : memref<1x32x1024xf32, #tpu.memory_space<vmem>> -> memref<32x1024xf32, #tpu.memory_space<vmem>>
    %dma_wait3A_251 = arith.constant 0 : i32
    %dma_wait3A_252 = tpu.memref_slice %arg6[%add3A_222, %dma_wait3A_251] : memref<20480x1024xf32, #tpu.memory_space<hbm>> -> memref<32x1024xf32, #tpu.memory_space<hbm>>
    %dma_wait3A_253 = arith.constant 0 : i32
    %dma_wait3A_254 = tpu.memref_slice %arg6[%add3A_222, %dma_wait3A_253] : memref<20480x1024xf32, #tpu.memory_space<hbm>> -> memref<32x1024xf32, #tpu.memory_space<hbm>>
    %dma_wait3A_255 = arith.constant 0 : i32
    %dma_wait3A_256 = arith.constant 0 : i32
    %dma_wait3A_257 = tpu.memref_slice %arg11[%dma_wait3A_246, %dma_wait3A_255, %dma_wait3A_256] : memref<2x32x1024xf32, #tpu.memory_space<vmem>> -> memref<1x32x1024xf32, #tpu.memory_space<vmem>>
    %dma_wait3A_258 = tpu.memref_squeeze %dma_wait3A_257 : memref<1x32x1024xf32, #tpu.memory_space<vmem>> -> memref<32x1024xf32, #tpu.memory_space<vmem>>
    tpu.wait_dma2 semaphore(%arg15 : memref<!tpu.dma_semaphore, #tpu.memory_space<semaphore_mem>>) src(%dma_wait3A_258 : memref<32x1024xf32, #tpu.memory_space<vmem>>) dst(%dma_wait3A_254 : memref<32x1024xf32, #tpu.memory_space<hbm>>)
    %dma_start3A_259 = arith.constant 0 : i32
    %dma_start3A_260 = arith.constant 0 : i32
    %dma_start3A_261 = arith.constant 0 : i32
    %dma_start3A_262 = tpu.memref_slice %arg11[%dma_start3A_259, %dma_start3A_260, %dma_start3A_261] : memref<2x32x1024xf32, #tpu.memory_space<vmem>> -> memref<1x32x1024xf32, #tpu.memory_space<vmem>>
    %dma_start3A_263 = tpu.memref_squeeze %dma_start3A_262 : memref<1x32x1024xf32, #tpu.memory_space<vmem>> -> memref<32x1024xf32, #tpu.memory_space<vmem>>
    %dma_start3A_264 = arith.constant 128 : i32
    %dma_start3A_265 = tpu.memref_slice %arg8[%dma_start3A_264] : memref<640xi32, #tpu.memory_space<vmem>> -> memref<32xi32, #tpu.memory_space<vmem>>
    %dma_start3A_266 = arith.constant 0 : i32
    %dma_start3A_267 = arith.constant 0 : i32
    %dma_start3A_268 = tpu.memref_slice %arg2[%dma_start3A_266, %dma_start3A_267] : memref<1000x1024xf32, #tpu.memory_space<hbm>> -> memref<1000x1024xf32, #tpu.memory_space<hbm>>
    tpu.enqueue_indirect_dma source(%dma_start3A_268 : memref<1000x1024xf32, #tpu.memory_space<hbm>>) target(%dma_start3A_263 : memref<32x1024xf32, #tpu.memory_space<vmem>>) offsets(%dma_start3A_265 : memref<32xi32, #tpu.memory_space<vmem>>) semaphore(%arg13 : memref<!tpu.dma_semaphore, #tpu.memory_space<semaphore_mem>>)
    %get3A_269 = arith.constant 96 : index
    %get3A_270 = tpu.vector_load %arg8[%get3A_269] {strides = array<i32>} : memref<640xi32, #tpu.memory_space<vmem>>, vector<16xi32>,
    %get3A_271 = arith.constant 96 : index
    %get3A_272 = tpu.vector_load %arg9[%get3A_271] {strides = array<i32>} : memref<640xi32, #tpu.memory_space<vmem>>, vector<16xi32>,
    %gather3A_273 = tpu.vector_load_idx %arg10[%get3A_270] : memref<1000xf32, #tpu.memory_space<vmem>>[vector<16xi32>], vector<16xf32>,
    %add3A_274 = arith.constant 0 : i32
    %add3A_275 = vector.broadcast %add3A_274 : i32 to vector<16xi32>
    %add3A_276 = arith.addi %iota3A, %add3A_275 : vector<16xi32>
    %gather3A_277 = arith.constant 1 : i32
    %gather3A_278 = arith.constant 0 : i32
    %gather3A_279 = arith.constant 0 : i32
    %gather3A_280 = tpu.memref_slice %arg11[%gather3A_277, %gather3A_278, %gather3A_279] : memref<2x32x1024xf32, #tpu.memory_space<vmem>> -> memref<1x32x1024xf32, #tpu.memory_space<vmem>>
    %gather3A_281 = tpu.memref_squeeze %gather3A_280 : memref<1x32x1024xf32, #tpu.memory_space<vmem>> -> memref<32x1024xf32, #tpu.memory_space<vmem>>
    %gather3A_282 = tpu.vector_load_idx %gather3A_281[%add3A_276, %get3A_272] : memref<32x1024xf32, #tpu.memory_space<vmem>>[vector<16xi32>, vector<16xi32>], vector<16xf32>,
    %sub3A_283 = arith.subf %gather3A_273, %gather3A_282 : vector<16xf32>
    %add3A_284 = arith.addf %add3A_220, %sub3A_283 : vector<16xf32>
    %get3A_285 = arith.constant 112 : index
    %get3A_286 = tpu.vector_load %arg8[%get3A_285] {strides = array<i32>} : memref<640xi32, #tpu.memory_space<vmem>>, vector<16xi32>,
    %get3A_287 = arith.constant 112 : index
    %get3A_288 = tpu.vector_load %arg9[%get3A_287] {strides = array<i32>} : memref<640xi32, #tpu.memory_space<vmem>>, vector<16xi32>,
    %gather3A_289 = tpu.vector_load_idx %arg10[%get3A_286] : memref<1000xf32, #tpu.memory_space<vmem>>[vector<16xi32>], vector<16xf32>,
    %add3A_290 = arith.constant 16 : i32
    %add3A_291 = vector.broadcast %add3A_290 : i32 to vector<16xi32>
    %add3A_292 = arith.addi %iota3A, %add3A_291 : vector<16xi32>
    %gather3A_293 = arith.constant 1 : i32
    %gather3A_294 = arith.constant 0 : i32
    %gather3A_295 = arith.constant 0 : i32
    %gather3A_296 = tpu.memref_slice %arg11[%gather3A_293, %gather3A_294, %gather3A_295] : memref<2x32x1024xf32, #tpu.memory_space<vmem>> -> memref<1x32x1024xf32, #tpu.memory_space<vmem>>
    %gather3A_297 = tpu.memref_squeeze %gather3A_296 : memref<1x32x1024xf32, #tpu.memory_space<vmem>> -> memref<32x1024xf32, #tpu.memory_space<vmem>>
    %gather3A_298 = tpu.vector_load_idx %gather3A_297[%add3A_292, %get3A_288] : memref<32x1024xf32, #tpu.memory_space<vmem>>[vector<16xi32>, vector<16xi32>], vector<16xf32>,
    %sub3A_299 = arith.subf %gather3A_289, %gather3A_298 : vector<16xf32>
    %add3A_300 = arith.addf %add3A_284, %sub3A_299 : vector<16xf32>
    %add3A_301 = arith.constant 96 : i32
    %add3A_302 = arith.addi %mul3A_2, %add3A_301 : i32
    %dma_start3A_303 = arith.constant 1 : i32
    %dma_start3A_304 = arith.constant 0 : i32
    %dma_start3A_305 = arith.constant 0 : i32
    %dma_start3A_306 = tpu.memref_slice %arg11[%dma_start3A_303, %dma_start3A_304, %dma_start3A_305] : memref<2x32x1024xf32, #tpu.memory_space<vmem>> -> memref<1x32x1024xf32, #tpu.memory_space<vmem>>
    %dma_start3A_307 = tpu.memref_squeeze %dma_start3A_306 : memref<1x32x1024xf32, #tpu.memory_space<vmem>> -> memref<32x1024xf32, #tpu.memory_space<vmem>>
    %dma_start3A_308 = arith.constant 0 : i32
    %dma_start3A_309 = tpu.memref_slice %arg6[%add3A_302, %dma_start3A_308] : memref<20480x1024xf32, #tpu.memory_space<hbm>> -> memref<32x1024xf32, #tpu.memory_space<hbm>>
    %dma_start3A_310 = arith.constant 0 : i32
    %dma_start3A_311 = tpu.memref_slice %arg6[%add3A_302, %dma_start3A_310] : memref<20480x1024xf32, #tpu.memory_space<hbm>> -> memref<32x1024xf32, #tpu.memory_space<hbm>>
    %dma_start3A_312 = arith.constant 0 : i32
    %dma_start3A_313 = arith.constant 0 : i32
    %dma_start3A_314 = tpu.memref_slice %arg11[%dma_start3A_303, %dma_start3A_312, %dma_start3A_313] : memref<2x32x1024xf32, #tpu.memory_space<vmem>> -> memref<1x32x1024xf32, #tpu.memory_space<vmem>>
    %dma_start3A_315 = tpu.memref_squeeze %dma_start3A_314 : memref<1x32x1024xf32, #tpu.memory_space<vmem>> -> memref<32x1024xf32, #tpu.memory_space<vmem>>
    tpu.enqueue_dma source(%dma_start3A_315 : memref<32x1024xf32, #tpu.memory_space<vmem>>) target(%dma_start3A_311 : memref<32x1024xf32, #tpu.memory_space<hbm>>) target_semaphore(%arg16 : memref<!tpu.dma_semaphore, #tpu.memory_space<semaphore_mem>>)
    %dma_wait3A_316 = arith.constant 0 : i32
    %dma_wait3A_317 = arith.constant 0 : i32
    %dma_wait3A_318 = arith.constant 0 : i32
    %dma_wait3A_319 = tpu.memref_slice %arg11[%dma_wait3A_316, %dma_wait3A_317, %dma_wait3A_318] : memref<2x32x1024xf32, #tpu.memory_space<vmem>> -> memref<1x32x1024xf32, #tpu.memory_space<vmem>>
    %dma_wait3A_320 = tpu.memref_squeeze %dma_wait3A_319 : memref<1x32x1024xf32, #tpu.memory_space<vmem>> -> memref<32x1024xf32, #tpu.memory_space<vmem>>
    %dma_wait3A_321 = arith.constant 128 : i32
    %dma_wait3A_322 = tpu.memref_slice %arg8[%dma_wait3A_321] : memref<640xi32, #tpu.memory_space<vmem>> -> memref<32xi32, #tpu.memory_space<vmem>>
    %dma_wait3A_323 = arith.constant 0 : i32
    %dma_wait3A_324 = arith.constant 0 : i32
    %dma_wait3A_325 = tpu.memref_slice %arg2[%dma_wait3A_323, %dma_wait3A_324] : memref<1000x1024xf32, #tpu.memory_space<hbm>> -> memref<1000x1024xf32, #tpu.memory_space<hbm>>
    tpu.wait_indirect_dma semaphore(%arg13 : memref<!tpu.dma_semaphore, #tpu.memory_space<semaphore_mem>>) src(%dma_wait3A_325 : memref<1000x1024xf32, #tpu.memory_space<hbm>>) dst(%dma_wait3A_320 : memref<32x1024xf32, #tpu.memory_space<vmem>>)
    %dma_wait3A_326 = arith.constant 1 : i32
    %dma_wait3A_327 = arith.constant 0 : i32
    %dma_wait3A_328 = arith.constant 0 : i32
    %dma_wait3A_329 = tpu.memref_slice %arg11[%dma_wait3A_326, %dma_wait3A_327, %dma_wait3A_328] : memref<2x32x1024xf32, #tpu.memory_space<vmem>> -> memref<1x32x1024xf32, #tpu.memory_space<vmem>>
    %dma_wait3A_330 = tpu.memref_squeeze %dma_wait3A_329 : memref<1x32x1024xf32, #tpu.memory_space<vmem>> -> memref<32x1024xf32, #tpu.memory_space<vmem>>
    %dma_wait3A_331 = arith.constant 0 : i32
    %dma_wait3A_332 = tpu.memref_slice %arg6[%add3A_302, %dma_wait3A_331] : memref<20480x1024xf32, #tpu.memory_space<hbm>> -> memref<32x1024xf32, #tpu.memory_space<hbm>>
    %dma_wait3A_333 = arith.constant 0 : i32
    %dma_wait3A_334 = tpu.memref_slice %arg6[%add3A_302, %dma_wait3A_333] : memref<20480x1024xf32, #tpu.memory_space<hbm>> -> memref<32x1024xf32, #tpu.memory_space<hbm>>
    %dma_wait3A_335 = arith.constant 0 : i32
    %dma_wait3A_336 = arith.constant 0 : i32
    %dma_wait3A_337 = tpu.memref_slice %arg11[%dma_wait3A_326, %dma_wait3A_335, %dma_wait3A_336] : memref<2x32x1024xf32, #tpu.memory_space<vmem>> -> memref<1x32x1024xf32, #tpu.memory_space<vmem>>
    %dma_wait3A_338 = tpu.memref_squeeze %dma_wait3A_337 : memref<1x32x1024xf32, #tpu.memory_space<vmem>> -> memref<32x1024xf32, #tpu.memory_space<vmem>>
    tpu.wait_dma2 semaphore(%arg16 : memref<!tpu.dma_semaphore, #tpu.memory_space<semaphore_mem>>) src(%dma_wait3A_338 : memref<32x1024xf32, #tpu.memory_space<vmem>>) dst(%dma_wait3A_334 : memref<32x1024xf32, #tpu.memory_space<hbm>>)
    %dma_start3A_339 = arith.constant 1 : i32
    %dma_start3A_340 = arith.constant 0 : i32
    %dma_start3A_341 = arith.constant 0 : i32
    %dma_start3A_342 = tpu.memref_slice %arg11[%dma_start3A_339, %dma_start3A_340, %dma_start3A_341] : memref<2x32x1024xf32, #tpu.memory_space<vmem>> -> memref<1x32x1024xf32, #tpu.memory_space<vmem>>
    %dma_start3A_343 = tpu.memref_squeeze %dma_start3A_342 : memref<1x32x1024xf32, #tpu.memory_space<vmem>> -> memref<32x1024xf32, #tpu.memory_space<vmem>>
    %dma_start3A_344 = arith.constant 160 : i32
    %dma_start3A_345 = tpu.memref_slice %arg8[%dma_start3A_344] : memref<640xi32, #tpu.memory_space<vmem>> -> memref<32xi32, #tpu.memory_space<vmem>>
    %dma_start3A_346 = arith.constant 0 : i32
    %dma_start3A_347 = arith.constant 0 : i32
    %dma_start3A_348 = tpu.memref_slice %arg2[%dma_start3A_346, %dma_start3A_347] : memref<1000x1024xf32, #tpu.memory_space<hbm>> -> memref<1000x1024xf32, #tpu.memory_space<hbm>>
    tpu.enqueue_indirect_dma source(%dma_start3A_348 : memref<1000x1024xf32, #tpu.memory_space<hbm>>) target(%dma_start3A_343 : memref<32x1024xf32, #tpu.memory_space<vmem>>) offsets(%dma_start3A_345 : memref<32xi32, #tpu.memory_space<vmem>>) semaphore(%arg14 : memref<!tpu.dma_semaphore, #tpu.memory_space<semaphore_mem>>)
    %get3A_349 = arith.constant 128 : index
    %get3A_350 = tpu.vector_load %arg8[%get3A_349] {strides = array<i32>} : memref<640xi32, #tpu.memory_space<vmem>>, vector<16xi32>,
    %get3A_351 = arith.constant 128 : index
    %get3A_352 = tpu.vector_load %arg9[%get3A_351] {strides = array<i32>} : memref<640xi32, #tpu.memory_space<vmem>>, vector<16xi32>,
    %gather3A_353 = tpu.vector_load_idx %arg10[%get3A_350] : memref<1000xf32, #tpu.memory_space<vmem>>[vector<16xi32>], vector<16xf32>,
    %add3A_354 = arith.constant 0 : i32
    %add3A_355 = vector.broadcast %add3A_354 : i32 to vector<16xi32>
    %add3A_356 = arith.addi %iota3A, %add3A_355 : vector<16xi32>
    %gather3A_357 = arith.constant 0 : i32
    %gather3A_358 = arith.constant 0 : i32
    %gather3A_359 = arith.constant 0 : i32
    %gather3A_360 = tpu.memref_slice %arg11[%gather3A_357, %gather3A_358, %gather3A_359] : memref<2x32x1024xf32, #tpu.memory_space<vmem>> -> memref<1x32x1024xf32, #tpu.memory_space<vmem>>
    %gather3A_361 = tpu.memref_squeeze %gather3A_360 : memref<1x32x1024xf32, #tpu.memory_space<vmem>> -> memref<32x1024xf32, #tpu.memory_space<vmem>>
    %gather3A_362 = tpu.vector_load_idx %gather3A_361[%add3A_356, %get3A_352] : memref<32x1024xf32, #tpu.memory_space<vmem>>[vector<16xi32>, vector<16xi32>], vector<16xf32>,
    %sub3A_363 = arith.subf %gather3A_353, %gather3A_362 : vector<16xf32>
    %add3A_364 = arith.addf %add3A_300, %sub3A_363 : vector<16xf32>
    %get3A_365 = arith.constant 144 : index
    %get3A_366 = tpu.vector_load %arg8[%get3A_365] {strides = array<i32>} : memref<640xi32, #tpu.memory_space<vmem>>, vector<16xi32>,
    %get3A_367 = arith.constant 144 : index
    %get3A_368 = tpu.vector_load %arg9[%get3A_367] {strides = array<i32>} : memref<640xi32, #tpu.memory_space<vmem>>, vector<16xi32>,
    %gather3A_369 = tpu.vector_load_idx %arg10[%get3A_366] : memref<1000xf32, #tpu.memory_space<vmem>>[vector<16xi32>], vector<16xf32>,
    %add3A_370 = arith.constant 16 : i32
    %add3A_371 = vector.broadcast %add3A_370 : i32 to vector<16xi32>
    %add3A_372 = arith.addi %iota3A, %add3A_371 : vector<16xi32>
    %gather3A_373 = arith.constant 0 : i32
    %gather3A_374 = arith.constant 0 : i32
    %gather3A_375 = arith.constant 0 : i32
    %gather3A_376 = tpu.memref_slice %arg11[%gather3A_373, %gather3A_374, %gather3A_375] : memref<2x32x1024xf32, #tpu.memory_space<vmem>> -> memref<1x32x1024xf32, #tpu.memory_space<vmem>>
    %gather3A_377 = tpu.memref_squeeze %gather3A_376 : memref<1x32x1024xf32, #tpu.memory_space<vmem>> -> memref<32x1024xf32, #tpu.memory_space<vmem>>
    %gather3A_378 = tpu.vector_load_idx %gather3A_377[%add3A_372, %get3A_368] : memref<32x1024xf32, #tpu.memory_space<vmem>>[vector<16xi32>, vector<16xi32>], vector<16xf32>,
    %sub3A_379 = arith.subf %gather3A_369, %gather3A_378 : vector<16xf32>
    %add3A_380 = arith.addf %add3A_364, %sub3A_379 : vector<16xf32>
    %add3A_381 = arith.constant 128 : i32
    %add3A_382 = arith.addi %mul3A_2, %add3A_381 : i32
    %dma_start3A_383 = arith.constant 0 : i32
    %dma_start3A_384 = arith.constant 0 : i32
    %dma_start3A_385 = arith.constant 0 : i32
    %dma_start3A_386 = tpu.memref_slice %arg11[%dma_start3A_383, %dma_start3A_384, %dma_start3A_385] : memref<2x32x1024xf32, #tpu.memory_space<vmem>> -> memref<1x32x1024xf32, #tpu.memory_space<vmem>>
    %dma_start3A_387 = tpu.memref_squeeze %dma_start3A_386 : memref<1x32x1024xf32, #tpu.memory_space<vmem>> -> memref<32x1024xf32, #tpu.memory_space<vmem>>
    %dma_start3A_388 = arith.constant 0 : i32
    %dma_start3A_389 = tpu.memref_slice %arg6[%add3A_382, %dma_start3A_388] : memref<20480x1024xf32, #tpu.memory_space<hbm>> -> memref<32x1024xf32, #tpu.memory_space<hbm>>
    %dma_start3A_390 = arith.constant 0 : i32
    %dma_start3A_391 = tpu.memref_slice %arg6[%add3A_382, %dma_start3A_390] : memref<20480x1024xf32, #tpu.memory_space<hbm>> -> memref<32x1024xf32, #tpu.memory_space<hbm>>
    %dma_start3A_392 = arith.constant 0 : i32
    %dma_start3A_393 = arith.constant 0 : i32
    %dma_start3A_394 = tpu.memref_slice %arg11[%dma_start3A_383, %dma_start3A_392, %dma_start3A_393] : memref<2x32x1024xf32, #tpu.memory_space<vmem>> -> memref<1x32x1024xf32, #tpu.memory_space<vmem>>
    %dma_start3A_395 = tpu.memref_squeeze %dma_start3A_394 : memref<1x32x1024xf32, #tpu.memory_space<vmem>> -> memref<32x1024xf32, #tpu.memory_space<vmem>>
    tpu.enqueue_dma source(%dma_start3A_395 : memref<32x1024xf32, #tpu.memory_space<vmem>>) target(%dma_start3A_391 : memref<32x1024xf32, #tpu.memory_space<hbm>>) target_semaphore(%arg15 : memref<!tpu.dma_semaphore, #tpu.memory_space<semaphore_mem>>)
    %dma_wait3A_396 = arith.constant 1 : i32
    %dma_wait3A_397 = arith.constant 0 : i32
    %dma_wait3A_398 = arith.constant 0 : i32
    %dma_wait3A_399 = tpu.memref_slice %arg11[%dma_wait3A_396, %dma_wait3A_397, %dma_wait3A_398] : memref<2x32x1024xf32, #tpu.memory_space<vmem>> -> memref<1x32x1024xf32, #tpu.memory_space<vmem>>
    %dma_wait3A_400 = tpu.memref_squeeze %dma_wait3A_399 : memref<1x32x1024xf32, #tpu.memory_space<vmem>> -> memref<32x1024xf32, #tpu.memory_space<vmem>>
    %dma_wait3A_401 = arith.constant 160 : i32
    %dma_wait3A_402 = tpu.memref_slice %arg8[%dma_wait3A_401] : memref<640xi32, #tpu.memory_space<vmem>> -> memref<32xi32, #tpu.memory_space<vmem>>
    %dma_wait3A_403 = arith.constant 0 : i32
    %dma_wait3A_404 = arith.constant 0 : i32
    %dma_wait3A_405 = tpu.memref_slice %arg2[%dma_wait3A_403, %dma_wait3A_404] : memref<1000x1024xf32, #tpu.memory_space<hbm>> -> memref<1000x1024xf32, #tpu.memory_space<hbm>>
    tpu.wait_indirect_dma semaphore(%arg14 : memref<!tpu.dma_semaphore, #tpu.memory_space<semaphore_mem>>) src(%dma_wait3A_405 : memref<1000x1024xf32, #tpu.memory_space<hbm>>) dst(%dma_wait3A_400 : memref<32x1024xf32, #tpu.memory_space<vmem>>)
    %dma_wait3A_406 = arith.constant 0 : i32
    %dma_wait3A_407 = arith.constant 0 : i32
    %dma_wait3A_408 = arith.constant 0 : i32
    %dma_wait3A_409 = tpu.memref_slice %arg11[%dma_wait3A_406, %dma_wait3A_407, %dma_wait3A_408] : memref<2x32x1024xf32, #tpu.memory_space<vmem>> -> memref<1x32x1024xf32, #tpu.memory_space<vmem>>
    %dma_wait3A_410 = tpu.memref_squeeze %dma_wait3A_409 : memref<1x32x1024xf32, #tpu.memory_space<vmem>> -> memref<32x1024xf32, #tpu.memory_space<vmem>>
    %dma_wait3A_411 = arith.constant 0 : i32
    %dma_wait3A_412 = tpu.memref_slice %arg6[%add3A_382, %dma_wait3A_411] : memref<20480x1024xf32, #tpu.memory_space<hbm>> -> memref<32x1024xf32, #tpu.memory_space<hbm>>
    %dma_wait3A_413 = arith.constant 0 : i32
    %dma_wait3A_414 = tpu.memref_slice %arg6[%add3A_382, %dma_wait3A_413] : memref<20480x1024xf32, #tpu.memory_space<hbm>> -> memref<32x1024xf32, #tpu.memory_space<hbm>>
    %dma_wait3A_415 = arith.constant 0 : i32
    %dma_wait3A_416 = arith.constant 0 : i32
    %dma_wait3A_417 = tpu.memref_slice %arg11[%dma_wait3A_406, %dma_wait3A_415, %dma_wait3A_416] : memref<2x32x1024xf32, #tpu.memory_space<vmem>> -> memref<1x32x1024xf32, #tpu.memory_space<vmem>>
    %dma_wait3A_418 = tpu.memref_squeeze %dma_wait3A_417 : memref<1x32x1024xf32, #tpu.memory_space<vmem>> -> memref<32x1024xf32, #tpu.memory_space<vmem>>
    tpu.wait_dma2 semaphore(%arg15 : memref<!tpu.dma_semaphore, #tpu.memory_space<semaphore_mem>>) src(%dma_wait3A_418 : memref<32x1024xf32, #tpu.memory_space<vmem>>) dst(%dma_wait3A_414 : memref<32x1024xf32, #tpu.memory_space<hbm>>)
    %dma_start3A_419 = arith.constant 0 : i32
    %dma_start3A_420 = arith.constant 0 : i32
    %dma_start3A_421 = arith.constant 0 : i32
    %dma_start3A_422 = tpu.memref_slice %arg11[%dma_start3A_419, %dma_start3A_420, %dma_start3A_421] : memref<2x32x1024xf32, #tpu.memory_space<vmem>> -> memref<1x32x1024xf32, #tpu.memory_space<vmem>>
    %dma_start3A_423 = tpu.memref_squeeze %dma_start3A_422 : memref<1x32x1024xf32, #tpu.memory_space<vmem>> -> memref<32x1024xf32, #tpu.memory_space<vmem>>
    %dma_start3A_424 = arith.constant 192 : i32
    %dma_start3A_425 = tpu.memref_slice %arg8[%dma_start3A_424] : memref<640xi32, #tpu.memory_space<vmem>> -> memref<32xi32, #tpu.memory_space<vmem>>
    %dma_start3A_426 = arith.constant 0 : i32
    %dma_start3A_427 = arith.constant 0 : i32
    %dma_start3A_428 = tpu.memref_slice %arg2[%dma_start3A_426, %dma_start3A_427] : memref<1000x1024xf32, #tpu.memory_space<hbm>> -> memref<1000x1024xf32, #tpu.memory_space<hbm>>
    tpu.enqueue_indirect_dma source(%dma_start3A_428 : memref<1000x1024xf32, #tpu.memory_space<hbm>>) target(%dma_start3A_423 : memref<32x1024xf32, #tpu.memory_space<vmem>>) offsets(%dma_start3A_425 : memref<32xi32, #tpu.memory_space<vmem>>) semaphore(%arg13 : memref<!tpu.dma_semaphore, #tpu.memory_space<semaphore_mem>>)
    %get3A_429 = arith.constant 160 : index
    %get3A_430 = tpu.vector_load %arg8[%get3A_429] {strides = array<i32>} : memref<640xi32, #tpu.memory_space<vmem>>, vector<16xi32>,
    %get3A_431 = arith.constant 160 : index
    %get3A_432 = tpu.vector_load %arg9[%get3A_431] {strides = array<i32>} : memref<640xi32, #tpu.memory_space<vmem>>, vector<16xi32>,
    %gather3A_433 = tpu.vector_load_idx %arg10[%get3A_430] : memref<1000xf32, #tpu.memory_space<vmem>>[vector<16xi32>], vector<16xf32>,
    %add3A_434 = arith.constant 0 : i32
    %add3A_435 = vector.broadcast %add3A_434 : i32 to vector<16xi32>
    %add3A_436 = arith.addi %iota3A, %add3A_435 : vector<16xi32>
    %gather3A_437 = arith.constant 1 : i32
    %gather3A_438 = arith.constant 0 : i32
    %gather3A_439 = arith.constant 0 : i32
    %gather3A_440 = tpu.memref_slice %arg11[%gather3A_437, %gather3A_438, %gather3A_439] : memref<2x32x1024xf32, #tpu.memory_space<vmem>> -> memref<1x32x1024xf32, #tpu.memory_space<vmem>>
    %gather3A_441 = tpu.memref_squeeze %gather3A_440 : memref<1x32x1024xf32, #tpu.memory_space<vmem>> -> memref<32x1024xf32, #tpu.memory_space<vmem>>
    %gather3A_442 = tpu.vector_load_idx %gather3A_441[%add3A_436, %get3A_432] : memref<32x1024xf32, #tpu.memory_space<vmem>>[vector<16xi32>, vector<16xi32>], vector<16xf32>,
    %sub3A_443 = arith.subf %gather3A_433, %gather3A_442 : vector<16xf32>
    %add3A_444 = arith.addf %add3A_380, %sub3A_443 : vector<16xf32>
    %get3A_445 = arith.constant 176 : index
    %get3A_446 = tpu.vector_load %arg8[%get3A_445] {strides = array<i32>} : memref<640xi32, #tpu.memory_space<vmem>>, vector<16xi32>,
    %get3A_447 = arith.constant 176 : index
    %get3A_448 = tpu.vector_load %arg9[%get3A_447] {strides = array<i32>} : memref<640xi32, #tpu.memory_space<vmem>>, vector<16xi32>,
    %gather3A_449 = tpu.vector_load_idx %arg10[%get3A_446] : memref<1000xf32, #tpu.memory_space<vmem>>[vector<16xi32>], vector<16xf32>,
    %add3A_450 = arith.constant 16 : i32
    %add3A_451 = vector.broadcast %add3A_450 : i32 to vector<16xi32>
    %add3A_452 = arith.addi %iota3A, %add3A_451 : vector<16xi32>
    %gather3A_453 = arith.constant 1 : i32
    %gather3A_454 = arith.constant 0 : i32
    %gather3A_455 = arith.constant 0 : i32
    %gather3A_456 = tpu.memref_slice %arg11[%gather3A_453, %gather3A_454, %gather3A_455] : memref<2x32x1024xf32, #tpu.memory_space<vmem>> -> memref<1x32x1024xf32, #tpu.memory_space<vmem>>
    %gather3A_457 = tpu.memref_squeeze %gather3A_456 : memref<1x32x1024xf32, #tpu.memory_space<vmem>> -> memref<32x1024xf32, #tpu.memory_space<vmem>>
    %gather3A_458 = tpu.vector_load_idx %gather3A_457[%add3A_452, %get3A_448] : memref<32x1024xf32, #tpu.memory_space<vmem>>[vector<16xi32>, vector<16xi32>], vector<16xf32>,
    %sub3A_459 = arith.subf %gather3A_449, %gather3A_458 : vector<16xf32>
    %add3A_460 = arith.addf %add3A_444, %sub3A_459 : vector<16xf32>
    %add3A_461 = arith.constant 160 : i32
    %add3A_462 = arith.addi %mul3A_2, %add3A_461 : i32
    %dma_start3A_463 = arith.constant 1 : i32
    %dma_start3A_464 = arith.constant 0 : i32
    %dma_start3A_465 = arith.constant 0 : i32
    %dma_start3A_466 = tpu.memref_slice %arg11[%dma_start3A_463, %dma_start3A_464, %dma_start3A_465] : memref<2x32x1024xf32, #tpu.memory_space<vmem>> -> memref<1x32x1024xf32, #tpu.memory_space<vmem>>
    %dma_start3A_467 = tpu.memref_squeeze %dma_start3A_466 : memref<1x32x1024xf32, #tpu.memory_space<vmem>> -> memref<32x1024xf32, #tpu.memory_space<vmem>>
    %dma_start3A_468 = arith.constant 0 : i32
    %dma_start3A_469 = tpu.memref_slice %arg6[%add3A_462, %dma_start3A_468] : memref<20480x1024xf32, #tpu.memory_space<hbm>> -> memref<32x1024xf32, #tpu.memory_space<hbm>>
    %dma_start3A_470 = arith.constant 0 : i32
    %dma_start3A_471 = tpu.memref_slice %arg6[%add3A_462, %dma_start3A_470] : memref<20480x1024xf32, #tpu.memory_space<hbm>> -> memref<32x1024xf32, #tpu.memory_space<hbm>>
    %dma_start3A_472 = arith.constant 0 : i32
    %dma_start3A_473 = arith.constant 0 : i32
    %dma_start3A_474 = tpu.memref_slice %arg11[%dma_start3A_463, %dma_start3A_472, %dma_start3A_473] : memref<2x32x1024xf32, #tpu.memory_space<vmem>> -> memref<1x32x1024xf32, #tpu.memory_space<vmem>>
    %dma_start3A_475 = tpu.memref_squeeze %dma_start3A_474 : memref<1x32x1024xf32, #tpu.memory_space<vmem>> -> memref<32x1024xf32, #tpu.memory_space<vmem>>
    tpu.enqueue_dma source(%dma_start3A_475 : memref<32x1024xf32, #tpu.memory_space<vmem>>) target(%dma_start3A_471 : memref<32x1024xf32, #tpu.memory_space<hbm>>) target_semaphore(%arg16 : memref<!tpu.dma_semaphore, #tpu.memory_space<semaphore_mem>>)
    %dma_wait3A_476 = arith.constant 0 : i32
    %dma_wait3A_477 = arith.constant 0 : i32
    %dma_wait3A_478 = arith.constant 0 : i32
    %dma_wait3A_479 = tpu.memref_slice %arg11[%dma_wait3A_476, %dma_wait3A_477, %dma_wait3A_478] : memref<2x32x1024xf32, #tpu.memory_space<vmem>> -> memref<1x32x1024xf32, #tpu.memory_space<vmem>>
    %dma_wait3A_480 = tpu.memref_squeeze %dma_wait3A_479 : memref<1x32x1024xf32, #tpu.memory_space<vmem>> -> memref<32x1024xf32, #tpu.memory_space<vmem>>
    %dma_wait3A_481 = arith.constant 192 : i32
    %dma_wait3A_482 = tpu.memref_slice %arg8[%dma_wait3A_481] : memref<640xi32, #tpu.memory_space<vmem>> -> memref<32xi32, #tpu.memory_space<vmem>>
    %dma_wait3A_483 = arith.constant 0 : i32
    %dma_wait3A_484 = arith.constant 0 : i32
    %dma_wait3A_485 = tpu.memref_slice %arg2[%dma_wait3A_483, %dma_wait3A_484] : memref<1000x1024xf32, #tpu.memory_space<hbm>> -> memref<1000x1024xf32, #tpu.memory_space<hbm>>
    tpu.wait_indirect_dma semaphore(%arg13 : memref<!tpu.dma_semaphore, #tpu.memory_space<semaphore_mem>>) src(%dma_wait3A_485 : memref<1000x1024xf32, #tpu.memory_space<hbm>>) dst(%dma_wait3A_480 : memref<32x1024xf32, #tpu.memory_space<vmem>>)
    %dma_wait3A_486 = arith.constant 1 : i32
    %dma_wait3A_487 = arith.constant 0 : i32
    %dma_wait3A_488 = arith.constant 0 : i32
    %dma_wait3A_489 = tpu.memref_slice %arg11[%dma_wait3A_486, %dma_wait3A_487, %dma_wait3A_488] : memref<2x32x1024xf32, #tpu.memory_space<vmem>> -> memref<1x32x1024xf32, #tpu.memory_space<vmem>>
    %dma_wait3A_490 = tpu.memref_squeeze %dma_wait3A_489 : memref<1x32x1024xf32, #tpu.memory_space<vmem>> -> memref<32x1024xf32, #tpu.memory_space<vmem>>
    %dma_wait3A_491 = arith.constant 0 : i32
    %dma_wait3A_492 = tpu.memref_slice %arg6[%add3A_462, %dma_wait3A_491] : memref<20480x1024xf32, #tpu.memory_space<hbm>> -> memref<32x1024xf32, #tpu.memory_space<hbm>>
    %dma_wait3A_493 = arith.constant 0 : i32
    %dma_wait3A_494 = tpu.memref_slice %arg6[%add3A_462, %dma_wait3A_493] : memref<20480x1024xf32, #tpu.memory_space<hbm>> -> memref<32x1024xf32, #tpu.memory_space<hbm>>
    %dma_wait3A_495 = arith.constant 0 : i32
    %dma_wait3A_496 = arith.constant 0 : i32
    %dma_wait3A_497 = tpu.memref_slice %arg11[%dma_wait3A_486, %dma_wait3A_495, %dma_wait3A_496] : memref<2x32x1024xf32, #tpu.memory_space<vmem>> -> memref<1x32x1024xf32, #tpu.memory_space<vmem>>
    %dma_wait3A_498 = tpu.memref_squeeze %dma_wait3A_497 : memref<1x32x1024xf32, #tpu.memory_space<vmem>> -> memref<32x1024xf32, #tpu.memory_space<vmem>>
    tpu.wait_dma2 semaphore(%arg16 : memref<!tpu.dma_semaphore, #tpu.memory_space<semaphore_mem>>) src(%dma_wait3A_498 : memref<32x1024xf32, #tpu.memory_space<vmem>>) dst(%dma_wait3A_494 : memref<32x1024xf32, #tpu.memory_space<hbm>>)
    %dma_start3A_499 = arith.constant 1 : i32
    %dma_start3A_500 = arith.constant 0 : i32
    %dma_start3A_501 = arith.constant 0 : i32
    %dma_start3A_502 = tpu.memref_slice %arg11[%dma_start3A_499, %dma_start3A_500, %dma_start3A_501] : memref<2x32x1024xf32, #tpu.memory_space<vmem>> -> memref<1x32x1024xf32, #tpu.memory_space<vmem>>
    %dma_start3A_503 = tpu.memref_squeeze %dma_start3A_502 : memref<1x32x1024xf32, #tpu.memory_space<vmem>> -> memref<32x1024xf32, #tpu.memory_space<vmem>>
    %dma_start3A_504 = arith.constant 224 : i32
    %dma_start3A_505 = tpu.memref_slice %arg8[%dma_start3A_504] : memref<640xi32, #tpu.memory_space<vmem>> -> memref<32xi32, #tpu.memory_space<vmem>>
    %dma_start3A_506 = arith.constant 0 : i32
    %dma_start3A_507 = arith.constant 0 : i32
    %dma_start3A_508 = tpu.memref_slice %arg2[%dma_start3A_506, %dma_start3A_507] : memref<1000x1024xf32, #tpu.memory_space<hbm>> -> memref<1000x1024xf32, #tpu.memory_space<hbm>>
    tpu.enqueue_indirect_dma source(%dma_start3A_508 : memref<1000x1024xf32, #tpu.memory_space<hbm>>) target(%dma_start3A_503 : memref<32x1024xf32, #tpu.memory_space<vmem>>) offsets(%dma_start3A_505 : memref<32xi32, #tpu.memory_space<vmem>>) semaphore(%arg14 : memref<!tpu.dma_semaphore, #tpu.memory_space<semaphore_mem>>)
    %get3A_509 = arith.constant 192 : index
    %get3A_510 = tpu.vector_load %arg8[%get3A_509] {strides = array<i32>} : memref<640xi32, #tpu.memory_space<vmem>>, vector<16xi32>,
    %get3A_511 = arith.constant 192 : index
    %get3A_512 = tpu.vector_load %arg9[%get3A_511] {strides = array<i32>} : memref<640xi32, #tpu.memory_space<vmem>>, vector<16xi32>,
    %gather3A_513 = tpu.vector_load_idx %arg10[%get3A_510] : memref<1000xf32, #tpu.memory_space<vmem>>[vector<16xi32>], vector<16xf32>,
    %add3A_514 = arith.constant 0 : i32
    %add3A_515 = vector.broadcast %add3A_514 : i32 to vector<16xi32>
    %add3A_516 = arith.addi %iota3A, %add3A_515 : vector<16xi32>
    %gather3A_517 = arith.constant 0 : i32
    %gather3A_518 = arith.constant 0 : i32
    %gather3A_519 = arith.constant 0 : i32
    %gather3A_520 = tpu.memref_slice %arg11[%gather3A_517, %gather3A_518, %gather3A_519] : memref<2x32x1024xf32, #tpu.memory_space<vmem>> -> memref<1x32x1024xf32, #tpu.memory_space<vmem>>
    %gather3A_521 = tpu.memref_squeeze %gather3A_520 : memref<1x32x1024xf32, #tpu.memory_space<vmem>> -> memref<32x1024xf32, #tpu.memory_space<vmem>>
    %gather3A_522 = tpu.vector_load_idx %gather3A_521[%add3A_516, %get3A_512] : memref<32x1024xf32, #tpu.memory_space<vmem>>[vector<16xi32>, vector<16xi32>], vector<16xf32>,
    %sub3A_523 = arith.subf %gather3A_513, %gather3A_522 : vector<16xf32>
    %add3A_524 = arith.addf %add3A_460, %sub3A_523 : vector<16xf32>
    %get3A_525 = arith.constant 208 : index
    %get3A_526 = tpu.vector_load %arg8[%get3A_525] {strides = array<i32>} : memref<640xi32, #tpu.memory_space<vmem>>, vector<16xi32>,
    %get3A_527 = arith.constant 208 : index
    %get3A_528 = tpu.vector_load %arg9[%get3A_527] {strides = array<i32>} : memref<640xi32, #tpu.memory_space<vmem>>, vector<16xi32>,
    %gather3A_529 = tpu.vector_load_idx %arg10[%get3A_526] : memref<1000xf32, #tpu.memory_space<vmem>>[vector<16xi32>], vector<16xf32>,
    %add3A_530 = arith.constant 16 : i32
    %add3A_531 = vector.broadcast %add3A_530 : i32 to vector<16xi32>
    %add3A_532 = arith.addi %iota3A, %add3A_531 : vector<16xi32>
    %gather3A_533 = arith.constant 0 : i32
    %gather3A_534 = arith.constant 0 : i32
    %gather3A_535 = arith.constant 0 : i32
    %gather3A_536 = tpu.memref_slice %arg11[%gather3A_533, %gather3A_534, %gather3A_535] : memref<2x32x1024xf32, #tpu.memory_space<vmem>> -> memref<1x32x1024xf32, #tpu.memory_space<vmem>>
    %gather3A_537 = tpu.memref_squeeze %gather3A_536 : memref<1x32x1024xf32, #tpu.memory_space<vmem>> -> memref<32x1024xf32, #tpu.memory_space<vmem>>
    %gather3A_538 = tpu.vector_load_idx %gather3A_537[%add3A_532, %get3A_528] : memref<32x1024xf32, #tpu.memory_space<vmem>>[vector<16xi32>, vector<16xi32>], vector<16xf32>,
    %sub3A_539 = arith.subf %gather3A_529, %gather3A_538 : vector<16xf32>
    %add3A_540 = arith.addf %add3A_524, %sub3A_539 : vector<16xf32>
    %add3A_541 = arith.constant 192 : i32
    %add3A_542 = arith.addi %mul3A_2, %add3A_541 : i32
    %dma_start3A_543 = arith.constant 0 : i32
    %dma_start3A_544 = arith.constant 0 : i32
    %dma_start3A_545 = arith.constant 0 : i32
    %dma_start3A_546 = tpu.memref_slice %arg11[%dma_start3A_543, %dma_start3A_544, %dma_start3A_545] : memref<2x32x1024xf32, #tpu.memory_space<vmem>> -> memref<1x32x1024xf32, #tpu.memory_space<vmem>>
    %dma_start3A_547 = tpu.memref_squeeze %dma_start3A_546 : memref<1x32x1024xf32, #tpu.memory_space<vmem>> -> memref<32x1024xf32, #tpu.memory_space<vmem>>
    %dma_start3A_548 = arith.constant 0 : i32
    %dma_start3A_549 = tpu.memref_slice %arg6[%add3A_542, %dma_start3A_548] : memref<20480x1024xf32, #tpu.memory_space<hbm>> -> memref<32x1024xf32, #tpu.memory_space<hbm>>
    %dma_start3A_550 = arith.constant 0 : i32
    %dma_start3A_551 = tpu.memref_slice %arg6[%add3A_542, %dma_start3A_550] : memref<20480x1024xf32, #tpu.memory_space<hbm>> -> memref<32x1024xf32, #tpu.memory_space<hbm>>
    %dma_start3A_552 = arith.constant 0 : i32
    %dma_start3A_553 = arith.constant 0 : i32
    %dma_start3A_554 = tpu.memref_slice %arg11[%dma_start3A_543, %dma_start3A_552, %dma_start3A_553] : memref<2x32x1024xf32, #tpu.memory_space<vmem>> -> memref<1x32x1024xf32, #tpu.memory_space<vmem>>
    %dma_start3A_555 = tpu.memref_squeeze %dma_start3A_554 : memref<1x32x1024xf32, #tpu.memory_space<vmem>> -> memref<32x1024xf32, #tpu.memory_space<vmem>>
    tpu.enqueue_dma source(%dma_start3A_555 : memref<32x1024xf32, #tpu.memory_space<vmem>>) target(%dma_start3A_551 : memref<32x1024xf32, #tpu.memory_space<hbm>>) target_semaphore(%arg15 : memref<!tpu.dma_semaphore, #tpu.memory_space<semaphore_mem>>)
    %dma_wait3A_556 = arith.constant 1 : i32
    %dma_wait3A_557 = arith.constant 0 : i32
    %dma_wait3A_558 = arith.constant 0 : i32
    %dma_wait3A_559 = tpu.memref_slice %arg11[%dma_wait3A_556, %dma_wait3A_557, %dma_wait3A_558] : memref<2x32x1024xf32, #tpu.memory_space<vmem>> -> memref<1x32x1024xf32, #tpu.memory_space<vmem>>
    %dma_wait3A_560 = tpu.memref_squeeze %dma_wait3A_559 : memref<1x32x1024xf32, #tpu.memory_space<vmem>> -> memref<32x1024xf32, #tpu.memory_space<vmem>>
    %dma_wait3A_561 = arith.constant 224 : i32
    %dma_wait3A_562 = tpu.memref_slice %arg8[%dma_wait3A_561] : memref<640xi32, #tpu.memory_space<vmem>> -> memref<32xi32, #tpu.memory_space<vmem>>
    %dma_wait3A_563 = arith.constant 0 : i32
    %dma_wait3A_564 = arith.constant 0 : i32
    %dma_wait3A_565 = tpu.memref_slice %arg2[%dma_wait3A_563, %dma_wait3A_564] : memref<1000x1024xf32, #tpu.memory_space<hbm>> -> memref<1000x1024xf32, #tpu.memory_space<hbm>>
    tpu.wait_indirect_dma semaphore(%arg14 : memref<!tpu.dma_semaphore, #tpu.memory_space<semaphore_mem>>) src(%dma_wait3A_565 : memref<1000x1024xf32, #tpu.memory_space<hbm>>) dst(%dma_wait3A_560 : memref<32x1024xf32, #tpu.memory_space<vmem>>)
    %dma_wait3A_566 = arith.constant 0 : i32
    %dma_wait3A_567 = arith.constant 0 : i32
    %dma_wait3A_568 = arith.constant 0 : i32
    %dma_wait3A_569 = tpu.memref_slice %arg11[%dma_wait3A_566, %dma_wait3A_567, %dma_wait3A_568] : memref<2x32x1024xf32, #tpu.memory_space<vmem>> -> memref<1x32x1024xf32, #tpu.memory_space<vmem>>
    %dma_wait3A_570 = tpu.memref_squeeze %dma_wait3A_569 : memref<1x32x1024xf32, #tpu.memory_space<vmem>> -> memref<32x1024xf32, #tpu.memory_space<vmem>>
    %dma_wait3A_571 = arith.constant 0 : i32
    %dma_wait3A_572 = tpu.memref_slice %arg6[%add3A_542, %dma_wait3A_571] : memref<20480x1024xf32, #tpu.memory_space<hbm>> -> memref<32x1024xf32, #tpu.memory_space<hbm>>
    %dma_wait3A_573 = arith.constant 0 : i32
    %dma_wait3A_574 = tpu.memref_slice %arg6[%add3A_542, %dma_wait3A_573] : memref<20480x1024xf32, #tpu.memory_space<hbm>> -> memref<32x1024xf32, #tpu.memory_space<hbm>>
    %dma_wait3A_575 = arith.constant 0 : i32
    %dma_wait3A_576 = arith.constant 0 : i32
    %dma_wait3A_577 = tpu.memref_slice %arg11[%dma_wait3A_566, %dma_wait3A_575, %dma_wait3A_576] : memref<2x32x1024xf32, #tpu.memory_space<vmem>> -> memref<1x32x1024xf32, #tpu.memory_space<vmem>>
    %dma_wait3A_578 = tpu.memref_squeeze %dma_wait3A_577 : memref<1x32x1024xf32, #tpu.memory_space<vmem>> -> memref<32x1024xf32, #tpu.memory_space<vmem>>
    tpu.wait_dma2 semaphore(%arg15 : memref<!tpu.dma_semaphore, #tpu.memory_space<semaphore_mem>>) src(%dma_wait3A_578 : memref<32x1024xf32, #tpu.memory_space<vmem>>) dst(%dma_wait3A_574 : memref<32x1024xf32, #tpu.memory_space<hbm>>)
    %dma_start3A_579 = arith.constant 0 : i32
    %dma_start3A_580 = arith.constant 0 : i32
    %dma_start3A_581 = arith.constant 0 : i32
    %dma_start3A_582 = tpu.memref_slice %arg11[%dma_start3A_579, %dma_start3A_580, %dma_start3A_581] : memref<2x32x1024xf32, #tpu.memory_space<vmem>> -> memref<1x32x1024xf32, #tpu.memory_space<vmem>>
    %dma_start3A_583 = tpu.memref_squeeze %dma_start3A_582 : memref<1x32x1024xf32, #tpu.memory_space<vmem>> -> memref<32x1024xf32, #tpu.memory_space<vmem>>
    %dma_start3A_584 = arith.constant 256 : i32
    %dma_start3A_585 = tpu.memref_slice %arg8[%dma_start3A_584] : memref<640xi32, #tpu.memory_space<vmem>> -> memref<32xi32, #tpu.memory_space<vmem>>
    %dma_start3A_586 = arith.constant 0 : i32
    %dma_start3A_587 = arith.constant 0 : i32
    %dma_start3A_588 = tpu.memref_slice %arg2[%dma_start3A_586, %dma_start3A_587] : memref<1000x1024xf32, #tpu.memory_space<hbm>> -> memref<1000x1024xf32, #tpu.memory_space<hbm>>
    tpu.enqueue_indirect_dma source(%dma_start3A_588 : memref<1000x1024xf32, #tpu.memory_space<hbm>>) target(%dma_start3A_583 : memref<32x1024xf32, #tpu.memory_space<vmem>>) offsets(%dma_start3A_585 : memref<32xi32, #tpu.memory_space<vmem>>) semaphore(%arg13 : memref<!tpu.dma_semaphore, #tpu.memory_space<semaphore_mem>>)
    %get3A_589 = arith.constant 224 : index
    %get3A_590 = tpu.vector_load %arg8[%get3A_589] {strides = array<i32>} : memref<640xi32, #tpu.memory_space<vmem>>, vector<16xi32>,
    %get3A_591 = arith.constant 224 : index
    %get3A_592 = tpu.vector_load %arg9[%get3A_591] {strides = array<i32>} : memref<640xi32, #tpu.memory_space<vmem>>, vector<16xi32>,
    %gather3A_593 = tpu.vector_load_idx %arg10[%get3A_590] : memref<1000xf32, #tpu.memory_space<vmem>>[vector<16xi32>], vector<16xf32>,
    %add3A_594 = arith.constant 0 : i32
    %add3A_595 = vector.broadcast %add3A_594 : i32 to vector<16xi32>
    %add3A_596 = arith.addi %iota3A, %add3A_595 : vector<16xi32>
    %gather3A_597 = arith.constant 1 : i32
    %gather3A_598 = arith.constant 0 : i32
    %gather3A_599 = arith.constant 0 : i32
    %gather3A_600 = tpu.memref_slice %arg11[%gather3A_597, %gather3A_598, %gather3A_599] : memref<2x32x1024xf32, #tpu.memory_space<vmem>> -> memref<1x32x1024xf32, #tpu.memory_space<vmem>>
    %gather3A_601 = tpu.memref_squeeze %gather3A_600 : memref<1x32x1024xf32, #tpu.memory_space<vmem>> -> memref<32x1024xf32, #tpu.memory_space<vmem>>
    %gather3A_602 = tpu.vector_load_idx %gather3A_601[%add3A_596, %get3A_592] : memref<32x1024xf32, #tpu.memory_space<vmem>>[vector<16xi32>, vector<16xi32>], vector<16xf32>,
    %sub3A_603 = arith.subf %gather3A_593, %gather3A_602 : vector<16xf32>
    %add3A_604 = arith.addf %add3A_540, %sub3A_603 : vector<16xf32>
    %get3A_605 = arith.constant 240 : index
    %get3A_606 = tpu.vector_load %arg8[%get3A_605] {strides = array<i32>} : memref<640xi32, #tpu.memory_space<vmem>>, vector<16xi32>,
    %get3A_607 = arith.constant 240 : index
    %get3A_608 = tpu.vector_load %arg9[%get3A_607] {strides = array<i32>} : memref<640xi32, #tpu.memory_space<vmem>>, vector<16xi32>,
    %gather3A_609 = tpu.vector_load_idx %arg10[%get3A_606] : memref<1000xf32, #tpu.memory_space<vmem>>[vector<16xi32>], vector<16xf32>,
    %add3A_610 = arith.constant 16 : i32
    %add3A_611 = vector.broadcast %add3A_610 : i32 to vector<16xi32>
    %add3A_612 = arith.addi %iota3A, %add3A_611 : vector<16xi32>
    %gather3A_613 = arith.constant 1 : i32
    %gather3A_614 = arith.constant 0 : i32
    %gather3A_615 = arith.constant 0 : i32
    %gather3A_616 = tpu.memref_slice %arg11[%gather3A_613, %gather3A_614, %gather3A_615] : memref<2x32x1024xf32, #tpu.memory_space<vmem>> -> memref<1x32x1024xf32, #tpu.memory_space<vmem>>
    %gather3A_617 = tpu.memref_squeeze %gather3A_616 : memref<1x32x1024xf32, #tpu.memory_space<vmem>> -> memref<32x1024xf32, #tpu.memory_space<vmem>>
    %gather3A_618 = tpu.vector_load_idx %gather3A_617[%add3A_612, %get3A_608] : memref<32x1024xf32, #tpu.memory_space<vmem>>[vector<16xi32>, vector<16xi32>], vector<16xf32>,
    %sub3A_619 = arith.subf %gather3A_609, %gather3A_618 : vector<16xf32>
    %add3A_620 = arith.addf %add3A_604, %sub3A_619 : vector<16xf32>
    %add3A_621 = arith.constant 224 : i32
    %add3A_622 = arith.addi %mul3A_2, %add3A_621 : i32
    %dma_start3A_623 = arith.constant 1 : i32
    %dma_start3A_624 = arith.constant 0 : i32
    %dma_start3A_625 = arith.constant 0 : i32
    %dma_start3A_626 = tpu.memref_slice %arg11[%dma_start3A_623, %dma_start3A_624, %dma_start3A_625] : memref<2x32x1024xf32, #tpu.memory_space<vmem>> -> memref<1x32x1024xf32, #tpu.memory_space<vmem>>
    %dma_start3A_627 = tpu.memref_squeeze %dma_start3A_626 : memref<1x32x1024xf32, #tpu.memory_space<vmem>> -> memref<32x1024xf32, #tpu.memory_space<vmem>>
    %dma_start3A_628 = arith.constant 0 : i32
    %dma_start3A_629 = tpu.memref_slice %arg6[%add3A_622, %dma_start3A_628] : memref<20480x1024xf32, #tpu.memory_space<hbm>> -> memref<32x1024xf32, #tpu.memory_space<hbm>>
    %dma_start3A_630 = arith.constant 0 : i32
    %dma_start3A_631 = tpu.memref_slice %arg6[%add3A_622, %dma_start3A_630] : memref<20480x1024xf32, #tpu.memory_space<hbm>> -> memref<32x1024xf32, #tpu.memory_space<hbm>>
    %dma_start3A_632 = arith.constant 0 : i32
    %dma_start3A_633 = arith.constant 0 : i32
    %dma_start3A_634 = tpu.memref_slice %arg11[%dma_start3A_623, %dma_start3A_632, %dma_start3A_633] : memref<2x32x1024xf32, #tpu.memory_space<vmem>> -> memref<1x32x1024xf32, #tpu.memory_space<vmem>>
    %dma_start3A_635 = tpu.memref_squeeze %dma_start3A_634 : memref<1x32x1024xf32, #tpu.memory_space<vmem>> -> memref<32x1024xf32, #tpu.memory_space<vmem>>
    tpu.enqueue_dma source(%dma_start3A_635 : memref<32x1024xf32, #tpu.memory_space<vmem>>) target(%dma_start3A_631 : memref<32x1024xf32, #tpu.memory_space<hbm>>) target_semaphore(%arg16 : memref<!tpu.dma_semaphore, #tpu.memory_space<semaphore_mem>>)
    %dma_wait3A_636 = arith.constant 0 : i32
    %dma_wait3A_637 = arith.constant 0 : i32
    %dma_wait3A_638 = arith.constant 0 : i32
    %dma_wait3A_639 = tpu.memref_slice %arg11[%dma_wait3A_636, %dma_wait3A_637, %dma_wait3A_638] : memref<2x32x1024xf32, #tpu.memory_space<vmem>> -> memref<1x32x1024xf32, #tpu.memory_space<vmem>>
    %dma_wait3A_640 = tpu.memref_squeeze %dma_wait3A_639 : memref<1x32x1024xf32, #tpu.memory_space<vmem>> -> memref<32x1024xf32, #tpu.memory_space<vmem>>
    %dma_wait3A_641 = arith.constant 256 : i32
    %dma_wait3A_642 = tpu.memref_slice %arg8[%dma_wait3A_641] : memref<640xi32, #tpu.memory_space<vmem>> -> memref<32xi32, #tpu.memory_space<vmem>>
    %dma_wait3A_643 = arith.constant 0 : i32
    %dma_wait3A_644 = arith.constant 0 : i32
    %dma_wait3A_645 = tpu.memref_slice %arg2[%dma_wait3A_643, %dma_wait3A_644] : memref<1000x1024xf32, #tpu.memory_space<hbm>> -> memref<1000x1024xf32, #tpu.memory_space<hbm>>
    tpu.wait_indirect_dma semaphore(%arg13 : memref<!tpu.dma_semaphore, #tpu.memory_space<semaphore_mem>>) src(%dma_wait3A_645 : memref<1000x1024xf32, #tpu.memory_space<hbm>>) dst(%dma_wait3A_640 : memref<32x1024xf32, #tpu.memory_space<vmem>>)
    %dma_wait3A_646 = arith.constant 1 : i32
    %dma_wait3A_647 = arith.constant 0 : i32
    %dma_wait3A_648 = arith.constant 0 : i32
    %dma_wait3A_649 = tpu.memref_slice %arg11[%dma_wait3A_646, %dma_wait3A_647, %dma_wait3A_648] : memref<2x32x1024xf32, #tpu.memory_space<vmem>> -> memref<1x32x1024xf32, #tpu.memory_space<vmem>>
    %dma_wait3A_650 = tpu.memref_squeeze %dma_wait3A_649 : memref<1x32x1024xf32, #tpu.memory_space<vmem>> -> memref<32x1024xf32, #tpu.memory_space<vmem>>
    %dma_wait3A_651 = arith.constant 0 : i32
    %dma_wait3A_652 = tpu.memref_slice %arg6[%add3A_622, %dma_wait3A_651] : memref<20480x1024xf32, #tpu.memory_space<hbm>> -> memref<32x1024xf32, #tpu.memory_space<hbm>>
    %dma_wait3A_653 = arith.constant 0 : i32
    %dma_wait3A_654 = tpu.memref_slice %arg6[%add3A_622, %dma_wait3A_653] : memref<20480x1024xf32, #tpu.memory_space<hbm>> -> memref<32x1024xf32, #tpu.memory_space<hbm>>
    %dma_wait3A_655 = arith.constant 0 : i32
    %dma_wait3A_656 = arith.constant 0 : i32
    %dma_wait3A_657 = tpu.memref_slice %arg11[%dma_wait3A_646, %dma_wait3A_655, %dma_wait3A_656] : memref<2x32x1024xf32, #tpu.memory_space<vmem>> -> memref<1x32x1024xf32, #tpu.memory_space<vmem>>
    %dma_wait3A_658 = tpu.memref_squeeze %dma_wait3A_657 : memref<1x32x1024xf32, #tpu.memory_space<vmem>> -> memref<32x1024xf32, #tpu.memory_space<vmem>>
    tpu.wait_dma2 semaphore(%arg16 : memref<!tpu.dma_semaphore, #tpu.memory_space<semaphore_mem>>) src(%dma_wait3A_658 : memref<32x1024xf32, #tpu.memory_space<vmem>>) dst(%dma_wait3A_654 : memref<32x1024xf32, #tpu.memory_space<hbm>>)
    %dma_start3A_659 = arith.constant 1 : i32
    %dma_start3A_660 = arith.constant 0 : i32
    %dma_start3A_661 = arith.constant 0 : i32
    %dma_start3A_662 = tpu.memref_slice %arg11[%dma_start3A_659, %dma_start3A_660, %dma_start3A_661] : memref<2x32x1024xf32, #tpu.memory_space<vmem>> -> memref<1x32x1024xf32, #tpu.memory_space<vmem>>
    %dma_start3A_663 = tpu.memref_squeeze %dma_start3A_662 : memref<1x32x1024xf32, #tpu.memory_space<vmem>> -> memref<32x1024xf32, #tpu.memory_space<vmem>>
    %dma_start3A_664 = arith.constant 288 : i32
    %dma_start3A_665 = tpu.memref_slice %arg8[%dma_start3A_664] : memref<640xi32, #tpu.memory_space<vmem>> -> memref<32xi32, #tpu.memory_space<vmem>>
    %dma_start3A_666 = arith.constant 0 : i32
    %dma_start3A_667 = arith.constant 0 : i32
    %dma_start3A_668 = tpu.memref_slice %arg2[%dma_start3A_666, %dma_start3A_667] : memref<1000x1024xf32, #tpu.memory_space<hbm>> -> memref<1000x1024xf32, #tpu.memory_space<hbm>>
    tpu.enqueue_indirect_dma source(%dma_start3A_668 : memref<1000x1024xf32, #tpu.memory_space<hbm>>) target(%dma_start3A_663 : memref<32x1024xf32, #tpu.memory_space<vmem>>) offsets(%dma_start3A_665 : memref<32xi32, #tpu.memory_space<vmem>>) semaphore(%arg14 : memref<!tpu.dma_semaphore, #tpu.memory_space<semaphore_mem>>)
    %get3A_669 = arith.constant 256 : index
    %get3A_670 = tpu.vector_load %arg8[%get3A_669] {strides = array<i32>} : memref<640xi32, #tpu.memory_space<vmem>>, vector<16xi32>,
    %get3A_671 = arith.constant 256 : index
    %get3A_672 = tpu.vector_load %arg9[%get3A_671] {strides = array<i32>} : memref<640xi32, #tpu.memory_space<vmem>>, vector<16xi32>,
    %gather3A_673 = tpu.vector_load_idx %arg10[%get3A_670] : memref<1000xf32, #tpu.memory_space<vmem>>[vector<16xi32>], vector<16xf32>,
    %add3A_674 = arith.constant 0 : i32
    %add3A_675 = vector.broadcast %add3A_674 : i32 to vector<16xi32>
    %add3A_676 = arith.addi %iota3A, %add3A_675 : vector<16xi32>
    %gather3A_677 = arith.constant 0 : i32
    %gather3A_678 = arith.constant 0 : i32
    %gather3A_679 = arith.constant 0 : i32
    %gather3A_680 = tpu.memref_slice %arg11[%gather3A_677, %gather3A_678, %gather3A_679] : memref<2x32x1024xf32, #tpu.memory_space<vmem>> -> memref<1x32x1024xf32, #tpu.memory_space<vmem>>
    %gather3A_681 = tpu.memref_squeeze %gather3A_680 : memref<1x32x1024xf32, #tpu.memory_space<vmem>> -> memref<32x1024xf32, #tpu.memory_space<vmem>>
    %gather3A_682 = tpu.vector_load_idx %gather3A_681[%add3A_676, %get3A_672] : memref<32x1024xf32, #tpu.memory_space<vmem>>[vector<16xi32>, vector<16xi32>], vector<16xf32>,
    %sub3A_683 = arith.subf %gather3A_673, %gather3A_682 : vector<16xf32>
    %add3A_684 = arith.addf %add3A_620, %sub3A_683 : vector<16xf32>
    %get3A_685 = arith.constant 272 : index
    %get3A_686 = tpu.vector_load %arg8[%get3A_685] {strides = array<i32>} : memref<640xi32, #tpu.memory_space<vmem>>, vector<16xi32>,
    %get3A_687 = arith.constant 272 : index
    %get3A_688 = tpu.vector_load %arg9[%get3A_687] {strides = array<i32>} : memref<640xi32, #tpu.memory_space<vmem>>, vector<16xi32>,
    %gather3A_689 = tpu.vector_load_idx %arg10[%get3A_686] : memref<1000xf32, #tpu.memory_space<vmem>>[vector<16xi32>], vector<16xf32>,
    %add3A_690 = arith.constant 16 : i32
    %add3A_691 = vector.broadcast %add3A_690 : i32 to vector<16xi32>
    %add3A_692 = arith.addi %iota3A, %add3A_691 : vector<16xi32>
    %gather3A_693 = arith.constant 0 : i32
    %gather3A_694 = arith.constant 0 : i32
    %gather3A_695 = arith.constant 0 : i32
    %gather3A_696 = tpu.memref_slice %arg11[%gather3A_693, %gather3A_694, %gather3A_695] : memref<2x32x1024xf32, #tpu.memory_space<vmem>> -> memref<1x32x1024xf32, #tpu.memory_space<vmem>>
    %gather3A_697 = tpu.memref_squeeze %gather3A_696 : memref<1x32x1024xf32, #tpu.memory_space<vmem>> -> memref<32x1024xf32, #tpu.memory_space<vmem>>
    %gather3A_698 = tpu.vector_load_idx %gather3A_697[%add3A_692, %get3A_688] : memref<32x1024xf32, #tpu.memory_space<vmem>>[vector<16xi32>, vector<16xi32>], vector<16xf32>,
    %sub3A_699 = arith.subf %gather3A_689, %gather3A_698 : vector<16xf32>
    %add3A_700 = arith.addf %add3A_684, %sub3A_699 : vector<16xf32>
    %add3A_701 = arith.constant 256 : i32
    %add3A_702 = arith.addi %mul3A_2, %add3A_701 : i32
    %dma_start3A_703 = arith.constant 0 : i32
    %dma_start3A_704 = arith.constant 0 : i32
    %dma_start3A_705 = arith.constant 0 : i32
    %dma_start3A_706 = tpu.memref_slice %arg11[%dma_start3A_703, %dma_start3A_704, %dma_start3A_705] : memref<2x32x1024xf32, #tpu.memory_space<vmem>> -> memref<1x32x1024xf32, #tpu.memory_space<vmem>>
    %dma_start3A_707 = tpu.memref_squeeze %dma_start3A_706 : memref<1x32x1024xf32, #tpu.memory_space<vmem>> -> memref<32x1024xf32, #tpu.memory_space<vmem>>
    %dma_start3A_708 = arith.constant 0 : i32
    %dma_start3A_709 = tpu.memref_slice %arg6[%add3A_702, %dma_start3A_708] : memref<20480x1024xf32, #tpu.memory_space<hbm>> -> memref<32x1024xf32, #tpu.memory_space<hbm>>
    %dma_start3A_710 = arith.constant 0 : i32
    %dma_start3A_711 = tpu.memref_slice %arg6[%add3A_702, %dma_start3A_710] : memref<20480x1024xf32, #tpu.memory_space<hbm>> -> memref<32x1024xf32, #tpu.memory_space<hbm>>
    %dma_start3A_712 = arith.constant 0 : i32
    %dma_start3A_713 = arith.constant 0 : i32
    %dma_start3A_714 = tpu.memref_slice %arg11[%dma_start3A_703, %dma_start3A_712, %dma_start3A_713] : memref<2x32x1024xf32, #tpu.memory_space<vmem>> -> memref<1x32x1024xf32, #tpu.memory_space<vmem>>
    %dma_start3A_715 = tpu.memref_squeeze %dma_start3A_714 : memref<1x32x1024xf32, #tpu.memory_space<vmem>> -> memref<32x1024xf32, #tpu.memory_space<vmem>>
    tpu.enqueue_dma source(%dma_start3A_715 : memref<32x1024xf32, #tpu.memory_space<vmem>>) target(%dma_start3A_711 : memref<32x1024xf32, #tpu.memory_space<hbm>>) target_semaphore(%arg15 : memref<!tpu.dma_semaphore, #tpu.memory_space<semaphore_mem>>)
    %dma_wait3A_716 = arith.constant 1 : i32
    %dma_wait3A_717 = arith.constant 0 : i32
    %dma_wait3A_718 = arith.constant 0 : i32
    %dma_wait3A_719 = tpu.memref_slice %arg11[%dma_wait3A_716, %dma_wait3A_717, %dma_wait3A_718] : memref<2x32x1024xf32, #tpu.memory_space<vmem>> -> memref<1x32x1024xf32, #tpu.memory_space<vmem>>
    %dma_wait3A_720 = tpu.memref_squeeze %dma_wait3A_719 : memref<1x32x1024xf32, #tpu.memory_space<vmem>> -> memref<32x1024xf32, #tpu.memory_space<vmem>>
    %dma_wait3A_721 = arith.constant 288 : i32
    %dma_wait3A_722 = tpu.memref_slice %arg8[%dma_wait3A_721] : memref<640xi32, #tpu.memory_space<vmem>> -> memref<32xi32, #tpu.memory_space<vmem>>
    %dma_wait3A_723 = arith.constant 0 : i32
    %dma_wait3A_724 = arith.constant 0 : i32
    %dma_wait3A_725 = tpu.memref_slice %arg2[%dma_wait3A_723, %dma_wait3A_724] : memref<1000x1024xf32, #tpu.memory_space<hbm>> -> memref<1000x1024xf32, #tpu.memory_space<hbm>>
    tpu.wait_indirect_dma semaphore(%arg14 : memref<!tpu.dma_semaphore, #tpu.memory_space<semaphore_mem>>) src(%dma_wait3A_725 : memref<1000x1024xf32, #tpu.memory_space<hbm>>) dst(%dma_wait3A_720 : memref<32x1024xf32, #tpu.memory_space<vmem>>)
    %dma_wait3A_726 = arith.constant 0 : i32
    %dma_wait3A_727 = arith.constant 0 : i32
    %dma_wait3A_728 = arith.constant 0 : i32
    %dma_wait3A_729 = tpu.memref_slice %arg11[%dma_wait3A_726, %dma_wait3A_727, %dma_wait3A_728] : memref<2x32x1024xf32, #tpu.memory_space<vmem>> -> memref<1x32x1024xf32, #tpu.memory_space<vmem>>
    %dma_wait3A_730 = tpu.memref_squeeze %dma_wait3A_729 : memref<1x32x1024xf32, #tpu.memory_space<vmem>> -> memref<32x1024xf32, #tpu.memory_space<vmem>>
    %dma_wait3A_731 = arith.constant 0 : i32
    %dma_wait3A_732 = tpu.memref_slice %arg6[%add3A_702, %dma_wait3A_731] : memref<20480x1024xf32, #tpu.memory_space<hbm>> -> memref<32x1024xf32, #tpu.memory_space<hbm>>
    %dma_wait3A_733 = arith.constant 0 : i32
    %dma_wait3A_734 = tpu.memref_slice %arg6[%add3A_702, %dma_wait3A_733] : memref<20480x1024xf32, #tpu.memory_space<hbm>> -> memref<32x1024xf32, #tpu.memory_space<hbm>>
    %dma_wait3A_735 = arith.constant 0 : i32
    %dma_wait3A_736 = arith.constant 0 : i32
    %dma_wait3A_737 = tpu.memref_slice %arg11[%dma_wait3A_726, %dma_wait3A_735, %dma_wait3A_736] : memref<2x32x1024xf32, #tpu.memory_space<vmem>> -> memref<1x32x1024xf32, #tpu.memory_space<vmem>>
    %dma_wait3A_738 = tpu.memref_squeeze %dma_wait3A_737 : memref<1x32x1024xf32, #tpu.memory_space<vmem>> -> memref<32x1024xf32, #tpu.memory_space<vmem>>
    tpu.wait_dma2 semaphore(%arg15 : memref<!tpu.dma_semaphore, #tpu.memory_space<semaphore_mem>>) src(%dma_wait3A_738 : memref<32x1024xf32, #tpu.memory_space<vmem>>) dst(%dma_wait3A_734 : memref<32x1024xf32, #tpu.memory_space<hbm>>)
    %dma_start3A_739 = arith.constant 0 : i32
    %dma_start3A_740 = arith.constant 0 : i32
    %dma_start3A_741 = arith.constant 0 : i32
    %dma_start3A_742 = tpu.memref_slice %arg11[%dma_start3A_739, %dma_start3A_740, %dma_start3A_741] : memref<2x32x1024xf32, #tpu.memory_space<vmem>> -> memref<1x32x1024xf32, #tpu.memory_space<vmem>>
    %dma_start3A_743 = tpu.memref_squeeze %dma_start3A_742 : memref<1x32x1024xf32, #tpu.memory_space<vmem>> -> memref<32x1024xf32, #tpu.memory_space<vmem>>
    %dma_start3A_744 = arith.constant 320 : i32
    %dma_start3A_745 = tpu.memref_slice %arg8[%dma_start3A_744] : memref<640xi32, #tpu.memory_space<vmem>> -> memref<32xi32, #tpu.memory_space<vmem>>
    %dma_start3A_746 = arith.constant 0 : i32
    %dma_start3A_747 = arith.constant 0 : i32
    %dma_start3A_748 = tpu.memref_slice %arg2[%dma_start3A_746, %dma_start3A_747] : memref<1000x1024xf32, #tpu.memory_space<hbm>> -> memref<1000x1024xf32, #tpu.memory_space<hbm>>
    tpu.enqueue_indirect_dma source(%dma_start3A_748 : memref<1000x1024xf32, #tpu.memory_space<hbm>>) target(%dma_start3A_743 : memref<32x1024xf32, #tpu.memory_space<vmem>>) offsets(%dma_start3A_745 : memref<32xi32, #tpu.memory_space<vmem>>) semaphore(%arg13 : memref<!tpu.dma_semaphore, #tpu.memory_space<semaphore_mem>>)
    %get3A_749 = arith.constant 288 : index
    %get3A_750 = tpu.vector_load %arg8[%get3A_749] {strides = array<i32>} : memref<640xi32, #tpu.memory_space<vmem>>, vector<16xi32>,
    %get3A_751 = arith.constant 288 : index
    %get3A_752 = tpu.vector_load %arg9[%get3A_751] {strides = array<i32>} : memref<640xi32, #tpu.memory_space<vmem>>, vector<16xi32>,
    %gather3A_753 = tpu.vector_load_idx %arg10[%get3A_750] : memref<1000xf32, #tpu.memory_space<vmem>>[vector<16xi32>], vector<16xf32>,
    %add3A_754 = arith.constant 0 : i32
    %add3A_755 = vector.broadcast %add3A_754 : i32 to vector<16xi32>
    %add3A_756 = arith.addi %iota3A, %add3A_755 : vector<16xi32>
    %gather3A_757 = arith.constant 1 : i32
    %gather3A_758 = arith.constant 0 : i32
    %gather3A_759 = arith.constant 0 : i32
    %gather3A_760 = tpu.memref_slice %arg11[%gather3A_757, %gather3A_758, %gather3A_759] : memref<2x32x1024xf32, #tpu.memory_space<vmem>> -> memref<1x32x1024xf32, #tpu.memory_space<vmem>>
    %gather3A_761 = tpu.memref_squeeze %gather3A_760 : memref<1x32x1024xf32, #tpu.memory_space<vmem>> -> memref<32x1024xf32, #tpu.memory_space<vmem>>
    %gather3A_762 = tpu.vector_load_idx %gather3A_761[%add3A_756, %get3A_752] : memref<32x1024xf32, #tpu.memory_space<vmem>>[vector<16xi32>, vector<16xi32>], vector<16xf32>,
    %sub3A_763 = arith.subf %gather3A_753, %gather3A_762 : vector<16xf32>
    %add3A_764 = arith.addf %add3A_700, %sub3A_763 : vector<16xf32>
    %get3A_765 = arith.constant 304 : index
    %get3A_766 = tpu.vector_load %arg8[%get3A_765] {strides = array<i32>} : memref<640xi32, #tpu.memory_space<vmem>>, vector<16xi32>,
    %get3A_767 = arith.constant 304 : index
    %get3A_768 = tpu.vector_load %arg9[%get3A_767] {strides = array<i32>} : memref<640xi32, #tpu.memory_space<vmem>>, vector<16xi32>,
    %gather3A_769 = tpu.vector_load_idx %arg10[%get3A_766] : memref<1000xf32, #tpu.memory_space<vmem>>[vector<16xi32>], vector<16xf32>,
    %add3A_770 = arith.constant 16 : i32
    %add3A_771 = vector.broadcast %add3A_770 : i32 to vector<16xi32>
    %add3A_772 = arith.addi %iota3A, %add3A_771 : vector<16xi32>
    %gather3A_773 = arith.constant 1 : i32
    %gather3A_774 = arith.constant 0 : i32
    %gather3A_775 = arith.constant 0 : i32
    %gather3A_776 = tpu.memref_slice %arg11[%gather3A_773, %gather3A_774, %gather3A_775] : memref<2x32x1024xf32, #tpu.memory_space<vmem>> -> memref<1x32x1024xf32, #tpu.memory_space<vmem>>
    %gather3A_777 = tpu.memref_squeeze %gather3A_776 : memref<1x32x1024xf32, #tpu.memory_space<vmem>> -> memref<32x1024xf32, #tpu.memory_space<vmem>>
    %gather3A_778 = tpu.vector_load_idx %gather3A_777[%add3A_772, %get3A_768] : memref<32x1024xf32, #tpu.memory_space<vmem>>[vector<16xi32>, vector<16xi32>], vector<16xf32>,
    %sub3A_779 = arith.subf %gather3A_769, %gather3A_778 : vector<16xf32>
    %add3A_780 = arith.addf %add3A_764, %sub3A_779 : vector<16xf32>
    %add3A_781 = arith.constant 288 : i32
    %add3A_782 = arith.addi %mul3A_2, %add3A_781 : i32
    %dma_start3A_783 = arith.constant 1 : i32
    %dma_start3A_784 = arith.constant 0 : i32
    %dma_start3A_785 = arith.constant 0 : i32
    %dma_start3A_786 = tpu.memref_slice %arg11[%dma_start3A_783, %dma_start3A_784, %dma_start3A_785] : memref<2x32x1024xf32, #tpu.memory_space<vmem>> -> memref<1x32x1024xf32, #tpu.memory_space<vmem>>
    %dma_start3A_787 = tpu.memref_squeeze %dma_start3A_786 : memref<1x32x1024xf32, #tpu.memory_space<vmem>> -> memref<32x1024xf32, #tpu.memory_space<vmem>>
    %dma_start3A_788 = arith.constant 0 : i32
    %dma_start3A_789 = tpu.memref_slice %arg6[%add3A_782, %dma_start3A_788] : memref<20480x1024xf32, #tpu.memory_space<hbm>> -> memref<32x1024xf32, #tpu.memory_space<hbm>>
    %dma_start3A_790 = arith.constant 0 : i32
    %dma_start3A_791 = tpu.memref_slice %arg6[%add3A_782, %dma_start3A_790] : memref<20480x1024xf32, #tpu.memory_space<hbm>> -> memref<32x1024xf32, #tpu.memory_space<hbm>>
    %dma_start3A_792 = arith.constant 0 : i32
    %dma_start3A_793 = arith.constant 0 : i32
    %dma_start3A_794 = tpu.memref_slice %arg11[%dma_start3A_783, %dma_start3A_792, %dma_start3A_793] : memref<2x32x1024xf32, #tpu.memory_space<vmem>> -> memref<1x32x1024xf32, #tpu.memory_space<vmem>>
    %dma_start3A_795 = tpu.memref_squeeze %dma_start3A_794 : memref<1x32x1024xf32, #tpu.memory_space<vmem>> -> memref<32x1024xf32, #tpu.memory_space<vmem>>
    tpu.enqueue_dma source(%dma_start3A_795 : memref<32x1024xf32, #tpu.memory_space<vmem>>) target(%dma_start3A_791 : memref<32x1024xf32, #tpu.memory_space<hbm>>) target_semaphore(%arg16 : memref<!tpu.dma_semaphore, #tpu.memory_space<semaphore_mem>>)
    %dma_wait3A_796 = arith.constant 0 : i32
    %dma_wait3A_797 = arith.constant 0 : i32
    %dma_wait3A_798 = arith.constant 0 : i32
    %dma_wait3A_799 = tpu.memref_slice %arg11[%dma_wait3A_796, %dma_wait3A_797, %dma_wait3A_798] : memref<2x32x1024xf32, #tpu.memory_space<vmem>> -> memref<1x32x1024xf32, #tpu.memory_space<vmem>>
    %dma_wait3A_800 = tpu.memref_squeeze %dma_wait3A_799 : memref<1x32x1024xf32, #tpu.memory_space<vmem>> -> memref<32x1024xf32, #tpu.memory_space<vmem>>
    %dma_wait3A_801 = arith.constant 320 : i32
    %dma_wait3A_802 = tpu.memref_slice %arg8[%dma_wait3A_801] : memref<640xi32, #tpu.memory_space<vmem>> -> memref<32xi32, #tpu.memory_space<vmem>>
    %dma_wait3A_803 = arith.constant 0 : i32
    %dma_wait3A_804 = arith.constant 0 : i32
    %dma_wait3A_805 = tpu.memref_slice %arg2[%dma_wait3A_803, %dma_wait3A_804] : memref<1000x1024xf32, #tpu.memory_space<hbm>> -> memref<1000x1024xf32, #tpu.memory_space<hbm>>
    tpu.wait_indirect_dma semaphore(%arg13 : memref<!tpu.dma_semaphore, #tpu.memory_space<semaphore_mem>>) src(%dma_wait3A_805 : memref<1000x1024xf32, #tpu.memory_space<hbm>>) dst(%dma_wait3A_800 : memref<32x1024xf32, #tpu.memory_space<vmem>>)
    %dma_wait3A_806 = arith.constant 1 : i32
    %dma_wait3A_807 = arith.constant 0 : i32
    %dma_wait3A_808 = arith.constant 0 : i32
    %dma_wait3A_809 = tpu.memref_slice %arg11[%dma_wait3A_806, %dma_wait3A_807, %dma_wait3A_808] : memref<2x32x1024xf32, #tpu.memory_space<vmem>> -> memref<1x32x1024xf32, #tpu.memory_space<vmem>>
    %dma_wait3A_810 = tpu.memref_squeeze %dma_wait3A_809 : memref<1x32x1024xf32, #tpu.memory_space<vmem>> -> memref<32x1024xf32, #tpu.memory_space<vmem>>
    %dma_wait3A_811 = arith.constant 0 : i32
    %dma_wait3A_812 = tpu.memref_slice %arg6[%add3A_782, %dma_wait3A_811] : memref<20480x1024xf32, #tpu.memory_space<hbm>> -> memref<32x1024xf32, #tpu.memory_space<hbm>>
    %dma_wait3A_813 = arith.constant 0 : i32
    %dma_wait3A_814 = tpu.memref_slice %arg6[%add3A_782, %dma_wait3A_813] : memref<20480x1024xf32, #tpu.memory_space<hbm>> -> memref<32x1024xf32, #tpu.memory_space<hbm>>
    %dma_wait3A_815 = arith.constant 0 : i32
    %dma_wait3A_816 = arith.constant 0 : i32
    %dma_wait3A_817 = tpu.memref_slice %arg11[%dma_wait3A_806, %dma_wait3A_815, %dma_wait3A_816] : memref<2x32x1024xf32, #tpu.memory_space<vmem>> -> memref<1x32x1024xf32, #tpu.memory_space<vmem>>
    %dma_wait3A_818 = tpu.memref_squeeze %dma_wait3A_817 : memref<1x32x1024xf32, #tpu.memory_space<vmem>> -> memref<32x1024xf32, #tpu.memory_space<vmem>>
    tpu.wait_dma2 semaphore(%arg16 : memref<!tpu.dma_semaphore, #tpu.memory_space<semaphore_mem>>) src(%dma_wait3A_818 : memref<32x1024xf32, #tpu.memory_space<vmem>>) dst(%dma_wait3A_814 : memref<32x1024xf32, #tpu.memory_space<hbm>>)
    %dma_start3A_819 = arith.constant 1 : i32
    %dma_start3A_820 = arith.constant 0 : i32
    %dma_start3A_821 = arith.constant 0 : i32
    %dma_start3A_822 = tpu.memref_slice %arg11[%dma_start3A_819, %dma_start3A_820, %dma_start3A_821] : memref<2x32x1024xf32, #tpu.memory_space<vmem>> -> memref<1x32x1024xf32, #tpu.memory_space<vmem>>
    %dma_start3A_823 = tpu.memref_squeeze %dma_start3A_822 : memref<1x32x1024xf32, #tpu.memory_space<vmem>> -> memref<32x1024xf32, #tpu.memory_space<vmem>>
    %dma_start3A_824 = arith.constant 352 : i32
    %dma_start3A_825 = tpu.memref_slice %arg8[%dma_start3A_824] : memref<640xi32, #tpu.memory_space<vmem>> -> memref<32xi32, #tpu.memory_space<vmem>>
    %dma_start3A_826 = arith.constant 0 : i32
    %dma_start3A_827 = arith.constant 0 : i32
    %dma_start3A_828 = tpu.memref_slice %arg2[%dma_start3A_826, %dma_start3A_827] : memref<1000x1024xf32, #tpu.memory_space<hbm>> -> memref<1000x1024xf32, #tpu.memory_space<hbm>>
    tpu.enqueue_indirect_dma source(%dma_start3A_828 : memref<1000x1024xf32, #tpu.memory_space<hbm>>) target(%dma_start3A_823 : memref<32x1024xf32, #tpu.memory_space<vmem>>) offsets(%dma_start3A_825 : memref<32xi32, #tpu.memory_space<vmem>>) semaphore(%arg14 : memref<!tpu.dma_semaphore, #tpu.memory_space<semaphore_mem>>)
    %get3A_829 = arith.constant 320 : index
    %get3A_830 = tpu.vector_load %arg8[%get3A_829] {strides = array<i32>} : memref<640xi32, #tpu.memory_space<vmem>>, vector<16xi32>,
    %get3A_831 = arith.constant 320 : index
    %get3A_832 = tpu.vector_load %arg9[%get3A_831] {strides = array<i32>} : memref<640xi32, #tpu.memory_space<vmem>>, vector<16xi32>,
    %gather3A_833 = tpu.vector_load_idx %arg10[%get3A_830] : memref<1000xf32, #tpu.memory_space<vmem>>[vector<16xi32>], vector<16xf32>,
    %add3A_834 = arith.constant 0 : i32
    %add3A_835 = vector.broadcast %add3A_834 : i32 to vector<16xi32>
    %add3A_836 = arith.addi %iota3A, %add3A_835 : vector<16xi32>
    %gather3A_837 = arith.constant 0 : i32
    %gather3A_838 = arith.constant 0 : i32
    %gather3A_839 = arith.constant 0 : i32
    %gather3A_840 = tpu.memref_slice %arg11[%gather3A_837, %gather3A_838, %gather3A_839] : memref<2x32x1024xf32, #tpu.memory_space<vmem>> -> memref<1x32x1024xf32, #tpu.memory_space<vmem>>
    %gather3A_841 = tpu.memref_squeeze %gather3A_840 : memref<1x32x1024xf32, #tpu.memory_space<vmem>> -> memref<32x1024xf32, #tpu.memory_space<vmem>>
    %gather3A_842 = tpu.vector_load_idx %gather3A_841[%add3A_836, %get3A_832] : memref<32x1024xf32, #tpu.memory_space<vmem>>[vector<16xi32>, vector<16xi32>], vector<16xf32>,
    %sub3A_843 = arith.subf %gather3A_833, %gather3A_842 : vector<16xf32>
    %add3A_844 = arith.addf %add3A_780, %sub3A_843 : vector<16xf32>
    %get3A_845 = arith.constant 336 : index
    %get3A_846 = tpu.vector_load %arg8[%get3A_845] {strides = array<i32>} : memref<640xi32, #tpu.memory_space<vmem>>, vector<16xi32>,
    %get3A_847 = arith.constant 336 : index
    %get3A_848 = tpu.vector_load %arg9[%get3A_847] {strides = array<i32>} : memref<640xi32, #tpu.memory_space<vmem>>, vector<16xi32>,
    %gather3A_849 = tpu.vector_load_idx %arg10[%get3A_846] : memref<1000xf32, #tpu.memory_space<vmem>>[vector<16xi32>], vector<16xf32>,
    %add3A_850 = arith.constant 16 : i32
    %add3A_851 = vector.broadcast %add3A_850 : i32 to vector<16xi32>
    %add3A_852 = arith.addi %iota3A, %add3A_851 : vector<16xi32>
    %gather3A_853 = arith.constant 0 : i32
    %gather3A_854 = arith.constant 0 : i32
    %gather3A_855 = arith.constant 0 : i32
    %gather3A_856 = tpu.memref_slice %arg11[%gather3A_853, %gather3A_854, %gather3A_855] : memref<2x32x1024xf32, #tpu.memory_space<vmem>> -> memref<1x32x1024xf32, #tpu.memory_space<vmem>>
    %gather3A_857 = tpu.memref_squeeze %gather3A_856 : memref<1x32x1024xf32, #tpu.memory_space<vmem>> -> memref<32x1024xf32, #tpu.memory_space<vmem>>
    %gather3A_858 = tpu.vector_load_idx %gather3A_857[%add3A_852, %get3A_848] : memref<32x1024xf32, #tpu.memory_space<vmem>>[vector<16xi32>, vector<16xi32>], vector<16xf32>,
    %sub3A_859 = arith.subf %gather3A_849, %gather3A_858 : vector<16xf32>
    %add3A_860 = arith.addf %add3A_844, %sub3A_859 : vector<16xf32>
    %add3A_861 = arith.constant 320 : i32
    %add3A_862 = arith.addi %mul3A_2, %add3A_861 : i32
    %dma_start3A_863 = arith.constant 0 : i32
    %dma_start3A_864 = arith.constant 0 : i32
    %dma_start3A_865 = arith.constant 0 : i32
    %dma_start3A_866 = tpu.memref_slice %arg11[%dma_start3A_863, %dma_start3A_864, %dma_start3A_865] : memref<2x32x1024xf32, #tpu.memory_space<vmem>> -> memref<1x32x1024xf32, #tpu.memory_space<vmem>>
    %dma_start3A_867 = tpu.memref_squeeze %dma_start3A_866 : memref<1x32x1024xf32, #tpu.memory_space<vmem>> -> memref<32x1024xf32, #tpu.memory_space<vmem>>
    %dma_start3A_868 = arith.constant 0 : i32
    %dma_start3A_869 = tpu.memref_slice %arg6[%add3A_862, %dma_start3A_868] : memref<20480x1024xf32, #tpu.memory_space<hbm>> -> memref<32x1024xf32, #tpu.memory_space<hbm>>
    %dma_start3A_870 = arith.constant 0 : i32
    %dma_start3A_871 = tpu.memref_slice %arg6[%add3A_862, %dma_start3A_870] : memref<20480x1024xf32, #tpu.memory_space<hbm>> -> memref<32x1024xf32, #tpu.memory_space<hbm>>
    %dma_start3A_872 = arith.constant 0 : i32
    %dma_start3A_873 = arith.constant 0 : i32
    %dma_start3A_874 = tpu.memref_slice %arg11[%dma_start3A_863, %dma_start3A_872, %dma_start3A_873] : memref<2x32x1024xf32, #tpu.memory_space<vmem>> -> memref<1x32x1024xf32, #tpu.memory_space<vmem>>
    %dma_start3A_875 = tpu.memref_squeeze %dma_start3A_874 : memref<1x32x1024xf32, #tpu.memory_space<vmem>> -> memref<32x1024xf32, #tpu.memory_space<vmem>>
    tpu.enqueue_dma source(%dma_start3A_875 : memref<32x1024xf32, #tpu.memory_space<vmem>>) target(%dma_start3A_871 : memref<32x1024xf32, #tpu.memory_space<hbm>>) target_semaphore(%arg15 : memref<!tpu.dma_semaphore, #tpu.memory_space<semaphore_mem>>)
    %dma_wait3A_876 = arith.constant 1 : i32
    %dma_wait3A_877 = arith.constant 0 : i32
    %dma_wait3A_878 = arith.constant 0 : i32
    %dma_wait3A_879 = tpu.memref_slice %arg11[%dma_wait3A_876, %dma_wait3A_877, %dma_wait3A_878] : memref<2x32x1024xf32, #tpu.memory_space<vmem>> -> memref<1x32x1024xf32, #tpu.memory_space<vmem>>
    %dma_wait3A_880 = tpu.memref_squeeze %dma_wait3A_879 : memref<1x32x1024xf32, #tpu.memory_space<vmem>> -> memref<32x1024xf32, #tpu.memory_space<vmem>>
    %dma_wait3A_881 = arith.constant 352 : i32
    %dma_wait3A_882 = tpu.memref_slice %arg8[%dma_wait3A_881] : memref<640xi32, #tpu.memory_space<vmem>> -> memref<32xi32, #tpu.memory_space<vmem>>
    %dma_wait3A_883 = arith.constant 0 : i32
    %dma_wait3A_884 = arith.constant 0 : i32
    %dma_wait3A_885 = tpu.memref_slice %arg2[%dma_wait3A_883, %dma_wait3A_884] : memref<1000x1024xf32, #tpu.memory_space<hbm>> -> memref<1000x1024xf32, #tpu.memory_space<hbm>>
    tpu.wait_indirect_dma semaphore(%arg14 : memref<!tpu.dma_semaphore, #tpu.memory_space<semaphore_mem>>) src(%dma_wait3A_885 : memref<1000x1024xf32, #tpu.memory_space<hbm>>) dst(%dma_wait3A_880 : memref<32x1024xf32, #tpu.memory_space<vmem>>)
    %dma_wait3A_886 = arith.constant 0 : i32
    %dma_wait3A_887 = arith.constant 0 : i32
    %dma_wait3A_888 = arith.constant 0 : i32
    %dma_wait3A_889 = tpu.memref_slice %arg11[%dma_wait3A_886, %dma_wait3A_887, %dma_wait3A_888] : memref<2x32x1024xf32, #tpu.memory_space<vmem>> -> memref<1x32x1024xf32, #tpu.memory_space<vmem>>
    %dma_wait3A_890 = tpu.memref_squeeze %dma_wait3A_889 : memref<1x32x1024xf32, #tpu.memory_space<vmem>> -> memref<32x1024xf32, #tpu.memory_space<vmem>>
    %dma_wait3A_891 = arith.constant 0 : i32
    %dma_wait3A_892 = tpu.memref_slice %arg6[%add3A_862, %dma_wait3A_891] : memref<20480x1024xf32, #tpu.memory_space<hbm>> -> memref<32x1024xf32, #tpu.memory_space<hbm>>
    %dma_wait3A_893 = arith.constant 0 : i32
    %dma_wait3A_894 = tpu.memref_slice %arg6[%add3A_862, %dma_wait3A_893] : memref<20480x1024xf32, #tpu.memory_space<hbm>> -> memref<32x1024xf32, #tpu.memory_space<hbm>>
    %dma_wait3A_895 = arith.constant 0 : i32
    %dma_wait3A_896 = arith.constant 0 : i32
    %dma_wait3A_897 = tpu.memref_slice %arg11[%dma_wait3A_886, %dma_wait3A_895, %dma_wait3A_896] : memref<2x32x1024xf32, #tpu.memory_space<vmem>> -> memref<1x32x1024xf32, #tpu.memory_space<vmem>>
    %dma_wait3A_898 = tpu.memref_squeeze %dma_wait3A_897 : memref<1x32x1024xf32, #tpu.memory_space<vmem>> -> memref<32x1024xf32, #tpu.memory_space<vmem>>
    tpu.wait_dma2 semaphore(%arg15 : memref<!tpu.dma_semaphore, #tpu.memory_space<semaphore_mem>>) src(%dma_wait3A_898 : memref<32x1024xf32, #tpu.memory_space<vmem>>) dst(%dma_wait3A_894 : memref<32x1024xf32, #tpu.memory_space<hbm>>)
    %dma_start3A_899 = arith.constant 0 : i32
    %dma_start3A_900 = arith.constant 0 : i32
    %dma_start3A_901 = arith.constant 0 : i32
    %dma_start3A_902 = tpu.memref_slice %arg11[%dma_start3A_899, %dma_start3A_900, %dma_start3A_901] : memref<2x32x1024xf32, #tpu.memory_space<vmem>> -> memref<1x32x1024xf32, #tpu.memory_space<vmem>>
    %dma_start3A_903 = tpu.memref_squeeze %dma_start3A_902 : memref<1x32x1024xf32, #tpu.memory_space<vmem>> -> memref<32x1024xf32, #tpu.memory_space<vmem>>
    %dma_start3A_904 = arith.constant 384 : i32
    %dma_start3A_905 = tpu.memref_slice %arg8[%dma_start3A_904] : memref<640xi32, #tpu.memory_space<vmem>> -> memref<32xi32, #tpu.memory_space<vmem>>
    %dma_start3A_906 = arith.constant 0 : i32
    %dma_start3A_907 = arith.constant 0 : i32
    %dma_start3A_908 = tpu.memref_slice %arg2[%dma_start3A_906, %dma_start3A_907] : memref<1000x1024xf32, #tpu.memory_space<hbm>> -> memref<1000x1024xf32, #tpu.memory_space<hbm>>
    tpu.enqueue_indirect_dma source(%dma_start3A_908 : memref<1000x1024xf32, #tpu.memory_space<hbm>>) target(%dma_start3A_903 : memref<32x1024xf32, #tpu.memory_space<vmem>>) offsets(%dma_start3A_905 : memref<32xi32, #tpu.memory_space<vmem>>) semaphore(%arg13 : memref<!tpu.dma_semaphore, #tpu.memory_space<semaphore_mem>>)
    %get3A_909 = arith.constant 352 : index
    %get3A_910 = tpu.vector_load %arg8[%get3A_909] {strides = array<i32>} : memref<640xi32, #tpu.memory_space<vmem>>, vector<16xi32>,
    %get3A_911 = arith.constant 352 : index
    %get3A_912 = tpu.vector_load %arg9[%get3A_911] {strides = array<i32>} : memref<640xi32, #tpu.memory_space<vmem>>, vector<16xi32>,
    %gather3A_913 = tpu.vector_load_idx %arg10[%get3A_910] : memref<1000xf32, #tpu.memory_space<vmem>>[vector<16xi32>], vector<16xf32>,
    %add3A_914 = arith.constant 0 : i32
    %add3A_915 = vector.broadcast %add3A_914 : i32 to vector<16xi32>
    %add3A_916 = arith.addi %iota3A, %add3A_915 : vector<16xi32>
    %gather3A_917 = arith.constant 1 : i32
    %gather3A_918 = arith.constant 0 : i32
    %gather3A_919 = arith.constant 0 : i32
    %gather3A_920 = tpu.memref_slice %arg11[%gather3A_917, %gather3A_918, %gather3A_919] : memref<2x32x1024xf32, #tpu.memory_space<vmem>> -> memref<1x32x1024xf32, #tpu.memory_space<vmem>>
    %gather3A_921 = tpu.memref_squeeze %gather3A_920 : memref<1x32x1024xf32, #tpu.memory_space<vmem>> -> memref<32x1024xf32, #tpu.memory_space<vmem>>
    %gather3A_922 = tpu.vector_load_idx %gather3A_921[%add3A_916, %get3A_912] : memref<32x1024xf32, #tpu.memory_space<vmem>>[vector<16xi32>, vector<16xi32>], vector<16xf32>,
    %sub3A_923 = arith.subf %gather3A_913, %gather3A_922 : vector<16xf32>
    %add3A_924 = arith.addf %add3A_860, %sub3A_923 : vector<16xf32>
    %get3A_925 = arith.constant 368 : index
    %get3A_926 = tpu.vector_load %arg8[%get3A_925] {strides = array<i32>} : memref<640xi32, #tpu.memory_space<vmem>>, vector<16xi32>,
    %get3A_927 = arith.constant 368 : index
    %get3A_928 = tpu.vector_load %arg9[%get3A_927] {strides = array<i32>} : memref<640xi32, #tpu.memory_space<vmem>>, vector<16xi32>,
    %gather3A_929 = tpu.vector_load_idx %arg10[%get3A_926] : memref<1000xf32, #tpu.memory_space<vmem>>[vector<16xi32>], vector<16xf32>,
    %add3A_930 = arith.constant 16 : i32
    %add3A_931 = vector.broadcast %add3A_930 : i32 to vector<16xi32>
    %add3A_932 = arith.addi %iota3A, %add3A_931 : vector<16xi32>
    %gather3A_933 = arith.constant 1 : i32
    %gather3A_934 = arith.constant 0 : i32
    %gather3A_935 = arith.constant 0 : i32
    %gather3A_936 = tpu.memref_slice %arg11[%gather3A_933, %gather3A_934, %gather3A_935] : memref<2x32x1024xf32, #tpu.memory_space<vmem>> -> memref<1x32x1024xf32, #tpu.memory_space<vmem>>
    %gather3A_937 = tpu.memref_squeeze %gather3A_936 : memref<1x32x1024xf32, #tpu.memory_space<vmem>> -> memref<32x1024xf32, #tpu.memory_space<vmem>>
    %gather3A_938 = tpu.vector_load_idx %gather3A_937[%add3A_932, %get3A_928] : memref<32x1024xf32, #tpu.memory_space<vmem>>[vector<16xi32>, vector<16xi32>], vector<16xf32>,
    %sub3A_939 = arith.subf %gather3A_929, %gather3A_938 : vector<16xf32>
    %add3A_940 = arith.addf %add3A_924, %sub3A_939 : vector<16xf32>
    %add3A_941 = arith.constant 352 : i32
    %add3A_942 = arith.addi %mul3A_2, %add3A_941 : i32
    %dma_start3A_943 = arith.constant 1 : i32
    %dma_start3A_944 = arith.constant 0 : i32
    %dma_start3A_945 = arith.constant 0 : i32
    %dma_start3A_946 = tpu.memref_slice %arg11[%dma_start3A_943, %dma_start3A_944, %dma_start3A_945] : memref<2x32x1024xf32, #tpu.memory_space<vmem>> -> memref<1x32x1024xf32, #tpu.memory_space<vmem>>
    %dma_start3A_947 = tpu.memref_squeeze %dma_start3A_946 : memref<1x32x1024xf32, #tpu.memory_space<vmem>> -> memref<32x1024xf32, #tpu.memory_space<vmem>>
    %dma_start3A_948 = arith.constant 0 : i32
    %dma_start3A_949 = tpu.memref_slice %arg6[%add3A_942, %dma_start3A_948] : memref<20480x1024xf32, #tpu.memory_space<hbm>> -> memref<32x1024xf32, #tpu.memory_space<hbm>>
    %dma_start3A_950 = arith.constant 0 : i32
    %dma_start3A_951 = tpu.memref_slice %arg6[%add3A_942, %dma_start3A_950] : memref<20480x1024xf32, #tpu.memory_space<hbm>> -> memref<32x1024xf32, #tpu.memory_space<hbm>>
    %dma_start3A_952 = arith.constant 0 : i32
    %dma_start3A_953 = arith.constant 0 : i32
    %dma_start3A_954 = tpu.memref_slice %arg11[%dma_start3A_943, %dma_start3A_952, %dma_start3A_953] : memref<2x32x1024xf32, #tpu.memory_space<vmem>> -> memref<1x32x1024xf32, #tpu.memory_space<vmem>>
    %dma_start3A_955 = tpu.memref_squeeze %dma_start3A_954 : memref<1x32x1024xf32, #tpu.memory_space<vmem>> -> memref<32x1024xf32, #tpu.memory_space<vmem>>
    tpu.enqueue_dma source(%dma_start3A_955 : memref<32x1024xf32, #tpu.memory_space<vmem>>) target(%dma_start3A_951 : memref<32x1024xf32, #tpu.memory_space<hbm>>) target_semaphore(%arg16 : memref<!tpu.dma_semaphore, #tpu.memory_space<semaphore_mem>>)
    %dma_wait3A_956 = arith.constant 0 : i32
    %dma_wait3A_957 = arith.constant 0 : i32
    %dma_wait3A_958 = arith.constant 0 : i32
    %dma_wait3A_959 = tpu.memref_slice %arg11[%dma_wait3A_956, %dma_wait3A_957, %dma_wait3A_958] : memref<2x32x1024xf32, #tpu.memory_space<vmem>> -> memref<1x32x1024xf32, #tpu.memory_space<vmem>>
    %dma_wait3A_960 = tpu.memref_squeeze %dma_wait3A_959 : memref<1x32x1024xf32, #tpu.memory_space<vmem>> -> memref<32x1024xf32, #tpu.memory_space<vmem>>
    %dma_wait3A_961 = arith.constant 384 : i32
    %dma_wait3A_962 = tpu.memref_slice %arg8[%dma_wait3A_961] : memref<640xi32, #tpu.memory_space<vmem>> -> memref<32xi32, #tpu.memory_space<vmem>>
    %dma_wait3A_963 = arith.constant 0 : i32
    %dma_wait3A_964 = arith.constant 0 : i32
    %dma_wait3A_965 = tpu.memref_slice %arg2[%dma_wait3A_963, %dma_wait3A_964] : memref<1000x1024xf32, #tpu.memory_space<hbm>> -> memref<1000x1024xf32, #tpu.memory_space<hbm>>
    tpu.wait_indirect_dma semaphore(%arg13 : memref<!tpu.dma_semaphore, #tpu.memory_space<semaphore_mem>>) src(%dma_wait3A_965 : memref<1000x1024xf32, #tpu.memory_space<hbm>>) dst(%dma_wait3A_960 : memref<32x1024xf32, #tpu.memory_space<vmem>>)
    %dma_wait3A_966 = arith.constant 1 : i32
    %dma_wait3A_967 = arith.constant 0 : i32
    %dma_wait3A_968 = arith.constant 0 : i32
    %dma_wait3A_969 = tpu.memref_slice %arg11[%dma_wait3A_966, %dma_wait3A_967, %dma_wait3A_968] : memref<2x32x1024xf32, #tpu.memory_space<vmem>> -> memref<1x32x1024xf32, #tpu.memory_space<vmem>>
    %dma_wait3A_970 = tpu.memref_squeeze %dma_wait3A_969 : memref<1x32x1024xf32, #tpu.memory_space<vmem>> -> memref<32x1024xf32, #tpu.memory_space<vmem>>
    %dma_wait3A_971 = arith.constant 0 : i32
    %dma_wait3A_972 = tpu.memref_slice %arg6[%add3A_942, %dma_wait3A_971] : memref<20480x1024xf32, #tpu.memory_space<hbm>> -> memref<32x1024xf32, #tpu.memory_space<hbm>>
    %dma_wait3A_973 = arith.constant 0 : i32
    %dma_wait3A_974 = tpu.memref_slice %arg6[%add3A_942, %dma_wait3A_973] : memref<20480x1024xf32, #tpu.memory_space<hbm>> -> memref<32x1024xf32, #tpu.memory_space<hbm>>
    %dma_wait3A_975 = arith.constant 0 : i32
    %dma_wait3A_976 = arith.constant 0 : i32
    %dma_wait3A_977 = tpu.memref_slice %arg11[%dma_wait3A_966, %dma_wait3A_975, %dma_wait3A_976] : memref<2x32x1024xf32, #tpu.memory_space<vmem>> -> memref<1x32x1024xf32, #tpu.memory_space<vmem>>
    %dma_wait3A_978 = tpu.memref_squeeze %dma_wait3A_977 : memref<1x32x1024xf32, #tpu.memory_space<vmem>> -> memref<32x1024xf32, #tpu.memory_space<vmem>>
    tpu.wait_dma2 semaphore(%arg16 : memref<!tpu.dma_semaphore, #tpu.memory_space<semaphore_mem>>) src(%dma_wait3A_978 : memref<32x1024xf32, #tpu.memory_space<vmem>>) dst(%dma_wait3A_974 : memref<32x1024xf32, #tpu.memory_space<hbm>>)
    %dma_start3A_979 = arith.constant 1 : i32
    %dma_start3A_980 = arith.constant 0 : i32
    %dma_start3A_981 = arith.constant 0 : i32
    %dma_start3A_982 = tpu.memref_slice %arg11[%dma_start3A_979, %dma_start3A_980, %dma_start3A_981] : memref<2x32x1024xf32, #tpu.memory_space<vmem>> -> memref<1x32x1024xf32, #tpu.memory_space<vmem>>
    %dma_start3A_983 = tpu.memref_squeeze %dma_start3A_982 : memref<1x32x1024xf32, #tpu.memory_space<vmem>> -> memref<32x1024xf32, #tpu.memory_space<vmem>>
    %dma_start3A_984 = arith.constant 416 : i32
    %dma_start3A_985 = tpu.memref_slice %arg8[%dma_start3A_984] : memref<640xi32, #tpu.memory_space<vmem>> -> memref<32xi32, #tpu.memory_space<vmem>>
    %dma_start3A_986 = arith.constant 0 : i32
    %dma_start3A_987 = arith.constant 0 : i32
    %dma_start3A_988 = tpu.memref_slice %arg2[%dma_start3A_986, %dma_start3A_987] : memref<1000x1024xf32, #tpu.memory_space<hbm>> -> memref<1000x1024xf32, #tpu.memory_space<hbm>>
    tpu.enqueue_indirect_dma source(%dma_start3A_988 : memref<1000x1024xf32, #tpu.memory_space<hbm>>) target(%dma_start3A_983 : memref<32x1024xf32, #tpu.memory_space<vmem>>) offsets(%dma_start3A_985 : memref<32xi32, #tpu.memory_space<vmem>>) semaphore(%arg14 : memref<!tpu.dma_semaphore, #tpu.memory_space<semaphore_mem>>)
    %get3A_989 = arith.constant 384 : index
    %get3A_990 = tpu.vector_load %arg8[%get3A_989] {strides = array<i32>} : memref<640xi32, #tpu.memory_space<vmem>>, vector<16xi32>,
    %get3A_991 = arith.constant 384 : index
    %get3A_992 = tpu.vector_load %arg9[%get3A_991] {strides = array<i32>} : memref<640xi32, #tpu.memory_space<vmem>>, vector<16xi32>,
    %gather3A_993 = tpu.vector_load_idx %arg10[%get3A_990] : memref<1000xf32, #tpu.memory_space<vmem>>[vector<16xi32>], vector<16xf32>,
    %add3A_994 = arith.constant 0 : i32
    %add3A_995 = vector.broadcast %add3A_994 : i32 to vector<16xi32>
    %add3A_996 = arith.addi %iota3A, %add3A_995 : vector<16xi32>
    %gather3A_997 = arith.constant 0 : i32
    %gather3A_998 = arith.constant 0 : i32
    %gather3A_999 = arith.constant 0 : i32
    %gather3A_1000 = tpu.memref_slice %arg11[%gather3A_997, %gather3A_998, %gather3A_999] : memref<2x32x1024xf32, #tpu.memory_space<vmem>> -> memref<1x32x1024xf32, #tpu.memory_space<vmem>>
    %gather3A_1001 = tpu.memref_squeeze %gather3A_1000 : memref<1x32x1024xf32, #tpu.memory_space<vmem>> -> memref<32x1024xf32, #tpu.memory_space<vmem>>
    %gather3A_1002 = tpu.vector_load_idx %gather3A_1001[%add3A_996, %get3A_992] : memref<32x1024xf32, #tpu.memory_space<vmem>>[vector<16xi32>, vector<16xi32>], vector<16xf32>,
    %sub3A_1003 = arith.subf %gather3A_993, %gather3A_1002 : vector<16xf32>
    %add3A_1004 = arith.addf %add3A_940, %sub3A_1003 : vector<16xf32>
    %get3A_1005 = arith.constant 400 : index
    %get3A_1006 = tpu.vector_load %arg8[%get3A_1005] {strides = array<i32>} : memref<640xi32, #tpu.memory_space<vmem>>, vector<16xi32>,
    %get3A_1007 = arith.constant 400 : index
    %get3A_1008 = tpu.vector_load %arg9[%get3A_1007] {strides = array<i32>} : memref<640xi32, #tpu.memory_space<vmem>>, vector<16xi32>,
    %gather3A_1009 = tpu.vector_load_idx %arg10[%get3A_1006] : memref<1000xf32, #tpu.memory_space<vmem>>[vector<16xi32>], vector<16xf32>,
    %add3A_1010 = arith.constant 16 : i32
    %add3A_1011 = vector.broadcast %add3A_1010 : i32 to vector<16xi32>
    %add3A_1012 = arith.addi %iota3A, %add3A_1011 : vector<16xi32>
    %gather3A_1013 = arith.constant 0 : i32
    %gather3A_1014 = arith.constant 0 : i32
    %gather3A_1015 = arith.constant 0 : i32
    %gather3A_1016 = tpu.memref_slice %arg11[%gather3A_1013, %gather3A_1014, %gather3A_1015] : memref<2x32x1024xf32, #tpu.memory_space<vmem>> -> memref<1x32x1024xf32, #tpu.memory_space<vmem>>
    %gather3A_1017 = tpu.memref_squeeze %gather3A_1016 : memref<1x32x1024xf32, #tpu.memory_space<vmem>> -> memref<32x1024xf32, #tpu.memory_space<vmem>>
    %gather3A_1018 = tpu.vector_load_idx %gather3A_1017[%add3A_1012, %get3A_1008] : memref<32x1024xf32, #tpu.memory_space<vmem>>[vector<16xi32>, vector<16xi32>], vector<16xf32>,
    %sub3A_1019 = arith.subf %gather3A_1009, %gather3A_1018 : vector<16xf32>
    %add3A_1020 = arith.addf %add3A_1004, %sub3A_1019 : vector<16xf32>
    %add3A_1021 = arith.constant 384 : i32
    %add3A_1022 = arith.addi %mul3A_2, %add3A_1021 : i32
    %dma_start3A_1023 = arith.constant 0 : i32
    %dma_start3A_1024 = arith.constant 0 : i32
    %dma_start3A_1025 = arith.constant 0 : i32
    %dma_start3A_1026 = tpu.memref_slice %arg11[%dma_start3A_1023, %dma_start3A_1024, %dma_start3A_1025] : memref<2x32x1024xf32, #tpu.memory_space<vmem>> -> memref<1x32x1024xf32, #tpu.memory_space<vmem>>
    %dma_start3A_1027 = tpu.memref_squeeze %dma_start3A_1026 : memref<1x32x1024xf32, #tpu.memory_space<vmem>> -> memref<32x1024xf32, #tpu.memory_space<vmem>>
    %dma_start3A_1028 = arith.constant 0 : i32
    %dma_start3A_1029 = tpu.memref_slice %arg6[%add3A_1022, %dma_start3A_1028] : memref<20480x1024xf32, #tpu.memory_space<hbm>> -> memref<32x1024xf32, #tpu.memory_space<hbm>>
    %dma_start3A_1030 = arith.constant 0 : i32
    %dma_start3A_1031 = tpu.memref_slice %arg6[%add3A_1022, %dma_start3A_1030] : memref<20480x1024xf32, #tpu.memory_space<hbm>> -> memref<32x1024xf32, #tpu.memory_space<hbm>>
    %dma_start3A_1032 = arith.constant 0 : i32
    %dma_start3A_1033 = arith.constant 0 : i32
    %dma_start3A_1034 = tpu.memref_slice %arg11[%dma_start3A_1023, %dma_start3A_1032, %dma_start3A_1033] : memref<2x32x1024xf32, #tpu.memory_space<vmem>> -> memref<1x32x1024xf32, #tpu.memory_space<vmem>>
    %dma_start3A_1035 = tpu.memref_squeeze %dma_start3A_1034 : memref<1x32x1024xf32, #tpu.memory_space<vmem>> -> memref<32x1024xf32, #tpu.memory_space<vmem>>
    tpu.enqueue_dma source(%dma_start3A_1035 : memref<32x1024xf32, #tpu.memory_space<vmem>>) target(%dma_start3A_1031 : memref<32x1024xf32, #tpu.memory_space<hbm>>) target_semaphore(%arg15 : memref<!tpu.dma_semaphore, #tpu.memory_space<semaphore_mem>>)
    %dma_wait3A_1036 = arith.constant 1 : i32
    %dma_wait3A_1037 = arith.constant 0 : i32
    %dma_wait3A_1038 = arith.constant 0 : i32
    %dma_wait3A_1039 = tpu.memref_slice %arg11[%dma_wait3A_1036, %dma_wait3A_1037, %dma_wait3A_1038] : memref<2x32x1024xf32, #tpu.memory_space<vmem>> -> memref<1x32x1024xf32, #tpu.memory_space<vmem>>
    %dma_wait3A_1040 = tpu.memref_squeeze %dma_wait3A_1039 : memref<1x32x1024xf32, #tpu.memory_space<vmem>> -> memref<32x1024xf32, #tpu.memory_space<vmem>>
    %dma_wait3A_1041 = arith.constant 416 : i32
    %dma_wait3A_1042 = tpu.memref_slice %arg8[%dma_wait3A_1041] : memref<640xi32, #tpu.memory_space<vmem>> -> memref<32xi32, #tpu.memory_space<vmem>>
    %dma_wait3A_1043 = arith.constant 0 : i32
    %dma_wait3A_1044 = arith.constant 0 : i32
    %dma_wait3A_1045 = tpu.memref_slice %arg2[%dma_wait3A_1043, %dma_wait3A_1044] : memref<1000x1024xf32, #tpu.memory_space<hbm>> -> memref<1000x1024xf32, #tpu.memory_space<hbm>>
    tpu.wait_indirect_dma semaphore(%arg14 : memref<!tpu.dma_semaphore, #tpu.memory_space<semaphore_mem>>) src(%dma_wait3A_1045 : memref<1000x1024xf32, #tpu.memory_space<hbm>>) dst(%dma_wait3A_1040 : memref<32x1024xf32, #tpu.memory_space<vmem>>)
    %dma_wait3A_1046 = arith.constant 0 : i32
    %dma_wait3A_1047 = arith.constant 0 : i32
    %dma_wait3A_1048 = arith.constant 0 : i32
    %dma_wait3A_1049 = tpu.memref_slice %arg11[%dma_wait3A_1046, %dma_wait3A_1047, %dma_wait3A_1048] : memref<2x32x1024xf32, #tpu.memory_space<vmem>> -> memref<1x32x1024xf32, #tpu.memory_space<vmem>>
    %dma_wait3A_1050 = tpu.memref_squeeze %dma_wait3A_1049 : memref<1x32x1024xf32, #tpu.memory_space<vmem>> -> memref<32x1024xf32, #tpu.memory_space<vmem>>
    %dma_wait3A_1051 = arith.constant 0 : i32
    %dma_wait3A_1052 = tpu.memref_slice %arg6[%add3A_1022, %dma_wait3A_1051] : memref<20480x1024xf32, #tpu.memory_space<hbm>> -> memref<32x1024xf32, #tpu.memory_space<hbm>>
    %dma_wait3A_1053 = arith.constant 0 : i32
    %dma_wait3A_1054 = tpu.memref_slice %arg6[%add3A_1022, %dma_wait3A_1053] : memref<20480x1024xf32, #tpu.memory_space<hbm>> -> memref<32x1024xf32, #tpu.memory_space<hbm>>
    %dma_wait3A_1055 = arith.constant 0 : i32
    %dma_wait3A_1056 = arith.constant 0 : i32
    %dma_wait3A_1057 = tpu.memref_slice %arg11[%dma_wait3A_1046, %dma_wait3A_1055, %dma_wait3A_1056] : memref<2x32x1024xf32, #tpu.memory_space<vmem>> -> memref<1x32x1024xf32, #tpu.memory_space<vmem>>
    %dma_wait3A_1058 = tpu.memref_squeeze %dma_wait3A_1057 : memref<1x32x1024xf32, #tpu.memory_space<vmem>> -> memref<32x1024xf32, #tpu.memory_space<vmem>>
    tpu.wait_dma2 semaphore(%arg15 : memref<!tpu.dma_semaphore, #tpu.memory_space<semaphore_mem>>) src(%dma_wait3A_1058 : memref<32x1024xf32, #tpu.memory_space<vmem>>) dst(%dma_wait3A_1054 : memref<32x1024xf32, #tpu.memory_space<hbm>>)
    %dma_start3A_1059 = arith.constant 0 : i32
    %dma_start3A_1060 = arith.constant 0 : i32
    %dma_start3A_1061 = arith.constant 0 : i32
    %dma_start3A_1062 = tpu.memref_slice %arg11[%dma_start3A_1059, %dma_start3A_1060, %dma_start3A_1061] : memref<2x32x1024xf32, #tpu.memory_space<vmem>> -> memref<1x32x1024xf32, #tpu.memory_space<vmem>>
    %dma_start3A_1063 = tpu.memref_squeeze %dma_start3A_1062 : memref<1x32x1024xf32, #tpu.memory_space<vmem>> -> memref<32x1024xf32, #tpu.memory_space<vmem>>
    %dma_start3A_1064 = arith.constant 448 : i32
    %dma_start3A_1065 = tpu.memref_slice %arg8[%dma_start3A_1064] : memref<640xi32, #tpu.memory_space<vmem>> -> memref<32xi32, #tpu.memory_space<vmem>>
    %dma_start3A_1066 = arith.constant 0 : i32
    %dma_start3A_1067 = arith.constant 0 : i32
    %dma_start3A_1068 = tpu.memref_slice %arg2[%dma_start3A_1066, %dma_start3A_1067] : memref<1000x1024xf32, #tpu.memory_space<hbm>> -> memref<1000x1024xf32, #tpu.memory_space<hbm>>
    tpu.enqueue_indirect_dma source(%dma_start3A_1068 : memref<1000x1024xf32, #tpu.memory_space<hbm>>) target(%dma_start3A_1063 : memref<32x1024xf32, #tpu.memory_space<vmem>>) offsets(%dma_start3A_1065 : memref<32xi32, #tpu.memory_space<vmem>>) semaphore(%arg13 : memref<!tpu.dma_semaphore, #tpu.memory_space<semaphore_mem>>)
    %get3A_1069 = arith.constant 416 : index
    %get3A_1070 = tpu.vector_load %arg8[%get3A_1069] {strides = array<i32>} : memref<640xi32, #tpu.memory_space<vmem>>, vector<16xi32>,
    %get3A_1071 = arith.constant 416 : index
    %get3A_1072 = tpu.vector_load %arg9[%get3A_1071] {strides = array<i32>} : memref<640xi32, #tpu.memory_space<vmem>>, vector<16xi32>,
    %gather3A_1073 = tpu.vector_load_idx %arg10[%get3A_1070] : memref<1000xf32, #tpu.memory_space<vmem>>[vector<16xi32>], vector<16xf32>,
    %add3A_1074 = arith.constant 0 : i32
    %add3A_1075 = vector.broadcast %add3A_1074 : i32 to vector<16xi32>
    %add3A_1076 = arith.addi %iota3A, %add3A_1075 : vector<16xi32>
    %gather3A_1077 = arith.constant 1 : i32
    %gather3A_1078 = arith.constant 0 : i32
    %gather3A_1079 = arith.constant 0 : i32
    %gather3A_1080 = tpu.memref_slice %arg11[%gather3A_1077, %gather3A_1078, %gather3A_1079] : memref<2x32x1024xf32, #tpu.memory_space<vmem>> -> memref<1x32x1024xf32, #tpu.memory_space<vmem>>
    %gather3A_1081 = tpu.memref_squeeze %gather3A_1080 : memref<1x32x1024xf32, #tpu.memory_space<vmem>> -> memref<32x1024xf32, #tpu.memory_space<vmem>>
    %gather3A_1082 = tpu.vector_load_idx %gather3A_1081[%add3A_1076, %get3A_1072] : memref<32x1024xf32, #tpu.memory_space<vmem>>[vector<16xi32>, vector<16xi32>], vector<16xf32>,
    %sub3A_1083 = arith.subf %gather3A_1073, %gather3A_1082 : vector<16xf32>
    %add3A_1084 = arith.addf %add3A_1020, %sub3A_1083 : vector<16xf32>
    %get3A_1085 = arith.constant 432 : index
    %get3A_1086 = tpu.vector_load %arg8[%get3A_1085] {strides = array<i32>} : memref<640xi32, #tpu.memory_space<vmem>>, vector<16xi32>,
    %get3A_1087 = arith.constant 432 : index
    %get3A_1088 = tpu.vector_load %arg9[%get3A_1087] {strides = array<i32>} : memref<640xi32, #tpu.memory_space<vmem>>, vector<16xi32>,
    %gather3A_1089 = tpu.vector_load_idx %arg10[%get3A_1086] : memref<1000xf32, #tpu.memory_space<vmem>>[vector<16xi32>], vector<16xf32>,
    %add3A_1090 = arith.constant 16 : i32
    %add3A_1091 = vector.broadcast %add3A_1090 : i32 to vector<16xi32>
    %add3A_1092 = arith.addi %iota3A, %add3A_1091 : vector<16xi32>
    %gather3A_1093 = arith.constant 1 : i32
    %gather3A_1094 = arith.constant 0 : i32
    %gather3A_1095 = arith.constant 0 : i32
    %gather3A_1096 = tpu.memref_slice %arg11[%gather3A_1093, %gather3A_1094, %gather3A_1095] : memref<2x32x1024xf32, #tpu.memory_space<vmem>> -> memref<1x32x1024xf32, #tpu.memory_space<vmem>>
    %gather3A_1097 = tpu.memref_squeeze %gather3A_1096 : memref<1x32x1024xf32, #tpu.memory_space<vmem>> -> memref<32x1024xf32, #tpu.memory_space<vmem>>
    %gather3A_1098 = tpu.vector_load_idx %gather3A_1097[%add3A_1092, %get3A_1088] : memref<32x1024xf32, #tpu.memory_space<vmem>>[vector<16xi32>, vector<16xi32>], vector<16xf32>,
    %sub3A_1099 = arith.subf %gather3A_1089, %gather3A_1098 : vector<16xf32>
    %add3A_1100 = arith.addf %add3A_1084, %sub3A_1099 : vector<16xf32>
    %add3A_1101 = arith.constant 416 : i32
    %add3A_1102 = arith.addi %mul3A_2, %add3A_1101 : i32
    %dma_start3A_1103 = arith.constant 1 : i32
    %dma_start3A_1104 = arith.constant 0 : i32
    %dma_start3A_1105 = arith.constant 0 : i32
    %dma_start3A_1106 = tpu.memref_slice %arg11[%dma_start3A_1103, %dma_start3A_1104, %dma_start3A_1105] : memref<2x32x1024xf32, #tpu.memory_space<vmem>> -> memref<1x32x1024xf32, #tpu.memory_space<vmem>>
    %dma_start3A_1107 = tpu.memref_squeeze %dma_start3A_1106 : memref<1x32x1024xf32, #tpu.memory_space<vmem>> -> memref<32x1024xf32, #tpu.memory_space<vmem>>
    %dma_start3A_1108 = arith.constant 0 : i32
    %dma_start3A_1109 = tpu.memref_slice %arg6[%add3A_1102, %dma_start3A_1108] : memref<20480x1024xf32, #tpu.memory_space<hbm>> -> memref<32x1024xf32, #tpu.memory_space<hbm>>
    %dma_start3A_1110 = arith.constant 0 : i32
    %dma_start3A_1111 = tpu.memref_slice %arg6[%add3A_1102, %dma_start3A_1110] : memref<20480x1024xf32, #tpu.memory_space<hbm>> -> memref<32x1024xf32, #tpu.memory_space<hbm>>
    %dma_start3A_1112 = arith.constant 0 : i32
    %dma_start3A_1113 = arith.constant 0 : i32
    %dma_start3A_1114 = tpu.memref_slice %arg11[%dma_start3A_1103, %dma_start3A_1112, %dma_start3A_1113] : memref<2x32x1024xf32, #tpu.memory_space<vmem>> -> memref<1x32x1024xf32, #tpu.memory_space<vmem>>
    %dma_start3A_1115 = tpu.memref_squeeze %dma_start3A_1114 : memref<1x32x1024xf32, #tpu.memory_space<vmem>> -> memref<32x1024xf32, #tpu.memory_space<vmem>>
    tpu.enqueue_dma source(%dma_start3A_1115 : memref<32x1024xf32, #tpu.memory_space<vmem>>) target(%dma_start3A_1111 : memref<32x1024xf32, #tpu.memory_space<hbm>>) target_semaphore(%arg16 : memref<!tpu.dma_semaphore, #tpu.memory_space<semaphore_mem>>)
    %dma_wait3A_1116 = arith.constant 0 : i32
    %dma_wait3A_1117 = arith.constant 0 : i32
    %dma_wait3A_1118 = arith.constant 0 : i32
    %dma_wait3A_1119 = tpu.memref_slice %arg11[%dma_wait3A_1116, %dma_wait3A_1117, %dma_wait3A_1118] : memref<2x32x1024xf32, #tpu.memory_space<vmem>> -> memref<1x32x1024xf32, #tpu.memory_space<vmem>>
    %dma_wait3A_1120 = tpu.memref_squeeze %dma_wait3A_1119 : memref<1x32x1024xf32, #tpu.memory_space<vmem>> -> memref<32x1024xf32, #tpu.memory_space<vmem>>
    %dma_wait3A_1121 = arith.constant 448 : i32
    %dma_wait3A_1122 = tpu.memref_slice %arg8[%dma_wait3A_1121] : memref<640xi32, #tpu.memory_space<vmem>> -> memref<32xi32, #tpu.memory_space<vmem>>
    %dma_wait3A_1123 = arith.constant 0 : i32
    %dma_wait3A_1124 = arith.constant 0 : i32
    %dma_wait3A_1125 = tpu.memref_slice %arg2[%dma_wait3A_1123, %dma_wait3A_1124] : memref<1000x1024xf32, #tpu.memory_space<hbm>> -> memref<1000x1024xf32, #tpu.memory_space<hbm>>
    tpu.wait_indirect_dma semaphore(%arg13 : memref<!tpu.dma_semaphore, #tpu.memory_space<semaphore_mem>>) src(%dma_wait3A_1125 : memref<1000x1024xf32, #tpu.memory_space<hbm>>) dst(%dma_wait3A_1120 : memref<32x1024xf32, #tpu.memory_space<vmem>>)
    %dma_wait3A_1126 = arith.constant 1 : i32
    %dma_wait3A_1127 = arith.constant 0 : i32
    %dma_wait3A_1128 = arith.constant 0 : i32
    %dma_wait3A_1129 = tpu.memref_slice %arg11[%dma_wait3A_1126, %dma_wait3A_1127, %dma_wait3A_1128] : memref<2x32x1024xf32, #tpu.memory_space<vmem>> -> memref<1x32x1024xf32, #tpu.memory_space<vmem>>
    %dma_wait3A_1130 = tpu.memref_squeeze %dma_wait3A_1129 : memref<1x32x1024xf32, #tpu.memory_space<vmem>> -> memref<32x1024xf32, #tpu.memory_space<vmem>>
    %dma_wait3A_1131 = arith.constant 0 : i32
    %dma_wait3A_1132 = tpu.memref_slice %arg6[%add3A_1102, %dma_wait3A_1131] : memref<20480x1024xf32, #tpu.memory_space<hbm>> -> memref<32x1024xf32, #tpu.memory_space<hbm>>
    %dma_wait3A_1133 = arith.constant 0 : i32
    %dma_wait3A_1134 = tpu.memref_slice %arg6[%add3A_1102, %dma_wait3A_1133] : memref<20480x1024xf32, #tpu.memory_space<hbm>> -> memref<32x1024xf32, #tpu.memory_space<hbm>>
    %dma_wait3A_1135 = arith.constant 0 : i32
    %dma_wait3A_1136 = arith.constant 0 : i32
    %dma_wait3A_1137 = tpu.memref_slice %arg11[%dma_wait3A_1126, %dma_wait3A_1135, %dma_wait3A_1136] : memref<2x32x1024xf32, #tpu.memory_space<vmem>> -> memref<1x32x1024xf32, #tpu.memory_space<vmem>>
    %dma_wait3A_1138 = tpu.memref_squeeze %dma_wait3A_1137 : memref<1x32x1024xf32, #tpu.memory_space<vmem>> -> memref<32x1024xf32, #tpu.memory_space<vmem>>
    tpu.wait_dma2 semaphore(%arg16 : memref<!tpu.dma_semaphore, #tpu.memory_space<semaphore_mem>>) src(%dma_wait3A_1138 : memref<32x1024xf32, #tpu.memory_space<vmem>>) dst(%dma_wait3A_1134 : memref<32x1024xf32, #tpu.memory_space<hbm>>)
    %dma_start3A_1139 = arith.constant 1 : i32
    %dma_start3A_1140 = arith.constant 0 : i32
    %dma_start3A_1141 = arith.constant 0 : i32
    %dma_start3A_1142 = tpu.memref_slice %arg11[%dma_start3A_1139, %dma_start3A_1140, %dma_start3A_1141] : memref<2x32x1024xf32, #tpu.memory_space<vmem>> -> memref<1x32x1024xf32, #tpu.memory_space<vmem>>
    %dma_start3A_1143 = tpu.memref_squeeze %dma_start3A_1142 : memref<1x32x1024xf32, #tpu.memory_space<vmem>> -> memref<32x1024xf32, #tpu.memory_space<vmem>>
    %dma_start3A_1144 = arith.constant 480 : i32
    %dma_start3A_1145 = tpu.memref_slice %arg8[%dma_start3A_1144] : memref<640xi32, #tpu.memory_space<vmem>> -> memref<32xi32, #tpu.memory_space<vmem>>
    %dma_start3A_1146 = arith.constant 0 : i32
    %dma_start3A_1147 = arith.constant 0 : i32
    %dma_start3A_1148 = tpu.memref_slice %arg2[%dma_start3A_1146, %dma_start3A_1147] : memref<1000x1024xf32, #tpu.memory_space<hbm>> -> memref<1000x1024xf32, #tpu.memory_space<hbm>>
    tpu.enqueue_indirect_dma source(%dma_start3A_1148 : memref<1000x1024xf32, #tpu.memory_space<hbm>>) target(%dma_start3A_1143 : memref<32x1024xf32, #tpu.memory_space<vmem>>) offsets(%dma_start3A_1145 : memref<32xi32, #tpu.memory_space<vmem>>) semaphore(%arg14 : memref<!tpu.dma_semaphore, #tpu.memory_space<semaphore_mem>>)
    %get3A_1149 = arith.constant 448 : index
    %get3A_1150 = tpu.vector_load %arg8[%get3A_1149] {strides = array<i32>} : memref<640xi32, #tpu.memory_space<vmem>>, vector<16xi32>,
    %get3A_1151 = arith.constant 448 : index
    %get3A_1152 = tpu.vector_load %arg9[%get3A_1151] {strides = array<i32>} : memref<640xi32, #tpu.memory_space<vmem>>, vector<16xi32>,
    %gather3A_1153 = tpu.vector_load_idx %arg10[%get3A_1150] : memref<1000xf32, #tpu.memory_space<vmem>>[vector<16xi32>], vector<16xf32>,
    %add3A_1154 = arith.constant 0 : i32
    %add3A_1155 = vector.broadcast %add3A_1154 : i32 to vector<16xi32>
    %add3A_1156 = arith.addi %iota3A, %add3A_1155 : vector<16xi32>
    %gather3A_1157 = arith.constant 0 : i32
    %gather3A_1158 = arith.constant 0 : i32
    %gather3A_1159 = arith.constant 0 : i32
    %gather3A_1160 = tpu.memref_slice %arg11[%gather3A_1157, %gather3A_1158, %gather3A_1159] : memref<2x32x1024xf32, #tpu.memory_space<vmem>> -> memref<1x32x1024xf32, #tpu.memory_space<vmem>>
    %gather3A_1161 = tpu.memref_squeeze %gather3A_1160 : memref<1x32x1024xf32, #tpu.memory_space<vmem>> -> memref<32x1024xf32, #tpu.memory_space<vmem>>
    %gather3A_1162 = tpu.vector_load_idx %gather3A_1161[%add3A_1156, %get3A_1152] : memref<32x1024xf32, #tpu.memory_space<vmem>>[vector<16xi32>, vector<16xi32>], vector<16xf32>,
    %sub3A_1163 = arith.subf %gather3A_1153, %gather3A_1162 : vector<16xf32>
    %add3A_1164 = arith.addf %add3A_1100, %sub3A_1163 : vector<16xf32>
    %get3A_1165 = arith.constant 464 : index
    %get3A_1166 = tpu.vector_load %arg8[%get3A_1165] {strides = array<i32>} : memref<640xi32, #tpu.memory_space<vmem>>, vector<16xi32>,
    %get3A_1167 = arith.constant 464 : index
    %get3A_1168 = tpu.vector_load %arg9[%get3A_1167] {strides = array<i32>} : memref<640xi32, #tpu.memory_space<vmem>>, vector<16xi32>,
    %gather3A_1169 = tpu.vector_load_idx %arg10[%get3A_1166] : memref<1000xf32, #tpu.memory_space<vmem>>[vector<16xi32>], vector<16xf32>,
    %add3A_1170 = arith.constant 16 : i32
    %add3A_1171 = vector.broadcast %add3A_1170 : i32 to vector<16xi32>
    %add3A_1172 = arith.addi %iota3A, %add3A_1171 : vector<16xi32>
    %gather3A_1173 = arith.constant 0 : i32
    %gather3A_1174 = arith.constant 0 : i32
    %gather3A_1175 = arith.constant 0 : i32
    %gather3A_1176 = tpu.memref_slice %arg11[%gather3A_1173, %gather3A_1174, %gather3A_1175] : memref<2x32x1024xf32, #tpu.memory_space<vmem>> -> memref<1x32x1024xf32, #tpu.memory_space<vmem>>
    %gather3A_1177 = tpu.memref_squeeze %gather3A_1176 : memref<1x32x1024xf32, #tpu.memory_space<vmem>> -> memref<32x1024xf32, #tpu.memory_space<vmem>>
    %gather3A_1178 = tpu.vector_load_idx %gather3A_1177[%add3A_1172, %get3A_1168] : memref<32x1024xf32, #tpu.memory_space<vmem>>[vector<16xi32>, vector<16xi32>], vector<16xf32>,
    %sub3A_1179 = arith.subf %gather3A_1169, %gather3A_1178 : vector<16xf32>
    %add3A_1180 = arith.addf %add3A_1164, %sub3A_1179 : vector<16xf32>
    %add3A_1181 = arith.constant 448 : i32
    %add3A_1182 = arith.addi %mul3A_2, %add3A_1181 : i32
    %dma_start3A_1183 = arith.constant 0 : i32
    %dma_start3A_1184 = arith.constant 0 : i32
    %dma_start3A_1185 = arith.constant 0 : i32
    %dma_start3A_1186 = tpu.memref_slice %arg11[%dma_start3A_1183, %dma_start3A_1184, %dma_start3A_1185] : memref<2x32x1024xf32, #tpu.memory_space<vmem>> -> memref<1x32x1024xf32, #tpu.memory_space<vmem>>
    %dma_start3A_1187 = tpu.memref_squeeze %dma_start3A_1186 : memref<1x32x1024xf32, #tpu.memory_space<vmem>> -> memref<32x1024xf32, #tpu.memory_space<vmem>>
    %dma_start3A_1188 = arith.constant 0 : i32
    %dma_start3A_1189 = tpu.memref_slice %arg6[%add3A_1182, %dma_start3A_1188] : memref<20480x1024xf32, #tpu.memory_space<hbm>> -> memref<32x1024xf32, #tpu.memory_space<hbm>>
    %dma_start3A_1190 = arith.constant 0 : i32
    %dma_start3A_1191 = tpu.memref_slice %arg6[%add3A_1182, %dma_start3A_1190] : memref<20480x1024xf32, #tpu.memory_space<hbm>> -> memref<32x1024xf32, #tpu.memory_space<hbm>>
    %dma_start3A_1192 = arith.constant 0 : i32
    %dma_start3A_1193 = arith.constant 0 : i32
    %dma_start3A_1194 = tpu.memref_slice %arg11[%dma_start3A_1183, %dma_start3A_1192, %dma_start3A_1193] : memref<2x32x1024xf32, #tpu.memory_space<vmem>> -> memref<1x32x1024xf32, #tpu.memory_space<vmem>>
    %dma_start3A_1195 = tpu.memref_squeeze %dma_start3A_1194 : memref<1x32x1024xf32, #tpu.memory_space<vmem>> -> memref<32x1024xf32, #tpu.memory_space<vmem>>
    tpu.enqueue_dma source(%dma_start3A_1195 : memref<32x1024xf32, #tpu.memory_space<vmem>>) target(%dma_start3A_1191 : memref<32x1024xf32, #tpu.memory_space<hbm>>) target_semaphore(%arg15 : memref<!tpu.dma_semaphore, #tpu.memory_space<semaphore_mem>>)
    %dma_wait3A_1196 = arith.constant 1 : i32
    %dma_wait3A_1197 = arith.constant 0 : i32
    %dma_wait3A_1198 = arith.constant 0 : i32
    %dma_wait3A_1199 = tpu.memref_slice %arg11[%dma_wait3A_1196, %dma_wait3A_1197, %dma_wait3A_1198] : memref<2x32x1024xf32, #tpu.memory_space<vmem>> -> memref<1x32x1024xf32, #tpu.memory_space<vmem>>
    %dma_wait3A_1200 = tpu.memref_squeeze %dma_wait3A_1199 : memref<1x32x1024xf32, #tpu.memory_space<vmem>> -> memref<32x1024xf32, #tpu.memory_space<vmem>>
    %dma_wait3A_1201 = arith.constant 480 : i32
    %dma_wait3A_1202 = tpu.memref_slice %arg8[%dma_wait3A_1201] : memref<640xi32, #tpu.memory_space<vmem>> -> memref<32xi32, #tpu.memory_space<vmem>>
    %dma_wait3A_1203 = arith.constant 0 : i32
    %dma_wait3A_1204 = arith.constant 0 : i32
    %dma_wait3A_1205 = tpu.memref_slice %arg2[%dma_wait3A_1203, %dma_wait3A_1204] : memref<1000x1024xf32, #tpu.memory_space<hbm>> -> memref<1000x1024xf32, #tpu.memory_space<hbm>>
    tpu.wait_indirect_dma semaphore(%arg14 : memref<!tpu.dma_semaphore, #tpu.memory_space<semaphore_mem>>) src(%dma_wait3A_1205 : memref<1000x1024xf32, #tpu.memory_space<hbm>>) dst(%dma_wait3A_1200 : memref<32x1024xf32, #tpu.memory_space<vmem>>)
    %dma_wait3A_1206 = arith.constant 0 : i32
    %dma_wait3A_1207 = arith.constant 0 : i32
    %dma_wait3A_1208 = arith.constant 0 : i32
    %dma_wait3A_1209 = tpu.memref_slice %arg11[%dma_wait3A_1206, %dma_wait3A_1207, %dma_wait3A_1208] : memref<2x32x1024xf32, #tpu.memory_space<vmem>> -> memref<1x32x1024xf32, #tpu.memory_space<vmem>>
    %dma_wait3A_1210 = tpu.memref_squeeze %dma_wait3A_1209 : memref<1x32x1024xf32, #tpu.memory_space<vmem>> -> memref<32x1024xf32, #tpu.memory_space<vmem>>
    %dma_wait3A_1211 = arith.constant 0 : i32
    %dma_wait3A_1212 = tpu.memref_slice %arg6[%add3A_1182, %dma_wait3A_1211] : memref<20480x1024xf32, #tpu.memory_space<hbm>> -> memref<32x1024xf32, #tpu.memory_space<hbm>>
    %dma_wait3A_1213 = arith.constant 0 : i32
    %dma_wait3A_1214 = tpu.memref_slice %arg6[%add3A_1182, %dma_wait3A_1213] : memref<20480x1024xf32, #tpu.memory_space<hbm>> -> memref<32x1024xf32, #tpu.memory_space<hbm>>
    %dma_wait3A_1215 = arith.constant 0 : i32
    %dma_wait3A_1216 = arith.constant 0 : i32
    %dma_wait3A_1217 = tpu.memref_slice %arg11[%dma_wait3A_1206, %dma_wait3A_1215, %dma_wait3A_1216] : memref<2x32x1024xf32, #tpu.memory_space<vmem>> -> memref<1x32x1024xf32, #tpu.memory_space<vmem>>
    %dma_wait3A_1218 = tpu.memref_squeeze %dma_wait3A_1217 : memref<1x32x1024xf32, #tpu.memory_space<vmem>> -> memref<32x1024xf32, #tpu.memory_space<vmem>>
    tpu.wait_dma2 semaphore(%arg15 : memref<!tpu.dma_semaphore, #tpu.memory_space<semaphore_mem>>) src(%dma_wait3A_1218 : memref<32x1024xf32, #tpu.memory_space<vmem>>) dst(%dma_wait3A_1214 : memref<32x1024xf32, #tpu.memory_space<hbm>>)
    %dma_start3A_1219 = arith.constant 0 : i32
    %dma_start3A_1220 = arith.constant 0 : i32
    %dma_start3A_1221 = arith.constant 0 : i32
    %dma_start3A_1222 = tpu.memref_slice %arg11[%dma_start3A_1219, %dma_start3A_1220, %dma_start3A_1221] : memref<2x32x1024xf32, #tpu.memory_space<vmem>> -> memref<1x32x1024xf32, #tpu.memory_space<vmem>>
    %dma_start3A_1223 = tpu.memref_squeeze %dma_start3A_1222 : memref<1x32x1024xf32, #tpu.memory_space<vmem>> -> memref<32x1024xf32, #tpu.memory_space<vmem>>
    %dma_start3A_1224 = arith.constant 512 : i32
    %dma_start3A_1225 = tpu.memref_slice %arg8[%dma_start3A_1224] : memref<640xi32, #tpu.memory_space<vmem>> -> memref<32xi32, #tpu.memory_space<vmem>>
    %dma_start3A_1226 = arith.constant 0 : i32
    %dma_start3A_1227 = arith.constant 0 : i32
    %dma_start3A_1228 = tpu.memref_slice %arg2[%dma_start3A_1226, %dma_start3A_1227] : memref<1000x1024xf32, #tpu.memory_space<hbm>> -> memref<1000x1024xf32, #tpu.memory_space<hbm>>
    tpu.enqueue_indirect_dma source(%dma_start3A_1228 : memref<1000x1024xf32, #tpu.memory_space<hbm>>) target(%dma_start3A_1223 : memref<32x1024xf32, #tpu.memory_space<vmem>>) offsets(%dma_start3A_1225 : memref<32xi32, #tpu.memory_space<vmem>>) semaphore(%arg13 : memref<!tpu.dma_semaphore, #tpu.memory_space<semaphore_mem>>)
    %get3A_1229 = arith.constant 480 : index
    %get3A_1230 = tpu.vector_load %arg8[%get3A_1229] {strides = array<i32>} : memref<640xi32, #tpu.memory_space<vmem>>, vector<16xi32>,
    %get3A_1231 = arith.constant 480 : index
    %get3A_1232 = tpu.vector_load %arg9[%get3A_1231] {strides = array<i32>} : memref<640xi32, #tpu.memory_space<vmem>>, vector<16xi32>,
    %gather3A_1233 = tpu.vector_load_idx %arg10[%get3A_1230] : memref<1000xf32, #tpu.memory_space<vmem>>[vector<16xi32>], vector<16xf32>,
    %add3A_1234 = arith.constant 0 : i32
    %add3A_1235 = vector.broadcast %add3A_1234 : i32 to vector<16xi32>
    %add3A_1236 = arith.addi %iota3A, %add3A_1235 : vector<16xi32>
    %gather3A_1237 = arith.constant 1 : i32
    %gather3A_1238 = arith.constant 0 : i32
    %gather3A_1239 = arith.constant 0 : i32
    %gather3A_1240 = tpu.memref_slice %arg11[%gather3A_1237, %gather3A_1238, %gather3A_1239] : memref<2x32x1024xf32, #tpu.memory_space<vmem>> -> memref<1x32x1024xf32, #tpu.memory_space<vmem>>
    %gather3A_1241 = tpu.memref_squeeze %gather3A_1240 : memref<1x32x1024xf32, #tpu.memory_space<vmem>> -> memref<32x1024xf32, #tpu.memory_space<vmem>>
    %gather3A_1242 = tpu.vector_load_idx %gather3A_1241[%add3A_1236, %get3A_1232] : memref<32x1024xf32, #tpu.memory_space<vmem>>[vector<16xi32>, vector<16xi32>], vector<16xf32>,
    %sub3A_1243 = arith.subf %gather3A_1233, %gather3A_1242 : vector<16xf32>
    %add3A_1244 = arith.addf %add3A_1180, %sub3A_1243 : vector<16xf32>
    %get3A_1245 = arith.constant 496 : index
    %get3A_1246 = tpu.vector_load %arg8[%get3A_1245] {strides = array<i32>} : memref<640xi32, #tpu.memory_space<vmem>>, vector<16xi32>,
    %get3A_1247 = arith.constant 496 : index
    %get3A_1248 = tpu.vector_load %arg9[%get3A_1247] {strides = array<i32>} : memref<640xi32, #tpu.memory_space<vmem>>, vector<16xi32>,
    %gather3A_1249 = tpu.vector_load_idx %arg10[%get3A_1246] : memref<1000xf32, #tpu.memory_space<vmem>>[vector<16xi32>], vector<16xf32>,
    %add3A_1250 = arith.constant 16 : i32
    %add3A_1251 = vector.broadcast %add3A_1250 : i32 to vector<16xi32>
    %add3A_1252 = arith.addi %iota3A, %add3A_1251 : vector<16xi32>
    %gather3A_1253 = arith.constant 1 : i32
    %gather3A_1254 = arith.constant 0 : i32
    %gather3A_1255 = arith.constant 0 : i32
    %gather3A_1256 = tpu.memref_slice %arg11[%gather3A_1253, %gather3A_1254, %gather3A_1255] : memref<2x32x1024xf32, #tpu.memory_space<vmem>> -> memref<1x32x1024xf32, #tpu.memory_space<vmem>>
    %gather3A_1257 = tpu.memref_squeeze %gather3A_1256 : memref<1x32x1024xf32, #tpu.memory_space<vmem>> -> memref<32x1024xf32, #tpu.memory_space<vmem>>
    %gather3A_1258 = tpu.vector_load_idx %gather3A_1257[%add3A_1252, %get3A_1248] : memref<32x1024xf32, #tpu.memory_space<vmem>>[vector<16xi32>, vector<16xi32>], vector<16xf32>,
    %sub3A_1259 = arith.subf %gather3A_1249, %gather3A_1258 : vector<16xf32>
    %add3A_1260 = arith.addf %add3A_1244, %sub3A_1259 : vector<16xf32>
    %add3A_1261 = arith.constant 480 : i32
    %add3A_1262 = arith.addi %mul3A_2, %add3A_1261 : i32
    %dma_start3A_1263 = arith.constant 1 : i32
    %dma_start3A_1264 = arith.constant 0 : i32
    %dma_start3A_1265 = arith.constant 0 : i32
    %dma_start3A_1266 = tpu.memref_slice %arg11[%dma_start3A_1263, %dma_start3A_1264, %dma_start3A_1265] : memref<2x32x1024xf32, #tpu.memory_space<vmem>> -> memref<1x32x1024xf32, #tpu.memory_space<vmem>>
    %dma_start3A_1267 = tpu.memref_squeeze %dma_start3A_1266 : memref<1x32x1024xf32, #tpu.memory_space<vmem>> -> memref<32x1024xf32, #tpu.memory_space<vmem>>
    %dma_start3A_1268 = arith.constant 0 : i32
    %dma_start3A_1269 = tpu.memref_slice %arg6[%add3A_1262, %dma_start3A_1268] : memref<20480x1024xf32, #tpu.memory_space<hbm>> -> memref<32x1024xf32, #tpu.memory_space<hbm>>
    %dma_start3A_1270 = arith.constant 0 : i32
    %dma_start3A_1271 = tpu.memref_slice %arg6[%add3A_1262, %dma_start3A_1270] : memref<20480x1024xf32, #tpu.memory_space<hbm>> -> memref<32x1024xf32, #tpu.memory_space<hbm>>
    %dma_start3A_1272 = arith.constant 0 : i32
    %dma_start3A_1273 = arith.constant 0 : i32
    %dma_start3A_1274 = tpu.memref_slice %arg11[%dma_start3A_1263, %dma_start3A_1272, %dma_start3A_1273] : memref<2x32x1024xf32, #tpu.memory_space<vmem>> -> memref<1x32x1024xf32, #tpu.memory_space<vmem>>
    %dma_start3A_1275 = tpu.memref_squeeze %dma_start3A_1274 : memref<1x32x1024xf32, #tpu.memory_space<vmem>> -> memref<32x1024xf32, #tpu.memory_space<vmem>>
    tpu.enqueue_dma source(%dma_start3A_1275 : memref<32x1024xf32, #tpu.memory_space<vmem>>) target(%dma_start3A_1271 : memref<32x1024xf32, #tpu.memory_space<hbm>>) target_semaphore(%arg16 : memref<!tpu.dma_semaphore, #tpu.memory_space<semaphore_mem>>)
    %dma_wait3A_1276 = arith.constant 0 : i32
    %dma_wait3A_1277 = arith.constant 0 : i32
    %dma_wait3A_1278 = arith.constant 0 : i32
    %dma_wait3A_1279 = tpu.memref_slice %arg11[%dma_wait3A_1276, %dma_wait3A_1277, %dma_wait3A_1278] : memref<2x32x1024xf32, #tpu.memory_space<vmem>> -> memref<1x32x1024xf32, #tpu.memory_space<vmem>>
    %dma_wait3A_1280 = tpu.memref_squeeze %dma_wait3A_1279 : memref<1x32x1024xf32, #tpu.memory_space<vmem>> -> memref<32x1024xf32, #tpu.memory_space<vmem>>
    %dma_wait3A_1281 = arith.constant 512 : i32
    %dma_wait3A_1282 = tpu.memref_slice %arg8[%dma_wait3A_1281] : memref<640xi32, #tpu.memory_space<vmem>> -> memref<32xi32, #tpu.memory_space<vmem>>
    %dma_wait3A_1283 = arith.constant 0 : i32
    %dma_wait3A_1284 = arith.constant 0 : i32
    %dma_wait3A_1285 = tpu.memref_slice %arg2[%dma_wait3A_1283, %dma_wait3A_1284] : memref<1000x1024xf32, #tpu.memory_space<hbm>> -> memref<1000x1024xf32, #tpu.memory_space<hbm>>
    tpu.wait_indirect_dma semaphore(%arg13 : memref<!tpu.dma_semaphore, #tpu.memory_space<semaphore_mem>>) src(%dma_wait3A_1285 : memref<1000x1024xf32, #tpu.memory_space<hbm>>) dst(%dma_wait3A_1280 : memref<32x1024xf32, #tpu.memory_space<vmem>>)
    %dma_wait3A_1286 = arith.constant 1 : i32
    %dma_wait3A_1287 = arith.constant 0 : i32
    %dma_wait3A_1288 = arith.constant 0 : i32
    %dma_wait3A_1289 = tpu.memref_slice %arg11[%dma_wait3A_1286, %dma_wait3A_1287, %dma_wait3A_1288] : memref<2x32x1024xf32, #tpu.memory_space<vmem>> -> memref<1x32x1024xf32, #tpu.memory_space<vmem>>
    %dma_wait3A_1290 = tpu.memref_squeeze %dma_wait3A_1289 : memref<1x32x1024xf32, #tpu.memory_space<vmem>> -> memref<32x1024xf32, #tpu.memory_space<vmem>>
    %dma_wait3A_1291 = arith.constant 0 : i32
    %dma_wait3A_1292 = tpu.memref_slice %arg6[%add3A_1262, %dma_wait3A_1291] : memref<20480x1024xf32, #tpu.memory_space<hbm>> -> memref<32x1024xf32, #tpu.memory_space<hbm>>
    %dma_wait3A_1293 = arith.constant 0 : i32
    %dma_wait3A_1294 = tpu.memref_slice %arg6[%add3A_1262, %dma_wait3A_1293] : memref<20480x1024xf32, #tpu.memory_space<hbm>> -> memref<32x1024xf32, #tpu.memory_space<hbm>>
    %dma_wait3A_1295 = arith.constant 0 : i32
    %dma_wait3A_1296 = arith.constant 0 : i32
    %dma_wait3A_1297 = tpu.memref_slice %arg11[%dma_wait3A_1286, %dma_wait3A_1295, %dma_wait3A_1296] : memref<2x32x1024xf32, #tpu.memory_space<vmem>> -> memref<1x32x1024xf32, #tpu.memory_space<vmem>>
    %dma_wait3A_1298 = tpu.memref_squeeze %dma_wait3A_1297 : memref<1x32x1024xf32, #tpu.memory_space<vmem>> -> memref<32x1024xf32, #tpu.memory_space<vmem>>
    tpu.wait_dma2 semaphore(%arg16 : memref<!tpu.dma_semaphore, #tpu.memory_space<semaphore_mem>>) src(%dma_wait3A_1298 : memref<32x1024xf32, #tpu.memory_space<vmem>>) dst(%dma_wait3A_1294 : memref<32x1024xf32, #tpu.memory_space<hbm>>)
    %dma_start3A_1299 = arith.constant 1 : i32
    %dma_start3A_1300 = arith.constant 0 : i32
    %dma_start3A_1301 = arith.constant 0 : i32
    %dma_start3A_1302 = tpu.memref_slice %arg11[%dma_start3A_1299, %dma_start3A_1300, %dma_start3A_1301] : memref<2x32x1024xf32, #tpu.memory_space<vmem>> -> memref<1x32x1024xf32, #tpu.memory_space<vmem>>
    %dma_start3A_1303 = tpu.memref_squeeze %dma_start3A_1302 : memref<1x32x1024xf32, #tpu.memory_space<vmem>> -> memref<32x1024xf32, #tpu.memory_space<vmem>>
    %dma_start3A_1304 = arith.constant 544 : i32
    %dma_start3A_1305 = tpu.memref_slice %arg8[%dma_start3A_1304] : memref<640xi32, #tpu.memory_space<vmem>> -> memref<32xi32, #tpu.memory_space<vmem>>
    %dma_start3A_1306 = arith.constant 0 : i32
    %dma_start3A_1307 = arith.constant 0 : i32
    %dma_start3A_1308 = tpu.memref_slice %arg2[%dma_start3A_1306, %dma_start3A_1307] : memref<1000x1024xf32, #tpu.memory_space<hbm>> -> memref<1000x1024xf32, #tpu.memory_space<hbm>>
    tpu.enqueue_indirect_dma source(%dma_start3A_1308 : memref<1000x1024xf32, #tpu.memory_space<hbm>>) target(%dma_start3A_1303 : memref<32x1024xf32, #tpu.memory_space<vmem>>) offsets(%dma_start3A_1305 : memref<32xi32, #tpu.memory_space<vmem>>) semaphore(%arg14 : memref<!tpu.dma_semaphore, #tpu.memory_space<semaphore_mem>>)
    %get3A_1309 = arith.constant 512 : index
    %get3A_1310 = tpu.vector_load %arg8[%get3A_1309] {strides = array<i32>} : memref<640xi32, #tpu.memory_space<vmem>>, vector<16xi32>,
    %get3A_1311 = arith.constant 512 : index
    %get3A_1312 = tpu.vector_load %arg9[%get3A_1311] {strides = array<i32>} : memref<640xi32, #tpu.memory_space<vmem>>, vector<16xi32>,
    %gather3A_1313 = tpu.vector_load_idx %arg10[%get3A_1310] : memref<1000xf32, #tpu.memory_space<vmem>>[vector<16xi32>], vector<16xf32>,
    %add3A_1314 = arith.constant 0 : i32
    %add3A_1315 = vector.broadcast %add3A_1314 : i32 to vector<16xi32>
    %add3A_1316 = arith.addi %iota3A, %add3A_1315 : vector<16xi32>
    %gather3A_1317 = arith.constant 0 : i32
    %gather3A_1318 = arith.constant 0 : i32
    %gather3A_1319 = arith.constant 0 : i32
    %gather3A_1320 = tpu.memref_slice %arg11[%gather3A_1317, %gather3A_1318, %gather3A_1319] : memref<2x32x1024xf32, #tpu.memory_space<vmem>> -> memref<1x32x1024xf32, #tpu.memory_space<vmem>>
    %gather3A_1321 = tpu.memref_squeeze %gather3A_1320 : memref<1x32x1024xf32, #tpu.memory_space<vmem>> -> memref<32x1024xf32, #tpu.memory_space<vmem>>
    %gather3A_1322 = tpu.vector_load_idx %gather3A_1321[%add3A_1316, %get3A_1312] : memref<32x1024xf32, #tpu.memory_space<vmem>>[vector<16xi32>, vector<16xi32>], vector<16xf32>,
    %sub3A_1323 = arith.subf %gather3A_1313, %gather3A_1322 : vector<16xf32>
    %add3A_1324 = arith.addf %add3A_1260, %sub3A_1323 : vector<16xf32>
    %get3A_1325 = arith.constant 528 : index
    %get3A_1326 = tpu.vector_load %arg8[%get3A_1325] {strides = array<i32>} : memref<640xi32, #tpu.memory_space<vmem>>, vector<16xi32>,
    %get3A_1327 = arith.constant 528 : index
    %get3A_1328 = tpu.vector_load %arg9[%get3A_1327] {strides = array<i32>} : memref<640xi32, #tpu.memory_space<vmem>>, vector<16xi32>,
    %gather3A_1329 = tpu.vector_load_idx %arg10[%get3A_1326] : memref<1000xf32, #tpu.memory_space<vmem>>[vector<16xi32>], vector<16xf32>,
    %add3A_1330 = arith.constant 16 : i32
    %add3A_1331 = vector.broadcast %add3A_1330 : i32 to vector<16xi32>
    %add3A_1332 = arith.addi %iota3A, %add3A_1331 : vector<16xi32>
    %gather3A_1333 = arith.constant 0 : i32
    %gather3A_1334 = arith.constant 0 : i32
    %gather3A_1335 = arith.constant 0 : i32
    %gather3A_1336 = tpu.memref_slice %arg11[%gather3A_1333, %gather3A_1334, %gather3A_1335] : memref<2x32x1024xf32, #tpu.memory_space<vmem>> -> memref<1x32x1024xf32, #tpu.memory_space<vmem>>
    %gather3A_1337 = tpu.memref_squeeze %gather3A_1336 : memref<1x32x1024xf32, #tpu.memory_space<vmem>> -> memref<32x1024xf32, #tpu.memory_space<vmem>>
    %gather3A_1338 = tpu.vector_load_idx %gather3A_1337[%add3A_1332, %get3A_1328] : memref<32x1024xf32, #tpu.memory_space<vmem>>[vector<16xi32>, vector<16xi32>], vector<16xf32>,
    %sub3A_1339 = arith.subf %gather3A_1329, %gather3A_1338 : vector<16xf32>
    %add3A_1340 = arith.addf %add3A_1324, %sub3A_1339 : vector<16xf32>
    %add3A_1341 = arith.constant 512 : i32
    %add3A_1342 = arith.addi %mul3A_2, %add3A_1341 : i32
    %dma_start3A_1343 = arith.constant 0 : i32
    %dma_start3A_1344 = arith.constant 0 : i32
    %dma_start3A_1345 = arith.constant 0 : i32
    %dma_start3A_1346 = tpu.memref_slice %arg11[%dma_start3A_1343, %dma_start3A_1344, %dma_start3A_1345] : memref<2x32x1024xf32, #tpu.memory_space<vmem>> -> memref<1x32x1024xf32, #tpu.memory_space<vmem>>
    %dma_start3A_1347 = tpu.memref_squeeze %dma_start3A_1346 : memref<1x32x1024xf32, #tpu.memory_space<vmem>> -> memref<32x1024xf32, #tpu.memory_space<vmem>>
    %dma_start3A_1348 = arith.constant 0 : i32
    %dma_start3A_1349 = tpu.memref_slice %arg6[%add3A_1342, %dma_start3A_1348] : memref<20480x1024xf32, #tpu.memory_space<hbm>> -> memref<32x1024xf32, #tpu.memory_space<hbm>>
    %dma_start3A_1350 = arith.constant 0 : i32
    %dma_start3A_1351 = tpu.memref_slice %arg6[%add3A_1342, %dma_start3A_1350] : memref<20480x1024xf32, #tpu.memory_space<hbm>> -> memref<32x1024xf32, #tpu.memory_space<hbm>>
    %dma_start3A_1352 = arith.constant 0 : i32
    %dma_start3A_1353 = arith.constant 0 : i32
    %dma_start3A_1354 = tpu.memref_slice %arg11[%dma_start3A_1343, %dma_start3A_1352, %dma_start3A_1353] : memref<2x32x1024xf32, #tpu.memory_space<vmem>> -> memref<1x32x1024xf32, #tpu.memory_space<vmem>>
    %dma_start3A_1355 = tpu.memref_squeeze %dma_start3A_1354 : memref<1x32x1024xf32, #tpu.memory_space<vmem>> -> memref<32x1024xf32, #tpu.memory_space<vmem>>
    tpu.enqueue_dma source(%dma_start3A_1355 : memref<32x1024xf32, #tpu.memory_space<vmem>>) target(%dma_start3A_1351 : memref<32x1024xf32, #tpu.memory_space<hbm>>) target_semaphore(%arg15 : memref<!tpu.dma_semaphore, #tpu.memory_space<semaphore_mem>>)
    %dma_wait3A_1356 = arith.constant 1 : i32
    %dma_wait3A_1357 = arith.constant 0 : i32
    %dma_wait3A_1358 = arith.constant 0 : i32
    %dma_wait3A_1359 = tpu.memref_slice %arg11[%dma_wait3A_1356, %dma_wait3A_1357, %dma_wait3A_1358] : memref<2x32x1024xf32, #tpu.memory_space<vmem>> -> memref<1x32x1024xf32, #tpu.memory_space<vmem>>
    %dma_wait3A_1360 = tpu.memref_squeeze %dma_wait3A_1359 : memref<1x32x1024xf32, #tpu.memory_space<vmem>> -> memref<32x1024xf32, #tpu.memory_space<vmem>>
    %dma_wait3A_1361 = arith.constant 544 : i32
    %dma_wait3A_1362 = tpu.memref_slice %arg8[%dma_wait3A_1361] : memref<640xi32, #tpu.memory_space<vmem>> -> memref<32xi32, #tpu.memory_space<vmem>>
    %dma_wait3A_1363 = arith.constant 0 : i32
    %dma_wait3A_1364 = arith.constant 0 : i32
    %dma_wait3A_1365 = tpu.memref_slice %arg2[%dma_wait3A_1363, %dma_wait3A_1364] : memref<1000x1024xf32, #tpu.memory_space<hbm>> -> memref<1000x1024xf32, #tpu.memory_space<hbm>>
    tpu.wait_indirect_dma semaphore(%arg14 : memref<!tpu.dma_semaphore, #tpu.memory_space<semaphore_mem>>) src(%dma_wait3A_1365 : memref<1000x1024xf32, #tpu.memory_space<hbm>>) dst(%dma_wait3A_1360 : memref<32x1024xf32, #tpu.memory_space<vmem>>)
    %dma_wait3A_1366 = arith.constant 0 : i32
    %dma_wait3A_1367 = arith.constant 0 : i32
    %dma_wait3A_1368 = arith.constant 0 : i32
    %dma_wait3A_1369 = tpu.memref_slice %arg11[%dma_wait3A_1366, %dma_wait3A_1367, %dma_wait3A_1368] : memref<2x32x1024xf32, #tpu.memory_space<vmem>> -> memref<1x32x1024xf32, #tpu.memory_space<vmem>>
    %dma_wait3A_1370 = tpu.memref_squeeze %dma_wait3A_1369 : memref<1x32x1024xf32, #tpu.memory_space<vmem>> -> memref<32x1024xf32, #tpu.memory_space<vmem>>
    %dma_wait3A_1371 = arith.constant 0 : i32
    %dma_wait3A_1372 = tpu.memref_slice %arg6[%add3A_1342, %dma_wait3A_1371] : memref<20480x1024xf32, #tpu.memory_space<hbm>> -> memref<32x1024xf32, #tpu.memory_space<hbm>>
    %dma_wait3A_1373 = arith.constant 0 : i32
    %dma_wait3A_1374 = tpu.memref_slice %arg6[%add3A_1342, %dma_wait3A_1373] : memref<20480x1024xf32, #tpu.memory_space<hbm>> -> memref<32x1024xf32, #tpu.memory_space<hbm>>
    %dma_wait3A_1375 = arith.constant 0 : i32
    %dma_wait3A_1376 = arith.constant 0 : i32
    %dma_wait3A_1377 = tpu.memref_slice %arg11[%dma_wait3A_1366, %dma_wait3A_1375, %dma_wait3A_1376] : memref<2x32x1024xf32, #tpu.memory_space<vmem>> -> memref<1x32x1024xf32, #tpu.memory_space<vmem>>
    %dma_wait3A_1378 = tpu.memref_squeeze %dma_wait3A_1377 : memref<1x32x1024xf32, #tpu.memory_space<vmem>> -> memref<32x1024xf32, #tpu.memory_space<vmem>>
    tpu.wait_dma2 semaphore(%arg15 : memref<!tpu.dma_semaphore, #tpu.memory_space<semaphore_mem>>) src(%dma_wait3A_1378 : memref<32x1024xf32, #tpu.memory_space<vmem>>) dst(%dma_wait3A_1374 : memref<32x1024xf32, #tpu.memory_space<hbm>>)
    %dma_start3A_1379 = arith.constant 0 : i32
    %dma_start3A_1380 = arith.constant 0 : i32
    %dma_start3A_1381 = arith.constant 0 : i32
    %dma_start3A_1382 = tpu.memref_slice %arg11[%dma_start3A_1379, %dma_start3A_1380, %dma_start3A_1381] : memref<2x32x1024xf32, #tpu.memory_space<vmem>> -> memref<1x32x1024xf32, #tpu.memory_space<vmem>>
    %dma_start3A_1383 = tpu.memref_squeeze %dma_start3A_1382 : memref<1x32x1024xf32, #tpu.memory_space<vmem>> -> memref<32x1024xf32, #tpu.memory_space<vmem>>
    %dma_start3A_1384 = arith.constant 576 : i32
    %dma_start3A_1385 = tpu.memref_slice %arg8[%dma_start3A_1384] : memref<640xi32, #tpu.memory_space<vmem>> -> memref<32xi32, #tpu.memory_space<vmem>>
    %dma_start3A_1386 = arith.constant 0 : i32
    %dma_start3A_1387 = arith.constant 0 : i32
    %dma_start3A_1388 = tpu.memref_slice %arg2[%dma_start3A_1386, %dma_start3A_1387] : memref<1000x1024xf32, #tpu.memory_space<hbm>> -> memref<1000x1024xf32, #tpu.memory_space<hbm>>
    tpu.enqueue_indirect_dma source(%dma_start3A_1388 : memref<1000x1024xf32, #tpu.memory_space<hbm>>) target(%dma_start3A_1383 : memref<32x1024xf32, #tpu.memory_space<vmem>>) offsets(%dma_start3A_1385 : memref<32xi32, #tpu.memory_space<vmem>>) semaphore(%arg13 : memref<!tpu.dma_semaphore, #tpu.memory_space<semaphore_mem>>)
    %get3A_1389 = arith.constant 544 : index
    %get3A_1390 = tpu.vector_load %arg8[%get3A_1389] {strides = array<i32>} : memref<640xi32, #tpu.memory_space<vmem>>, vector<16xi32>,
    %get3A_1391 = arith.constant 544 : index
    %get3A_1392 = tpu.vector_load %arg9[%get3A_1391] {strides = array<i32>} : memref<640xi32, #tpu.memory_space<vmem>>, vector<16xi32>,
    %gather3A_1393 = tpu.vector_load_idx %arg10[%get3A_1390] : memref<1000xf32, #tpu.memory_space<vmem>>[vector<16xi32>], vector<16xf32>,
    %add3A_1394 = arith.constant 0 : i32
    %add3A_1395 = vector.broadcast %add3A_1394 : i32 to vector<16xi32>
    %add3A_1396 = arith.addi %iota3A, %add3A_1395 : vector<16xi32>
    %gather3A_1397 = arith.constant 1 : i32
    %gather3A_1398 = arith.constant 0 : i32
    %gather3A_1399 = arith.constant 0 : i32
    %gather3A_1400 = tpu.memref_slice %arg11[%gather3A_1397, %gather3A_1398, %gather3A_1399] : memref<2x32x1024xf32, #tpu.memory_space<vmem>> -> memref<1x32x1024xf32, #tpu.memory_space<vmem>>
    %gather3A_1401 = tpu.memref_squeeze %gather3A_1400 : memref<1x32x1024xf32, #tpu.memory_space<vmem>> -> memref<32x1024xf32, #tpu.memory_space<vmem>>
    %gather3A_1402 = tpu.vector_load_idx %gather3A_1401[%add3A_1396, %get3A_1392] : memref<32x1024xf32, #tpu.memory_space<vmem>>[vector<16xi32>, vector<16xi32>], vector<16xf32>,
    %sub3A_1403 = arith.subf %gather3A_1393, %gather3A_1402 : vector<16xf32>
    %add3A_1404 = arith.addf %add3A_1340, %sub3A_1403 : vector<16xf32>
    %get3A_1405 = arith.constant 560 : index
    %get3A_1406 = tpu.vector_load %arg8[%get3A_1405] {strides = array<i32>} : memref<640xi32, #tpu.memory_space<vmem>>, vector<16xi32>,
    %get3A_1407 = arith.constant 560 : index
    %get3A_1408 = tpu.vector_load %arg9[%get3A_1407] {strides = array<i32>} : memref<640xi32, #tpu.memory_space<vmem>>, vector<16xi32>,
    %gather3A_1409 = tpu.vector_load_idx %arg10[%get3A_1406] : memref<1000xf32, #tpu.memory_space<vmem>>[vector<16xi32>], vector<16xf32>,
    %add3A_1410 = arith.constant 16 : i32
    %add3A_1411 = vector.broadcast %add3A_1410 : i32 to vector<16xi32>
    %add3A_1412 = arith.addi %iota3A, %add3A_1411 : vector<16xi32>
    %gather3A_1413 = arith.constant 1 : i32
    %gather3A_1414 = arith.constant 0 : i32
    %gather3A_1415 = arith.constant 0 : i32
    %gather3A_1416 = tpu.memref_slice %arg11[%gather3A_1413, %gather3A_1414, %gather3A_1415] : memref<2x32x1024xf32, #tpu.memory_space<vmem>> -> memref<1x32x1024xf32, #tpu.memory_space<vmem>>
    %gather3A_1417 = tpu.memref_squeeze %gather3A_1416 : memref<1x32x1024xf32, #tpu.memory_space<vmem>> -> memref<32x1024xf32, #tpu.memory_space<vmem>>
    %gather3A_1418 = tpu.vector_load_idx %gather3A_1417[%add3A_1412, %get3A_1408] : memref<32x1024xf32, #tpu.memory_space<vmem>>[vector<16xi32>, vector<16xi32>], vector<16xf32>,
    %sub3A_1419 = arith.subf %gather3A_1409, %gather3A_1418 : vector<16xf32>
    %add3A_1420 = arith.addf %add3A_1404, %sub3A_1419 : vector<16xf32>
    %add3A_1421 = arith.constant 544 : i32
    %add3A_1422 = arith.addi %mul3A_2, %add3A_1421 : i32
    %dma_start3A_1423 = arith.constant 1 : i32
    %dma_start3A_1424 = arith.constant 0 : i32
    %dma_start3A_1425 = arith.constant 0 : i32
    %dma_start3A_1426 = tpu.memref_slice %arg11[%dma_start3A_1423, %dma_start3A_1424, %dma_start3A_1425] : memref<2x32x1024xf32, #tpu.memory_space<vmem>> -> memref<1x32x1024xf32, #tpu.memory_space<vmem>>
    %dma_start3A_1427 = tpu.memref_squeeze %dma_start3A_1426 : memref<1x32x1024xf32, #tpu.memory_space<vmem>> -> memref<32x1024xf32, #tpu.memory_space<vmem>>
    %dma_start3A_1428 = arith.constant 0 : i32
    %dma_start3A_1429 = tpu.memref_slice %arg6[%add3A_1422, %dma_start3A_1428] : memref<20480x1024xf32, #tpu.memory_space<hbm>> -> memref<32x1024xf32, #tpu.memory_space<hbm>>
    %dma_start3A_1430 = arith.constant 0 : i32
    %dma_start3A_1431 = tpu.memref_slice %arg6[%add3A_1422, %dma_start3A_1430] : memref<20480x1024xf32, #tpu.memory_space<hbm>> -> memref<32x1024xf32, #tpu.memory_space<hbm>>
    %dma_start3A_1432 = arith.constant 0 : i32
    %dma_start3A_1433 = arith.constant 0 : i32
    %dma_start3A_1434 = tpu.memref_slice %arg11[%dma_start3A_1423, %dma_start3A_1432, %dma_start3A_1433] : memref<2x32x1024xf32, #tpu.memory_space<vmem>> -> memref<1x32x1024xf32, #tpu.memory_space<vmem>>
    %dma_start3A_1435 = tpu.memref_squeeze %dma_start3A_1434 : memref<1x32x1024xf32, #tpu.memory_space<vmem>> -> memref<32x1024xf32, #tpu.memory_space<vmem>>
    tpu.enqueue_dma source(%dma_start3A_1435 : memref<32x1024xf32, #tpu.memory_space<vmem>>) target(%dma_start3A_1431 : memref<32x1024xf32, #tpu.memory_space<hbm>>) target_semaphore(%arg16 : memref<!tpu.dma_semaphore, #tpu.memory_space<semaphore_mem>>)
    %dma_wait3A_1436 = arith.constant 0 : i32
    %dma_wait3A_1437 = arith.constant 0 : i32
    %dma_wait3A_1438 = arith.constant 0 : i32
    %dma_wait3A_1439 = tpu.memref_slice %arg11[%dma_wait3A_1436, %dma_wait3A_1437, %dma_wait3A_1438] : memref<2x32x1024xf32, #tpu.memory_space<vmem>> -> memref<1x32x1024xf32, #tpu.memory_space<vmem>>
    %dma_wait3A_1440 = tpu.memref_squeeze %dma_wait3A_1439 : memref<1x32x1024xf32, #tpu.memory_space<vmem>> -> memref<32x1024xf32, #tpu.memory_space<vmem>>
    %dma_wait3A_1441 = arith.constant 576 : i32
    %dma_wait3A_1442 = tpu.memref_slice %arg8[%dma_wait3A_1441] : memref<640xi32, #tpu.memory_space<vmem>> -> memref<32xi32, #tpu.memory_space<vmem>>
    %dma_wait3A_1443 = arith.constant 0 : i32
    %dma_wait3A_1444 = arith.constant 0 : i32
    %dma_wait3A_1445 = tpu.memref_slice %arg2[%dma_wait3A_1443, %dma_wait3A_1444] : memref<1000x1024xf32, #tpu.memory_space<hbm>> -> memref<1000x1024xf32, #tpu.memory_space<hbm>>
    tpu.wait_indirect_dma semaphore(%arg13 : memref<!tpu.dma_semaphore, #tpu.memory_space<semaphore_mem>>) src(%dma_wait3A_1445 : memref<1000x1024xf32, #tpu.memory_space<hbm>>) dst(%dma_wait3A_1440 : memref<32x1024xf32, #tpu.memory_space<vmem>>)
    %dma_wait3A_1446 = arith.constant 1 : i32
    %dma_wait3A_1447 = arith.constant 0 : i32
    %dma_wait3A_1448 = arith.constant 0 : i32
    %dma_wait3A_1449 = tpu.memref_slice %arg11[%dma_wait3A_1446, %dma_wait3A_1447, %dma_wait3A_1448] : memref<2x32x1024xf32, #tpu.memory_space<vmem>> -> memref<1x32x1024xf32, #tpu.memory_space<vmem>>
    %dma_wait3A_1450 = tpu.memref_squeeze %dma_wait3A_1449 : memref<1x32x1024xf32, #tpu.memory_space<vmem>> -> memref<32x1024xf32, #tpu.memory_space<vmem>>
    %dma_wait3A_1451 = arith.constant 0 : i32
    %dma_wait3A_1452 = tpu.memref_slice %arg6[%add3A_1422, %dma_wait3A_1451] : memref<20480x1024xf32, #tpu.memory_space<hbm>> -> memref<32x1024xf32, #tpu.memory_space<hbm>>
    %dma_wait3A_1453 = arith.constant 0 : i32
    %dma_wait3A_1454 = tpu.memref_slice %arg6[%add3A_1422, %dma_wait3A_1453] : memref<20480x1024xf32, #tpu.memory_space<hbm>> -> memref<32x1024xf32, #tpu.memory_space<hbm>>
    %dma_wait3A_1455 = arith.constant 0 : i32
    %dma_wait3A_1456 = arith.constant 0 : i32
    %dma_wait3A_1457 = tpu.memref_slice %arg11[%dma_wait3A_1446, %dma_wait3A_1455, %dma_wait3A_1456] : memref<2x32x1024xf32, #tpu.memory_space<vmem>> -> memref<1x32x1024xf32, #tpu.memory_space<vmem>>
    %dma_wait3A_1458 = tpu.memref_squeeze %dma_wait3A_1457 : memref<1x32x1024xf32, #tpu.memory_space<vmem>> -> memref<32x1024xf32, #tpu.memory_space<vmem>>
    tpu.wait_dma2 semaphore(%arg16 : memref<!tpu.dma_semaphore, #tpu.memory_space<semaphore_mem>>) src(%dma_wait3A_1458 : memref<32x1024xf32, #tpu.memory_space<vmem>>) dst(%dma_wait3A_1454 : memref<32x1024xf32, #tpu.memory_space<hbm>>)
    %dma_start3A_1459 = arith.constant 1 : i32
    %dma_start3A_1460 = arith.constant 0 : i32
    %dma_start3A_1461 = arith.constant 0 : i32
    %dma_start3A_1462 = tpu.memref_slice %arg11[%dma_start3A_1459, %dma_start3A_1460, %dma_start3A_1461] : memref<2x32x1024xf32, #tpu.memory_space<vmem>> -> memref<1x32x1024xf32, #tpu.memory_space<vmem>>
    %dma_start3A_1463 = tpu.memref_squeeze %dma_start3A_1462 : memref<1x32x1024xf32, #tpu.memory_space<vmem>> -> memref<32x1024xf32, #tpu.memory_space<vmem>>
    %dma_start3A_1464 = arith.constant 608 : i32
    %dma_start3A_1465 = tpu.memref_slice %arg8[%dma_start3A_1464] : memref<640xi32, #tpu.memory_space<vmem>> -> memref<32xi32, #tpu.memory_space<vmem>>
    %dma_start3A_1466 = arith.constant 0 : i32
    %dma_start3A_1467 = arith.constant 0 : i32
    %dma_start3A_1468 = tpu.memref_slice %arg2[%dma_start3A_1466, %dma_start3A_1467] : memref<1000x1024xf32, #tpu.memory_space<hbm>> -> memref<1000x1024xf32, #tpu.memory_space<hbm>>
    tpu.enqueue_indirect_dma source(%dma_start3A_1468 : memref<1000x1024xf32, #tpu.memory_space<hbm>>) target(%dma_start3A_1463 : memref<32x1024xf32, #tpu.memory_space<vmem>>) offsets(%dma_start3A_1465 : memref<32xi32, #tpu.memory_space<vmem>>) semaphore(%arg14 : memref<!tpu.dma_semaphore, #tpu.memory_space<semaphore_mem>>)
    %get3A_1469 = arith.constant 576 : index
    %get3A_1470 = tpu.vector_load %arg8[%get3A_1469] {strides = array<i32>} : memref<640xi32, #tpu.memory_space<vmem>>, vector<16xi32>,
    %get3A_1471 = arith.constant 576 : index
    %get3A_1472 = tpu.vector_load %arg9[%get3A_1471] {strides = array<i32>} : memref<640xi32, #tpu.memory_space<vmem>>, vector<16xi32>,
    %gather3A_1473 = tpu.vector_load_idx %arg10[%get3A_1470] : memref<1000xf32, #tpu.memory_space<vmem>>[vector<16xi32>], vector<16xf32>,
    %add3A_1474 = arith.constant 0 : i32
    %add3A_1475 = vector.broadcast %add3A_1474 : i32 to vector<16xi32>
    %add3A_1476 = arith.addi %iota3A, %add3A_1475 : vector<16xi32>
    %gather3A_1477 = arith.constant 0 : i32
    %gather3A_1478 = arith.constant 0 : i32
    %gather3A_1479 = arith.constant 0 : i32
    %gather3A_1480 = tpu.memref_slice %arg11[%gather3A_1477, %gather3A_1478, %gather3A_1479] : memref<2x32x1024xf32, #tpu.memory_space<vmem>> -> memref<1x32x1024xf32, #tpu.memory_space<vmem>>
    %gather3A_1481 = tpu.memref_squeeze %gather3A_1480 : memref<1x32x1024xf32, #tpu.memory_space<vmem>> -> memref<32x1024xf32, #tpu.memory_space<vmem>>
    %gather3A_1482 = tpu.vector_load_idx %gather3A_1481[%add3A_1476, %get3A_1472] : memref<32x1024xf32, #tpu.memory_space<vmem>>[vector<16xi32>, vector<16xi32>], vector<16xf32>,
    %sub3A_1483 = arith.subf %gather3A_1473, %gather3A_1482 : vector<16xf32>
    %add3A_1484 = arith.addf %add3A_1420, %sub3A_1483 : vector<16xf32>
    %get3A_1485 = arith.constant 592 : index
    %get3A_1486 = tpu.vector_load %arg8[%get3A_1485] {strides = array<i32>} : memref<640xi32, #tpu.memory_space<vmem>>, vector<16xi32>,
    %get3A_1487 = arith.constant 592 : index
    %get3A_1488 = tpu.vector_load %arg9[%get3A_1487] {strides = array<i32>} : memref<640xi32, #tpu.memory_space<vmem>>, vector<16xi32>,
    %gather3A_1489 = tpu.vector_load_idx %arg10[%get3A_1486] : memref<1000xf32, #tpu.memory_space<vmem>>[vector<16xi32>], vector<16xf32>,
    %add3A_1490 = arith.constant 16 : i32
    %add3A_1491 = vector.broadcast %add3A_1490 : i32 to vector<16xi32>
    %add3A_1492 = arith.addi %iota3A, %add3A_1491 : vector<16xi32>
    %gather3A_1493 = arith.constant 0 : i32
    %gather3A_1494 = arith.constant 0 : i32
    %gather3A_1495 = arith.constant 0 : i32
    %gather3A_1496 = tpu.memref_slice %arg11[%gather3A_1493, %gather3A_1494, %gather3A_1495] : memref<2x32x1024xf32, #tpu.memory_space<vmem>> -> memref<1x32x1024xf32, #tpu.memory_space<vmem>>
    %gather3A_1497 = tpu.memref_squeeze %gather3A_1496 : memref<1x32x1024xf32, #tpu.memory_space<vmem>> -> memref<32x1024xf32, #tpu.memory_space<vmem>>
    %gather3A_1498 = tpu.vector_load_idx %gather3A_1497[%add3A_1492, %get3A_1488] : memref<32x1024xf32, #tpu.memory_space<vmem>>[vector<16xi32>, vector<16xi32>], vector<16xf32>,
    %sub3A_1499 = arith.subf %gather3A_1489, %gather3A_1498 : vector<16xf32>
    %add3A_1500 = arith.addf %add3A_1484, %sub3A_1499 : vector<16xf32>
    %add3A_1501 = arith.constant 576 : i32
    %add3A_1502 = arith.addi %mul3A_2, %add3A_1501 : i32
    %dma_start3A_1503 = arith.constant 0 : i32
    %dma_start3A_1504 = arith.constant 0 : i32
    %dma_start3A_1505 = arith.constant 0 : i32
    %dma_start3A_1506 = tpu.memref_slice %arg11[%dma_start3A_1503, %dma_start3A_1504, %dma_start3A_1505] : memref<2x32x1024xf32, #tpu.memory_space<vmem>> -> memref<1x32x1024xf32, #tpu.memory_space<vmem>>
    %dma_start3A_1507 = tpu.memref_squeeze %dma_start3A_1506 : memref<1x32x1024xf32, #tpu.memory_space<vmem>> -> memref<32x1024xf32, #tpu.memory_space<vmem>>
    %dma_start3A_1508 = arith.constant 0 : i32
    %dma_start3A_1509 = tpu.memref_slice %arg6[%add3A_1502, %dma_start3A_1508] : memref<20480x1024xf32, #tpu.memory_space<hbm>> -> memref<32x1024xf32, #tpu.memory_space<hbm>>
    %dma_start3A_1510 = arith.constant 0 : i32
    %dma_start3A_1511 = tpu.memref_slice %arg6[%add3A_1502, %dma_start3A_1510] : memref<20480x1024xf32, #tpu.memory_space<hbm>> -> memref<32x1024xf32, #tpu.memory_space<hbm>>
    %dma_start3A_1512 = arith.constant 0 : i32
    %dma_start3A_1513 = arith.constant 0 : i32
    %dma_start3A_1514 = tpu.memref_slice %arg11[%dma_start3A_1503, %dma_start3A_1512, %dma_start3A_1513] : memref<2x32x1024xf32, #tpu.memory_space<vmem>> -> memref<1x32x1024xf32, #tpu.memory_space<vmem>>
    %dma_start3A_1515 = tpu.memref_squeeze %dma_start3A_1514 : memref<1x32x1024xf32, #tpu.memory_space<vmem>> -> memref<32x1024xf32, #tpu.memory_space<vmem>>
    tpu.enqueue_dma source(%dma_start3A_1515 : memref<32x1024xf32, #tpu.memory_space<vmem>>) target(%dma_start3A_1511 : memref<32x1024xf32, #tpu.memory_space<hbm>>) target_semaphore(%arg15 : memref<!tpu.dma_semaphore, #tpu.memory_space<semaphore_mem>>)
    %dma_wait3A_1516 = arith.constant 1 : i32
    %dma_wait3A_1517 = arith.constant 0 : i32
    %dma_wait3A_1518 = arith.constant 0 : i32
    %dma_wait3A_1519 = tpu.memref_slice %arg11[%dma_wait3A_1516, %dma_wait3A_1517, %dma_wait3A_1518] : memref<2x32x1024xf32, #tpu.memory_space<vmem>> -> memref<1x32x1024xf32, #tpu.memory_space<vmem>>
    %dma_wait3A_1520 = tpu.memref_squeeze %dma_wait3A_1519 : memref<1x32x1024xf32, #tpu.memory_space<vmem>> -> memref<32x1024xf32, #tpu.memory_space<vmem>>
    %dma_wait3A_1521 = arith.constant 608 : i32
    %dma_wait3A_1522 = tpu.memref_slice %arg8[%dma_wait3A_1521] : memref<640xi32, #tpu.memory_space<vmem>> -> memref<32xi32, #tpu.memory_space<vmem>>
    %dma_wait3A_1523 = arith.constant 0 : i32
    %dma_wait3A_1524 = arith.constant 0 : i32
    %dma_wait3A_1525 = tpu.memref_slice %arg2[%dma_wait3A_1523, %dma_wait3A_1524] : memref<1000x1024xf32, #tpu.memory_space<hbm>> -> memref<1000x1024xf32, #tpu.memory_space<hbm>>
    tpu.wait_indirect_dma semaphore(%arg14 : memref<!tpu.dma_semaphore, #tpu.memory_space<semaphore_mem>>) src(%dma_wait3A_1525 : memref<1000x1024xf32, #tpu.memory_space<hbm>>) dst(%dma_wait3A_1520 : memref<32x1024xf32, #tpu.memory_space<vmem>>)
    %get3A_1526 = arith.constant 608 : index
    %get3A_1527 = tpu.vector_load %arg8[%get3A_1526] {strides = array<i32>} : memref<640xi32, #tpu.memory_space<vmem>>, vector<16xi32>,
    %get3A_1528 = arith.constant 608 : index
    %get3A_1529 = tpu.vector_load %arg9[%get3A_1528] {strides = array<i32>} : memref<640xi32, #tpu.memory_space<vmem>>, vector<16xi32>,
    %gather3A_1530 = tpu.vector_load_idx %arg10[%get3A_1527] : memref<1000xf32, #tpu.memory_space<vmem>>[vector<16xi32>], vector<16xf32>,
    %add3A_1531 = arith.constant 0 : i32
    %add3A_1532 = vector.broadcast %add3A_1531 : i32 to vector<16xi32>
    %add3A_1533 = arith.addi %iota3A, %add3A_1532 : vector<16xi32>
    %gather3A_1534 = arith.constant 1 : i32
    %gather3A_1535 = arith.constant 0 : i32
    %gather3A_1536 = arith.constant 0 : i32
    %gather3A_1537 = tpu.memref_slice %arg11[%gather3A_1534, %gather3A_1535, %gather3A_1536] : memref<2x32x1024xf32, #tpu.memory_space<vmem>> -> memref<1x32x1024xf32, #tpu.memory_space<vmem>>
    %gather3A_1538 = tpu.memref_squeeze %gather3A_1537 : memref<1x32x1024xf32, #tpu.memory_space<vmem>> -> memref<32x1024xf32, #tpu.memory_space<vmem>>
    %gather3A_1539 = tpu.vector_load_idx %gather3A_1538[%add3A_1533, %get3A_1529] : memref<32x1024xf32, #tpu.memory_space<vmem>>[vector<16xi32>, vector<16xi32>], vector<16xf32>,
    %sub3A_1540 = arith.subf %gather3A_1530, %gather3A_1539 : vector<16xf32>
    %add3A_1541 = arith.addf %add3A_1500, %sub3A_1540 : vector<16xf32>
    %get3A_1542 = arith.constant 624 : index
    %get3A_1543 = tpu.vector_load %arg8[%get3A_1542] {strides = array<i32>} : memref<640xi32, #tpu.memory_space<vmem>>, vector<16xi32>,
    %get3A_1544 = arith.constant 624 : index
    %get3A_1545 = tpu.vector_load %arg9[%get3A_1544] {strides = array<i32>} : memref<640xi32, #tpu.memory_space<vmem>>, vector<16xi32>,
    %gather3A_1546 = tpu.vector_load_idx %arg10[%get3A_1543] : memref<1000xf32, #tpu.memory_space<vmem>>[vector<16xi32>], vector<16xf32>,
    %add3A_1547 = arith.constant 16 : i32
    %add3A_1548 = vector.broadcast %add3A_1547 : i32 to vector<16xi32>
    %add3A_1549 = arith.addi %iota3A, %add3A_1548 : vector<16xi32>
    %gather3A_1550 = arith.constant 1 : i32
    %gather3A_1551 = arith.constant 0 : i32
    %gather3A_1552 = arith.constant 0 : i32
    %gather3A_1553 = tpu.memref_slice %arg11[%gather3A_1550, %gather3A_1551, %gather3A_1552] : memref<2x32x1024xf32, #tpu.memory_space<vmem>> -> memref<1x32x1024xf32, #tpu.memory_space<vmem>>
    %gather3A_1554 = tpu.memref_squeeze %gather3A_1553 : memref<1x32x1024xf32, #tpu.memory_space<vmem>> -> memref<32x1024xf32, #tpu.memory_space<vmem>>
    %gather3A_1555 = tpu.vector_load_idx %gather3A_1554[%add3A_1549, %get3A_1545] : memref<32x1024xf32, #tpu.memory_space<vmem>>[vector<16xi32>, vector<16xi32>], vector<16xf32>,
    %sub3A_1556 = arith.subf %gather3A_1546, %gather3A_1555 : vector<16xf32>
    %add3A_1557 = arith.addf %add3A_1541, %sub3A_1556 : vector<16xf32>
    %add3A_1558 = arith.constant 608 : i32
    %add3A_1559 = arith.addi %mul3A_2, %add3A_1558 : i32
    %dma_start3A_1560 = arith.constant 1 : i32
    %dma_start3A_1561 = arith.constant 0 : i32
    %dma_start3A_1562 = arith.constant 0 : i32
    %dma_start3A_1563 = tpu.memref_slice %arg11[%dma_start3A_1560, %dma_start3A_1561, %dma_start3A_1562] : memref<2x32x1024xf32, #tpu.memory_space<vmem>> -> memref<1x32x1024xf32, #tpu.memory_space<vmem>>
    %dma_start3A_1564 = tpu.memref_squeeze %dma_start3A_1563 : memref<1x32x1024xf32, #tpu.memory_space<vmem>> -> memref<32x1024xf32, #tpu.memory_space<vmem>>
    %dma_start3A_1565 = arith.constant 0 : i32
    %dma_start3A_1566 = tpu.memref_slice %arg6[%add3A_1559, %dma_start3A_1565] : memref<20480x1024xf32, #tpu.memory_space<hbm>> -> memref<32x1024xf32, #tpu.memory_space<hbm>>
    %dma_start3A_1567 = arith.constant 0 : i32
    %dma_start3A_1568 = tpu.memref_slice %arg6[%add3A_1559, %dma_start3A_1567] : memref<20480x1024xf32, #tpu.memory_space<hbm>> -> memref<32x1024xf32, #tpu.memory_space<hbm>>
    %dma_start3A_1569 = arith.constant 0 : i32
    %dma_start3A_1570 = arith.constant 0 : i32
    %dma_start3A_1571 = tpu.memref_slice %arg11[%dma_start3A_1560, %dma_start3A_1569, %dma_start3A_1570] : memref<2x32x1024xf32, #tpu.memory_space<vmem>> -> memref<1x32x1024xf32, #tpu.memory_space<vmem>>
    %dma_start3A_1572 = tpu.memref_squeeze %dma_start3A_1571 : memref<1x32x1024xf32, #tpu.memory_space<vmem>> -> memref<32x1024xf32, #tpu.memory_space<vmem>>
    tpu.enqueue_dma source(%dma_start3A_1572 : memref<32x1024xf32, #tpu.memory_space<vmem>>) target(%dma_start3A_1568 : memref<32x1024xf32, #tpu.memory_space<hbm>>) target_semaphore(%arg16 : memref<!tpu.dma_semaphore, #tpu.memory_space<semaphore_mem>>)
    %dma_wait3A_1573 = arith.constant 0 : i32
    %dma_wait3A_1574 = arith.constant 0 : i32
    %dma_wait3A_1575 = arith.constant 0 : i32
    %dma_wait3A_1576 = tpu.memref_slice %arg11[%dma_wait3A_1573, %dma_wait3A_1574, %dma_wait3A_1575] : memref<2x32x1024xf32, #tpu.memory_space<vmem>> -> memref<1x32x1024xf32, #tpu.memory_space<vmem>>
    %dma_wait3A_1577 = tpu.memref_squeeze %dma_wait3A_1576 : memref<1x32x1024xf32, #tpu.memory_space<vmem>> -> memref<32x1024xf32, #tpu.memory_space<vmem>>
    %dma_wait3A_1578 = arith.constant 0 : i32
    %dma_wait3A_1579 = tpu.memref_slice %arg6[%add3A_1502, %dma_wait3A_1578] : memref<20480x1024xf32, #tpu.memory_space<hbm>> -> memref<32x1024xf32, #tpu.memory_space<hbm>>
    %dma_wait3A_1580 = arith.constant 0 : i32
    %dma_wait3A_1581 = tpu.memref_slice %arg6[%add3A_1502, %dma_wait3A_1580] : memref<20480x1024xf32, #tpu.memory_space<hbm>> -> memref<32x1024xf32, #tpu.memory_space<hbm>>
    %dma_wait3A_1582 = arith.constant 0 : i32
    %dma_wait3A_1583 = arith.constant 0 : i32
    %dma_wait3A_1584 = tpu.memref_slice %arg11[%dma_wait3A_1573, %dma_wait3A_1582, %dma_wait3A_1583] : memref<2x32x1024xf32, #tpu.memory_space<vmem>> -> memref<1x32x1024xf32, #tpu.memory_space<vmem>>
    %dma_wait3A_1585 = tpu.memref_squeeze %dma_wait3A_1584 : memref<1x32x1024xf32, #tpu.memory_space<vmem>> -> memref<32x1024xf32, #tpu.memory_space<vmem>>
    tpu.wait_dma2 semaphore(%arg15 : memref<!tpu.dma_semaphore, #tpu.memory_space<semaphore_mem>>) src(%dma_wait3A_1585 : memref<32x1024xf32, #tpu.memory_space<vmem>>) dst(%dma_wait3A_1581 : memref<32x1024xf32, #tpu.memory_space<hbm>>)
    %dma_wait3A_1586 = arith.constant 1 : i32
    %dma_wait3A_1587 = arith.constant 0 : i32
    %dma_wait3A_1588 = arith.constant 0 : i32
    %dma_wait3A_1589 = tpu.memref_slice %arg11[%dma_wait3A_1586, %dma_wait3A_1587, %dma_wait3A_1588] : memref<2x32x1024xf32, #tpu.memory_space<vmem>> -> memref<1x32x1024xf32, #tpu.memory_space<vmem>>
    %dma_wait3A_1590 = tpu.memref_squeeze %dma_wait3A_1589 : memref<1x32x1024xf32, #tpu.memory_space<vmem>> -> memref<32x1024xf32, #tpu.memory_space<vmem>>
    %dma_wait3A_1591 = arith.constant 0 : i32
    %dma_wait3A_1592 = tpu.memref_slice %arg6[%add3A_1559, %dma_wait3A_1591] : memref<20480x1024xf32, #tpu.memory_space<hbm>> -> memref<32x1024xf32, #tpu.memory_space<hbm>>
    %dma_wait3A_1593 = arith.constant 0 : i32
    %dma_wait3A_1594 = tpu.memref_slice %arg6[%add3A_1559, %dma_wait3A_1593] : memref<20480x1024xf32, #tpu.memory_space<hbm>> -> memref<32x1024xf32, #tpu.memory_space<hbm>>
    %dma_wait3A_1595 = arith.constant 0 : i32
    %dma_wait3A_1596 = arith.constant 0 : i32
    %dma_wait3A_1597 = tpu.memref_slice %arg11[%dma_wait3A_1586, %dma_wait3A_1595, %dma_wait3A_1596] : memref<2x32x1024xf32, #tpu.memory_space<vmem>> -> memref<1x32x1024xf32, #tpu.memory_space<vmem>>
    %dma_wait3A_1598 = tpu.memref_squeeze %dma_wait3A_1597 : memref<1x32x1024xf32, #tpu.memory_space<vmem>> -> memref<32x1024xf32, #tpu.memory_space<vmem>>
    tpu.wait_dma2 semaphore(%arg16 : memref<!tpu.dma_semaphore, #tpu.memory_space<semaphore_mem>>) src(%dma_wait3A_1598 : memref<32x1024xf32, #tpu.memory_space<vmem>>) dst(%dma_wait3A_1594 : memref<32x1024xf32, #tpu.memory_space<hbm>>)
    %swap3A = arith.constant 0 : index
    %swap3A_1599 = tpu.vector_load %arg12[%swap3A] {strides = array<i32>} : memref<16xf32, #tpu.memory_space<vmem>>, vector<16xf32>,
    tpu.vector_store %arg12[%swap3A], %add3A_1557 {strides = array<i32>} : memref<16xf32, #tpu.memory_space<vmem>>, vector<16xf32>,
    %mul3A_1600 = arith.constant 16 : i32
    %mul3A_1601 = arith.muli %add3A, %mul3A_1600 : i32
    "tpu.region"() ({
      %run_scoped3A = tpu.sem_alloc : memref<!tpu.dma_semaphore, #tpu.memory_space<semaphore_mem>>
      %dma_start3A_1602 = tpu.memref_slice %arg7[%mul3A_1601] : memref<512xf32, #tpu.memory_space<hbm>> -> memref<16xf32, #tpu.memory_space<hbm>>
      %dma_start3A_1603 = tpu.memref_slice %arg7[%mul3A_1601] : memref<512xf32, #tpu.memory_space<hbm>> -> memref<16xf32, #tpu.memory_space<hbm>>
      tpu.enqueue_dma source(%arg12 : memref<16xf32, #tpu.memory_space<vmem>>) target(%dma_start3A_1603 : memref<16xf32, #tpu.memory_space<hbm>>) target_semaphore(%run_scoped3A : memref<!tpu.dma_semaphore, #tpu.memory_space<semaphore_mem>>)
      %dma_wait3A_1604 = tpu.memref_slice %arg7[%mul3A_1601] : memref<512xf32, #tpu.memory_space<hbm>> -> memref<16xf32, #tpu.memory_space<hbm>>
      %dma_wait3A_1605 = tpu.memref_slice %arg7[%mul3A_1601] : memref<512xf32, #tpu.memory_space<hbm>> -> memref<16xf32, #tpu.memory_space<hbm>>
      tpu.wait_dma2 semaphore(%run_scoped3A : memref<!tpu.dma_semaphore, #tpu.memory_space<semaphore_mem>>) src(%arg12 : memref<16xf32, #tpu.memory_space<vmem>>) dst(%dma_wait3A_1605 : memref<16xf32, #tpu.memory_space<hbm>>)
      tpu.yield
    }) : () -> ()
    return
  }
}

module attributes {stable_mosaic.version = 14 : i64} {
  func.func @_loss_body(%arg0: memref<32x16xf32, #tpu.memory_space<vmem>>, %arg1: memref<1x1xf32, #tpu.memory_space<vmem>>) attributes {dimension_semantics = [], scalar_prefetch = 0 : i64, scratch_operands = 0 : i64, tpu.core_type = #tpu.core_type<tc>} {
    %broadcast_in_dim3A = arith.constant 4.88281257E-5 : f32
    %broadcast_in_dim3A_0 = vector.broadcast %broadcast_in_dim3A : f32 to vector<1x1xf32>
    %get3A = arith.constant 0 : index
    %get3A_1 = arith.constant 0 : index
    %get3A_2 = vector.load %arg0[%get3A, %get3A_1] : memref<32x16xf32, #tpu.memory_space<vmem>>, vector<32x16xf32>
    %reduce_sum3A = vector.shape_cast %get3A_2 : vector<32x16xf32> to vector<1x32x16xf32>
    %reduce_sum3A_3 = arith.constant dense<0.000000e+00> : vector<1xf32>
    %reduce_sum3A_4 = vector.multi_reduction <add>, %reduce_sum3A, %reduce_sum3A_3 [1, 2] : vector<1x32x16xf32> to vector<1xf32>
    %reduce_sum3A_5 = vector.shape_cast %reduce_sum3A_4 : vector<1xf32> to vector<1x1x1xf32>
    %reduce_sum3A_6 = vector.extract %reduce_sum3A_5[0, 0, 0] : f32 from vector<1x1x1xf32>
    %mul3A = vector.broadcast %reduce_sum3A_6 : f32 to vector<1x1xf32>
    %mul3A_7 = arith.mulf %broadcast_in_dim3A_0, %mul3A : vector<1x1xf32>
    %swap3A = arith.constant 0 : index
    %swap3A_8 = arith.constant 0 : index
    %swap3A_9 = vector.load %arg1[%swap3A, %swap3A_8] : memref<1x1xf32, #tpu.memory_space<vmem>>, vector<1x1xf32>
    tpu.vector_store %arg1[%swap3A, %swap3A_8], %mul3A_7 {strides = array<i32>} : memref<1x1xf32, #tpu.memory_space<vmem>>, vector<1x1xf32>,
    return
  }
}

module attributes {stable_mosaic.version = 14 : i64} {
  func.func @_lse_pad_body(%arg0: memref<1000x1000xf32, #tpu.memory_space<vmem>>, %arg1: memref<1000x1xf32, #tpu.memory_space<vmem>>, %arg2: memref<1000x1024xf32, #tpu.memory_space<vmem>>) attributes {dimension_semantics = [], scalar_prefetch = 0 : i64, scratch_operands = 0 : i64, tpu.core_type = #tpu.core_type<tc>} {
    %get3A = arith.constant 0 : index
    %get3A_0 = arith.constant 0 : index
    %get3A_1 = vector.load %arg0[%get3A, %get3A_0] : memref<1000x1000xf32, #tpu.memory_space<vmem>>, vector<1000x1000xf32>
    %reduce_max3A = arith.constant dense<0xFF800000> : vector<1000xf32>
    %reduce_max3A_2 = vector.multi_reduction <maximumf>, %get3A_1, %reduce_max3A [1] : vector<1000x1000xf32> to vector<1000xf32>
    %broadcast_in_dim3A = vector.shape_cast %reduce_max3A_2 : vector<1000xf32> to vector<1000x1xf32>
    %sub3A = vector.broadcast %broadcast_in_dim3A : vector<1000x1xf32> to vector<1000x1000xf32>
    %sub3A_3 = arith.subf %get3A_1, %sub3A : vector<1000x1000xf32>
    %exp3A = math.exp %sub3A_3 : vector<1000x1000xf32>
    %reduce_sum3A = arith.constant dense<0.000000e+00> : vector<1000xf32>
    %reduce_sum3A_4 = vector.multi_reduction <add>, %exp3A, %reduce_sum3A [1] : vector<1000x1000xf32> to vector<1000xf32>
    %broadcast_in_dim3A_5 = vector.shape_cast %reduce_sum3A_4 : vector<1000xf32> to vector<1000x1xf32>
    %log3A = math.log %broadcast_in_dim3A_5 : vector<1000x1xf32>
    %add3A = arith.addf %broadcast_in_dim3A, %log3A : vector<1000x1xf32>
    %swap3A = arith.constant 0 : index
    %swap3A_6 = arith.constant 0 : index
    %swap3A_7 = vector.load %arg1[%swap3A, %swap3A_6] : memref<1000x1xf32, #tpu.memory_space<vmem>>, vector<1000x1xf32>
    tpu.vector_store %arg1[%swap3A, %swap3A_6], %add3A {strides = array<i32>} : memref<1000x1xf32, #tpu.memory_space<vmem>>, vector<1000x1xf32>,
    %jit3A = arith.constant 0 : i32
    %convert_element_type3A = arith.sitofp %jit3A : i32 to f32
    %pad3A = vector.broadcast %convert_element_type3A : f32 to vector<1000x24xf32>
    %pad3A_8 = tpu.concatenate %get3A_1, %pad3A in 1 : vector<1000x1000xf32>, vector<1000x24xf32> -> vector<1000x1024xf32>
    %swap3A_9 = arith.constant 0 : index
    %swap3A_10 = arith.constant 0 : index
    %swap3A_11 = vector.load %arg2[%swap3A_9, %swap3A_10] : memref<1000x1024xf32, #tpu.memory_space<vmem>>, vector<1000x1024xf32>
    tpu.vector_store %arg2[%swap3A_9, %swap3A_10], %pad3A_8 {strides = array<i32>} : memref<1000x1024xf32, #tpu.memory_space<vmem>>, vector<1000x1024xf32>,
    return
  }
}

</mosaic_0001>

<sc_bundles>
// kernel: kernel.5.cloned.1.call-start
scs
__scs_entry_jumppad:
0x0: {  	(pc) =	sbr.rel $0x88, $3  }
0x1: {  	(tag) =	ssettag $0x0;
	lr =	simm.s32 $0x1  }
0x2: {  	[smem:$0x3F9E] =	sst lr;
	_ =	strace $0xD0000000  }
0x3: {  	_ = 	snop  }
0x4: {  	_ = 	snop  }
0x5: {  	_ = 	snop  }
0x6: {  	_ = 	snop  }
0x7: {  	_ = 	snop  }
__scs_overlays_trampoline_lowered:
0x8: {  	[smem:$0x3FAD] =	sst s0  }
0x9: {  	[smem:$0x3FAE] =	sst s1  }
0xa: {  	[smem:$0x3FAF] =	sst s2  }
0xb: {  	[smem:$0x3FB0] =	sst s3  }
0xc: {  	[smem:$0x3FB1] =	sst s4  }
0xd: {  	[smem:$0x3FB2] =	sst s5  }
0xe: {  	[smem:$0x3FB3] =	sst s6  }
0xf: {  	[smem:$0x3FB4] =	sst s7  }
0x10: {  	[smem:$0x3FB5] =	sst s8  }
0x11: {  	[smem:$0x3FB6] =	sst s9;
	s0 =	simm.s32 @!p0 $0x0  }
0x12: {  	s1 =	sld [smem:$0x3F9C];
	s0 =	simm.s32 @p0 $0x1  }
0x13: {  	[smem:$0x3FB7] =	sst s0;
	s0 =	simm.s32 @!p1 $0x0  }
0x14: {  	s2 =	sld [smem:$0x3F9B];
	s0 =	simm.s32 @p1 $0x1  }
0x15: {  	[smem:$0x3FB8] =	sst s0;
	s0 =	simm.s32 @!p2 $0x0  }
0x16: {  	s3 =	sld [smem:$0x3FDB];
	s0 =	simm.s32 @p2 $0x1  }
0x17: {  	s4 =	simm.s32 $0x1BF5;
	[smem:$0x3FBA] =	sst s0  }
0x18: {  	s0 =	sld [smem:$0x3F9D];
	_ =	swait.ge [sflag:s4], $0x0  }
0x19: {  	s7 =	sld [smem:$0x3F9E]  }
0x1a: {  	s8 =	sadd.s32 $0xFFFFE003, lr  }
0x1b: {  	s9 =	sadd.s32 $0xFFFFFEF7, lr;
	s5 =	simm.s32 $0xFFFFFFFF;
	p2 =	slt.u32 s8, $0xFFFFF086  }
0x1c: {  	p1 =	slt.u32 s9, $0xF7A;
	s5 =	simm.s32 @!p2 $0x0  }
0x1d: {  	s5 =	simm.s32 @p1 $0x1;
	p0 =	seq.s32 s7, s2  }
0x1e: {  	s7 =	smul.u32 @!p0 $0xF7A, s2;
	p2 =	seq.s32 @!p0 s5, $0x0  }
0x1f: {  	s9 =	smul.u32 $0xF7A, s1;
	s8 =	simm.s32 @!p0 $0x1BF5;
	p2 =	por !p2, p0  }
0x20: {  	[sflag:s8] =	ssyncset.s32 @!p0 $0xFFFFF086;
	s6 =	sadd.s32 @!p0 s3, s7;
	s7 =	simm.s32 @!p0 $0x108  }
0x21: {  	s3 =	sadd.s32 s3, s9;
	s6 =	sadd.s32 @!p0 $0x88, s6;
	s7 =	simm.s32 @p2 $0x1082  }
0x22: {  	[simem:s7], [sflag:s8] =	dma.local @!p0 [hbm:s6], $0xF7A  }
0x23: {  	s9 =	sor.u32 $0xD0000000, s2;
	s6 =	simm.s32 $0x108;
	_ =	swait.ge @!p0 [sflag:s8], $0x0  }
0x24: {  	s3 =	sadd.s32 $0x88, s3;
	s6 =	simm.s32 @!p1 $0x1082;
	[sflag:s4] =	ssyncset.s32 $0xFFFFF086  }
0x25: {  	[simem:s6], [sflag:s4] =	dma.local [hbm:s3], $0xF7A  }
0x26: {  	[smem:$0x3F9E] =	sst s1;
	(tag) =	ssettag s2;
	_ =	strace s9  }
0x27: {  	s1 =	sld [smem:$0x3FAE]  }
0x28: {  	s2 =	sld [smem:$0x3FAF]  }
0x29: {  	s4 =	sld [smem:$0x3FB1]  }
0x2a: {  	p0 =	seq.s32 s5, $0x0;
	s5 =	sld [smem:$0x3FB2]  }
0x2b: {  	s6 =	sld [smem:$0x3FB3]  }
0x2c: {  	s7 =	sld [smem:$0x3FB4]  }
0x2d: {  	s3 =	simm.s32 $0x108;
	s8 =	sld [smem:$0x3FB5]  }
0x2e: {  	s3 =	simm.s32 @!p0 $0x1082;
	s9 =	sld [smem:$0x3FB6]  }
0x2f: {  	lr =	sadd.s32 s0, s3;
	s0 =	sld [smem:$0x3FAD]  }
0x30: {  	s3 =	sld [smem:$0x3FB0]  }
0x31: {  	[smem:$0x3FB9] =	sst s10  }
0x32: {  	s10 =	sld [smem:$0x3FB7];
	_ =	sdelay $0x3  }
0x33: {  	p0 =	seq.s32 s10, $0x1;
	s10 =	sld [smem:$0x3FB9];
	_ =	sdelay $0x3  }
0x34: {  	[smem:$0x3FB9] =	sst s10  }
0x35: {  	s10 =	sld [smem:$0x3FB8];
	_ =	sdelay $0x3  }
0x36: {  	p1 =	seq.s32 s10, $0x1;
	s10 =	sld [smem:$0x3FB9];
	_ =	sdelay $0x3  }
0x37: {  	[smem:$0x3FB9] =	sst s10  }
0x38: {  	s10 =	sld [smem:$0x3FBA]  }
0x39: {  	_ = 	snop;
	(pc) =	sbr.ind lr, $3  }
0x3a: {  	_ = 	snop  }
0x3b: {  	_ = 	snop  }
0x3c: {  	p2 =	seq.s32 s10, $0x1;
	s10 =	sld [smem:$0x3FB9]  }
0x3d: {  	_ =	shalt  }
0x3e: {  	_ =	shalt  }
0x3f: {  	_ =	shalt  }
0x40: {  	_ =	shalt  }
0x41: {  	_ =	shalt  }
0x42: {  	_ =	shalt  }
0x43: {  	_ =	shalt  }
0x44: {  	_ =	shalt  }
0x45: {  	_ =	shalt  }
0x46: {  	_ =	shalt  }
0x47: {  	_ =	shalt  }
0x48: {  	_ =	shalt  }
0x49: {  	_ =	shalt  }
0x4a: {  	_ =	shalt  }
0x4b: {  	_ =	shalt  }
0x4c: {  	_ =	shalt  }
0x4d: {  	_ =	shalt  }
0x4e: {  	_ =	shalt  }
0x4f: {  	_ =	shalt  }
0x50: {  	_ =	shalt  }
0x51: {  	_ =	shalt  }
0x52: {  	_ =	shalt  }
0x53: {  	_ =	shalt  }
0x54: {  	_ =	shalt  }
0x55: {  	_ =	shalt  }
0x56: {  	_ =	shalt  }
0x57: {  	_ =	shalt  }
0x58: {  	_ =	shalt  }
0x59: {  	_ =	shalt  }
0x5a: {  	_ =	shalt  }
0x5b: {  	_ =	shalt  }
0x5c: {  	_ =	shalt  }
0x5d: {  	_ =	shalt  }
0x5e: {  	_ =	shalt  }
0x5f: {  	_ =	shalt  }
0x60: {  	_ =	shalt  }
0x61: {  	_ =	shalt  }
0x62: {  	_ =	shalt  }
0x63: {  	_ =	shalt  }
0x64: {  	_ =	shalt  }
0x65: {  	_ =	shalt  }
0x66: {  	_ =	shalt  }
0x67: {  	_ =	shalt  }
0x68: {  	_ =	shalt  }
0x69: {  	_ =	shalt  }
0x6a: {  	_ =	shalt  }
0x6b: {  	_ =	shalt  }
0x6c: {  	_ =	shalt  }
0x6d: {  	_ =	shalt  }
0x6e: {  	_ =	shalt  }
0x6f: {  	_ =	shalt  }
0x70: {  	_ =	shalt  }
0x71: {  	_ =	shalt  }
0x72: {  	_ =	shalt  }
0x73: {  	_ =	shalt  }
0x74: {  	_ =	shalt  }
0x75: {  	_ =	shalt  }
0x76: {  	_ =	shalt  }
0x77: {  	_ =	shalt  }
0x78: {  	_ =	shalt  }
0x79: {  	_ =	shalt  }
0x7a: {  	_ =	shalt  }
0x7b: {  	_ =	shalt  }
0x7c: {  	_ =	shalt  }
0x7d: {  	_ =	shalt  }
0x7e: {  	_ =	shalt  }
0x7f: {  	_ =	shalt  }
0x80: {  	_ =	shalt  }
0x81: {  	_ =	shalt  }
0x82: {  	_ =	shalt  }
0x83: {  	_ =	shalt  }
0x84: {  	_ =	shalt  }
0x85: {  	_ =	shalt  }
0x86: {  	_ =	shalt  }
0x87: {  	_ =	shalt  }
.Lfunc_end0:
.L_simem_size_0:
called_computation.1_lowered:
.L_overlay_start_0:
0x88: {  	s2 =	sld [smem:$0x3FD9]  }
0x89: {  	s3 =	sld [smem:$0x3FFE];
	_ =	sdelay $0x1  }
0x8a: {  	s1 =	srdreg.scid  }
0x8b: {  	s0 =	sand.u32 $0x1, s1  }
0x8c: {  	s14 =	sshll.u32 s0, $0xA;
	s2 =	sadd.s32 s3, s2  }
0x8d: {  	s2 =	sadd.s32 s2, s14  }
0x8e: {  	[smem:$0x3FC5] =	sst s2  }
0x8f: {  	_ = 	snop  }
0x90: {  	s2 =	sld [smem:$0x3FD0];
	_ =	sdelay $0x2  }
0x91: {  	s15 =	simm.s32 $0xA;
	s4 =	simm.s32 $0x10  }
0x92: {  	[smem:s4], [sflag:s15] =	dma.local [hbm:s2], $0x1  }
0x93: {  	_ =	swait.eq [sflag:s15], $0x1  }
0x94: {  	[sflag:s15] =	ssyncset.done $0x0  }
0x95: {  	[sflag:s15] =	ssyncadd.s32 $0xFFFFFFFF  }
0x96: {  	s16 =	sld [smem:$0x10];
	(tm) =	ssettm $0x1  }
0x97: {  	s17 =	sld [smem:$0x3FFB];
	_ =	sdelay $0x3  }
0x98: {  	_ =	strace s17  }
0x99: {  	s3 =	sld [smem:$0x3FFC];
	_ =	sdelay $0x3  }
0x9a: {  	_ =	strace s3  }
0x9b: {  	s3 =	sld [smem:$0x3FFD];
	_ =	sdelay $0x3  }
0x9c: {  	_ =	strace s3  }
0x9d: {  	_ =	strace $0x8FFFFFFF  }
0x9e: {  	s18 =	sld [smem:$0x3FDB];
	_ =	sdelay $0x1  }
0x9f: {  	s19 =	simm.s32 $_scs_section_size  }
0xa0: {  	s5 =	simm.s32 $_size__tile_overlayer_lowered;
	s6 =	simm.s32 $_tile_overlayer_lowered  }
0xa1: {  	s22 =	simm.s32 $0x1BFF;
	s21 =	sshll.u32 s6, $0x1;
	s3 =	sadd.s32 s19, s18  }
0xa2: {  	s7 =	simm.s32 $0x0;
	s20 =	sshll.u32 s5, $0x1;
	s5 =	sadd.s32 s21, s3  }
0xa3: {  	[timem:s7], [sflag:s22] =	dma.local [hbm:s5], s20  }
0xa4: {  	_ =	swait.ge [sflag:s22], s20  }
0xa5: {  	s4 =	ssub.s32 $0x0, s20;
	[sflag:s22] =	ssyncset.done $0x0  }
0xa6: {  	[sflag:s22] =	ssyncadd.s32 s4;
	_ =	sdelay $0x1  }
0xa7: {  	s23 =	simm.s32 $0x1B8B  }
0xa8: {  	_ =	swait.ge [sflag:s23], $0x1  }
0xa9: {  	[sflag:s23] =	ssyncset.done $0x0  }
0xaa: {  	s25 =	simm.s32 $0x1B8E;
	s24 =	sld [smem:$0x3FFE];
	[sflag:s23] =	ssyncadd.s32 $0xFFFFFFFF  }
0xab: {  	s26 =	simm.s32 $execute0_lowered;
	[smem:$0x3FD2] =	sst s25  }
0xac: {  	s5 =	sshll.u32 s26, $0x1;
	_ =	strace $0x80000046;
	[dreg:$0x1] =	wrdreg $0xFFFFFFFF  }
0xad: {  	s28 =	simm.s32 $_size_execute0_lowered;
	s3 =	sadd.s32 s3, s5;
	[dreg:$0x0] =	wrdreg $0x0  }
0xae: {  	s5 =	sshll.u32 s28, $0x1;
	[dreg:$0x2] =	wrdreg s3  }
0xaf: {  	[dreg:$0x3] =	wrdreg s5  }
0xb0: {  	[dreg:$0x4] =	wrdreg $0xC0  }
0xb1: {  	_ =	task [dreg:s7], $0x5FFFF  }
0xb2: {  	[dreg:$0x1] =	wrdreg $0xFFFFFFFF  }
0xb3: {  	[dreg:$0x0] =	wrdreg $0x60  }
0xb4: {  	[dreg:$0x2] =	wrdreg s16  }
0xb5: {  	[dreg:$0x3] =	wrdreg s24  }
0xb6: {  	[dreg:$0x4] =	wrdreg $0x9  }
0xb7: {  	_ =	task.clear_ibuf [dreg:s7], $0x5FFFF;
	_ =	strace $0x90000046  }
0xb8: {  	s29 =	simm.s32 $0x9;
	_ =	strace $0x80000048  }
0xb9: {  	_ =	swait.ge [sflag:s29], $0x1  }
0xba: {  	[sflag:s29] =	ssyncadd.s32 $0xFFFFFFFF  }
0xbb: {  	_ =	strace $0x90000048  }
0xbc: {  	_ =	sfence  }
0xbd: {  	s30 =	sld [smem:$0x0];
	_ =	sdelay $0x2  }
0xbe: {  	s31 =	sshll.u32 s1, $0xD;
	s1 =	sshrl.u32 s1, $0x2  }
0xbf: {  	s3 =	sand.u32 $0x4000, s31;
	s1 =	sadd.s32 s1, s30  }
0xc0: {  	s0 =	sor.u32 s3, s0;
	s1 =	sshll.u32 s1, $0x11  }
0xc1: {  	s0 =	sor.u32 s1, s0  }
0xc2: {  	s0 =	sadd.s32 $0x8F2B, s0  }
0xc3: {  	[sflag:s0] =	ssyncadd.remote.s32 $0x1  }
0xc4: {  	_ =	sfence.sel $0xFFFF  }
0xc5: {  	[dreg:$0x0] =	wrdreg $0xFFFFFFFF;
	(pc) =	sbr.abs _section_cstart, $3  }
0xc6: {  	[dreg:$0x1] =	wrdreg $0xFFFFFFFF  }
0xc7: {  	_ =	task.clear_ibuf [dreg:s7], $0x2FFFF;
	_ =	strace $0x9FFFFFFF  }
0xc8: {  	(tm) =	ssettm $0x7FFFFFFF  }
0xc9: {  	_ =	shalt  }
tec
execute0_lowered:
.L_overlay_start_1:
0x0: {  	(tag) =	ssettag $0x1  }
0x1: {  	s0 =	srdreg.scid;
	s1 =	stileid.u32  }
0x2: {  	s2 =	rddreg [dreg:$0x0];
	s0 =	sand.u32 $0x1, s0;
	s1 =	sshll.u32 s1, $0x1  }
0x3: {  	s4 =	rddreg [dreg:$0x1];
	s3 =	simm.s32 $0x0;
	s1 =	sor.u32 s0, s1  }
0x4: {  	[smem:$0x7FF] =	sst s3;
	s5 =	smul.u32 $0x50, s1  }
0x5: {  	s6 =	sadd.s32 $0x2400, s4;
	s8 =	sadd.s32 $0x2800, s4;
	s7 =	smul.u32 $0x14000, s1  }
0x6: {  	_ =	strace $0x80000047;
	s26 =	smul.u32 $0xA0000, s1;
	s1 =	sshll.u32 s1, $0x1  }
0x7: {  	[dreg:$0x3] =	wrdreg s6;
	s1 =	sadd.s32 s1, s4;
	s7 =	sadd.s32 s8, s7  }
0x8: {  	s5 =	sadd.s32 s5, s4;
	s1 =	sadd.s32 $0x2600, s1;
	[dreg:$0x1c] =	wrdreg s7  }
0x9: {  	s25 =	sadd.s32 $0x1000, s5;
	[dreg:$0x19] =	wrdreg s1  }
0xa: {  	s5 =	sadd.s32 $0x1A00, s5;
	[dreg:$0x4] =	wrdreg s25  }
0xb: {  	s30 =	sadd.s32 $0x1000, s7;
	[dreg:$0x5] =	wrdreg s5  }
0xc: {  	s6 =	sshrl.u32 s26, $0x3;
	s31 =	sadd.s32 $0x2000, s7;
	[dreg:$0x6] =	wrdreg s30  }
0xd: {  	s9 =	sadd.s32 $0x3000, s7;
	s6 =	sadd.s32 s8, s6;
	[dreg:$0x7] =	wrdreg s31  }
0xe: {  	[dreg:$0x8] =	wrdreg s9;
	s10 =	sadd.s32 $0x4000, s6  }
0xf: {  	v2 =	vlaneseq.u32;
	vm0 =	vmmov $0xffff;
	s11 =	sadd.s32 $0x5000, s6;
	[dreg:$0x9] =	wrdreg s10  }
0x10: {  	v3 =	vimm.s32 $0x2380;
	vm1 =	vcmask $0x300;
	v4 =	vimm.s32 $0x6380;
	s12 =	sadd.s32 $0x6000, s6;
	[dreg:$0xa] =	wrdreg s11  }
0x11: {  	vm2 =	vcmask $0x704;
	v1 =	vshrl.u32 v2, $0x3;
	v0 =	vand.u32 $0x7, v2;
	s13 =	sadd.s32 $0x7000, s6;
	[dreg:$0xb] =	wrdreg s12  }
0x12: {  	v3 =	vsel vm1, $0x0, v3;
	v4 =	vsel vm1, $0x4000, v4;
	vm1 =	vcmask $0xB08;
	s14 =	sadd.s32 $0x8000, s6;
	[dreg:$0xc] =	wrdreg s13  }
0x13: {  	v2 =	vor.u32 $0x8, v2;
	v3 =	vsel vm2, $0x80, v3;
	v4 =	vsel vm2, $0x4080, v4;
	s15 =	sadd.s32 $0x9000, s6;
	[dreg:$0xd] =	wrdreg s14  }
0x14: {  	s28 =	simm.s32 $0x1;
	vm2 =	vcmask $0xF0C;
	v3 =	vsel vm1, $0x100, v3;
	v4 =	vsel vm1, $0x4100, v4;
	s16 =	sadd.s32 $0xA000, s6;
	[dreg:$0xe] =	wrdreg s15  }
0x15: {  	s29 =	simm.s32 $0x8900;
	vm1 =	vcmask $0x1310;
	v3 =	vsel vm2, $0x180, v3;
	v4 =	vsel vm2, $0x4180, v4;
	s17 =	sadd.s32 $0xB000, s6;
	[dreg:$0xf] =	wrdreg s16  }
0x16: {  	s0 =	ssub.s32 $0x2, s0;
	vm2 =	vcmask $0x1714;
	v3 =	vsel vm1, $0x200, v3;
	v4 =	vsel vm1, $0x4200, v4;
	s18 =	sadd.s32 $0xC000, s6;
	[dreg:$0x10] =	wrdreg s17  }
0x17: {  	s23 =	sshrl.u32 s0, $0x1;
	vm1 =	vcmask $0x1B18;
	v3 =	vsel vm2, $0x280, v3;
	v4 =	vsel vm2, $0x4280, v4;
	s19 =	sadd.s32 $0xD000, s6;
	[dreg:$0x11] =	wrdreg s18  }
0x18: {  	s0 =	ssub.s32 s0, s23;
	vm2 =	vcmask $0x1F1C;
	s20 =	sadd.s32 $0xE000, s6;
	v3 =	vsel vm1, $0x300, v3;
	v4 =	vsel vm1, $0x4300, v4;
	[dreg:$0x12] =	wrdreg s19  }
0x19: {  	s23 =	simm.s32 $0x3;
	s21 =	sadd.s32 $0xF000, s6;
	vm1 =	vcmask $0x2320;
	[dreg:$0x13] =	wrdreg s20;
	v3 =	vsel vm2, $0x380, v3;
	v4 =	vsel vm2, $0x4380, v4  }
0x1a: {  	s4 =	smax.u32 s0, $0x1;
	s22 =	sadd.s32 $0x10000, s6;
	[dreg:$0x14] =	wrdreg s21;
	vm2 =	vcmask $0x2724;
	v3 =	vsel vm1, $0x2000, v3;
	v4 =	vsel vm1, $0x6000, v4  }
0x1b: {  	s7 =	sadd.s32 $0x300, s2;
	s24 =	sadd.s32 $0x11000, s6;
	[dreg:$0x15] =	wrdreg s22;
	vm1 =	vcmask $0x2B28;
	v3 =	vsel vm2, $0x2080, v3;
	v4 =	vsel vm2, $0x6080, v4  }
0x1c: {  	s25 =	sadd.s32 $0x12000, s6;
	s5 =	sadd.s32 $0x100, s2;
	[dreg:$0x16] =	wrdreg s24;
	vm2 =	vcmask $0x2F2C;
	v3 =	vsel vm1, $0x2100, v3;
	v4 =	vsel vm1, $0x6100, v4  }
0x1d: {  	s26 =	sadd.s32 $0x13000, s6;
	s6 =	sadd.s32 $0x200, s2;
	[dreg:$0x17] =	wrdreg s25;
	vm1 =	vcmask $0x3330;
	v3 =	vsel vm2, $0x2180, v3;
	v4 =	vsel vm2, $0x6180, v4  }
0x1e: {  	s30 =	simm.s32 $0x280;
	s31 =	simm.s32 $0x10900;
	[dreg:$0x18] =	wrdreg s26;
	vm2 =	vcmask $0x3734;
	v3 =	vsel vm1, $0x2200, v3;
	v4 =	vsel vm1, $0x6200, v4  }
0x1f: {  	[dreg:$0x1a] =	wrdreg s30;
	s10 =	simm.s32 $0x500;
	s11 =	simm.s32 $0x900;
	vm1 =	vcmask $0x3B38;
	v3 =	vsel vm2, $0x2280, v3;
	v4 =	vsel vm2, $0x6280, v4  }
0x20: {  	v1 =	vmul.u32 $0x8, v1;
	[dreg:$0x1b] =	wrdreg s31;
	s22 =	simm.s32 $0x2;
	s24 =	simm.s32 $0x4;
	v21 =	vsel vm1, $0x2300, v3;
	v4 =	vsel vm1, $0x6300, v4  }
.LBB2_1:
0x21: {  	[dreg:$0x1d] =	wrdreg s4  }
0x22: {  	s25 =	rddreg [dreg:$0x4];
	s0 =	simm.s32 $0x5  }
0x23: {  	[tilespmem:s3], [sflag:$0x5] =	stream.linear.gather [hbm4b:s25+s3], $0x280, $0x38;
	[tilespmem:$0x10980] =	vst v63  }
0x24: {  	_ =	swait.ge [sflag:s0], $0x280  }
0x25: {  	s18 =	rddreg [dreg:$0x5];
	[sflag:s0] =	ssyncset.done $0x0  }
0x26: {  	s26 =	rddreg [dreg:$0x1a];
	[sflag:s0] =	ssyncadd.s32 $0xFFFFFD80  }
0x27: {  	[tilespmem:s26], [sflag:$0x5] =	stream.linear.gather [hbm4b:s18+s3], $0x280, $0x38;
	[tilespmem:$0x10980] =	vst v63  }
0x28: {  	_ =	swait.ge [sflag:s0], $0x280  }
0x29: {  	[sflag:s0] =	ssyncset.done $0x0  }
0x2a: {  	s19 =	rddreg [dreg:$0x3];
	[sflag:s0] =	ssyncadd.s32 $0xFFFFFD80  }
0x2b: {  	[tilespmem:s10], [sflag:$0x5] =	stream.linear.gather [hbm4b:s19+s3], $0x400, $0x38;
	[tilespmem:$0x10980] =	vst v63  }
0x2c: {  	_ =	swait.ge [sflag:s0], $0x400  }
0x2d: {  	[sflag:s0] =	ssyncset.done $0x0  }
0x2e: {  	[sflag:s0] =	ssyncadd.s32 $0xFFFFFC00  }
0x2f: {  	v5 =	vld [tilespmem:$0x0];
	_ =	sdelay $0x4  }
0x30: {  	v6 =	vshll.u32 v5, $0x3  }
0x31: {  	v5 =	vand.u32 $0x7, v5;
	v6 =	vand.u32 $0xFFFFFFC0, v6  }
0x32: {  	v5 =	vor.u32 v5, v6  }
0x33: {  	v6 =	vperm.xlane v5, v0;
	_ =	sdelay $0x1  }
0x34: {  	v6 =	vadd.s32 v1, v6;
	_ =	sdelay $0x4  }
0x35: {  	[tilespmem:s11], [sflag:$0x1] =	stream.indirect_vreg.gather [hbm4b:s2+s3], $0x80, v6, vm0, $0xb8;
	[tilespmem:$0x10980] =	vst v63  }
0x36: {  	s20 =	simm.s32 $0x1100;
	v5 =	vperm.xlane v5, v2  }
0x37: {  	[tilespmem:s20], [sflag:$0x1] =	stream.indirect_vreg.gather [hbm4b:s5+s3], $0x80, v6, vm0, $0xb8;
	[tilespmem:$0x10980] =	vst v63  }
0x38: {  	s21 =	simm.s32 $0x1900;
	v5 =	vadd.s32 v1, v5  }
0x39: {  	[tilespmem:s21], [sflag:$0x1] =	stream.indirect_vreg.gather [hbm4b:s6+s3], $0x80, v6, vm0, $0xb8;
	[tilespmem:$0x10980] =	vst v63  }
0x3a: {  	s25 =	simm.s32 $0x2100  }
0x3b: {  	[tilespmem:s25], [sflag:$0x1] =	stream.indirect_vreg.gather [hbm4b:s7+s3], $0x80, v6, vm0, $0xb8;
	[tilespmem:$0x10980] =	vst v63  }
0x3c: {  	s26 =	simm.s32 $0x2900  }
0x3d: {  	[tilespmem:s26], [sflag:$0x1] =	stream.indirect_vreg.gather [hbm4b:s2+s3], $0x80, v5, vm0, $0xb8;
	[tilespmem:$0x10980] =	vst v63  }
0x3e: {  	s30 =	simm.s32 $0x3100  }
0x3f: {  	[tilespmem:s30], [sflag:$0x1] =	stream.indirect_vreg.gather [hbm4b:s5+s3], $0x80, v5, vm0, $0xb8;
	[tilespmem:$0x10980] =	vst v63  }
0x40: {  	s31 =	simm.s32 $0x3900  }
0x41: {  	[tilespmem:s31], [sflag:$0x1] =	stream.indirect_vreg.gather [hbm4b:s6+s3], $0x80, v5, vm0, $0xb8;
	[tilespmem:$0x10980] =	vst v63  }
0x42: {  	s1 =	simm.s32 $0x4100  }
0x43: {  	[tilespmem:s1], [sflag:$0x1] =	stream.indirect_vreg.gather [hbm4b:s7+s3], $0x80, v5, vm0, $0xb8;
	[tilespmem:$0x10980] =	vst v63  }
0x44: {  	v5 =	vld [tilespmem:$0x10];
	_ =	sdelay $0x4  }
0x45: {  	v6 =	vshll.u32 v5, $0x3  }
0x46: {  	v5 =	vand.u32 $0x7, v5;
	v6 =	vand.u32 $0xFFFFFFC0, v6  }
0x47: {  	v5 =	vor.u32 v5, v6  }
0x48: {  	v6 =	vperm.xlane v5, v0;
	_ =	sdelay $0x1  }
0x49: {  	v6 =	vadd.s32 v1, v6;
	_ =	sdelay $0x3  }
0x4a: {  	s8 =	simm.s32 $0x4900  }
0x4b: {  	[tilespmem:s8], [sflag:$0x1] =	stream.indirect_vreg.gather [hbm4b:s2+s3], $0x80, v6, vm0, $0xb8;
	[tilespmem:$0x10980] =	vst v63  }
0x4c: {  	s9 =	simm.s32 $0x5100;
	v5 =	vperm.xlane v5, v2  }
0x4d: {  	[tilespmem:s9], [sflag:$0x1] =	stream.indirect_vreg.gather [hbm4b:s5+s3], $0x80, v6, vm0, $0xb8;
	[tilespmem:$0x10980] =	vst v63  }
0x4e: {  	s15 =	simm.s32 $0x5900;
	v5 =	vadd.s32 v1, v5  }
0x4f: {  	[tilespmem:s15], [sflag:$0x1] =	stream.indirect_vreg.gather [hbm4b:s6+s3], $0x80, v6, vm0, $0xb8;
	[tilespmem:$0x10980] =	vst v63  }
0x50: {  	s18 =	simm.s32 $0x6100  }
0x51: {  	[tilespmem:s18], [sflag:$0x1] =	stream.indirect_vreg.gather [hbm4b:s7+s3], $0x80, v6, vm0, $0xb8;
	[tilespmem:$0x10980] =	vst v63  }
0x52: {  	s19 =	simm.s32 $0x6900  }
0x53: {  	[tilespmem:s19], [sflag:$0x1] =	stream.indirect_vreg.gather [hbm4b:s2+s3], $0x80, v5, vm0, $0xb8;
	[tilespmem:$0x10980] =	vst v63  }
0x54: {  	s20 =	simm.s32 $0x7100  }
0x55: {  	[tilespmem:s20], [sflag:$0x1] =	stream.indirect_vreg.gather [hbm4b:s5+s3], $0x80, v5, vm0, $0xb8;
	[tilespmem:$0x10980] =	vst v63  }
0x56: {  	s25 =	simm.s32 $0x7900  }
0x57: {  	[tilespmem:s25], [sflag:$0x1] =	stream.indirect_vreg.gather [hbm4b:s6+s3], $0x80, v5, vm0, $0xb8;
	[tilespmem:$0x10980] =	vst v63  }
0x58: {  	s30 =	simm.s32 $0x8100  }
0x59: {  	[tilespmem:s30], [sflag:$0x1] =	stream.indirect_vreg.gather [hbm4b:s7+s3], $0x80, v5, vm0, $0xb8;
	[tilespmem:$0x10980] =	vst v63  }
0x5a: {  	_ =	swait.ge [sflag:s28], $0x8000  }
0x5b: {  	[sflag:s28] =	ssyncset.done $0x0  }
0x5c: {  	[sflag:s28] =	ssyncadd.s32 $0xFFFF8000  }
0x5d: {  	v5 =	vld [tilespmem:$0x20];
	_ =	sdelay $0x4  }
0x5e: {  	v6 =	vshll.u32 v5, $0x3  }
0x5f: {  	v5 =	vand.u32 $0x7, v5;
	v6 =	vand.u32 $0xFFFFFFC0, v6  }
0x60: {  	v5 =	vor.u32 v5, v6  }
0x61: {  	v6 =	vperm.xlane v5, v0;
	_ =	sdelay $0x1  }
0x62: {  	v6 =	vadd.s32 v1, v6;
	_ =	sdelay $0x4  }
0x63: {  	[tilespmem:s29], [sflag:$0x2] =	stream.indirect_vreg.gather [hbm4b:s2+s3], $0x80, v6, vm0, $0xb8;
	[tilespmem:$0x10980] =	vst v63  }
0x64: {  	s31 =	simm.s32 $0x9100;
	v5 =	vperm.xlane v5, v2  }
0x65: {  	[tilespmem:s31], [sflag:$0x2] =	stream.indirect_vreg.gather [hbm4b:s5+s3], $0x80, v6, vm0, $0xb8;
	[tilespmem:$0x10980] =	vst v63  }
0x66: {  	s25 =	simm.s32 $0x9900;
	v5 =	vadd.s32 v1, v5  }
0x67: {  	[tilespmem:s25], [sflag:$0x2] =	stream.indirect_vreg.gather [hbm4b:s6+s3], $0x80, v6, vm0, $0xb8;
	[tilespmem:$0x10980] =	vst v63  }
0x68: {  	s30 =	simm.s32 $0xA100  }
0x69: {  	[tilespmem:s30], [sflag:$0x2] =	stream.indirect_vreg.gather [hbm4b:s7+s3], $0x80, v6, vm0, $0xb8;
	[tilespmem:$0x10980] =	vst v63  }
0x6a: {  	s31 =	simm.s32 $0xA900  }
0x6b: {  	[tilespmem:s31], [sflag:$0x2] =	stream.indirect_vreg.gather [hbm4b:s2+s3], $0x80, v5, vm0, $0xb8;
	[tilespmem:$0x10980] =	vst v63  }
0x6c: {  	s25 =	simm.s32 $0xB100  }
0x6d: {  	[tilespmem:s25], [sflag:$0x2] =	stream.indirect_vreg.gather [hbm4b:s5+s3], $0x80, v5, vm0, $0xb8;
	[tilespmem:$0x10980] =	vst v63  }
0x6e: {  	s30 =	simm.s32 $0xB900  }
0x6f: {  	[tilespmem:s30], [sflag:$0x2] =	stream.indirect_vreg.gather [hbm4b:s6+s3], $0x80, v5, vm0, $0xb8;
	[tilespmem:$0x10980] =	vst v63  }
0x70: {  	s31 =	simm.s32 $0xC100  }
0x71: {  	[tilespmem:s31], [sflag:$0x2] =	stream.indirect_vreg.gather [hbm4b:s7+s3], $0x80, v5, vm0, $0xb8;
	[tilespmem:$0x10980] =	vst v63  }
0x72: {  	v5 =	vld [tilespmem:$0x30];
	_ =	sdelay $0x4  }
0x73: {  	v6 =	vshll.u32 v5, $0x3  }
0x74: {  	v5 =	vand.u32 $0x7, v5;
	v6 =	vand.u32 $0xFFFFFFC0, v6  }
0x75: {  	v5 =	vor.u32 v5, v6  }
0x76: {  	v6 =	vperm.xlane v5, v0;
	_ =	sdelay $0x1  }
0x77: {  	v6 =	vadd.s32 v1, v6;
	_ =	sdelay $0x3  }
0x78: {  	s25 =	simm.s32 $0xC900  }
0x79: {  	[tilespmem:s25], [sflag:$0x2] =	stream.indirect_vreg.gather [hbm4b:s2+s3], $0x80, v6, vm0, $0xb8;
	[tilespmem:$0x10980] =	vst v63  }
0x7a: {  	s30 =	simm.s32 $0xD100;
	v5 =	vperm.xlane v5, v2  }
0x7b: {  	[tilespmem:s30], [sflag:$0x2] =	stream.indirect_vreg.gather [hbm4b:s5+s3], $0x80, v6, vm0, $0xb8;
	[tilespmem:$0x10980] =	vst v63  }
0x7c: {  	v5 =	vadd.s32 v1, v5;
	s25 =	simm.s32 $0xD900  }
0x7d: {  	[tilespmem:s25], [sflag:$0x2] =	stream.indirect_vreg.gather [hbm4b:s6+s3], $0x80, v6, vm0, $0xb8;
	[tilespmem:$0x10980] =	vst v63  }
0x7e: {  	s25 =	simm.s32 $0xE100  }
0x7f: {  	[tilespmem:s25], [sflag:$0x2] =	stream.indirect_vreg.gather [hbm4b:s7+s3], $0x80, v6, vm0, $0xb8;
	[tilespmem:$0x10980] =	vst v63  }
0x80: {  	s25 =	simm.s32 $0xE900  }
0x81: {  	[tilespmem:s25], [sflag:$0x2] =	stream.indirect_vreg.gather [hbm4b:s2+s3], $0x80, v5, vm0, $0xb8;
	[tilespmem:$0x10980] =	vst v63  }
0x82: {  	s25 =	simm.s32 $0xF100  }
0x83: {  	[tilespmem:s25], [sflag:$0x2] =	stream.indirect_vreg.gather [hbm4b:s5+s3], $0x80, v5, vm0, $0xb8;
	[tilespmem:$0x10980] =	vst v63  }
0x84: {  	s0 =	simm.s32 $0xF900  }
0x85: {  	[tilespmem:s0], [sflag:$0x2] =	stream.indirect_vreg.gather [hbm4b:s6+s3], $0x80, v5, vm0, $0xb8;
	[tilespmem:$0x10980] =	vst v63  }
0x86: {  	s0 =	simm.s32 $0x10100  }
0x87: {  	[tilespmem:s0], [sflag:$0x2] =	stream.indirect_vreg.gather [hbm4b:s7+s3], $0x80, v5, vm0, $0xb8;
	[tilespmem:$0x10980] =	vst v63  }
0x88: {  	v5 =	vld [tilespmem:$0x280]  }
0x89: {  	v6 =	vld [tilespmem:$0x290]  }
0x8a: {  	v9 =	vld [tilespmem:$0x10];
	_ =	sdelay $0x3  }
0x8b: {  	v8 =	vshll.u32 v5, $0x3  }
0x8c: {  	v5 =	vand.u32 $0x7F, v5;
	v32 =	vshll.u32 v6, $0x3;
	v8 =	vand.u32 $0xFFFFFC00, v8  }
0x8d: {  	v6 =	vand.u32 $0x7F, v6;
	v5 =	vor.u32 v5, v8;
	v8 =	vand.u32 $0xFFFFFC00, v32  }
0x8e: {  	v7 =	vld [tilespmem:$0x0];
	v6 =	vor.u32 v6, v8  }
0x8f: {  	v3 =	vld.idx.msk [tilespmem:v9+s10+$0x0], $0xffff;
	v6 =	vadd.s32 v4, v6;
	_ =	sdelay $0x3  }
0x90: {  	v5 =	vadd.s32 v21, v5  }
0x91: {  	[tilespmem:$0x1FF10] =	vst v3;
	v3 =	vld.idx.msk [tilespmem:v6+s11+$0x0], $0xffff;
	_ =	sdelay $0x2  }
0x92: {  	s0 =	rddreg [dreg:$0x1c];
	v19 =	vld.idx.msk [tilespmem:v7+s10+$0x0], $0xffff  }
0x93: {  	v20 =	vld.idx.msk [tilespmem:v5+s11+$0x0], $0xffff;
	[hbm4b:s0+s3] =	stream.linear.scatter [tilespmem:s11], [sflag:$0x3], $0x8000, $0x38  }
0x94: {  	[tilespmem:$0x1FF20] =	vst v3  }
0x95: {  	_ =	swait.ge [sflag:s22], $0x8000  }
0x96: {  	[sflag:s22] =	ssyncset.done $0x0  }
0x97: {  	[sflag:s22] =	ssyncadd.s32 $0xFFFF8000  }
0x98: {  	_ =	swait.ge [sflag:s23], $0x8000  }
0x99: {  	[sflag:s23] =	ssyncset.done $0x0  }
0x9a: {  	[sflag:s23] =	ssyncadd.s32 $0xFFFF8000  }
0x9b: {  	v5 =	vld [tilespmem:$0x40];
	_ =	sdelay $0x4  }
0x9c: {  	v6 =	vshll.u32 v5, $0x3  }
0x9d: {  	v5 =	vand.u32 $0x7, v5;
	v6 =	vand.u32 $0xFFFFFFC0, v6  }
0x9e: {  	v5 =	vor.u32 v5, v6  }
0x9f: {  	v6 =	vperm.xlane v5, v0;
	_ =	sdelay $0x1  }
0xa0: {  	v6 =	vadd.s32 v1, v6;
	_ =	sdelay $0x4  }
0xa1: {  	[tilespmem:s11], [sflag:$0x1] =	stream.indirect_vreg.gather [hbm4b:s2+s3], $0x80, v6, vm0, $0xb8;
	[tilespmem:$0x10980] =	vst v63  }
0xa2: {  	s12 =	simm.s32 $0x1100;
	v5 =	vperm.xlane v5, v2  }
0xa3: {  	[tilespmem:s12], [sflag:$0x1] =	stream.indirect_vreg.gather [hbm4b:s5+s3], $0x80, v6, vm0, $0xb8;
	[tilespmem:$0x10980] =	vst v63  }
0xa4: {  	s16 =	simm.s32 $0x1900;
	v5 =	vadd.s32 v1, v5  }
0xa5: {  	[tilespmem:s16], [sflag:$0x1] =	stream.indirect_vreg.gather [hbm4b:s6+s3], $0x80, v6, vm0, $0xb8;
	[tilespmem:$0x10980] =	vst v63  }
0xa6: {  	s17 =	simm.s32 $0x2100  }
0xa7: {  	[tilespmem:s17], [sflag:$0x1] =	stream.indirect_vreg.gather [hbm4b:s7+s3], $0x80, v6, vm0, $0xb8;
	[tilespmem:$0x10980] =	vst v63  }
0xa8: {  	s21 =	simm.s32 $0x2900  }
0xa9: {  	[tilespmem:s21], [sflag:$0x1] =	stream.indirect_vreg.gather [hbm4b:s2+s3], $0x80, v5, vm0, $0xb8;
	[tilespmem:$0x10980] =	vst v63  }
0xaa: {  	s13 =	simm.s32 $0x3100  }
0xab: {  	[tilespmem:s13], [sflag:$0x1] =	stream.indirect_vreg.gather [hbm4b:s5+s3], $0x80, v5, vm0, $0xb8;
	[tilespmem:$0x10980] =	vst v63  }
0xac: {  	s4 =	simm.s32 $0x3900  }
0xad: {  	[tilespmem:s4], [sflag:$0x1] =	stream.indirect_vreg.gather [hbm4b:s6+s3], $0x80, v5, vm0, $0xb8;
	[tilespmem:$0x10980] =	vst v63  }
0xae: {  	s1 =	simm.s32 $0x4100  }
0xaf: {  	[tilespmem:s1], [sflag:$0x1] =	stream.indirect_vreg.gather [hbm4b:s7+s3], $0x80, v5, vm0, $0xb8;
	[tilespmem:$0x10980] =	vst v63  }
0xb0: {  	v5 =	vld [tilespmem:$0x50];
	_ =	sdelay $0x4  }
0xb1: {  	v6 =	vshll.u32 v5, $0x3  }
0xb2: {  	v5 =	vand.u32 $0x7, v5;
	v6 =	vand.u32 $0xFFFFFFC0, v6  }
0xb3: {  	v5 =	vor.u32 v5, v6  }
0xb4: {  	v6 =	vperm.xlane v5, v0;
	_ =	sdelay $0x1  }
0xb5: {  	v6 =	vadd.s32 v1, v6;
	_ =	sdelay $0x3  }
0xb6: {  	s14 =	simm.s32 $0x4900  }
0xb7: {  	[tilespmem:s14], [sflag:$0x1] =	stream.indirect_vreg.gather [hbm4b:s2+s3], $0x80, v6, vm0, $0xb8;
	[tilespmem:$0x10980] =	vst v63  }
0xb8: {  	s8 =	simm.s32 $0x5100;
	v5 =	vperm.xlane v5, v2  }
0xb9: {  	[tilespmem:s8], [sflag:$0x1] =	stream.indirect_vreg.gather [hbm4b:s5+s3], $0x80, v6, vm0, $0xb8;
	[tilespmem:$0x10980] =	vst v63  }
0xba: {  	s26 =	simm.s32 $0x5900;
	v5 =	vadd.s32 v1, v5  }
0xbb: {  	[tilespmem:s26], [sflag:$0x1] =	stream.indirect_vreg.gather [hbm4b:s6+s3], $0x80, v6, vm0, $0xb8;
	[tilespmem:$0x10980] =	vst v63  }
0xbc: {  	s15 =	simm.s32 $0x6100  }
0xbd: {  	[tilespmem:s15], [sflag:$0x1] =	stream.indirect_vreg.gather [hbm4b:s7+s3], $0x80, v6, vm0, $0xb8;
	[tilespmem:$0x10980] =	vst v63  }
0xbe: {  	s18 =	simm.s32 $0x6900  }
0xbf: {  	[tilespmem:s18], [sflag:$0x1] =	stream.indirect_vreg.gather [hbm4b:s2+s3], $0x80, v5, vm0, $0xb8;
	[tilespmem:$0x10980] =	vst v63  }
0xc0: {  	s19 =	simm.s32 $0x7100  }
0xc1: {  	[tilespmem:s19], [sflag:$0x1] =	stream.indirect_vreg.gather [hbm4b:s5+s3], $0x80, v5, vm0, $0xb8;
	[tilespmem:$0x10980] =	vst v63  }
0xc2: {  	s20 =	simm.s32 $0x7900  }
0xc3: {  	[tilespmem:s20], [sflag:$0x1] =	stream.indirect_vreg.gather [hbm4b:s6+s3], $0x80, v5, vm0, $0xb8;
	[tilespmem:$0x10980] =	vst v63  }
0xc4: {  	s9 =	simm.s32 $0x8100  }
0xc5: {  	[tilespmem:s9], [sflag:$0x1] =	stream.indirect_vreg.gather [hbm4b:s7+s3], $0x80, v5, vm0, $0xb8;
	[tilespmem:$0x10980] =	vst v63  }
0xc6: {  	v5 =	vld [tilespmem:$0x2A0]  }
0xc7: {  	v7 =	vld [tilespmem:$0x20];
	_ =	sdelay $0x4  }
0xc8: {  	v33 =	vshll.u32 v5, $0x3  }
0xc9: {  	v5 =	vand.u32 $0x7F, v5;
	v8 =	vand.u32 $0xFFFFFC00, v33  }
0xca: {  	v5 =	vor.u32 v5, v8  }
0xcb: {  	v5 =	vadd.s32 v21, v5;
	v3 =	vld.idx.msk [tilespmem:v7+s10+$0x0], $0xffff  }
0xcc: {  	v6 =	vld [tilespmem:$0x2B0]  }
0xcd: {  	v34 =	vld [tilespmem:$0x30];
	_ =	sdelay $0x2  }
0xce: {  	[tilespmem:$0x1FF30] =	vst v3;
	v3 =	vld.idx.msk [tilespmem:v5+s29+$0x0], $0xffff;
	_ =	sdelay $0x1  }
0xcf: {  	v35 =	vshll.u32 v6, $0x3  }
0xd0: {  	v6 =	vand.u32 $0x7F, v6;
	v8 =	vand.u32 $0xFFFFFC00, v35  }
0xd1: {  	v6 =	vor.u32 v6, v8  }
0xd2: {  	v6 =	vadd.s32 v4, v6;
	[tilespmem:$0x1FF40] =	vst v3;
	v3 =	vld.idx.msk [tilespmem:v34+s10+$0x0], $0xffff;
	_ =	sdelay $0x4  }
0xd3: {  	[tilespmem:$0x1FF50] =	vst v3;
	v3 =	vld.idx.msk [tilespmem:v6+s29+$0x0], $0xffff;
	_ =	sdelay $0x2  }
0xd4: {  	s12 =	rddreg [dreg:$0x6]  }
0xd5: {  	[hbm4b:s12+s3] =	stream.linear.scatter [tilespmem:s29], [sflag:$0x4], $0x8000, $0x38;
	[tilespmem:$0x10980] =	vst v63  }
0xd6: {  	[tilespmem:$0x1FF60] =	vst v3  }
0xd7: {  	_ =	swait.ge [sflag:s28], $0x8000  }
0xd8: {  	[sflag:s28] =	ssyncset.done $0x0  }
0xd9: {  	[sflag:s28] =	ssyncadd.s32 $0xFFFF8000  }
0xda: {  	_ =	swait.ge [sflag:s24], $0x8000  }
0xdb: {  	[sflag:s24] =	ssyncset.done $0x0  }
0xdc: {  	[sflag:s24] =	ssyncadd.s32 $0xFFFF8000  }
0xdd: {  	v5 =	vld [tilespmem:$0x60];
	_ =	sdelay $0x4  }
0xde: {  	v6 =	vshll.u32 v5, $0x3  }
0xdf: {  	v5 =	vand.u32 $0x7, v5;
	v6 =	vand.u32 $0xFFFFFFC0, v6  }
0xe0: {  	v5 =	vor.u32 v5, v6  }
0xe1: {  	v6 =	vperm.xlane v5, v0;
	_ =	sdelay $0x1  }
0xe2: {  	v6 =	vadd.s32 v1, v6;
	_ =	sdelay $0x4  }
0xe3: {  	[tilespmem:s29], [sflag:$0x2] =	stream.indirect_vreg.gather [hbm4b:s2+s3], $0x80, v6, vm0, $0xb8;
	[tilespmem:$0x10980] =	vst v63  }
0xe4: {  	s13 =	simm.s32 $0x9100;
	v5 =	vperm.xlane v5, v2  }
0xe5: {  	[tilespmem:s13], [sflag:$0x2] =	stream.indirect_vreg.gather [hbm4b:s5+s3], $0x80, v6, vm0, $0xb8;
	[tilespmem:$0x10980] =	vst v63  }
0xe6: {  	s12 =	simm.s32 $0x9900;
	v5 =	vadd.s32 v1, v5  }
0xe7: {  	[tilespmem:s12], [sflag:$0x2] =	stream.indirect_vreg.gather [hbm4b:s6+s3], $0x80, v6, vm0, $0xb8;
	[tilespmem:$0x10980] =	vst v63  }
0xe8: {  	s13 =	simm.s32 $0xA100  }
0xe9: {  	[tilespmem:s13], [sflag:$0x2] =	stream.indirect_vreg.gather [hbm4b:s7+s3], $0x80, v6, vm0, $0xb8;
	[tilespmem:$0x10980] =	vst v63  }
0xea: {  	s14 =	simm.s32 $0xA900  }
0xeb: {  	[tilespmem:s14], [sflag:$0x2] =	stream.indirect_vreg.gather [hbm4b:s2+s3], $0x80, v5, vm0, $0xb8;
	[tilespmem:$0x10980] =	vst v63  }
0xec: {  	s18 =	simm.s32 $0xB100  }
0xed: {  	[tilespmem:s18], [sflag:$0x2] =	stream.indirect_vreg.gather [hbm4b:s5+s3], $0x80, v5, vm0, $0xb8;
	[tilespmem:$0x10980] =	vst v63  }
0xee: {  	s8 =	simm.s32 $0xB900  }
0xef: {  	[tilespmem:s8], [sflag:$0x2] =	stream.indirect_vreg.gather [hbm4b:s6+s3], $0x80, v5, vm0, $0xb8;
	[tilespmem:$0x10980] =	vst v63  }
0xf0: {  	s9 =	simm.s32 $0xC100  }
0xf1: {  	[tilespmem:s9], [sflag:$0x2] =	stream.indirect_vreg.gather [hbm4b:s7+s3], $0x80, v5, vm0, $0xb8;
	[tilespmem:$0x10980] =	vst v63  }
0xf2: {  	v5 =	vld [tilespmem:$0x70];
	_ =	sdelay $0x4  }
0xf3: {  	v6 =	vshll.u32 v5, $0x3  }
0xf4: {  	v5 =	vand.u32 $0x7, v5;
	v6 =	vand.u32 $0xFFFFFFC0, v6  }
0xf5: {  	v5 =	vor.u32 v5, v6  }
0xf6: {  	v6 =	vperm.xlane v5, v0;
	_ =	sdelay $0x1  }
0xf7: {  	v6 =	vadd.s32 v1, v6;
	_ =	sdelay $0x3  }
0xf8: {  	s31 =	simm.s32 $0xC900  }
0xf9: {  	[tilespmem:s31], [sflag:$0x2] =	stream.indirect_vreg.gather [hbm4b:s2+s3], $0x80, v6, vm0, $0xb8;
	[tilespmem:$0x10980] =	vst v63  }
0xfa: {  	s30 =	simm.s32 $0xD100;
	v5 =	vperm.xlane v5, v2  }
0xfb: {  	[tilespmem:s30], [sflag:$0x2] =	stream.indirect_vreg.gather [hbm4b:s5+s3], $0x80, v6, vm0, $0xb8;
	[tilespmem:$0x10980] =	vst v63  }
0xfc: {  	s1 =	simm.s32 $0xD900;
	v5 =	vadd.s32 v1, v5  }
0xfd: {  	[tilespmem:s1], [sflag:$0x2] =	stream.indirect_vreg.gather [hbm4b:s6+s3], $0x80, v6, vm0, $0xb8;
	[tilespmem:$0x10980] =	vst v63  }
0xfe: {  	s4 =	simm.s32 $0xE100  }
0xff: {  	[tilespmem:s4], [sflag:$0x2] =	stream.indirect_vreg.gather [hbm4b:s7+s3], $0x80, v6, vm0, $0xb8;
	[tilespmem:$0x10980] =	vst v63  }
0x100: {  	s0 =	simm.s32 $0xE900  }
0x101: {  	[tilespmem:s0], [sflag:$0x2] =	stream.indirect_vreg.gather [hbm4b:s2+s3], $0x80, v5, vm0, $0xb8;
	[tilespmem:$0x10980] =	vst v63  }
0x102: {  	s20 =	simm.s32 $0xF100  }
0x103: {  	[tilespmem:s20], [sflag:$0x2] =	stream.indirect_vreg.gather [hbm4b:s5+s3], $0x80, v5, vm0, $0xb8;
	[tilespmem:$0x10980] =	vst v63  }
0x104: {  	s25 =	simm.s32 $0xF900  }
0x105: {  	[tilespmem:s25], [sflag:$0x2] =	stream.indirect_vreg.gather [hbm4b:s6+s3], $0x80, v5, vm0, $0xb8;
	[tilespmem:$0x10980] =	vst v63  }
0x106: {  	s26 =	simm.s32 $0x10100  }
0x107: {  	[tilespmem:s26], [sflag:$0x2] =	stream.indirect_vreg.gather [hbm4b:s7+s3], $0x80, v5, vm0, $0xb8;
	[tilespmem:$0x10980] =	vst v63  }
0x108: {  	v5 =	vld [tilespmem:$0x2C0]  }
0x109: {  	v7 =	vld [tilespmem:$0x40];
	_ =	sdelay $0x4  }
0x10a: {  	v36 =	vshll.u32 v5, $0x3  }
0x10b: {  	v5 =	vand.u32 $0x7F, v5;
	v8 =	vand.u32 $0xFFFFFC00, v36  }
0x10c: {  	v5 =	vor.u32 v5, v8  }
0x10d: {  	v5 =	vadd.s32 v21, v5;
	v3 =	vld.idx.msk [tilespmem:v7+s10+$0x0], $0xffff  }
0x10e: {  	v6 =	vld [tilespmem:$0x2D0]  }
0x10f: {  	v37 =	vld [tilespmem:$0x50];
	_ =	sdelay $0x2  }
0x110: {  	[tilespmem:$0x1FF70] =	vst v3;
	v3 =	vld.idx.msk [tilespmem:v5+s11+$0x0], $0xffff;
	_ =	sdelay $0x1  }
0x111: {  	v38 =	vshll.u32 v6, $0x3  }
0x112: {  	v6 =	vand.u32 $0x7F, v6;
	v8 =	vand.u32 $0xFFFFFC00, v38  }
0x113: {  	v6 =	vor.u32 v6, v8  }
0x114: {  	v6 =	vadd.s32 v4, v6;
	[tilespmem:$0x1FF80] =	vst v3;
	v3 =	vld.idx.msk [tilespmem:v37+s10+$0x0], $0xffff;
	_ =	sdelay $0x4  }
0x115: {  	[tilespmem:$0x1FF90] =	vst v3;
	v3 =	vld.idx.msk [tilespmem:v6+s11+$0x0], $0xffff;
	_ =	sdelay $0x2  }
0x116: {  	s30 =	rddreg [dreg:$0x7]  }
0x117: {  	[hbm4b:s30+s3] =	stream.linear.scatter [tilespmem:s11], [sflag:$0x3], $0x8000, $0x38;
	[tilespmem:$0x10980] =	vst v63  }
0x118: {  	[tilespmem:$0x1FFA0] =	vst v3  }
0x119: {  	_ =	swait.ge [sflag:s22], $0x8000  }
0x11a: {  	[sflag:s22] =	ssyncset.done $0x0  }
0x11b: {  	[sflag:s22] =	ssyncadd.s32 $0xFFFF8000  }
0x11c: {  	_ =	swait.ge [sflag:s23], $0x8000  }
0x11d: {  	[sflag:s23] =	ssyncset.done $0x0  }
0x11e: {  	[sflag:s23] =	ssyncadd.s32 $0xFFFF8000  }
0x11f: {  	v5 =	vld [tilespmem:$0x80];
	_ =	sdelay $0x4  }
0x120: {  	v6 =	vshll.u32 v5, $0x3  }
0x121: {  	v5 =	vand.u32 $0x7, v5;
	v6 =	vand.u32 $0xFFFFFFC0, v6  }
0x122: {  	v5 =	vor.u32 v5, v6  }
0x123: {  	v6 =	vperm.xlane v5, v0;
	_ =	sdelay $0x1  }
0x124: {  	v6 =	vadd.s32 v1, v6;
	_ =	sdelay $0x4  }
0x125: {  	[tilespmem:s11], [sflag:$0x1] =	stream.indirect_vreg.gather [hbm4b:s2+s3], $0x80, v6, vm0, $0xb8;
	[tilespmem:$0x10980] =	vst v63  }
0x126: {  	s30 =	simm.s32 $0x1100;
	v5 =	vperm.xlane v5, v2  }
0x127: {  	[tilespmem:s30], [sflag:$0x1] =	stream.indirect_vreg.gather [hbm4b:s5+s3], $0x80, v6, vm0, $0xb8;
	[tilespmem:$0x10980] =	vst v63  }
0x128: {  	v5 =	vadd.s32 v1, v5;
	s30 =	simm.s32 $0x1900  }
0x129: {  	[tilespmem:s30], [sflag:$0x1] =	stream.indirect_vreg.gather [hbm4b:s6+s3], $0x80, v6, vm0, $0xb8;
	[tilespmem:$0x10980] =	vst v63  }
0x12a: {  	s30 =	simm.s32 $0x2100  }
0x12b: {  	[tilespmem:s30], [sflag:$0x1] =	stream.indirect_vreg.gather [hbm4b:s7+s3], $0x80, v6, vm0, $0xb8;
	[tilespmem:$0x10980] =	vst v63  }
0x12c: {  	s17 =	simm.s32 $0x2900  }
0x12d: {  	[tilespmem:s17], [sflag:$0x1] =	stream.indirect_vreg.gather [hbm4b:s2+s3], $0x80, v5, vm0, $0xb8;
	[tilespmem:$0x10980] =	vst v63  }
0x12e: {  	s30 =	simm.s32 $0x3100  }
0x12f: {  	[tilespmem:s30], [sflag:$0x1] =	stream.indirect_vreg.gather [hbm4b:s5+s3], $0x80, v5, vm0, $0xb8;
	[tilespmem:$0x10980] =	vst v63  }
0x130: {  	s30 =	simm.s32 $0x3900  }
0x131: {  	[tilespmem:s30], [sflag:$0x1] =	stream.indirect_vreg.gather [hbm4b:s6+s3], $0x80, v5, vm0, $0xb8;
	[tilespmem:$0x10980] =	vst v63  }
0x132: {  	s30 =	simm.s32 $0x4100  }
0x133: {  	[tilespmem:s30], [sflag:$0x1] =	stream.indirect_vreg.gather [hbm4b:s7+s3], $0x80, v5, vm0, $0xb8;
	[tilespmem:$0x10980] =	vst v63  }
0x134: {  	v5 =	vld [tilespmem:$0x90];
	_ =	sdelay $0x4  }
0x135: {  	v6 =	vshll.u32 v5, $0x3  }
0x136: {  	v5 =	vand.u32 $0x7, v5;
	v6 =	vand.u32 $0xFFFFFFC0, v6  }
0x137: {  	v5 =	vor.u32 v5, v6  }
0x138: {  	v6 =	vperm.xlane v5, v0;
	_ =	sdelay $0x1  }
0x139: {  	v6 =	vadd.s32 v1, v6;
	_ =	sdelay $0x3  }
0x13a: {  	s30 =	simm.s32 $0x4900  }
0x13b: {  	[tilespmem:s30], [sflag:$0x1] =	stream.indirect_vreg.gather [hbm4b:s2+s3], $0x80, v6, vm0, $0xb8;
	[tilespmem:$0x10980] =	vst v63  }
0x13c: {  	v5 =	vperm.xlane v5, v2;
	s30 =	simm.s32 $0x5100  }
0x13d: {  	[tilespmem:s30], [sflag:$0x1] =	stream.indirect_vreg.gather [hbm4b:s5+s3], $0x80, v6, vm0, $0xb8;
	[tilespmem:$0x10980] =	vst v63  }
0x13e: {  	s21 =	simm.s32 $0x5900;
	v5 =	vadd.s32 v1, v5  }
0x13f: {  	[tilespmem:s21], [sflag:$0x1] =	stream.indirect_vreg.gather [hbm4b:s6+s3], $0x80, v6, vm0, $0xb8;
	[tilespmem:$0x10980] =	vst v63  }
0x140: {  	s16 =	simm.s32 $0x6100  }
0x141: {  	[tilespmem:s16], [sflag:$0x1] =	stream.indirect_vreg.gather [hbm4b:s7+s3], $0x80, v6, vm0, $0xb8;
	[tilespmem:$0x10980] =	vst v63  }
0x142: {  	s21 =	simm.s32 $0x6900  }
0x143: {  	[tilespmem:s21], [sflag:$0x1] =	stream.indirect_vreg.gather [hbm4b:s2+s3], $0x80, v5, vm0, $0xb8;
	[tilespmem:$0x10980] =	vst v63  }
0x144: {  	s25 =	simm.s32 $0x7100  }
0x145: {  	[tilespmem:s25], [sflag:$0x1] =	stream.indirect_vreg.gather [hbm4b:s5+s3], $0x80, v5, vm0, $0xb8;
	[tilespmem:$0x10980] =	vst v63  }
0x146: {  	s21 =	simm.s32 $0x7900  }
0x147: {  	[tilespmem:s21], [sflag:$0x1] =	stream.indirect_vreg.gather [hbm4b:s6+s3], $0x80, v5, vm0, $0xb8;
	[tilespmem:$0x10980] =	vst v63  }
0x148: {  	s25 =	simm.s32 $0x8100  }
0x149: {  	[tilespmem:s25], [sflag:$0x1] =	stream.indirect_vreg.gather [hbm4b:s7+s3], $0x80, v5, vm0, $0xb8;
	[tilespmem:$0x10980] =	vst v63  }
0x14a: {  	v5 =	vld [tilespmem:$0x2E0]  }
0x14b: {  	v7 =	vld [tilespmem:$0x60];
	_ =	sdelay $0x4  }
0x14c: {  	v39 =	vshll.u32 v5, $0x3  }
0x14d: {  	v5 =	vand.u32 $0x7F, v5;
	v8 =	vand.u32 $0xFFFFFC00, v39  }
0x14e: {  	v5 =	vor.u32 v5, v8  }
0x14f: {  	v5 =	vadd.s32 v21, v5;
	v3 =	vld.idx.msk [tilespmem:v7+s10+$0x0], $0xffff  }
0x150: {  	v6 =	vld [tilespmem:$0x2F0]  }
0x151: {  	v40 =	vld [tilespmem:$0x70];
	_ =	sdelay $0x2  }
0x152: {  	[tilespmem:$0x1FFB0] =	vst v3;
	v3 =	vld.idx.msk [tilespmem:v5+s29+$0x0], $0xffff;
	_ =	sdelay $0x1  }
0x153: {  	v41 =	vshll.u32 v6, $0x3  }
0x154: {  	v6 =	vand.u32 $0x7F, v6;
	v8 =	vand.u32 $0xFFFFFC00, v41  }
0x155: {  	v6 =	vor.u32 v6, v8  }
0x156: {  	v6 =	vadd.s32 v4, v6;
	[tilespmem:$0x1FFC0] =	vst v3;
	v3 =	vld.idx.msk [tilespmem:v40+s10+$0x0], $0xffff;
	_ =	sdelay $0x4  }
0x157: {  	[tilespmem:$0x1FFD0] =	vst v3;
	v3 =	vld.idx.msk [tilespmem:v6+s29+$0x0], $0xffff;
	_ =	sdelay $0x2  }
0x158: {  	s21 =	rddreg [dreg:$0x8]  }
0x159: {  	[hbm4b:s21+s3] =	stream.linear.scatter [tilespmem:s29], [sflag:$0x4], $0x8000, $0x38;
	[tilespmem:$0x10980] =	vst v63  }
0x15a: {  	[tilespmem:$0x1FFE0] =	vst v3  }
0x15b: {  	_ =	swait.ge [sflag:s28], $0x8000  }
0x15c: {  	[sflag:s28] =	ssyncset.done $0x0  }
0x15d: {  	[sflag:s28] =	ssyncadd.s32 $0xFFFF8000  }
0x15e: {  	_ =	swait.ge [sflag:s24], $0x8000  }
0x15f: {  	[sflag:s24] =	ssyncset.done $0x0  }
0x160: {  	[sflag:s24] =	ssyncadd.s32 $0xFFFF8000  }
0x161: {  	v5 =	vld [tilespmem:$0xA0];
	_ =	sdelay $0x4  }
0x162: {  	v6 =	vshll.u32 v5, $0x3  }
0x163: {  	v5 =	vand.u32 $0x7, v5;
	v6 =	vand.u32 $0xFFFFFFC0, v6  }
0x164: {  	v5 =	vor.u32 v5, v6  }
0x165: {  	v6 =	vperm.xlane v5, v0;
	_ =	sdelay $0x1  }
0x166: {  	v6 =	vadd.s32 v1, v6;
	_ =	sdelay $0x4  }
0x167: {  	[tilespmem:s29], [sflag:$0x2] =	stream.indirect_vreg.gather [hbm4b:s2+s3], $0x80, v6, vm0, $0xb8;
	[tilespmem:$0x10980] =	vst v63  }
0x168: {  	s15 =	simm.s32 $0x9100;
	v5 =	vperm.xlane v5, v2  }
0x169: {  	[tilespmem:s15], [sflag:$0x2] =	stream.indirect_vreg.gather [hbm4b:s5+s3], $0x80, v6, vm0, $0xb8;
	[tilespmem:$0x10980] =	vst v63  }
0x16a: {  	v5 =	vadd.s32 v1, v5  }
0x16b: {  	[tilespmem:s12], [sflag:$0x2] =	stream.indirect_vreg.gather [hbm4b:s6+s3], $0x80, v6, vm0, $0xb8;
	[tilespmem:$0x10980] =	vst v63  }
0x16c: {  	_ = 	snop  }
0x16d: {  	[tilespmem:s13], [sflag:$0x2] =	stream.indirect_vreg.gather [hbm4b:s7+s3], $0x80, v6, vm0, $0xb8;
	[tilespmem:$0x10980] =	vst v63  }
0x16e: {  	s19 =	simm.s32 $0xA900  }
0x16f: {  	[tilespmem:s19], [sflag:$0x2] =	stream.indirect_vreg.gather [hbm4b:s2+s3], $0x80, v5, vm0, $0xb8;
	[tilespmem:$0x10980] =	vst v63  }
0x170: {  	s25 =	simm.s32 $0xB100  }
0x171: {  	[tilespmem:s25], [sflag:$0x2] =	stream.indirect_vreg.gather [hbm4b:s5+s3], $0x80, v5, vm0, $0xb8;
	[tilespmem:$0x10980] =	vst v63  }
0x172: {  	_ = 	snop  }
0x173: {  	[tilespmem:s8], [sflag:$0x2] =	stream.indirect_vreg.gather [hbm4b:s6+s3], $0x80, v5, vm0, $0xb8;
	[tilespmem:$0x10980] =	vst v63  }
0x174: {  	_ = 	snop  }
0x175: {  	[tilespmem:s9], [sflag:$0x2] =	stream.indirect_vreg.gather [hbm4b:s7+s3], $0x80, v5, vm0, $0xb8;
	[tilespmem:$0x10980] =	vst v63  }
0x176: {  	v5 =	vld [tilespmem:$0xB0];
	_ =	sdelay $0x4  }
0x177: {  	v6 =	vshll.u32 v5, $0x3  }
0x178: {  	v5 =	vand.u32 $0x7, v5;
	v6 =	vand.u32 $0xFFFFFFC0, v6  }
0x179: {  	v5 =	vor.u32 v5, v6  }
0x17a: {  	v6 =	vperm.xlane v5, v0;
	_ =	sdelay $0x1  }
0x17b: {  	v6 =	vadd.s32 v1, v6;
	_ =	sdelay $0x3  }
0x17c: {  	s31 =	simm.s32 $0xC900  }
0x17d: {  	[tilespmem:s31], [sflag:$0x2] =	stream.indirect_vreg.gather [hbm4b:s2+s3], $0x80, v6, vm0, $0xb8;
	[tilespmem:$0x10980] =	vst v63  }
0x17e: {  	s18 =	simm.s32 $0xD100;
	v5 =	vperm.xlane v5, v2  }
0x17f: {  	[tilespmem:s18], [sflag:$0x2] =	stream.indirect_vreg.gather [hbm4b:s5+s3], $0x80, v6, vm0, $0xb8;
	[tilespmem:$0x10980] =	vst v63  }
0x180: {  	v5 =	vadd.s32 v1, v5  }
0x181: {  	[tilespmem:s1], [sflag:$0x2] =	stream.indirect_vreg.gather [hbm4b:s6+s3], $0x80, v6, vm0, $0xb8;
	[tilespmem:$0x10980] =	vst v63  }
0x182: {  	_ = 	snop  }
0x183: {  	[tilespmem:s4], [sflag:$0x2] =	stream.indirect_vreg.gather [hbm4b:s7+s3], $0x80, v6, vm0, $0xb8;
	[tilespmem:$0x10980] =	vst v63  }
0x184: {  	_ = 	snop  }
0x185: {  	[tilespmem:s0], [sflag:$0x2] =	stream.indirect_vreg.gather [hbm4b:s2+s3], $0x80, v5, vm0, $0xb8;
	[tilespmem:$0x10980] =	vst v63  }
0x186: {  	s14 =	simm.s32 $0xF100  }
0x187: {  	[tilespmem:s14], [sflag:$0x2] =	stream.indirect_vreg.gather [hbm4b:s5+s3], $0x80, v5, vm0, $0xb8;
	[tilespmem:$0x10980] =	vst v63  }
0x188: {  	s20 =	simm.s32 $0xF900  }
0x189: {  	[tilespmem:s20], [sflag:$0x2] =	stream.indirect_vreg.gather [hbm4b:s6+s3], $0x80, v5, vm0, $0xb8;
	[tilespmem:$0x10980] =	vst v63  }
0x18a: {  	s26 =	simm.s32 $0x10100  }
0x18b: {  	[tilespmem:s26], [sflag:$0x2] =	stream.indirect_vreg.gather [hbm4b:s7+s3], $0x80, v5, vm0, $0xb8;
	[tilespmem:$0x10980] =	vst v63  }
0x18c: {  	v5 =	vld [tilespmem:$0x300]  }
0x18d: {  	v6 =	vld [tilespmem:$0x310]  }
0x18e: {  	v7 =	vld [tilespmem:$0x80];
	_ =	sdelay $0x2  }
0x18f: {  	v43 =	vld [tilespmem:$0x90]  }
0x190: {  	v42 =	vshll.u32 v5, $0x3  }
0x191: {  	v5 =	vand.u32 $0x7F, v5;
	v44 =	vshll.u32 v6, $0x3;
	v8 =	vand.u32 $0xFFFFFC00, v42  }
0x192: {  	v6 =	vand.u32 $0x7F, v6;
	v5 =	vor.u32 v5, v8;
	v8 =	vand.u32 $0xFFFFFC00, v44  }
0x193: {  	v5 =	vadd.s32 v21, v5;
	v6 =	vor.u32 v6, v8  }
0x194: {  	v3 =	vld.idx.msk [tilespmem:v7+s10+$0x0], $0xffff;
	v6 =	vadd.s32 v4, v6;
	_ =	sdelay $0x2  }
0x195: {  	v22 =	vld.idx.msk [tilespmem:v43+s10+$0x0], $0xffff  }
0x196: {  	s26 =	rddreg [dreg:$0x9];
	v23 =	vld.idx.msk [tilespmem:v5+s11+$0x0], $0xffff  }
0x197: {  	[tilespmem:$0x1FFF0] =	vst v3;
	v24 =	vld.idx.msk [tilespmem:v6+s11+$0x0], $0xffff;
	[hbm4b:s26+s3] =	stream.linear.scatter [tilespmem:s11], [sflag:$0x3], $0x8000, $0x38  }
0x198: {  	_ =	swait.ge [sflag:s22], $0x8000  }
0x199: {  	[sflag:s22] =	ssyncset.done $0x0  }
0x19a: {  	[sflag:s22] =	ssyncadd.s32 $0xFFFF8000  }
0x19b: {  	_ =	swait.ge [sflag:s23], $0x8000  }
0x19c: {  	[sflag:s23] =	ssyncset.done $0x0  }
0x19d: {  	[sflag:s23] =	ssyncadd.s32 $0xFFFF8000  }
0x19e: {  	v5 =	vld [tilespmem:$0xC0];
	_ =	sdelay $0x4  }
0x19f: {  	v6 =	vshll.u32 v5, $0x3  }
0x1a0: {  	v5 =	vand.u32 $0x7, v5;
	v6 =	vand.u32 $0xFFFFFFC0, v6  }
0x1a1: {  	v5 =	vor.u32 v5, v6  }
0x1a2: {  	v6 =	vperm.xlane v5, v0;
	_ =	sdelay $0x1  }
0x1a3: {  	v6 =	vadd.s32 v1, v6;
	_ =	sdelay $0x4  }
0x1a4: {  	[tilespmem:s11], [sflag:$0x1] =	stream.indirect_vreg.gather [hbm4b:s2+s3], $0x80, v6, vm0, $0xb8;
	[tilespmem:$0x10980] =	vst v63  }
0x1a5: {  	s26 =	simm.s32 $0x1100;
	v5 =	vperm.xlane v5, v2  }
0x1a6: {  	[tilespmem:s26], [sflag:$0x1] =	stream.indirect_vreg.gather [hbm4b:s5+s3], $0x80, v6, vm0, $0xb8;
	[tilespmem:$0x10980] =	vst v63  }
0x1a7: {  	v5 =	vadd.s32 v1, v5;
	s26 =	simm.s32 $0x1900  }
0x1a8: {  	[tilespmem:s26], [sflag:$0x1] =	stream.indirect_vreg.gather [hbm4b:s6+s3], $0x80, v6, vm0, $0xb8;
	[tilespmem:$0x10980] =	vst v63  }
0x1a9: {  	s26 =	simm.s32 $0x2100  }
0x1aa: {  	[tilespmem:s26], [sflag:$0x1] =	stream.indirect_vreg.gather [hbm4b:s7+s3], $0x80, v6, vm0, $0xb8;
	[tilespmem:$0x10980] =	vst v63  }
0x1ab: {  	s17 =	simm.s32 $0x2900  }
0x1ac: {  	[tilespmem:s17], [sflag:$0x1] =	stream.indirect_vreg.gather [hbm4b:s2+s3], $0x80, v5, vm0, $0xb8;
	[tilespmem:$0x10980] =	vst v63  }
0x1ad: {  	s25 =	simm.s32 $0x3100  }
0x1ae: {  	[tilespmem:s25], [sflag:$0x1] =	stream.indirect_vreg.gather [hbm4b:s5+s3], $0x80, v5, vm0, $0xb8;
	[tilespmem:$0x10980] =	vst v63  }
0x1af: {  	s25 =	simm.s32 $0x3900  }
0x1b0: {  	[tilespmem:s25], [sflag:$0x1] =	stream.indirect_vreg.gather [hbm4b:s6+s3], $0x80, v5, vm0, $0xb8;
	[tilespmem:$0x10980] =	vst v63  }
0x1b1: {  	s25 =	simm.s32 $0x4100  }
0x1b2: {  	[tilespmem:s25], [sflag:$0x1] =	stream.indirect_vreg.gather [hbm4b:s7+s3], $0x80, v5, vm0, $0xb8;
	[tilespmem:$0x10980] =	vst v63  }
0x1b3: {  	v5 =	vld [tilespmem:$0xD0];
	_ =	sdelay $0x4  }
0x1b4: {  	v6 =	vshll.u32 v5, $0x3  }
0x1b5: {  	v5 =	vand.u32 $0x7, v5;
	v6 =	vand.u32 $0xFFFFFFC0, v6  }
0x1b6: {  	v5 =	vor.u32 v5, v6  }
0x1b7: {  	v6 =	vperm.xlane v5, v0;
	_ =	sdelay $0x1  }
0x1b8: {  	v6 =	vadd.s32 v1, v6;
	_ =	sdelay $0x3  }
0x1b9: {  	s25 =	simm.s32 $0x4900  }
0x1ba: {  	[tilespmem:s25], [sflag:$0x1] =	stream.indirect_vreg.gather [hbm4b:s2+s3], $0x80, v6, vm0, $0xb8;
	[tilespmem:$0x10980] =	vst v63  }
0x1bb: {  	v5 =	vperm.xlane v5, v2;
	s25 =	simm.s32 $0x5100  }
0x1bc: {  	[tilespmem:s25], [sflag:$0x1] =	stream.indirect_vreg.gather [hbm4b:s5+s3], $0x80, v6, vm0, $0xb8;
	[tilespmem:$0x10980] =	vst v63  }
0x1bd: {  	s30 =	simm.s32 $0x5900;
	v5 =	vadd.s32 v1, v5  }
0x1be: {  	[tilespmem:s30], [sflag:$0x1] =	stream.indirect_vreg.gather [hbm4b:s6+s3], $0x80, v6, vm0, $0xb8;
	[tilespmem:$0x10980] =	vst v63  }
0x1bf: {  	s25 =	simm.s32 $0x6100  }
0x1c0: {  	[tilespmem:s25], [sflag:$0x1] =	stream.indirect_vreg.gather [hbm4b:s7+s3], $0x80, v6, vm0, $0xb8;
	[tilespmem:$0x10980] =	vst v63  }
0x1c1: {  	s30 =	simm.s32 $0x6900  }
0x1c2: {  	[tilespmem:s30], [sflag:$0x1] =	stream.indirect_vreg.gather [hbm4b:s2+s3], $0x80, v5, vm0, $0xb8;
	[tilespmem:$0x10980] =	vst v63  }
0x1c3: {  	s30 =	simm.s32 $0x7100  }
0x1c4: {  	[tilespmem:s30], [sflag:$0x1] =	stream.indirect_vreg.gather [hbm4b:s5+s3], $0x80, v5, vm0, $0xb8;
	[tilespmem:$0x10980] =	vst v63  }
0x1c5: {  	s30 =	simm.s32 $0x7900  }
0x1c6: {  	[tilespmem:s30], [sflag:$0x1] =	stream.indirect_vreg.gather [hbm4b:s6+s3], $0x80, v5, vm0, $0xb8;
	[tilespmem:$0x10980] =	vst v63  }
0x1c7: {  	s30 =	simm.s32 $0x8100  }
0x1c8: {  	[tilespmem:s30], [sflag:$0x1] =	stream.indirect_vreg.gather [hbm4b:s7+s3], $0x80, v5, vm0, $0xb8;
	[tilespmem:$0x10980] =	vst v63  }
0x1c9: {  	v5 =	vld [tilespmem:$0x320]  }
0x1ca: {  	v6 =	vld [tilespmem:$0x330];
	_ =	sdelay $0x1  }
0x1cb: {  	v7 =	vld [tilespmem:$0xA0]  }
0x1cc: {  	v46 =	vld [tilespmem:$0xB0]  }
0x1cd: {  	v45 =	vshll.u32 v5, $0x3  }
0x1ce: {  	v5 =	vand.u32 $0x7F, v5;
	v47 =	vshll.u32 v6, $0x3;
	v8 =	vand.u32 $0xFFFFFC00, v45  }
0x1cf: {  	v6 =	vand.u32 $0x7F, v6;
	v5 =	vor.u32 v5, v8;
	v8 =	vand.u32 $0xFFFFFC00, v47  }
0x1d0: {  	v5 =	vadd.s32 v21, v5;
	v6 =	vor.u32 v6, v8  }
0x1d1: {  	v6 =	vadd.s32 v4, v6;
	_ =	sdelay $0x1  }
0x1d2: {  	v25 =	vld.idx.msk [tilespmem:v7+s10+$0x0], $0xffff  }
0x1d3: {  	v27 =	vld.idx.msk [tilespmem:v46+s10+$0x0], $0xffff  }
0x1d4: {  	s30 =	rddreg [dreg:$0xa];
	v26 =	vld.idx.msk [tilespmem:v5+s29+$0x0], $0xffff  }
0x1d5: {  	v28 =	vld.idx.msk [tilespmem:v6+s29+$0x0], $0xffff;
	[hbm4b:s30+s3] =	stream.linear.scatter [tilespmem:s29], [sflag:$0x4], $0x8000, $0x38  }
0x1d6: {  	_ =	swait.ge [sflag:s28], $0x8000  }
0x1d7: {  	[sflag:s28] =	ssyncset.done $0x0  }
0x1d8: {  	[sflag:s28] =	ssyncadd.s32 $0xFFFF8000  }
0x1d9: {  	_ =	swait.ge [sflag:s24], $0x8000  }
0x1da: {  	[sflag:s24] =	ssyncset.done $0x0  }
0x1db: {  	[sflag:s24] =	ssyncadd.s32 $0xFFFF8000  }
0x1dc: {  	v5 =	vld [tilespmem:$0xE0];
	_ =	sdelay $0x4  }
0x1dd: {  	v6 =	vshll.u32 v5, $0x3  }
0x1de: {  	v5 =	vand.u32 $0x7, v5;
	v6 =	vand.u32 $0xFFFFFFC0, v6  }
0x1df: {  	v5 =	vor.u32 v5, v6  }
0x1e0: {  	v6 =	vperm.xlane v5, v0;
	_ =	sdelay $0x1  }
0x1e1: {  	v6 =	vadd.s32 v1, v6;
	_ =	sdelay $0x4  }
0x1e2: {  	[tilespmem:s29], [sflag:$0x2] =	stream.indirect_vreg.gather [hbm4b:s2+s3], $0x80, v6, vm0, $0xb8;
	[tilespmem:$0x10980] =	vst v63  }
0x1e3: {  	s21 =	simm.s32 $0x9100;
	v5 =	vperm.xlane v5, v2  }
0x1e4: {  	[tilespmem:s21], [sflag:$0x2] =	stream.indirect_vreg.gather [hbm4b:s5+s3], $0x80, v6, vm0, $0xb8;
	[tilespmem:$0x10980] =	vst v63  }
0x1e5: {  	s15 =	simm.s32 $0x9900;
	v5 =	vadd.s32 v1, v5  }
0x1e6: {  	[tilespmem:s15], [sflag:$0x2] =	stream.indirect_vreg.gather [hbm4b:s6+s3], $0x80, v6, vm0, $0xb8;
	[tilespmem:$0x10980] =	vst v63  }
0x1e7: {  	s16 =	simm.s32 $0xA100  }
0x1e8: {  	[tilespmem:s16], [sflag:$0x2] =	stream.indirect_vreg.gather [hbm4b:s7+s3], $0x80, v6, vm0, $0xb8;
	[tilespmem:$0x10980] =	vst v63  }
0x1e9: {  	s19 =	simm.s32 $0xA900  }
0x1ea: {  	[tilespmem:s19], [sflag:$0x2] =	stream.indirect_vreg.gather [hbm4b:s2+s3], $0x80, v5, vm0, $0xb8;
	[tilespmem:$0x10980] =	vst v63  }
0x1eb: {  	s13 =	simm.s32 $0xB100  }
0x1ec: {  	[tilespmem:s13], [sflag:$0x2] =	stream.indirect_vreg.gather [hbm4b:s5+s3], $0x80, v5, vm0, $0xb8;
	[tilespmem:$0x10980] =	vst v63  }
0x1ed: {  	s12 =	simm.s32 $0xB900  }
0x1ee: {  	[tilespmem:s12], [sflag:$0x2] =	stream.indirect_vreg.gather [hbm4b:s6+s3], $0x80, v5, vm0, $0xb8;
	[tilespmem:$0x10980] =	vst v63  }
0x1ef: {  	s9 =	simm.s32 $0xC100  }
0x1f0: {  	[tilespmem:s9], [sflag:$0x2] =	stream.indirect_vreg.gather [hbm4b:s7+s3], $0x80, v5, vm0, $0xb8;
	[tilespmem:$0x10980] =	vst v63  }
0x1f1: {  	v5 =	vld [tilespmem:$0xF0];
	_ =	sdelay $0x4  }
0x1f2: {  	v6 =	vshll.u32 v5, $0x3  }
0x1f3: {  	v5 =	vand.u32 $0x7, v5;
	v6 =	vand.u32 $0xFFFFFFC0, v6  }
0x1f4: {  	v5 =	vor.u32 v5, v6  }
0x1f5: {  	v6 =	vperm.xlane v5, v0;
	_ =	sdelay $0x1  }
0x1f6: {  	v6 =	vadd.s32 v1, v6;
	_ =	sdelay $0x3  }
0x1f7: {  	s31 =	simm.s32 $0xC900  }
0x1f8: {  	[tilespmem:s31], [sflag:$0x2] =	stream.indirect_vreg.gather [hbm4b:s2+s3], $0x80, v6, vm0, $0xb8;
	[tilespmem:$0x10980] =	vst v63  }
0x1f9: {  	s18 =	simm.s32 $0xD100;
	v5 =	vperm.xlane v5, v2  }
0x1fa: {  	[tilespmem:s18], [sflag:$0x2] =	stream.indirect_vreg.gather [hbm4b:s5+s3], $0x80, v6, vm0, $0xb8;
	[tilespmem:$0x10980] =	vst v63  }
0x1fb: {  	s8 =	simm.s32 $0xD900;
	v5 =	vadd.s32 v1, v5  }
0x1fc: {  	[tilespmem:s8], [sflag:$0x2] =	stream.indirect_vreg.gather [hbm4b:s6+s3], $0x80, v6, vm0, $0xb8;
	[tilespmem:$0x10980] =	vst v63  }
0x1fd: {  	s4 =	simm.s32 $0xE100  }
0x1fe: {  	[tilespmem:s4], [sflag:$0x2] =	stream.indirect_vreg.gather [hbm4b:s7+s3], $0x80, v6, vm0, $0xb8;
	[tilespmem:$0x10980] =	vst v63  }
0x1ff: {  	s1 =	simm.s32 $0xE900  }
0x200: {  	[tilespmem:s1], [sflag:$0x2] =	stream.indirect_vreg.gather [hbm4b:s2+s3], $0x80, v5, vm0, $0xb8;
	[tilespmem:$0x10980] =	vst v63  }
0x201: {  	s0 =	simm.s32 $0xF100  }
0x202: {  	[tilespmem:s0], [sflag:$0x2] =	stream.indirect_vreg.gather [hbm4b:s5+s3], $0x80, v5, vm0, $0xb8;
	[tilespmem:$0x10980] =	vst v63  }
0x203: {  	s14 =	simm.s32 $0xF900  }
0x204: {  	[tilespmem:s14], [sflag:$0x2] =	stream.indirect_vreg.gather [hbm4b:s6+s3], $0x80, v5, vm0, $0xb8;
	[tilespmem:$0x10980] =	vst v63  }
0x205: {  	s20 =	simm.s32 $0x10100  }
0x206: {  	[tilespmem:s20], [sflag:$0x2] =	stream.indirect_vreg.gather [hbm4b:s7+s3], $0x80, v5, vm0, $0xb8;
	[tilespmem:$0x10980] =	vst v63  }
0x207: {  	v5 =	vld [tilespmem:$0x340]  }
0x208: {  	v6 =	vld [tilespmem:$0x350];
	_ =	sdelay $0x1  }
0x209: {  	v7 =	vld [tilespmem:$0xC0]  }
0x20a: {  	v49 =	vld [tilespmem:$0xD0]  }
0x20b: {  	v48 =	vshll.u32 v5, $0x3  }
0x20c: {  	v5 =	vand.u32 $0x7F, v5;
	v50 =	vshll.u32 v6, $0x3;
	v8 =	vand.u32 $0xFFFFFC00, v48  }
0x20d: {  	v6 =	vand.u32 $0x7F, v6;
	v5 =	vor.u32 v5, v8;
	v8 =	vand.u32 $0xFFFFFC00, v50  }
0x20e: {  	v5 =	vadd.s32 v21, v5;
	v6 =	vor.u32 v6, v8  }
0x20f: {  	v6 =	vadd.s32 v4, v6;
	_ =	sdelay $0x1  }
0x210: {  	v30 =	vld.idx.msk [tilespmem:v7+s10+$0x0], $0xffff  }
0x211: {  	v29 =	vld.idx.msk [tilespmem:v49+s10+$0x0], $0xffff  }
0x212: {  	s20 =	rddreg [dreg:$0xb];
	v32 =	vld.idx.msk [tilespmem:v5+s11+$0x0], $0xffff  }
0x213: {  	v31 =	vld.idx.msk [tilespmem:v6+s11+$0x0], $0xffff;
	[hbm4b:s20+s3] =	stream.linear.scatter [tilespmem:s11], [sflag:$0x3], $0x8000, $0x38  }
0x214: {  	_ =	swait.ge [sflag:s22], $0x8000  }
0x215: {  	[sflag:s22] =	ssyncset.done $0x0  }
0x216: {  	[sflag:s22] =	ssyncadd.s32 $0xFFFF8000  }
0x217: {  	_ =	swait.ge [sflag:s23], $0x8000  }
0x218: {  	[sflag:s23] =	ssyncset.done $0x0  }
0x219: {  	[sflag:s23] =	ssyncadd.s32 $0xFFFF8000  }
0x21a: {  	v5 =	vld [tilespmem:$0x100];
	_ =	sdelay $0x4  }
0x21b: {  	v6 =	vshll.u32 v5, $0x3  }
0x21c: {  	v5 =	vand.u32 $0x7, v5;
	v6 =	vand.u32 $0xFFFFFFC0, v6  }
0x21d: {  	v5 =	vor.u32 v5, v6  }
0x21e: {  	v6 =	vperm.xlane v5, v0;
	_ =	sdelay $0x1  }
0x21f: {  	v6 =	vadd.s32 v1, v6;
	_ =	sdelay $0x4  }
0x220: {  	[tilespmem:s11], [sflag:$0x1] =	stream.indirect_vreg.gather [hbm4b:s2+s3], $0x80, v6, vm0, $0xb8;
	[tilespmem:$0x10980] =	vst v63  }
0x221: {  	s25 =	simm.s32 $0x1100;
	v5 =	vperm.xlane v5, v2  }
0x222: {  	[tilespmem:s25], [sflag:$0x1] =	stream.indirect_vreg.gather [hbm4b:s5+s3], $0x80, v6, vm0, $0xb8;
	[tilespmem:$0x10980] =	vst v63  }
0x223: {  	v5 =	vadd.s32 v1, v5;
	s25 =	simm.s32 $0x1900  }
0x224: {  	[tilespmem:s25], [sflag:$0x1] =	stream.indirect_vreg.gather [hbm4b:s6+s3], $0x80, v6, vm0, $0xb8;
	[tilespmem:$0x10980] =	vst v63  }
0x225: {  	s25 =	simm.s32 $0x2100  }
0x226: {  	[tilespmem:s25], [sflag:$0x1] =	stream.indirect_vreg.gather [hbm4b:s7+s3], $0x80, v6, vm0, $0xb8;
	[tilespmem:$0x10980] =	vst v63  }
0x227: {  	s26 =	simm.s32 $0x2900  }
0x228: {  	[tilespmem:s26], [sflag:$0x1] =	stream.indirect_vreg.gather [hbm4b:s2+s3], $0x80, v5, vm0, $0xb8;
	[tilespmem:$0x10980] =	vst v63  }
0x229: {  	s25 =	simm.s32 $0x3100  }
0x22a: {  	[tilespmem:s25], [sflag:$0x1] =	stream.indirect_vreg.gather [hbm4b:s5+s3], $0x80, v5, vm0, $0xb8;
	[tilespmem:$0x10980] =	vst v63  }
0x22b: {  	s25 =	simm.s32 $0x3900  }
0x22c: {  	[tilespmem:s25], [sflag:$0x1] =	stream.indirect_vreg.gather [hbm4b:s6+s3], $0x80, v5, vm0, $0xb8;
	[tilespmem:$0x10980] =	vst v63  }
0x22d: {  	s25 =	simm.s32 $0x4100  }
0x22e: {  	[tilespmem:s25], [sflag:$0x1] =	stream.indirect_vreg.gather [hbm4b:s7+s3], $0x80, v5, vm0, $0xb8;
	[tilespmem:$0x10980] =	vst v63  }
0x22f: {  	v5 =	vld [tilespmem:$0x110];
	_ =	sdelay $0x4  }
0x230: {  	v6 =	vshll.u32 v5, $0x3  }
0x231: {  	v5 =	vand.u32 $0x7, v5;
	v6 =	vand.u32 $0xFFFFFFC0, v6  }
0x232: {  	v5 =	vor.u32 v5, v6  }
0x233: {  	v6 =	vperm.xlane v5, v0;
	_ =	sdelay $0x1  }
0x234: {  	v6 =	vadd.s32 v1, v6;
	_ =	sdelay $0x3  }
0x235: {  	s25 =	simm.s32 $0x4900  }
0x236: {  	[tilespmem:s25], [sflag:$0x1] =	stream.indirect_vreg.gather [hbm4b:s2+s3], $0x80, v6, vm0, $0xb8;
	[tilespmem:$0x10980] =	vst v63  }
0x237: {  	v5 =	vperm.xlane v5, v2;
	s25 =	simm.s32 $0x5100  }
0x238: {  	[tilespmem:s25], [sflag:$0x1] =	stream.indirect_vreg.gather [hbm4b:s5+s3], $0x80, v6, vm0, $0xb8;
	[tilespmem:$0x10980] =	vst v63  }
0x239: {  	v5 =	vadd.s32 v1, v5;
	s25 =	simm.s32 $0x5900  }
0x23a: {  	[tilespmem:s25], [sflag:$0x1] =	stream.indirect_vreg.gather [hbm4b:s6+s3], $0x80, v6, vm0, $0xb8;
	[tilespmem:$0x10980] =	vst v63  }
0x23b: {  	s17 =	simm.s32 $0x6100  }
0x23c: {  	[tilespmem:s17], [sflag:$0x1] =	stream.indirect_vreg.gather [hbm4b:s7+s3], $0x80, v6, vm0, $0xb8;
	[tilespmem:$0x10980] =	vst v63  }
0x23d: {  	s25 =	simm.s32 $0x6900  }
0x23e: {  	[tilespmem:s25], [sflag:$0x1] =	stream.indirect_vreg.gather [hbm4b:s2+s3], $0x80, v5, vm0, $0xb8;
	[tilespmem:$0x10980] =	vst v63  }
0x23f: {  	s25 =	simm.s32 $0x7100  }
0x240: {  	[tilespmem:s25], [sflag:$0x1] =	stream.indirect_vreg.gather [hbm4b:s5+s3], $0x80, v5, vm0, $0xb8;
	[tilespmem:$0x10980] =	vst v63  }
0x241: {  	s25 =	simm.s32 $0x7900  }
0x242: {  	[tilespmem:s25], [sflag:$0x1] =	stream.indirect_vreg.gather [hbm4b:s6+s3], $0x80, v5, vm0, $0xb8;
	[tilespmem:$0x10980] =	vst v63  }
0x243: {  	s25 =	simm.s32 $0x8100  }
0x244: {  	[tilespmem:s25], [sflag:$0x1] =	stream.indirect_vreg.gather [hbm4b:s7+s3], $0x80, v5, vm0, $0xb8;
	[tilespmem:$0x10980] =	vst v63  }
0x245: {  	v5 =	vld [tilespmem:$0x360]  }
0x246: {  	v6 =	vld [tilespmem:$0x370];
	_ =	sdelay $0x1  }
0x247: {  	v7 =	vld [tilespmem:$0xE0]  }
0x248: {  	v52 =	vld [tilespmem:$0xF0]  }
0x249: {  	v51 =	vshll.u32 v5, $0x3  }
0x24a: {  	v5 =	vand.u32 $0x7F, v5;
	v53 =	vshll.u32 v6, $0x3;
	v8 =	vand.u32 $0xFFFFFC00, v51  }
0x24b: {  	v6 =	vand.u32 $0x7F, v6;
	v5 =	vor.u32 v5, v8;
	v8 =	vand.u32 $0xFFFFFC00, v53  }
0x24c: {  	v5 =	vadd.s32 v21, v5;
	v6 =	vor.u32 v6, v8  }
0x24d: {  	v6 =	vadd.s32 v4, v6;
	_ =	sdelay $0x1  }
0x24e: {  	v34 =	vld.idx.msk [tilespmem:v7+s10+$0x0], $0xffff  }
0x24f: {  	v33 =	vld.idx.msk [tilespmem:v52+s10+$0x0], $0xffff  }
0x250: {  	s17 =	rddreg [dreg:$0xc];
	v36 =	vld.idx.msk [tilespmem:v5+s29+$0x0], $0xffff  }
0x251: {  	v35 =	vld.idx.msk [tilespmem:v6+s29+$0x0], $0xffff;
	[hbm4b:s17+s3] =	stream.linear.scatter [tilespmem:s29], [sflag:$0x4], $0x8000, $0x38  }
0x252: {  	_ =	swait.ge [sflag:s28], $0x8000  }
0x253: {  	[sflag:s28] =	ssyncset.done $0x0  }
0x254: {  	[sflag:s28] =	ssyncadd.s32 $0xFFFF8000  }
0x255: {  	_ =	swait.ge [sflag:s24], $0x8000  }
0x256: {  	[sflag:s24] =	ssyncset.done $0x0  }
0x257: {  	[sflag:s24] =	ssyncadd.s32 $0xFFFF8000  }
0x258: {  	v5 =	vld [tilespmem:$0x120];
	_ =	sdelay $0x4  }
0x259: {  	v6 =	vshll.u32 v5, $0x3  }
0x25a: {  	v5 =	vand.u32 $0x7, v5;
	v6 =	vand.u32 $0xFFFFFFC0, v6  }
0x25b: {  	v5 =	vor.u32 v5, v6  }
0x25c: {  	v6 =	vperm.xlane v5, v0;
	_ =	sdelay $0x1  }
0x25d: {  	v6 =	vadd.s32 v1, v6;
	_ =	sdelay $0x4  }
0x25e: {  	[tilespmem:s29], [sflag:$0x2] =	stream.indirect_vreg.gather [hbm4b:s2+s3], $0x80, v6, vm0, $0xb8;
	[tilespmem:$0x10980] =	vst v63  }
0x25f: {  	s30 =	simm.s32 $0x9100;
	v5 =	vperm.xlane v5, v2  }
0x260: {  	[tilespmem:s30], [sflag:$0x2] =	stream.indirect_vreg.gather [hbm4b:s5+s3], $0x80, v6, vm0, $0xb8;
	[tilespmem:$0x10980] =	vst v63  }
0x261: {  	s15 =	simm.s32 $0x9900;
	v5 =	vadd.s32 v1, v5  }
0x262: {  	[tilespmem:s15], [sflag:$0x2] =	stream.indirect_vreg.gather [hbm4b:s6+s3], $0x80, v6, vm0, $0xb8;
	[tilespmem:$0x10980] =	vst v63  }
0x263: {  	s21 =	simm.s32 $0xA100  }
0x264: {  	[tilespmem:s21], [sflag:$0x2] =	stream.indirect_vreg.gather [hbm4b:s7+s3], $0x80, v6, vm0, $0xb8;
	[tilespmem:$0x10980] =	vst v63  }
0x265: {  	s19 =	simm.s32 $0xA900  }
0x266: {  	[tilespmem:s19], [sflag:$0x2] =	stream.indirect_vreg.gather [hbm4b:s2+s3], $0x80, v5, vm0, $0xb8;
	[tilespmem:$0x10980] =	vst v63  }
0x267: {  	s16 =	simm.s32 $0xB100  }
0x268: {  	[tilespmem:s16], [sflag:$0x2] =	stream.indirect_vreg.gather [hbm4b:s5+s3], $0x80, v5, vm0, $0xb8;
	[tilespmem:$0x10980] =	vst v63  }
0x269: {  	s13 =	simm.s32 $0xB900  }
0x26a: {  	[tilespmem:s13], [sflag:$0x2] =	stream.indirect_vreg.gather [hbm4b:s6+s3], $0x80, v5, vm0, $0xb8;
	[tilespmem:$0x10980] =	vst v63  }
0x26b: {  	s12 =	simm.s32 $0xC100  }
0x26c: {  	[tilespmem:s12], [sflag:$0x2] =	stream.indirect_vreg.gather [hbm4b:s7+s3], $0x80, v5, vm0, $0xb8;
	[tilespmem:$0x10980] =	vst v63  }
0x26d: {  	v5 =	vld [tilespmem:$0x130];
	_ =	sdelay $0x4  }
0x26e: {  	v6 =	vshll.u32 v5, $0x3  }
0x26f: {  	v5 =	vand.u32 $0x7, v5;
	v6 =	vand.u32 $0xFFFFFFC0, v6  }
0x270: {  	v5 =	vor.u32 v5, v6  }
0x271: {  	v6 =	vperm.xlane v5, v0;
	_ =	sdelay $0x1  }
0x272: {  	v6 =	vadd.s32 v1, v6;
	_ =	sdelay $0x3  }
0x273: {  	s31 =	simm.s32 $0xC900  }
0x274: {  	[tilespmem:s31], [sflag:$0x2] =	stream.indirect_vreg.gather [hbm4b:s2+s3], $0x80, v6, vm0, $0xb8;
	[tilespmem:$0x10980] =	vst v63  }
0x275: {  	s18 =	simm.s32 $0xD100;
	v5 =	vperm.xlane v5, v2  }
0x276: {  	[tilespmem:s18], [sflag:$0x2] =	stream.indirect_vreg.gather [hbm4b:s5+s3], $0x80, v6, vm0, $0xb8;
	[tilespmem:$0x10980] =	vst v63  }
0x277: {  	s8 =	simm.s32 $0xD900;
	v5 =	vadd.s32 v1, v5  }
0x278: {  	[tilespmem:s8], [sflag:$0x2] =	stream.indirect_vreg.gather [hbm4b:s6+s3], $0x80, v6, vm0, $0xb8;
	[tilespmem:$0x10980] =	vst v63  }
0x279: {  	s9 =	simm.s32 $0xE100  }
0x27a: {  	[tilespmem:s9], [sflag:$0x2] =	stream.indirect_vreg.gather [hbm4b:s7+s3], $0x80, v6, vm0, $0xb8;
	[tilespmem:$0x10980] =	vst v63  }
0x27b: {  	s1 =	simm.s32 $0xE900  }
0x27c: {  	[tilespmem:s1], [sflag:$0x2] =	stream.indirect_vreg.gather [hbm4b:s2+s3], $0x80, v5, vm0, $0xb8;
	[tilespmem:$0x10980] =	vst v63  }
0x27d: {  	s0 =	simm.s32 $0xF100  }
0x27e: {  	[tilespmem:s0], [sflag:$0x2] =	stream.indirect_vreg.gather [hbm4b:s5+s3], $0x80, v5, vm0, $0xb8;
	[tilespmem:$0x10980] =	vst v63  }
0x27f: {  	s4 =	simm.s32 $0xF900  }
0x280: {  	[tilespmem:s4], [sflag:$0x2] =	stream.indirect_vreg.gather [hbm4b:s6+s3], $0x80, v5, vm0, $0xb8;
	[tilespmem:$0x10980] =	vst v63  }
0x281: {  	s14 =	simm.s32 $0x10100  }
0x282: {  	[tilespmem:s14], [sflag:$0x2] =	stream.indirect_vreg.gather [hbm4b:s7+s3], $0x80, v5, vm0, $0xb8;
	[tilespmem:$0x10980] =	vst v63  }
0x283: {  	v5 =	vld [tilespmem:$0x380]  }
0x284: {  	v6 =	vld [tilespmem:$0x390];
	_ =	sdelay $0x1  }
0x285: {  	v7 =	vld [tilespmem:$0x100]  }
0x286: {  	v55 =	vld [tilespmem:$0x110]  }
0x287: {  	v54 =	vshll.u32 v5, $0x3  }
0x288: {  	v5 =	vand.u32 $0x7F, v5;
	v56 =	vshll.u32 v6, $0x3;
	v8 =	vand.u32 $0xFFFFFC00, v54  }
0x289: {  	v6 =	vand.u32 $0x7F, v6;
	v5 =	vor.u32 v5, v8;
	v8 =	vand.u32 $0xFFFFFC00, v56  }
0x28a: {  	v5 =	vadd.s32 v21, v5;
	v6 =	vor.u32 v6, v8  }
0x28b: {  	v6 =	vadd.s32 v4, v6;
	_ =	sdelay $0x1  }
0x28c: {  	v37 =	vld.idx.msk [tilespmem:v7+s10+$0x0], $0xffff  }
0x28d: {  	v38 =	vld.idx.msk [tilespmem:v55+s10+$0x0], $0xffff  }
0x28e: {  	s14 =	rddreg [dreg:$0xd];
	v39 =	vld.idx.msk [tilespmem:v5+s11+$0x0], $0xffff  }
0x28f: {  	v40 =	vld.idx.msk [tilespmem:v6+s11+$0x0], $0xffff;
	[hbm4b:s14+s3] =	stream.linear.scatter [tilespmem:s11], [sflag:$0x3], $0x8000, $0x38  }
0x290: {  	_ =	swait.ge [sflag:s22], $0x8000  }
0x291: {  	[sflag:s22] =	ssyncset.done $0x0  }
0x292: {  	[sflag:s22] =	ssyncadd.s32 $0xFFFF8000  }
0x293: {  	_ =	swait.ge [sflag:s23], $0x8000  }
0x294: {  	[sflag:s23] =	ssyncset.done $0x0  }
0x295: {  	[sflag:s23] =	ssyncadd.s32 $0xFFFF8000  }
0x296: {  	v5 =	vld [tilespmem:$0x140];
	_ =	sdelay $0x4  }
0x297: {  	v6 =	vshll.u32 v5, $0x3  }
0x298: {  	v5 =	vand.u32 $0x7, v5;
	v6 =	vand.u32 $0xFFFFFFC0, v6  }
0x299: {  	v5 =	vor.u32 v5, v6  }
0x29a: {  	v6 =	vperm.xlane v5, v0;
	_ =	sdelay $0x1  }
0x29b: {  	v6 =	vadd.s32 v1, v6;
	_ =	sdelay $0x4  }
0x29c: {  	[tilespmem:s11], [sflag:$0x1] =	stream.indirect_vreg.gather [hbm4b:s2+s3], $0x80, v6, vm0, $0xb8;
	[tilespmem:$0x10980] =	vst v63  }
0x29d: {  	s25 =	simm.s32 $0x1100;
	v5 =	vperm.xlane v5, v2  }
0x29e: {  	[tilespmem:s25], [sflag:$0x1] =	stream.indirect_vreg.gather [hbm4b:s5+s3], $0x80, v6, vm0, $0xb8;
	[tilespmem:$0x10980] =	vst v63  }
0x29f: {  	v5 =	vadd.s32 v1, v5;
	s25 =	simm.s32 $0x1900  }
0x2a0: {  	[tilespmem:s25], [sflag:$0x1] =	stream.indirect_vreg.gather [hbm4b:s6+s3], $0x80, v6, vm0, $0xb8;
	[tilespmem:$0x10980] =	vst v63  }
0x2a1: {  	s25 =	simm.s32 $0x2100  }
0x2a2: {  	[tilespmem:s25], [sflag:$0x1] =	stream.indirect_vreg.gather [hbm4b:s7+s3], $0x80, v6, vm0, $0xb8;
	[tilespmem:$0x10980] =	vst v63  }
0x2a3: {  	s26 =	simm.s32 $0x2900  }
0x2a4: {  	[tilespmem:s26], [sflag:$0x1] =	stream.indirect_vreg.gather [hbm4b:s2+s3], $0x80, v5, vm0, $0xb8;
	[tilespmem:$0x10980] =	vst v63  }
0x2a5: {  	s26 =	simm.s32 $0x3100  }
0x2a6: {  	[tilespmem:s26], [sflag:$0x1] =	stream.indirect_vreg.gather [hbm4b:s5+s3], $0x80, v5, vm0, $0xb8;
	[tilespmem:$0x10980] =	vst v63  }
0x2a7: {  	s25 =	simm.s32 $0x3900  }
0x2a8: {  	[tilespmem:s25], [sflag:$0x1] =	stream.indirect_vreg.gather [hbm4b:s6+s3], $0x80, v5, vm0, $0xb8;
	[tilespmem:$0x10980] =	vst v63  }
0x2a9: {  	s26 =	simm.s32 $0x4100  }
0x2aa: {  	[tilespmem:s26], [sflag:$0x1] =	stream.indirect_vreg.gather [hbm4b:s7+s3], $0x80, v5, vm0, $0xb8;
	[tilespmem:$0x10980] =	vst v63  }
0x2ab: {  	v5 =	vld [tilespmem:$0x150];
	_ =	sdelay $0x4  }
0x2ac: {  	v6 =	vshll.u32 v5, $0x3  }
0x2ad: {  	v5 =	vand.u32 $0x7, v5;
	v6 =	vand.u32 $0xFFFFFFC0, v6  }
0x2ae: {  	v5 =	vor.u32 v5, v6  }
0x2af: {  	v6 =	vperm.xlane v5, v0;
	_ =	sdelay $0x1  }
0x2b0: {  	v6 =	vadd.s32 v1, v6;
	_ =	sdelay $0x3  }
0x2b1: {  	s25 =	simm.s32 $0x4900  }
0x2b2: {  	[tilespmem:s25], [sflag:$0x1] =	stream.indirect_vreg.gather [hbm4b:s2+s3], $0x80, v6, vm0, $0xb8;
	[tilespmem:$0x10980] =	vst v63  }
0x2b3: {  	s26 =	simm.s32 $0x5100;
	v5 =	vperm.xlane v5, v2  }
0x2b4: {  	[tilespmem:s26], [sflag:$0x1] =	stream.indirect_vreg.gather [hbm4b:s5+s3], $0x80, v6, vm0, $0xb8;
	[tilespmem:$0x10980] =	vst v63  }
0x2b5: {  	s20 =	simm.s32 $0x5900;
	v5 =	vadd.s32 v1, v5  }
0x2b6: {  	[tilespmem:s20], [sflag:$0x1] =	stream.indirect_vreg.gather [hbm4b:s6+s3], $0x80, v6, vm0, $0xb8;
	[tilespmem:$0x10980] =	vst v63  }
0x2b7: {  	s20 =	simm.s32 $0x6100  }
0x2b8: {  	[tilespmem:s20], [sflag:$0x1] =	stream.indirect_vreg.gather [hbm4b:s7+s3], $0x80, v6, vm0, $0xb8;
	[tilespmem:$0x10980] =	vst v63  }
0x2b9: {  	s25 =	simm.s32 $0x6900  }
0x2ba: {  	[tilespmem:s25], [sflag:$0x1] =	stream.indirect_vreg.gather [hbm4b:s2+s3], $0x80, v5, vm0, $0xb8;
	[tilespmem:$0x10980] =	vst v63  }
0x2bb: {  	s25 =	simm.s32 $0x7100  }
0x2bc: {  	[tilespmem:s25], [sflag:$0x1] =	stream.indirect_vreg.gather [hbm4b:s5+s3], $0x80, v5, vm0, $0xb8;
	[tilespmem:$0x10980] =	vst v63  }
0x2bd: {  	s25 =	simm.s32 $0x7900  }
0x2be: {  	[tilespmem:s25], [sflag:$0x1] =	stream.indirect_vreg.gather [hbm4b:s6+s3], $0x80, v5, vm0, $0xb8;
	[tilespmem:$0x10980] =	vst v63  }
0x2bf: {  	s25 =	simm.s32 $0x8100  }
0x2c0: {  	[tilespmem:s25], [sflag:$0x1] =	stream.indirect_vreg.gather [hbm4b:s7+s3], $0x80, v5, vm0, $0xb8;
	[tilespmem:$0x10980] =	vst v63  }
0x2c1: {  	v5 =	vld [tilespmem:$0x3A0]  }
0x2c2: {  	v6 =	vld [tilespmem:$0x3B0];
	_ =	sdelay $0x1  }
0x2c3: {  	v7 =	vld [tilespmem:$0x120]  }
0x2c4: {  	v58 =	vld [tilespmem:$0x130]  }
0x2c5: {  	v57 =	vshll.u32 v5, $0x3  }
0x2c6: {  	v5 =	vand.u32 $0x7F, v5;
	v59 =	vshll.u32 v6, $0x3;
	v8 =	vand.u32 $0xFFFFFC00, v57  }
0x2c7: {  	v6 =	vand.u32 $0x7F, v6;
	v5 =	vor.u32 v5, v8;
	v8 =	vand.u32 $0xFFFFFC00, v59  }
0x2c8: {  	v5 =	vadd.s32 v21, v5;
	v6 =	vor.u32 v6, v8  }
0x2c9: {  	v6 =	vadd.s32 v4, v6;
	_ =	sdelay $0x1  }
0x2ca: {  	v42 =	vld.idx.msk [tilespmem:v7+s10+$0x0], $0xffff  }
0x2cb: {  	v41 =	vld.idx.msk [tilespmem:v58+s10+$0x0], $0xffff  }
0x2cc: {  	s20 =	rddreg [dreg:$0xe];
	v44 =	vld.idx.msk [tilespmem:v5+s29+$0x0], $0xffff  }
0x2cd: {  	v43 =	vld.idx.msk [tilespmem:v6+s29+$0x0], $0xffff;
	[hbm4b:s20+s3] =	stream.linear.scatter [tilespmem:s29], [sflag:$0x4], $0x8000, $0x38  }
0x2ce: {  	_ =	swait.ge [sflag:s28], $0x8000  }
0x2cf: {  	[sflag:s28] =	ssyncset.done $0x0  }
0x2d0: {  	[sflag:s28] =	ssyncadd.s32 $0xFFFF8000  }
0x2d1: {  	_ =	swait.ge [sflag:s24], $0x8000  }
0x2d2: {  	[sflag:s24] =	ssyncset.done $0x0  }
0x2d3: {  	[sflag:s24] =	ssyncadd.s32 $0xFFFF8000  }
0x2d4: {  	v5 =	vld [tilespmem:$0x160];
	_ =	sdelay $0x4  }
0x2d5: {  	v6 =	vshll.u32 v5, $0x3  }
0x2d6: {  	v5 =	vand.u32 $0x7, v5;
	v6 =	vand.u32 $0xFFFFFFC0, v6  }
0x2d7: {  	v5 =	vor.u32 v5, v6  }
0x2d8: {  	v6 =	vperm.xlane v5, v0;
	_ =	sdelay $0x1  }
0x2d9: {  	v6 =	vadd.s32 v1, v6;
	_ =	sdelay $0x4  }
0x2da: {  	[tilespmem:s29], [sflag:$0x2] =	stream.indirect_vreg.gather [hbm4b:s2+s3], $0x80, v6, vm0, $0xb8;
	[tilespmem:$0x10980] =	vst v63  }
0x2db: {  	s30 =	simm.s32 $0x9100;
	v5 =	vperm.xlane v5, v2  }
0x2dc: {  	[tilespmem:s30], [sflag:$0x2] =	stream.indirect_vreg.gather [hbm4b:s5+s3], $0x80, v6, vm0, $0xb8;
	[tilespmem:$0x10980] =	vst v63  }
0x2dd: {  	s17 =	simm.s32 $0x9900;
	v5 =	vadd.s32 v1, v5  }
0x2de: {  	[tilespmem:s17], [sflag:$0x2] =	stream.indirect_vreg.gather [hbm4b:s6+s3], $0x80, v6, vm0, $0xb8;
	[tilespmem:$0x10980] =	vst v63  }
0x2df: {  	s21 =	simm.s32 $0xA100  }
0x2e0: {  	[tilespmem:s21], [sflag:$0x2] =	stream.indirect_vreg.gather [hbm4b:s7+s3], $0x80, v6, vm0, $0xb8;
	[tilespmem:$0x10980] =	vst v63  }
0x2e1: {  	s19 =	simm.s32 $0xA900  }
0x2e2: {  	[tilespmem:s19], [sflag:$0x2] =	stream.indirect_vreg.gather [hbm4b:s2+s3], $0x80, v5, vm0, $0xb8;
	[tilespmem:$0x10980] =	vst v63  }
0x2e3: {  	s16 =	simm.s32 $0xB100  }
0x2e4: {  	[tilespmem:s16], [sflag:$0x2] =	stream.indirect_vreg.gather [hbm4b:s5+s3], $0x80, v5, vm0, $0xb8;
	[tilespmem:$0x10980] =	vst v63  }
0x2e5: {  	s15 =	simm.s32 $0xB900  }
0x2e6: {  	[tilespmem:s15], [sflag:$0x2] =	stream.indirect_vreg.gather [hbm4b:s6+s3], $0x80, v5, vm0, $0xb8;
	[tilespmem:$0x10980] =	vst v63  }
0x2e7: {  	s13 =	simm.s32 $0xC100  }
0x2e8: {  	[tilespmem:s13], [sflag:$0x2] =	stream.indirect_vreg.gather [hbm4b:s7+s3], $0x80, v5, vm0, $0xb8;
	[tilespmem:$0x10980] =	vst v63  }
0x2e9: {  	v5 =	vld [tilespmem:$0x170];
	_ =	sdelay $0x4  }
0x2ea: {  	v6 =	vshll.u32 v5, $0x3  }
0x2eb: {  	v5 =	vand.u32 $0x7, v5;
	v6 =	vand.u32 $0xFFFFFFC0, v6  }
0x2ec: {  	v5 =	vor.u32 v5, v6  }
0x2ed: {  	v6 =	vperm.xlane v5, v0;
	_ =	sdelay $0x1  }
0x2ee: {  	v6 =	vadd.s32 v1, v6;
	_ =	sdelay $0x3  }
0x2ef: {  	s31 =	simm.s32 $0xC900  }
0x2f0: {  	[tilespmem:s31], [sflag:$0x2] =	stream.indirect_vreg.gather [hbm4b:s2+s3], $0x80, v6, vm0, $0xb8;
	[tilespmem:$0x10980] =	vst v63  }
0x2f1: {  	s18 =	simm.s32 $0xD100;
	v5 =	vperm.xlane v5, v2  }
0x2f2: {  	[tilespmem:s18], [sflag:$0x2] =	stream.indirect_vreg.gather [hbm4b:s5+s3], $0x80, v6, vm0, $0xb8;
	[tilespmem:$0x10980] =	vst v63  }
0x2f3: {  	s8 =	simm.s32 $0xD900;
	v5 =	vadd.s32 v1, v5  }
0x2f4: {  	[tilespmem:s8], [sflag:$0x2] =	stream.indirect_vreg.gather [hbm4b:s6+s3], $0x80, v6, vm0, $0xb8;
	[tilespmem:$0x10980] =	vst v63  }
0x2f5: {  	s12 =	simm.s32 $0xE100  }
0x2f6: {  	[tilespmem:s12], [sflag:$0x2] =	stream.indirect_vreg.gather [hbm4b:s7+s3], $0x80, v6, vm0, $0xb8;
	[tilespmem:$0x10980] =	vst v63  }
0x2f7: {  	s9 =	simm.s32 $0xE900  }
0x2f8: {  	[tilespmem:s9], [sflag:$0x2] =	stream.indirect_vreg.gather [hbm4b:s2+s3], $0x80, v5, vm0, $0xb8;
	[tilespmem:$0x10980] =	vst v63  }
0x2f9: {  	s0 =	simm.s32 $0xF100  }
0x2fa: {  	[tilespmem:s0], [sflag:$0x2] =	stream.indirect_vreg.gather [hbm4b:s5+s3], $0x80, v5, vm0, $0xb8;
	[tilespmem:$0x10980] =	vst v63  }
0x2fb: {  	s4 =	simm.s32 $0xF900  }
0x2fc: {  	[tilespmem:s4], [sflag:$0x2] =	stream.indirect_vreg.gather [hbm4b:s6+s3], $0x80, v5, vm0, $0xb8;
	[tilespmem:$0x10980] =	vst v63  }
0x2fd: {  	s1 =	simm.s32 $0x10100  }
0x2fe: {  	[tilespmem:s1], [sflag:$0x2] =	stream.indirect_vreg.gather [hbm4b:s7+s3], $0x80, v5, vm0, $0xb8;
	[tilespmem:$0x10980] =	vst v63  }
0x2ff: {  	v5 =	vld [tilespmem:$0x3C0]  }
0x300: {  	v6 =	vld [tilespmem:$0x3D0];
	_ =	sdelay $0x1  }
0x301: {  	v7 =	vld [tilespmem:$0x140]  }
0x302: {  	v61 =	vld [tilespmem:$0x150]  }
0x303: {  	v60 =	vshll.u32 v5, $0x3  }
0x304: {  	v5 =	vand.u32 $0x7F, v5;
	v62 =	vshll.u32 v6, $0x3;
	v8 =	vand.u32 $0xFFFFFC00, v60  }
0x305: {  	v6 =	vand.u32 $0x7F, v6;
	v5 =	vor.u32 v5, v8;
	v8 =	vand.u32 $0xFFFFFC00, v62  }
0x306: {  	v5 =	vadd.s32 v21, v5;
	v6 =	vor.u32 v6, v8  }
0x307: {  	v6 =	vadd.s32 v4, v6;
	_ =	sdelay $0x1  }
0x308: {  	v45 =	vld.idx.msk [tilespmem:v7+s10+$0x0], $0xffff  }
0x309: {  	v46 =	vld.idx.msk [tilespmem:v61+s10+$0x0], $0xffff  }
0x30a: {  	s9 =	rddreg [dreg:$0xf];
	v47 =	vld.idx.msk [tilespmem:v5+s11+$0x0], $0xffff  }
0x30b: {  	v48 =	vld.idx.msk [tilespmem:v6+s11+$0x0], $0xffff;
	[hbm4b:s9+s3] =	stream.linear.scatter [tilespmem:s11], [sflag:$0x3], $0x8000, $0x38  }
0x30c: {  	_ =	swait.ge [sflag:s22], $0x8000  }
0x30d: {  	[sflag:s22] =	ssyncset.done $0x0  }
0x30e: {  	[sflag:s22] =	ssyncadd.s32 $0xFFFF8000  }
0x30f: {  	_ =	swait.ge [sflag:s23], $0x8000  }
0x310: {  	[sflag:s23] =	ssyncset.done $0x0  }
0x311: {  	[sflag:s23] =	ssyncadd.s32 $0xFFFF8000  }
0x312: {  	v5 =	vld [tilespmem:$0x180];
	_ =	sdelay $0x4  }
0x313: {  	v6 =	vshll.u32 v5, $0x3  }
0x314: {  	v5 =	vand.u32 $0x7, v5;
	v6 =	vand.u32 $0xFFFFFFC0, v6  }
0x315: {  	v5 =	vor.u32 v5, v6  }
0x316: {  	v6 =	vperm.xlane v5, v0;
	_ =	sdelay $0x1  }
0x317: {  	v6 =	vadd.s32 v1, v6;
	_ =	sdelay $0x4  }
0x318: {  	[tilespmem:s11], [sflag:$0x1] =	stream.indirect_vreg.gather [hbm4b:s2+s3], $0x80, v6, vm0, $0xb8;
	[tilespmem:$0x10980] =	vst v63  }
0x319: {  	s31 =	simm.s32 $0x1100;
	v5 =	vperm.xlane v5, v2  }
0x31a: {  	[tilespmem:s31], [sflag:$0x1] =	stream.indirect_vreg.gather [hbm4b:s5+s3], $0x80, v6, vm0, $0xb8;
	[tilespmem:$0x10980] =	vst v63  }
0x31b: {  	s25 =	simm.s32 $0x1900;
	v5 =	vadd.s32 v1, v5  }
0x31c: {  	[tilespmem:s25], [sflag:$0x1] =	stream.indirect_vreg.gather [hbm4b:s6+s3], $0x80, v6, vm0, $0xb8;
	[tilespmem:$0x10980] =	vst v63  }
0x31d: {  	s31 =	simm.s32 $0x2100  }
0x31e: {  	[tilespmem:s31], [sflag:$0x1] =	stream.indirect_vreg.gather [hbm4b:s7+s3], $0x80, v6, vm0, $0xb8;
	[tilespmem:$0x10980] =	vst v63  }
0x31f: {  	s25 =	simm.s32 $0x2900  }
0x320: {  	[tilespmem:s25], [sflag:$0x1] =	stream.indirect_vreg.gather [hbm4b:s2+s3], $0x80, v5, vm0, $0xb8;
	[tilespmem:$0x10980] =	vst v63  }
0x321: {  	s31 =	simm.s32 $0x3100  }
0x322: {  	[tilespmem:s31], [sflag:$0x1] =	stream.indirect_vreg.gather [hbm4b:s5+s3], $0x80, v5, vm0, $0xb8;
	[tilespmem:$0x10980] =	vst v63  }
0x323: {  	s25 =	simm.s32 $0x3900  }
0x324: {  	[tilespmem:s25], [sflag:$0x1] =	stream.indirect_vreg.gather [hbm4b:s6+s3], $0x80, v5, vm0, $0xb8;
	[tilespmem:$0x10980] =	vst v63  }
0x325: {  	s31 =	simm.s32 $0x4100  }
0x326: {  	[tilespmem:s31], [sflag:$0x1] =	stream.indirect_vreg.gather [hbm4b:s7+s3], $0x80, v5, vm0, $0xb8;
	[tilespmem:$0x10980] =	vst v63  }
0x327: {  	v5 =	vld [tilespmem:$0x190];
	_ =	sdelay $0x4  }
0x328: {  	v6 =	vshll.u32 v5, $0x3  }
0x329: {  	v5 =	vand.u32 $0x7, v5;
	v6 =	vand.u32 $0xFFFFFFC0, v6  }
0x32a: {  	v5 =	vor.u32 v5, v6  }
0x32b: {  	v6 =	vperm.xlane v5, v0;
	_ =	sdelay $0x1  }
0x32c: {  	v6 =	vadd.s32 v1, v6;
	_ =	sdelay $0x3  }
0x32d: {  	s25 =	simm.s32 $0x4900  }
0x32e: {  	[tilespmem:s25], [sflag:$0x1] =	stream.indirect_vreg.gather [hbm4b:s2+s3], $0x80, v6, vm0, $0xb8;
	[tilespmem:$0x10980] =	vst v63  }
0x32f: {  	s31 =	simm.s32 $0x5100;
	v5 =	vperm.xlane v5, v2  }
0x330: {  	[tilespmem:s31], [sflag:$0x1] =	stream.indirect_vreg.gather [hbm4b:s5+s3], $0x80, v6, vm0, $0xb8;
	[tilespmem:$0x10980] =	vst v63  }
0x331: {  	s26 =	simm.s32 $0x5900;
	v5 =	vadd.s32 v1, v5  }
0x332: {  	[tilespmem:s26], [sflag:$0x1] =	stream.indirect_vreg.gather [hbm4b:s6+s3], $0x80, v6, vm0, $0xb8;
	[tilespmem:$0x10980] =	vst v63  }
0x333: {  	s14 =	simm.s32 $0x6100  }
0x334: {  	[tilespmem:s14], [sflag:$0x1] =	stream.indirect_vreg.gather [hbm4b:s7+s3], $0x80, v6, vm0, $0xb8;
	[tilespmem:$0x10980] =	vst v63  }
0x335: {  	s25 =	simm.s32 $0x6900  }
0x336: {  	[tilespmem:s25], [sflag:$0x1] =	stream.indirect_vreg.gather [hbm4b:s2+s3], $0x80, v5, vm0, $0xb8;
	[tilespmem:$0x10980] =	vst v63  }
0x337: {  	s26 =	simm.s32 $0x7100  }
0x338: {  	[tilespmem:s26], [sflag:$0x1] =	stream.indirect_vreg.gather [hbm4b:s5+s3], $0x80, v5, vm0, $0xb8;
	[tilespmem:$0x10980] =	vst v63  }
0x339: {  	s25 =	simm.s32 $0x7900  }
0x33a: {  	[tilespmem:s25], [sflag:$0x1] =	stream.indirect_vreg.gather [hbm4b:s6+s3], $0x80, v5, vm0, $0xb8;
	[tilespmem:$0x10980] =	vst v63  }
0x33b: {  	s26 =	simm.s32 $0x8100  }
0x33c: {  	[tilespmem:s26], [sflag:$0x1] =	stream.indirect_vreg.gather [hbm4b:s7+s3], $0x80, v5, vm0, $0xb8;
	[tilespmem:$0x10980] =	vst v63  }
0x33d: {  	v5 =	vld [tilespmem:$0x3E0]  }
0x33e: {  	v6 =	vld [tilespmem:$0x3F0];
	_ =	sdelay $0x1  }
0x33f: {  	v7 =	vld [tilespmem:$0x160]  }
0x340: {  	v12 =	vld [tilespmem:$0x170]  }
0x341: {  	v63 =	vshll.u32 v5, $0x3  }
0x342: {  	v5 =	vand.u32 $0x7F, v5;
	v13 =	vshll.u32 v6, $0x3;
	v8 =	vand.u32 $0xFFFFFC00, v63  }
0x343: {  	v6 =	vand.u32 $0x7F, v6;
	v5 =	vor.u32 v5, v8;
	v8 =	vand.u32 $0xFFFFFC00, v13  }
0x344: {  	v5 =	vadd.s32 v21, v5;
	v6 =	vor.u32 v6, v8  }
0x345: {  	v6 =	vadd.s32 v4, v6;
	_ =	sdelay $0x1  }
0x346: {  	v51 =	vld.idx.msk [tilespmem:v7+s10+$0x0], $0xffff  }
0x347: {  	v49 =	vld.idx.msk [tilespmem:v12+s10+$0x0], $0xffff  }
0x348: {  	s14 =	rddreg [dreg:$0x10];
	v52 =	vld.idx.msk [tilespmem:v5+s29+$0x0], $0xffff  }
0x349: {  	v50 =	vld.idx.msk [tilespmem:v6+s29+$0x0], $0xffff;
	[hbm4b:s14+s3] =	stream.linear.scatter [tilespmem:s29], [sflag:$0x4], $0x8000, $0x38  }
0x34a: {  	_ =	swait.ge [sflag:s28], $0x8000  }
0x34b: {  	[sflag:s28] =	ssyncset.done $0x0  }
0x34c: {  	[sflag:s28] =	ssyncadd.s32 $0xFFFF8000  }
0x34d: {  	_ =	swait.ge [sflag:s24], $0x8000  }
0x34e: {  	[sflag:s24] =	ssyncset.done $0x0  }
0x34f: {  	[sflag:s24] =	ssyncadd.s32 $0xFFFF8000  }
0x350: {  	v5 =	vld [tilespmem:$0x1A0];
	_ =	sdelay $0x4  }
0x351: {  	v6 =	vshll.u32 v5, $0x3  }
0x352: {  	v5 =	vand.u32 $0x7, v5;
	v6 =	vand.u32 $0xFFFFFFC0, v6  }
0x353: {  	v5 =	vor.u32 v5, v6  }
0x354: {  	v6 =	vperm.xlane v5, v0;
	_ =	sdelay $0x1  }
0x355: {  	v6 =	vadd.s32 v1, v6;
	_ =	sdelay $0x4  }
0x356: {  	[tilespmem:s29], [sflag:$0x2] =	stream.indirect_vreg.gather [hbm4b:s2+s3], $0x80, v6, vm0, $0xb8;
	[tilespmem:$0x10980] =	vst v63  }
0x357: {  	s20 =	simm.s32 $0x9100;
	v5 =	vperm.xlane v5, v2  }
0x358: {  	[tilespmem:s20], [sflag:$0x2] =	stream.indirect_vreg.gather [hbm4b:s5+s3], $0x80, v6, vm0, $0xb8;
	[tilespmem:$0x10980] =	vst v63  }
0x359: {  	s17 =	simm.s32 $0x9900;
	v5 =	vadd.s32 v1, v5  }
0x35a: {  	[tilespmem:s17], [sflag:$0x2] =	stream.indirect_vreg.gather [hbm4b:s6+s3], $0x80, v6, vm0, $0xb8;
	[tilespmem:$0x10980] =	vst v63  }
0x35b: {  	s25 =	simm.s32 $0xA100  }
0x35c: {  	[tilespmem:s25], [sflag:$0x2] =	stream.indirect_vreg.gather [hbm4b:s7+s3], $0x80, v6, vm0, $0xb8;
	[tilespmem:$0x10980] =	vst v63  }
0x35d: {  	s21 =	simm.s32 $0xA900  }
0x35e: {  	[tilespmem:s21], [sflag:$0x2] =	stream.indirect_vreg.gather [hbm4b:s2+s3], $0x80, v5, vm0, $0xb8;
	[tilespmem:$0x10980] =	vst v63  }
0x35f: {  	s19 =	simm.s32 $0xB100  }
0x360: {  	[tilespmem:s19], [sflag:$0x2] =	stream.indirect_vreg.gather [hbm4b:s5+s3], $0x80, v5, vm0, $0xb8;
	[tilespmem:$0x10980] =	vst v63  }
0x361: {  	s16 =	simm.s32 $0xB900  }
0x362: {  	[tilespmem:s16], [sflag:$0x2] =	stream.indirect_vreg.gather [hbm4b:s6+s3], $0x80, v5, vm0, $0xb8;
	[tilespmem:$0x10980] =	vst v63  }
0x363: {  	s15 =	simm.s32 $0xC100  }
0x364: {  	[tilespmem:s15], [sflag:$0x2] =	stream.indirect_vreg.gather [hbm4b:s7+s3], $0x80, v5, vm0, $0xb8;
	[tilespmem:$0x10980] =	vst v63  }
0x365: {  	v5 =	vld [tilespmem:$0x1B0];
	_ =	sdelay $0x4  }
0x366: {  	v6 =	vshll.u32 v5, $0x3  }
0x367: {  	v5 =	vand.u32 $0x7, v5;
	v6 =	vand.u32 $0xFFFFFFC0, v6  }
0x368: {  	v5 =	vor.u32 v5, v6  }
0x369: {  	v6 =	vperm.xlane v5, v0;
	_ =	sdelay $0x1  }
0x36a: {  	v6 =	vadd.s32 v1, v6;
	_ =	sdelay $0x3  }
0x36b: {  	s30 =	simm.s32 $0xC900  }
0x36c: {  	[tilespmem:s30], [sflag:$0x2] =	stream.indirect_vreg.gather [hbm4b:s2+s3], $0x80, v6, vm0, $0xb8;
	[tilespmem:$0x10980] =	vst v63  }
0x36d: {  	s13 =	simm.s32 $0xD100;
	v5 =	vperm.xlane v5, v2  }
0x36e: {  	[tilespmem:s13], [sflag:$0x2] =	stream.indirect_vreg.gather [hbm4b:s5+s3], $0x80, v6, vm0, $0xb8;
	[tilespmem:$0x10980] =	vst v63  }
0x36f: {  	s8 =	simm.s32 $0xD900;
	v5 =	vadd.s32 v1, v5  }
0x370: {  	[tilespmem:s8], [sflag:$0x2] =	stream.indirect_vreg.gather [hbm4b:s6+s3], $0x80, v6, vm0, $0xb8;
	[tilespmem:$0x10980] =	vst v63  }
0x371: {  	s18 =	simm.s32 $0xE100  }
0x372: {  	[tilespmem:s18], [sflag:$0x2] =	stream.indirect_vreg.gather [hbm4b:s7+s3], $0x80, v6, vm0, $0xb8;
	[tilespmem:$0x10980] =	vst v63  }
0x373: {  	s12 =	simm.s32 $0xE900  }
0x374: {  	[tilespmem:s12], [sflag:$0x2] =	stream.indirect_vreg.gather [hbm4b:s2+s3], $0x80, v5, vm0, $0xb8;
	[tilespmem:$0x10980] =	vst v63  }
0x375: {  	s0 =	simm.s32 $0xF100  }
0x376: {  	[tilespmem:s0], [sflag:$0x2] =	stream.indirect_vreg.gather [hbm4b:s5+s3], $0x80, v5, vm0, $0xb8;
	[tilespmem:$0x10980] =	vst v63  }
0x377: {  	s4 =	simm.s32 $0xF900  }
0x378: {  	[tilespmem:s4], [sflag:$0x2] =	stream.indirect_vreg.gather [hbm4b:s6+s3], $0x80, v5, vm0, $0xb8;
	[tilespmem:$0x10980] =	vst v63  }
0x379: {  	s1 =	simm.s32 $0x10100  }
0x37a: {  	[tilespmem:s1], [sflag:$0x2] =	stream.indirect_vreg.gather [hbm4b:s7+s3], $0x80, v5, vm0, $0xb8;
	[tilespmem:$0x10980] =	vst v63  }
0x37b: {  	v5 =	vld [tilespmem:$0x400]  }
0x37c: {  	v6 =	vld [tilespmem:$0x410];
	_ =	sdelay $0x1  }
0x37d: {  	v7 =	vld [tilespmem:$0x180]  }
0x37e: {  	v15 =	vld [tilespmem:$0x190]  }
0x37f: {  	v14 =	vshll.u32 v5, $0x3  }
0x380: {  	v5 =	vand.u32 $0x7F, v5;
	v16 =	vshll.u32 v6, $0x3;
	v8 =	vand.u32 $0xFFFFFC00, v14  }
0x381: {  	v6 =	vand.u32 $0x7F, v6;
	v5 =	vor.u32 v5, v8;
	v8 =	vand.u32 $0xFFFFFC00, v16  }
0x382: {  	v5 =	vadd.s32 v21, v5;
	v6 =	vor.u32 v6, v8  }
0x383: {  	v6 =	vadd.s32 v4, v6;
	_ =	sdelay $0x1  }
0x384: {  	v53 =	vld.idx.msk [tilespmem:v7+s10+$0x0], $0xffff  }
0x385: {  	v54 =	vld.idx.msk [tilespmem:v15+s10+$0x0], $0xffff  }
0x386: {  	s1 =	rddreg [dreg:$0x11];
	v55 =	vld.idx.msk [tilespmem:v5+s11+$0x0], $0xffff  }
0x387: {  	v56 =	vld.idx.msk [tilespmem:v6+s11+$0x0], $0xffff;
	[hbm4b:s1+s3] =	stream.linear.scatter [tilespmem:s11], [sflag:$0x3], $0x8000, $0x38  }
0x388: {  	_ =	swait.ge [sflag:s22], $0x8000  }
0x389: {  	[sflag:s22] =	ssyncset.done $0x0  }
0x38a: {  	[sflag:s22] =	ssyncadd.s32 $0xFFFF8000  }
0x38b: {  	_ =	swait.ge [sflag:s23], $0x8000  }
0x38c: {  	[sflag:s23] =	ssyncset.done $0x0  }
0x38d: {  	[sflag:s23] =	ssyncadd.s32 $0xFFFF8000  }
0x38e: {  	v5 =	vld [tilespmem:$0x1C0];
	_ =	sdelay $0x4  }
0x38f: {  	v6 =	vshll.u32 v5, $0x3  }
0x390: {  	v5 =	vand.u32 $0x7, v5;
	v6 =	vand.u32 $0xFFFFFFC0, v6  }
0x391: {  	v5 =	vor.u32 v5, v6  }
0x392: {  	v6 =	vperm.xlane v5, v0;
	_ =	sdelay $0x1  }
0x393: {  	v6 =	vadd.s32 v1, v6;
	_ =	sdelay $0x4  }
0x394: {  	[tilespmem:s11], [sflag:$0x1] =	stream.indirect_vreg.gather [hbm4b:s2+s3], $0x80, v6, vm0, $0xb8;
	[tilespmem:$0x10980] =	vst v63  }
0x395: {  	s25 =	simm.s32 $0x1100;
	v5 =	vperm.xlane v5, v2  }
0x396: {  	[tilespmem:s25], [sflag:$0x1] =	stream.indirect_vreg.gather [hbm4b:s5+s3], $0x80, v6, vm0, $0xb8;
	[tilespmem:$0x10980] =	vst v63  }
0x397: {  	v5 =	vadd.s32 v1, v5;
	s25 =	simm.s32 $0x1900  }
0x398: {  	[tilespmem:s25], [sflag:$0x1] =	stream.indirect_vreg.gather [hbm4b:s6+s3], $0x80, v6, vm0, $0xb8;
	[tilespmem:$0x10980] =	vst v63  }
0x399: {  	s25 =	simm.s32 $0x2100  }
0x39a: {  	[tilespmem:s25], [sflag:$0x1] =	stream.indirect_vreg.gather [hbm4b:s7+s3], $0x80, v6, vm0, $0xb8;
	[tilespmem:$0x10980] =	vst v63  }
0x39b: {  	s25 =	simm.s32 $0x2900  }
0x39c: {  	[tilespmem:s25], [sflag:$0x1] =	stream.indirect_vreg.gather [hbm4b:s2+s3], $0x80, v5, vm0, $0xb8;
	[tilespmem:$0x10980] =	vst v63  }
0x39d: {  	s25 =	simm.s32 $0x3100  }
0x39e: {  	[tilespmem:s25], [sflag:$0x1] =	stream.indirect_vreg.gather [hbm4b:s5+s3], $0x80, v5, vm0, $0xb8;
	[tilespmem:$0x10980] =	vst v63  }
0x39f: {  	s25 =	simm.s32 $0x3900  }
0x3a0: {  	[tilespmem:s25], [sflag:$0x1] =	stream.indirect_vreg.gather [hbm4b:s6+s3], $0x80, v5, vm0, $0xb8;
	[tilespmem:$0x10980] =	vst v63  }
0x3a1: {  	s25 =	simm.s32 $0x4100  }
0x3a2: {  	[tilespmem:s25], [sflag:$0x1] =	stream.indirect_vreg.gather [hbm4b:s7+s3], $0x80, v5, vm0, $0xb8;
	[tilespmem:$0x10980] =	vst v63  }
0x3a3: {  	v5 =	vld [tilespmem:$0x1D0];
	_ =	sdelay $0x4  }
0x3a4: {  	v6 =	vshll.u32 v5, $0x3  }
0x3a5: {  	v5 =	vand.u32 $0x7, v5;
	v6 =	vand.u32 $0xFFFFFFC0, v6  }
0x3a6: {  	v5 =	vor.u32 v5, v6  }
0x3a7: {  	v6 =	vperm.xlane v5, v0;
	_ =	sdelay $0x1  }
0x3a8: {  	v6 =	vadd.s32 v1, v6;
	_ =	sdelay $0x3  }
0x3a9: {  	s25 =	simm.s32 $0x4900  }
0x3aa: {  	[tilespmem:s25], [sflag:$0x1] =	stream.indirect_vreg.gather [hbm4b:s2+s3], $0x80, v6, vm0, $0xb8;
	[tilespmem:$0x10980] =	vst v63  }
0x3ab: {  	v5 =	vperm.xlane v5, v2;
	s25 =	simm.s32 $0x5100  }
0x3ac: {  	[tilespmem:s25], [sflag:$0x1] =	stream.indirect_vreg.gather [hbm4b:s5+s3], $0x80, v6, vm0, $0xb8;
	[tilespmem:$0x10980] =	vst v63  }
0x3ad: {  	s31 =	simm.s32 $0x5900;
	v5 =	vadd.s32 v1, v5  }
0x3ae: {  	[tilespmem:s31], [sflag:$0x1] =	stream.indirect_vreg.gather [hbm4b:s6+s3], $0x80, v6, vm0, $0xb8;
	[tilespmem:$0x10980] =	vst v63  }
0x3af: {  	s9 =	simm.s32 $0x6100  }
0x3b0: {  	[tilespmem:s9], [sflag:$0x1] =	stream.indirect_vreg.gather [hbm4b:s7+s3], $0x80, v6, vm0, $0xb8;
	[tilespmem:$0x10980] =	vst v63  }
0x3b1: {  	s31 =	simm.s32 $0x6900  }
0x3b2: {  	[tilespmem:s31], [sflag:$0x1] =	stream.indirect_vreg.gather [hbm4b:s2+s3], $0x80, v5, vm0, $0xb8;
	[tilespmem:$0x10980] =	vst v63  }
0x3b3: {  	s31 =	simm.s32 $0x7100  }
0x3b4: {  	[tilespmem:s31], [sflag:$0x1] =	stream.indirect_vreg.gather [hbm4b:s5+s3], $0x80, v5, vm0, $0xb8;
	[tilespmem:$0x10980] =	vst v63  }
0x3b5: {  	s31 =	simm.s32 $0x7900  }
0x3b6: {  	[tilespmem:s31], [sflag:$0x1] =	stream.indirect_vreg.gather [hbm4b:s6+s3], $0x80, v5, vm0, $0xb8;
	[tilespmem:$0x10980] =	vst v63  }
0x3b7: {  	s31 =	simm.s32 $0x8100  }
0x3b8: {  	[tilespmem:s31], [sflag:$0x1] =	stream.indirect_vreg.gather [hbm4b:s7+s3], $0x80, v5, vm0, $0xb8;
	[tilespmem:$0x10980] =	vst v63  }
0x3b9: {  	v5 =	vld [tilespmem:$0x420]  }
0x3ba: {  	v6 =	vld [tilespmem:$0x430];
	_ =	sdelay $0x1  }
0x3bb: {  	v7 =	vld [tilespmem:$0x1A0]  }
0x3bc: {  	v18 =	vld [tilespmem:$0x1B0]  }
0x3bd: {  	v17 =	vshll.u32 v5, $0x3  }
0x3be: {  	v5 =	vand.u32 $0x7F, v5;
	v12 =	vshll.u32 v6, $0x3;
	v8 =	vand.u32 $0xFFFFFC00, v17  }
0x3bf: {  	v6 =	vand.u32 $0x7F, v6;
	v5 =	vor.u32 v5, v8;
	v8 =	vand.u32 $0xFFFFFC00, v12  }
0x3c0: {  	v5 =	vadd.s32 v21, v5;
	v6 =	vor.u32 v6, v8  }
0x3c1: {  	v6 =	vadd.s32 v4, v6;
	_ =	sdelay $0x1  }
0x3c2: {  	v59 =	vld.idx.msk [tilespmem:v7+s10+$0x0], $0xffff  }
0x3c3: {  	v57 =	vld.idx.msk [tilespmem:v18+s10+$0x0], $0xffff  }
0x3c4: {  	s31 =	rddreg [dreg:$0x12];
	v60 =	vld.idx.msk [tilespmem:v5+s29+$0x0], $0xffff  }
0x3c5: {  	v58 =	vld.idx.msk [tilespmem:v6+s29+$0x0], $0xffff;
	[hbm4b:s31+s3] =	stream.linear.scatter [tilespmem:s29], [sflag:$0x4], $0x8000, $0x38  }
0x3c6: {  	_ =	swait.ge [sflag:s28], $0x8000  }
0x3c7: {  	[sflag:s28] =	ssyncset.done $0x0  }
0x3c8: {  	[sflag:s28] =	ssyncadd.s32 $0xFFFF8000  }
0x3c9: {  	_ =	swait.ge [sflag:s24], $0x8000  }
0x3ca: {  	[sflag:s24] =	ssyncset.done $0x0  }
0x3cb: {  	[sflag:s24] =	ssyncadd.s32 $0xFFFF8000  }
0x3cc: {  	v5 =	vld [tilespmem:$0x1E0];
	_ =	sdelay $0x4  }
0x3cd: {  	v6 =	vshll.u32 v5, $0x3  }
0x3ce: {  	v5 =	vand.u32 $0x7, v5;
	v6 =	vand.u32 $0xFFFFFFC0, v6  }
0x3cf: {  	v5 =	vor.u32 v5, v6  }
0x3d0: {  	v6 =	vperm.xlane v5, v0;
	_ =	sdelay $0x1  }
0x3d1: {  	v6 =	vadd.s32 v1, v6;
	_ =	sdelay $0x4  }
0x3d2: {  	[tilespmem:s29], [sflag:$0x2] =	stream.indirect_vreg.gather [hbm4b:s2+s3], $0x80, v6, vm0, $0xb8;
	[tilespmem:$0x10980] =	vst v63  }
0x3d3: {  	s26 =	simm.s32 $0x9100;
	v5 =	vperm.xlane v5, v2  }
0x3d4: {  	[tilespmem:s26], [sflag:$0x2] =	stream.indirect_vreg.gather [hbm4b:s5+s3], $0x80, v6, vm0, $0xb8;
	[tilespmem:$0x10980] =	vst v63  }
0x3d5: {  	s17 =	simm.s32 $0x9900;
	v5 =	vadd.s32 v1, v5  }
0x3d6: {  	[tilespmem:s17], [sflag:$0x2] =	stream.indirect_vreg.gather [hbm4b:s6+s3], $0x80, v6, vm0, $0xb8;
	[tilespmem:$0x10980] =	vst v63  }
0x3d7: {  	s20 =	simm.s32 $0xA100  }
0x3d8: {  	[tilespmem:s20], [sflag:$0x2] =	stream.indirect_vreg.gather [hbm4b:s7+s3], $0x80, v6, vm0, $0xb8;
	[tilespmem:$0x10980] =	vst v63  }
0x3d9: {  	s21 =	simm.s32 $0xA900  }
0x3da: {  	[tilespmem:s21], [sflag:$0x2] =	stream.indirect_vreg.gather [hbm4b:s2+s3], $0x80, v5, vm0, $0xb8;
	[tilespmem:$0x10980] =	vst v63  }
0x3db: {  	s19 =	simm.s32 $0xB100  }
0x3dc: {  	[tilespmem:s19], [sflag:$0x2] =	stream.indirect_vreg.gather [hbm4b:s5+s3], $0x80, v5, vm0, $0xb8;
	[tilespmem:$0x10980] =	vst v63  }
0x3dd: {  	s16 =	simm.s32 $0xB900  }
0x3de: {  	[tilespmem:s16], [sflag:$0x2] =	stream.indirect_vreg.gather [hbm4b:s6+s3], $0x80, v5, vm0, $0xb8;
	[tilespmem:$0x10980] =	vst v63  }
0x3df: {  	s15 =	simm.s32 $0xC100  }
0x3e0: {  	[tilespmem:s15], [sflag:$0x2] =	stream.indirect_vreg.gather [hbm4b:s7+s3], $0x80, v5, vm0, $0xb8;
	[tilespmem:$0x10980] =	vst v63  }
0x3e1: {  	v5 =	vld [tilespmem:$0x1F0];
	_ =	sdelay $0x4  }
0x3e2: {  	v6 =	vshll.u32 v5, $0x3  }
0x3e3: {  	v5 =	vand.u32 $0x7, v5;
	v6 =	vand.u32 $0xFFFFFFC0, v6  }
0x3e4: {  	v5 =	vor.u32 v5, v6  }
0x3e5: {  	v6 =	vperm.xlane v5, v0;
	_ =	sdelay $0x1  }
0x3e6: {  	v6 =	vadd.s32 v1, v6;
	_ =	sdelay $0x3  }
0x3e7: {  	s30 =	simm.s32 $0xC900  }
0x3e8: {  	[tilespmem:s30], [sflag:$0x2] =	stream.indirect_vreg.gather [hbm4b:s2+s3], $0x80, v6, vm0, $0xb8;
	[tilespmem:$0x10980] =	vst v63  }
0x3e9: {  	s14 =	simm.s32 $0xD100;
	v5 =	vperm.xlane v5, v2  }
0x3ea: {  	[tilespmem:s14], [sflag:$0x2] =	stream.indirect_vreg.gather [hbm4b:s5+s3], $0x80, v6, vm0, $0xb8;
	[tilespmem:$0x10980] =	vst v63  }
0x3eb: {  	s8 =	simm.s32 $0xD900;
	v5 =	vadd.s32 v1, v5  }
0x3ec: {  	[tilespmem:s8], [sflag:$0x2] =	stream.indirect_vreg.gather [hbm4b:s6+s3], $0x80, v6, vm0, $0xb8;
	[tilespmem:$0x10980] =	vst v63  }
0x3ed: {  	s18 =	simm.s32 $0xE100  }
0x3ee: {  	[tilespmem:s18], [sflag:$0x2] =	stream.indirect_vreg.gather [hbm4b:s7+s3], $0x80, v6, vm0, $0xb8;
	[tilespmem:$0x10980] =	vst v63  }
0x3ef: {  	s13 =	simm.s32 $0xE900  }
0x3f0: {  	[tilespmem:s13], [sflag:$0x2] =	stream.indirect_vreg.gather [hbm4b:s2+s3], $0x80, v5, vm0, $0xb8;
	[tilespmem:$0x10980] =	vst v63  }
0x3f1: {  	s12 =	simm.s32 $0xF100  }
0x3f2: {  	[tilespmem:s12], [sflag:$0x2] =	stream.indirect_vreg.gather [hbm4b:s5+s3], $0x80, v5, vm0, $0xb8;
	[tilespmem:$0x10980] =	vst v63  }
0x3f3: {  	s4 =	simm.s32 $0xF900  }
0x3f4: {  	[tilespmem:s4], [sflag:$0x2] =	stream.indirect_vreg.gather [hbm4b:s6+s3], $0x80, v5, vm0, $0xb8;
	[tilespmem:$0x10980] =	vst v63  }
0x3f5: {  	s0 =	simm.s32 $0x10100  }
0x3f6: {  	[tilespmem:s0], [sflag:$0x2] =	stream.indirect_vreg.gather [hbm4b:s7+s3], $0x80, v5, vm0, $0xb8;
	[tilespmem:$0x10980] =	vst v63  }
0x3f7: {  	v5 =	vld [tilespmem:$0x440]  }
0x3f8: {  	v6 =	vld [tilespmem:$0x450];
	_ =	sdelay $0x1  }
0x3f9: {  	v7 =	vld [tilespmem:$0x1C0]  }
0x3fa: {  	v14 =	vld [tilespmem:$0x1D0]  }
0x3fb: {  	v13 =	vshll.u32 v5, $0x3  }
0x3fc: {  	v5 =	vand.u32 $0x7F, v5;
	v15 =	vshll.u32 v6, $0x3;
	v8 =	vand.u32 $0xFFFFFC00, v13  }
0x3fd: {  	v6 =	vand.u32 $0x7F, v6;
	v5 =	vor.u32 v5, v8;
	v8 =	vand.u32 $0xFFFFFC00, v15  }
0x3fe: {  	v5 =	vadd.s32 v21, v5;
	v6 =	vor.u32 v6, v8  }
0x3ff: {  	v6 =	vadd.s32 v4, v6;
	_ =	sdelay $0x1  }
0x400: {  	v63 =	vld.idx.msk [tilespmem:v7+s10+$0x0], $0xffff  }
0x401: {  	v61 =	vld.idx.msk [tilespmem:v14+s10+$0x0], $0xffff  }
0x402: {  	s4 =	rddreg [dreg:$0x13];
	v17 =	vld.idx.msk [tilespmem:v5+s11+$0x0], $0xffff  }
0x403: {  	v62 =	vld.idx.msk [tilespmem:v6+s11+$0x0], $0xffff;
	[hbm4b:s4+s3] =	stream.linear.scatter [tilespmem:s11], [sflag:$0x3], $0x8000, $0x38  }
0x404: {  	_ =	swait.ge [sflag:s22], $0x8000  }
0x405: {  	[sflag:s22] =	ssyncset.done $0x0  }
0x406: {  	[sflag:s22] =	ssyncadd.s32 $0xFFFF8000  }
0x407: {  	_ =	swait.ge [sflag:s23], $0x8000  }
0x408: {  	[sflag:s23] =	ssyncset.done $0x0  }
0x409: {  	[sflag:s23] =	ssyncadd.s32 $0xFFFF8000  }
0x40a: {  	v5 =	vld [tilespmem:$0x200];
	_ =	sdelay $0x4  }
0x40b: {  	v6 =	vshll.u32 v5, $0x3  }
0x40c: {  	v5 =	vand.u32 $0x7, v5;
	v6 =	vand.u32 $0xFFFFFFC0, v6  }
0x40d: {  	v5 =	vor.u32 v5, v6  }
0x40e: {  	v6 =	vperm.xlane v5, v0;
	_ =	sdelay $0x1  }
0x40f: {  	v6 =	vadd.s32 v1, v6;
	_ =	sdelay $0x4  }
0x410: {  	[tilespmem:s11], [sflag:$0x1] =	stream.indirect_vreg.gather [hbm4b:s2+s3], $0x80, v6, vm0, $0xb8;
	[tilespmem:$0x10980] =	vst v63  }
0x411: {  	s25 =	simm.s32 $0x1100;
	v5 =	vperm.xlane v5, v2  }
0x412: {  	[tilespmem:s25], [sflag:$0x1] =	stream.indirect_vreg.gather [hbm4b:s5+s3], $0x80, v6, vm0, $0xb8;
	[tilespmem:$0x10980] =	vst v63  }
0x413: {  	s30 =	simm.s32 $0x1900;
	v5 =	vadd.s32 v1, v5  }
0x414: {  	[tilespmem:s30], [sflag:$0x1] =	stream.indirect_vreg.gather [hbm4b:s6+s3], $0x80, v6, vm0, $0xb8;
	[tilespmem:$0x10980] =	vst v63  }
0x415: {  	s25 =	simm.s32 $0x2100  }
0x416: {  	[tilespmem:s25], [sflag:$0x1] =	stream.indirect_vreg.gather [hbm4b:s7+s3], $0x80, v6, vm0, $0xb8;
	[tilespmem:$0x10980] =	vst v63  }
0x417: {  	s1 =	simm.s32 $0x2900  }
0x418: {  	[tilespmem:s1], [sflag:$0x1] =	stream.indirect_vreg.gather [hbm4b:s2+s3], $0x80, v5, vm0, $0xb8;
	[tilespmem:$0x10980] =	vst v63  }
0x419: {  	s30 =	simm.s32 $0x3100  }
0x41a: {  	[tilespmem:s30], [sflag:$0x1] =	stream.indirect_vreg.gather [hbm4b:s5+s3], $0x80, v5, vm0, $0xb8;
	[tilespmem:$0x10980] =	vst v63  }
0x41b: {  	s25 =	simm.s32 $0x3900  }
0x41c: {  	[tilespmem:s25], [sflag:$0x1] =	stream.indirect_vreg.gather [hbm4b:s6+s3], $0x80, v5, vm0, $0xb8;
	[tilespmem:$0x10980] =	vst v63  }
0x41d: {  	s30 =	simm.s32 $0x4100  }
0x41e: {  	[tilespmem:s30], [sflag:$0x1] =	stream.indirect_vreg.gather [hbm4b:s7+s3], $0x80, v5, vm0, $0xb8;
	[tilespmem:$0x10980] =	vst v63  }
0x41f: {  	v5 =	vld [tilespmem:$0x210];
	_ =	sdelay $0x4  }
0x420: {  	v6 =	vshll.u32 v5, $0x3  }
0x421: {  	v5 =	vand.u32 $0x7, v5;
	v6 =	vand.u32 $0xFFFFFFC0, v6  }
0x422: {  	v5 =	vor.u32 v5, v6  }
0x423: {  	v6 =	vperm.xlane v5, v0;
	_ =	sdelay $0x1  }
0x424: {  	v6 =	vadd.s32 v1, v6;
	_ =	sdelay $0x3  }
0x425: {  	s25 =	simm.s32 $0x4900  }
0x426: {  	[tilespmem:s25], [sflag:$0x1] =	stream.indirect_vreg.gather [hbm4b:s2+s3], $0x80, v6, vm0, $0xb8;
	[tilespmem:$0x10980] =	vst v63  }
0x427: {  	s30 =	simm.s32 $0x5100;
	v5 =	vperm.xlane v5, v2  }
0x428: {  	[tilespmem:s30], [sflag:$0x1] =	stream.indirect_vreg.gather [hbm4b:s5+s3], $0x80, v6, vm0, $0xb8;
	[tilespmem:$0x10980] =	vst v63  }
0x429: {  	v5 =	vadd.s32 v1, v5;
	s25 =	simm.s32 $0x5900  }
0x42a: {  	[tilespmem:s25], [sflag:$0x1] =	stream.indirect_vreg.gather [hbm4b:s6+s3], $0x80, v6, vm0, $0xb8;
	[tilespmem:$0x10980] =	vst v63  }
0x42b: {  	s9 =	simm.s32 $0x6100  }
0x42c: {  	[tilespmem:s9], [sflag:$0x1] =	stream.indirect_vreg.gather [hbm4b:s7+s3], $0x80, v6, vm0, $0xb8;
	[tilespmem:$0x10980] =	vst v63  }
0x42d: {  	s30 =	simm.s32 $0x6900  }
0x42e: {  	[tilespmem:s30], [sflag:$0x1] =	stream.indirect_vreg.gather [hbm4b:s2+s3], $0x80, v5, vm0, $0xb8;
	[tilespmem:$0x10980] =	vst v63  }
0x42f: {  	s25 =	simm.s32 $0x7100  }
0x430: {  	[tilespmem:s25], [sflag:$0x1] =	stream.indirect_vreg.gather [hbm4b:s5+s3], $0x80, v5, vm0, $0xb8;
	[tilespmem:$0x10980] =	vst v63  }
0x431: {  	s30 =	simm.s32 $0x7900  }
0x432: {  	[tilespmem:s30], [sflag:$0x1] =	stream.indirect_vreg.gather [hbm4b:s6+s3], $0x80, v5, vm0, $0xb8;
	[tilespmem:$0x10980] =	vst v63  }
0x433: {  	s25 =	simm.s32 $0x8100  }
0x434: {  	[tilespmem:s25], [sflag:$0x1] =	stream.indirect_vreg.gather [hbm4b:s7+s3], $0x80, v5, vm0, $0xb8;
	[tilespmem:$0x10980] =	vst v63  }
0x435: {  	v5 =	vld [tilespmem:$0x460]  }
0x436: {  	v6 =	vld [tilespmem:$0x470];
	_ =	sdelay $0x1  }
0x437: {  	v7 =	vld [tilespmem:$0x1E0]  }
0x438: {  	v18 =	vld [tilespmem:$0x1F0]  }
0x439: {  	v16 =	vshll.u32 v5, $0x3  }
0x43a: {  	v5 =	vand.u32 $0x7F, v5;
	v8 =	vand.u32 $0xFFFFFC00, v16;
	v16 =	vshll.u32 v6, $0x3  }
0x43b: {  	v6 =	vand.u32 $0x7F, v6;
	v5 =	vor.u32 v5, v8;
	v8 =	vand.u32 $0xFFFFFC00, v16  }
0x43c: {  	v5 =	vadd.s32 v21, v5;
	v6 =	vor.u32 v6, v8  }
0x43d: {  	v6 =	vadd.s32 v4, v6;
	_ =	sdelay $0x1  }
0x43e: {  	v15 =	vld.idx.msk [tilespmem:v7+s10+$0x0], $0xffff  }
0x43f: {  	v16 =	vld.idx.msk [tilespmem:v18+s10+$0x0], $0xffff  }
0x440: {  	s30 =	rddreg [dreg:$0x14];
	v13 =	vld.idx.msk [tilespmem:v5+s29+$0x0], $0xffff  }
0x441: {  	v14 =	vld.idx.msk [tilespmem:v6+s29+$0x0], $0xffff;
	[hbm4b:s30+s3] =	stream.linear.scatter [tilespmem:s29], [sflag:$0x4], $0x8000, $0x38  }
0x442: {  	_ =	swait.ge [sflag:s28], $0x8000  }
0x443: {  	[sflag:s28] =	ssyncset.done $0x0  }
0x444: {  	[sflag:s28] =	ssyncadd.s32 $0xFFFF8000  }
0x445: {  	_ =	swait.ge [sflag:s24], $0x8000  }
0x446: {  	[sflag:s24] =	ssyncset.done $0x0  }
0x447: {  	[sflag:s24] =	ssyncadd.s32 $0xFFFF8000  }
0x448: {  	v5 =	vld [tilespmem:$0x220];
	_ =	sdelay $0x4  }
0x449: {  	v6 =	vshll.u32 v5, $0x3  }
0x44a: {  	v5 =	vand.u32 $0x7, v5;
	v6 =	vand.u32 $0xFFFFFFC0, v6  }
0x44b: {  	v5 =	vor.u32 v5, v6  }
0x44c: {  	v6 =	vperm.xlane v5, v0;
	_ =	sdelay $0x1  }
0x44d: {  	v6 =	vadd.s32 v1, v6;
	_ =	sdelay $0x4  }
0x44e: {  	[tilespmem:s29], [sflag:$0x2] =	stream.indirect_vreg.gather [hbm4b:s2+s3], $0x80, v6, vm0, $0xb8;
	[tilespmem:$0x10980] =	vst v63  }
0x44f: {  	s31 =	simm.s32 $0x9100;
	v5 =	vperm.xlane v5, v2  }
0x450: {  	[tilespmem:s31], [sflag:$0x2] =	stream.indirect_vreg.gather [hbm4b:s5+s3], $0x80, v6, vm0, $0xb8;
	[tilespmem:$0x10980] =	vst v63  }
0x451: {  	s17 =	simm.s32 $0x9900;
	v5 =	vadd.s32 v1, v5  }
0x452: {  	[tilespmem:s17], [sflag:$0x2] =	stream.indirect_vreg.gather [hbm4b:s6+s3], $0x80, v6, vm0, $0xb8;
	[tilespmem:$0x10980] =	vst v63  }
0x453: {  	s26 =	simm.s32 $0xA100  }
0x454: {  	[tilespmem:s26], [sflag:$0x2] =	stream.indirect_vreg.gather [hbm4b:s7+s3], $0x80, v6, vm0, $0xb8;
	[tilespmem:$0x10980] =	vst v63  }
0x455: {  	s21 =	simm.s32 $0xA900  }
0x456: {  	[tilespmem:s21], [sflag:$0x2] =	stream.indirect_vreg.gather [hbm4b:s2+s3], $0x80, v5, vm0, $0xb8;
	[tilespmem:$0x10980] =	vst v63  }
0x457: {  	s20 =	simm.s32 $0xB100  }
0x458: {  	[tilespmem:s20], [sflag:$0x2] =	stream.indirect_vreg.gather [hbm4b:s5+s3], $0x80, v5, vm0, $0xb8;
	[tilespmem:$0x10980] =	vst v63  }
0x459: {  	s16 =	simm.s32 $0xB900  }
0x45a: {  	[tilespmem:s16], [sflag:$0x2] =	stream.indirect_vreg.gather [hbm4b:s6+s3], $0x80, v5, vm0, $0xb8;
	[tilespmem:$0x10980] =	vst v63  }
0x45b: {  	s19 =	simm.s32 $0xC100  }
0x45c: {  	[tilespmem:s19], [sflag:$0x2] =	stream.indirect_vreg.gather [hbm4b:s7+s3], $0x80, v5, vm0, $0xb8;
	[tilespmem:$0x10980] =	vst v63  }
0x45d: {  	v5 =	vld [tilespmem:$0x230];
	_ =	sdelay $0x4  }
0x45e: {  	v6 =	vshll.u32 v5, $0x3  }
0x45f: {  	v5 =	vand.u32 $0x7, v5;
	v6 =	vand.u32 $0xFFFFFFC0, v6  }
0x460: {  	v5 =	vor.u32 v5, v6  }
0x461: {  	v6 =	vperm.xlane v5, v0;
	_ =	sdelay $0x1  }
0x462: {  	v6 =	vadd.s32 v1, v6;
	_ =	sdelay $0x3  }
0x463: {  	s31 =	simm.s32 $0xC900  }
0x464: {  	[tilespmem:s31], [sflag:$0x2] =	stream.indirect_vreg.gather [hbm4b:s2+s3], $0x80, v6, vm0, $0xb8;
	[tilespmem:$0x10980] =	vst v63  }
0x465: {  	s15 =	simm.s32 $0xD100;
	v5 =	vperm.xlane v5, v2  }
0x466: {  	[tilespmem:s15], [sflag:$0x2] =	stream.indirect_vreg.gather [hbm4b:s5+s3], $0x80, v6, vm0, $0xb8;
	[tilespmem:$0x10980] =	vst v63  }
0x467: {  	s14 =	simm.s32 $0xD900;
	v5 =	vadd.s32 v1, v5  }
0x468: {  	[tilespmem:s14], [sflag:$0x2] =	stream.indirect_vreg.gather [hbm4b:s6+s3], $0x80, v6, vm0, $0xb8;
	[tilespmem:$0x10980] =	vst v63  }
0x469: {  	s18 =	simm.s32 $0xE100  }
0x46a: {  	[tilespmem:s18], [sflag:$0x2] =	stream.indirect_vreg.gather [hbm4b:s7+s3], $0x80, v6, vm0, $0xb8;
	[tilespmem:$0x10980] =	vst v63  }
0x46b: {  	s13 =	simm.s32 $0xE900  }
0x46c: {  	[tilespmem:s13], [sflag:$0x2] =	stream.indirect_vreg.gather [hbm4b:s2+s3], $0x80, v5, vm0, $0xb8;
	[tilespmem:$0x10980] =	vst v63  }
0x46d: {  	s12 =	simm.s32 $0xF100  }
0x46e: {  	[tilespmem:s12], [sflag:$0x2] =	stream.indirect_vreg.gather [hbm4b:s5+s3], $0x80, v5, vm0, $0xb8;
	[tilespmem:$0x10980] =	vst v63  }
0x46f: {  	s8 =	simm.s32 $0xF900  }
0x470: {  	[tilespmem:s8], [sflag:$0x2] =	stream.indirect_vreg.gather [hbm4b:s6+s3], $0x80, v5, vm0, $0xb8;
	[tilespmem:$0x10980] =	vst v63  }
0x471: {  	s0 =	simm.s32 $0x10100  }
0x472: {  	[tilespmem:s0], [sflag:$0x2] =	stream.indirect_vreg.gather [hbm4b:s7+s3], $0x80, v5, vm0, $0xb8;
	[tilespmem:$0x10980] =	vst v63  }
0x473: {  	v5 =	vld [tilespmem:$0x480]  }
0x474: {  	v6 =	vld [tilespmem:$0x490];
	_ =	sdelay $0x1  }
0x475: {  	v7 =	vld [tilespmem:$0x200]  }
0x476: {  	v11 =	vld [tilespmem:$0x210]  }
0x477: {  	v18 =	vshll.u32 v5, $0x3  }
0x478: {  	v5 =	vand.u32 $0x7F, v5;
	v12 =	vshll.u32 v6, $0x3;
	v8 =	vand.u32 $0xFFFFFC00, v18  }
0x479: {  	v6 =	vand.u32 $0x7F, v6;
	v5 =	vor.u32 v5, v8;
	v8 =	vand.u32 $0xFFFFFC00, v12  }
0x47a: {  	v5 =	vadd.s32 v21, v5;
	v6 =	vor.u32 v6, v8  }
0x47b: {  	v6 =	vadd.s32 v4, v6;
	_ =	sdelay $0x1  }
0x47c: {  	v10 =	vld.idx.msk [tilespmem:v7+s10+$0x0], $0xffff  }
0x47d: {  	v12 =	vld.idx.msk [tilespmem:v11+s10+$0x0], $0xffff  }
0x47e: {  	s0 =	rddreg [dreg:$0x15];
	v9 =	vld.idx.msk [tilespmem:v5+s11+$0x0], $0xffff  }
0x47f: {  	v11 =	vld.idx.msk [tilespmem:v6+s11+$0x0], $0xffff;
	[hbm4b:s0+s3] =	stream.linear.scatter [tilespmem:s11], [sflag:$0x3], $0x8000, $0x38  }
0x480: {  	_ =	swait.ge [sflag:s22], $0x8000  }
0x481: {  	[sflag:s22] =	ssyncset.done $0x0  }
0x482: {  	[sflag:s22] =	ssyncadd.s32 $0xFFFF8000  }
0x483: {  	_ =	swait.ge [sflag:s23], $0x8000  }
0x484: {  	[sflag:s23] =	ssyncset.done $0x0  }
0x485: {  	[sflag:s23] =	ssyncadd.s32 $0xFFFF8000  }
0x486: {  	v5 =	vld [tilespmem:$0x240];
	_ =	sdelay $0x4  }
0x487: {  	v6 =	vshll.u32 v5, $0x3  }
0x488: {  	v5 =	vand.u32 $0x7, v5;
	v6 =	vand.u32 $0xFFFFFFC0, v6  }
0x489: {  	v5 =	vor.u32 v5, v6  }
0x48a: {  	v6 =	vperm.xlane v5, v0;
	_ =	sdelay $0x1  }
0x48b: {  	v6 =	vadd.s32 v1, v6;
	_ =	sdelay $0x4  }
0x48c: {  	[tilespmem:s11], [sflag:$0x1] =	stream.indirect_vreg.gather [hbm4b:s2+s3], $0x80, v6, vm0, $0xb8;
	[tilespmem:$0x10980] =	vst v63  }
0x48d: {  	s25 =	simm.s32 $0x1100;
	v5 =	vperm.xlane v5, v2  }
0x48e: {  	[tilespmem:s25], [sflag:$0x1] =	stream.indirect_vreg.gather [hbm4b:s5+s3], $0x80, v6, vm0, $0xb8;
	[tilespmem:$0x10980] =	vst v63  }
0x48f: {  	v5 =	vadd.s32 v1, v5;
	s25 =	simm.s32 $0x1900  }
0x490: {  	[tilespmem:s25], [sflag:$0x1] =	stream.indirect_vreg.gather [hbm4b:s6+s3], $0x80, v6, vm0, $0xb8;
	[tilespmem:$0x10980] =	vst v63  }
0x491: {  	s25 =	simm.s32 $0x2100  }
0x492: {  	[tilespmem:s25], [sflag:$0x1] =	stream.indirect_vreg.gather [hbm4b:s7+s3], $0x80, v6, vm0, $0xb8;
	[tilespmem:$0x10980] =	vst v63  }
0x493: {  	s4 =	simm.s32 $0x2900  }
0x494: {  	[tilespmem:s4], [sflag:$0x1] =	stream.indirect_vreg.gather [hbm4b:s2+s3], $0x80, v5, vm0, $0xb8;
	[tilespmem:$0x10980] =	vst v63  }
0x495: {  	s25 =	simm.s32 $0x3100  }
0x496: {  	[tilespmem:s25], [sflag:$0x1] =	stream.indirect_vreg.gather [hbm4b:s5+s3], $0x80, v5, vm0, $0xb8;
	[tilespmem:$0x10980] =	vst v63  }
0x497: {  	s4 =	simm.s32 $0x3900  }
0x498: {  	[tilespmem:s4], [sflag:$0x1] =	stream.indirect_vreg.gather [hbm4b:s6+s3], $0x80, v5, vm0, $0xb8;
	[tilespmem:$0x10980] =	vst v63  }
0x499: {  	s25 =	simm.s32 $0x4100  }
0x49a: {  	[tilespmem:s25], [sflag:$0x1] =	stream.indirect_vreg.gather [hbm4b:s7+s3], $0x80, v5, vm0, $0xb8;
	[tilespmem:$0x10980] =	vst v63  }
0x49b: {  	v5 =	vld [tilespmem:$0x250];
	_ =	sdelay $0x4  }
0x49c: {  	v6 =	vshll.u32 v5, $0x3  }
0x49d: {  	v5 =	vand.u32 $0x7, v5;
	v6 =	vand.u32 $0xFFFFFFC0, v6  }
0x49e: {  	v5 =	vor.u32 v5, v6  }
0x49f: {  	v6 =	vperm.xlane v5, v0;
	_ =	sdelay $0x1  }
0x4a0: {  	v6 =	vadd.s32 v1, v6;
	_ =	sdelay $0x3  }
0x4a1: {  	s25 =	simm.s32 $0x4900  }
0x4a2: {  	[tilespmem:s25], [sflag:$0x1] =	stream.indirect_vreg.gather [hbm4b:s2+s3], $0x80, v6, vm0, $0xb8;
	[tilespmem:$0x10980] =	vst v63  }
0x4a3: {  	v5 =	vperm.xlane v5, v2;
	s25 =	simm.s32 $0x5100  }
0x4a4: {  	[tilespmem:s25], [sflag:$0x1] =	stream.indirect_vreg.gather [hbm4b:s5+s3], $0x80, v6, vm0, $0xb8;
	[tilespmem:$0x10980] =	vst v63  }
0x4a5: {  	v5 =	vadd.s32 v1, v5;
	s25 =	simm.s32 $0x5900  }
0x4a6: {  	[tilespmem:s25], [sflag:$0x1] =	stream.indirect_vreg.gather [hbm4b:s6+s3], $0x80, v6, vm0, $0xb8;
	[tilespmem:$0x10980] =	vst v63  }
0x4a7: {  	s1 =	simm.s32 $0x6100  }
0x4a8: {  	[tilespmem:s1], [sflag:$0x1] =	stream.indirect_vreg.gather [hbm4b:s7+s3], $0x80, v6, vm0, $0xb8;
	[tilespmem:$0x10980] =	vst v63  }
0x4a9: {  	s1 =	simm.s32 $0x6900  }
0x4aa: {  	[tilespmem:s1], [sflag:$0x1] =	stream.indirect_vreg.gather [hbm4b:s2+s3], $0x80, v5, vm0, $0xb8;
	[tilespmem:$0x10980] =	vst v63  }
0x4ab: {  	s25 =	simm.s32 $0x7100  }
0x4ac: {  	[tilespmem:s25], [sflag:$0x1] =	stream.indirect_vreg.gather [hbm4b:s5+s3], $0x80, v5, vm0, $0xb8;
	[tilespmem:$0x10980] =	vst v63  }
0x4ad: {  	s1 =	simm.s32 $0x7900  }
0x4ae: {  	[tilespmem:s1], [sflag:$0x1] =	stream.indirect_vreg.gather [hbm4b:s6+s3], $0x80, v5, vm0, $0xb8;
	[tilespmem:$0x10980] =	vst v63  }
0x4af: {  	s25 =	simm.s32 $0x8100  }
0x4b0: {  	[tilespmem:s25], [sflag:$0x1] =	stream.indirect_vreg.gather [hbm4b:s7+s3], $0x80, v5, vm0, $0xb8;
	[tilespmem:$0x10980] =	vst v63  }
0x4b1: {  	v5 =	vld [tilespmem:$0x4A0]  }
0x4b2: {  	v6 =	vld [tilespmem:$0x4B0];
	_ =	sdelay $0x1  }
0x4b3: {  	v7 =	vld [tilespmem:$0x220]  }
0x4b4: {  	v3 =	vld [tilespmem:$0x230]  }
0x4b5: {  	v18 =	vshll.u32 v5, $0x3  }
0x4b6: {  	v5 =	vand.u32 $0x7F, v5;
	v8 =	vand.u32 $0xFFFFFC00, v18;
	v18 =	vshll.u32 v6, $0x3  }
0x4b7: {  	v6 =	vand.u32 $0x7F, v6;
	v5 =	vor.u32 v5, v8;
	v8 =	vand.u32 $0xFFFFFC00, v18  }
0x4b8: {  	v5 =	vadd.s32 v21, v5;
	v6 =	vor.u32 v6, v8  }
0x4b9: {  	v6 =	vadd.s32 v4, v6;
	_ =	sdelay $0x1  }
0x4ba: {  	v7 =	vld.idx.msk [tilespmem:v7+s10+$0x0], $0xffff  }
0x4bb: {  	v8 =	vld.idx.msk [tilespmem:v3+s10+$0x0], $0xffff  }
0x4bc: {  	s1 =	rddreg [dreg:$0x16];
	v5 =	vld.idx.msk [tilespmem:v5+s29+$0x0], $0xffff  }
0x4bd: {  	v6 =	vld.idx.msk [tilespmem:v6+s29+$0x0], $0xffff;
	[hbm4b:s1+s3] =	stream.linear.scatter [tilespmem:s29], [sflag:$0x4], $0x8000, $0x38  }
0x4be: {  	s4 =	rddreg [dreg:$0x1d];
	_ =	swait.ge [sflag:s28], $0x8000  }
0x4bf: {  	[sflag:s28] =	ssyncset.done $0x0  }
0x4c0: {  	[sflag:s28] =	ssyncadd.s32 $0xFFFF8000  }
0x4c1: {  	_ =	swait.ge [sflag:s24], $0x8000  }
0x4c2: {  	[sflag:s24] =	ssyncset.done $0x0  }
0x4c3: {  	[sflag:s24] =	ssyncadd.s32 $0xFFFF8000  }
0x4c4: {  	v3 =	vld [tilespmem:$0x260];
	_ =	sdelay $0x4  }
0x4c5: {  	v18 =	vshll.u32 v3, $0x3  }
0x4c6: {  	v3 =	vand.u32 $0x7, v3;
	v18 =	vand.u32 $0xFFFFFFC0, v18  }
0x4c7: {  	v3 =	vor.u32 v3, v18  }
0x4c8: {  	v18 =	vperm.xlane v3, v0;
	_ =	sdelay $0x1  }
0x4c9: {  	v18 =	vadd.s32 v1, v18;
	_ =	sdelay $0x4  }
0x4ca: {  	[tilespmem:s29], [sflag:$0x2] =	stream.indirect_vreg.gather [hbm4b:s2+s3], $0x80, v18, vm0, $0xb8;
	[tilespmem:$0x10980] =	vst v63  }
0x4cb: {  	s30 =	simm.s32 $0x9100  }
0x4cc: {  	[tilespmem:s30], [sflag:$0x2] =	stream.indirect_vreg.gather [hbm4b:s5+s3], $0x80, v18, vm0, $0xb8;
	[tilespmem:$0x10980] =	vst v63  }
0x4cd: {  	s9 =	simm.s32 $0x9900  }
0x4ce: {  	[tilespmem:s9], [sflag:$0x2] =	stream.indirect_vreg.gather [hbm4b:s6+s3], $0x80, v18, vm0, $0xb8;
	[tilespmem:$0x10980] =	vst v63  }
0x4cf: {  	s17 =	simm.s32 $0xA100  }
0x4d0: {  	[tilespmem:s17], [sflag:$0x2] =	stream.indirect_vreg.gather [hbm4b:s7+s3], $0x80, v18, vm0, $0xb8;
	v18 =	vsub.f32 v19, v20;
	v19 =	vld [tilespmem:$0x1FF10]  }
0x4d1: {  	v20 =	vld [tilespmem:$0x1FF20];
	_ =	sdelay $0x4  }
0x4d2: {  	v18 =	vadd.f32 $0.0e+00, v18;
	v19 =	vsub.f32 v19, v20  }
0x4d3: {  	v20 =	vld [tilespmem:$0x1FF40]  }
0x4d4: {  	v18 =	vadd.f32 v19, v18;
	v19 =	vld [tilespmem:$0x1FF30]  }
0x4d5: {  	v3 =	vperm.xlane v3, v2;
	_ =	sdelay $0x1  }
0x4d6: {  	v3 =	vadd.s32 v1, v3;
	_ =	sdelay $0x1  }
0x4d7: {  	v19 =	vsub.f32 v19, v20  }
0x4d8: {  	v20 =	vld [tilespmem:$0x1FF60]  }
0x4d9: {  	s26 =	simm.s32 $0xA900;
	v18 =	vadd.f32 v19, v18;
	v19 =	vld [tilespmem:$0x1FF50]  }
0x4da: {  	[tilespmem:s26], [sflag:$0x2] =	stream.indirect_vreg.gather [hbm4b:s2+s3], $0x80, v3, vm0, $0xb8;
	[tilespmem:$0x10980] =	vst v63  }
0x4db: {  	s20 =	simm.s32 $0xB100  }
0x4dc: {  	[tilespmem:s20], [sflag:$0x2] =	stream.indirect_vreg.gather [hbm4b:s5+s3], $0x80, v3, vm0, $0xb8;
	[tilespmem:$0x10980] =	vst v63  }
0x4dd: {  	s21 =	simm.s32 $0xB900  }
0x4de: {  	[tilespmem:s21], [sflag:$0x2] =	stream.indirect_vreg.gather [hbm4b:s6+s3], $0x80, v3, vm0, $0xb8;
	v19 =	vsub.f32 v19, v20;
	[tilespmem:$0x10980] =	vst v63  }
0x4df: {  	s16 =	simm.s32 $0xC100  }
0x4e0: {  	[tilespmem:s16], [sflag:$0x2] =	stream.indirect_vreg.gather [hbm4b:s7+s3], $0x80, v3, vm0, $0xb8;
	v3 =	vadd.f32 v19, v18;
	v18 =	vld [tilespmem:$0x1FF70]  }
0x4e1: {  	v19 =	vld [tilespmem:$0x1FF80];
	_ =	sdelay $0x4  }
0x4e2: {  	v18 =	vsub.f32 v18, v19  }
0x4e3: {  	v20 =	vld [tilespmem:$0x1FFA0]  }
0x4e4: {  	v3 =	vadd.f32 v18, v3;
	v18 =	vld [tilespmem:$0x1FF90];
	_ =	sdelay $0x4  }
0x4e5: {  	v18 =	vsub.f32 v18, v20  }
0x4e6: {  	v20 =	vld [tilespmem:$0x1FFC0]  }
0x4e7: {  	v3 =	vadd.f32 v18, v3;
	v18 =	vld [tilespmem:$0x1FFB0];
	_ =	sdelay $0x4  }
0x4e8: {  	v18 =	vsub.f32 v18, v20  }
0x4e9: {  	v20 =	vld [tilespmem:$0x1FFE0]  }
0x4ea: {  	v3 =	vadd.f32 v18, v3;
	v18 =	vld [tilespmem:$0x1FFD0];
	_ =	sdelay $0x3  }
0x4eb: {  	v19 =	vld [tilespmem:$0x270]  }
0x4ec: {  	v18 =	vsub.f32 v18, v20;
	_ =	sdelay $0x1  }
0x4ed: {  	v3 =	vadd.f32 v18, v3;
	v18 =	vld [tilespmem:$0x1FFF0];
	_ =	sdelay $0x1  }
0x4ee: {  	v20 =	vshll.u32 v19, $0x3  }
0x4ef: {  	v19 =	vand.u32 $0x7, v19;
	v20 =	vand.u32 $0xFFFFFFC0, v20  }
0x4f0: {  	v19 =	vor.u32 v19, v20  }
0x4f1: {  	v20 =	vperm.xlane v19, v0;
	v18 =	vsub.f32 v18, v23;
	_ =	sdelay $0x1  }
0x4f2: {  	v24 =	vsub.f32 v22, v24;
	v20 =	vadd.s32 v1, v20;
	v3 =	vadd.f32 v18, v3;
	_ =	sdelay $0x1  }
0x4f3: {  	v26 =	vsub.f32 v25, v26;
	v3 =	vadd.f32 v24, v3;
	_ =	sdelay $0x1  }
0x4f4: {  	v28 =	vsub.f32 v27, v28;
	s31 =	simm.s32 $0xC900;
	v3 =	vadd.f32 v26, v3  }
0x4f5: {  	[tilespmem:s31], [sflag:$0x2] =	stream.indirect_vreg.gather [hbm4b:s2+s3], $0x80, v20, vm0, $0xb8;
	[tilespmem:$0x10980] =	vst v63  }
0x4f6: {  	v30 =	vsub.f32 v30, v32;
	s15 =	simm.s32 $0xD100;
	v19 =	vperm.xlane v19, v2;
	v3 =	vadd.f32 v28, v3  }
0x4f7: {  	[tilespmem:s15], [sflag:$0x2] =	stream.indirect_vreg.gather [hbm4b:s5+s3], $0x80, v20, vm0, $0xb8;
	[tilespmem:$0x10980] =	vst v63  }
0x4f8: {  	v32 =	vsub.f32 v29, v31;
	s14 =	simm.s32 $0xD900;
	v19 =	vadd.s32 v1, v19;
	v3 =	vadd.f32 v30, v3  }
0x4f9: {  	[tilespmem:s14], [sflag:$0x2] =	stream.indirect_vreg.gather [hbm4b:s6+s3], $0x80, v20, vm0, $0xb8;
	[tilespmem:$0x10980] =	vst v63  }
0x4fa: {  	v34 =	vsub.f32 v34, v36;
	s19 =	simm.s32 $0xE100;
	v3 =	vadd.f32 v32, v3  }
0x4fb: {  	[tilespmem:s19], [sflag:$0x2] =	stream.indirect_vreg.gather [hbm4b:s7+s3], $0x80, v20, vm0, $0xb8;
	[tilespmem:$0x10980] =	vst v63  }
0x4fc: {  	v36 =	vsub.f32 v33, v35;
	s13 =	simm.s32 $0xE900;
	v3 =	vadd.f32 v34, v3  }
0x4fd: {  	[tilespmem:s13], [sflag:$0x2] =	stream.indirect_vreg.gather [hbm4b:s2+s3], $0x80, v19, vm0, $0xb8;
	[tilespmem:$0x10980] =	vst v63  }
0x4fe: {  	v39 =	vsub.f32 v37, v39;
	s12 =	simm.s32 $0xF100;
	v3 =	vadd.f32 v36, v3  }
0x4ff: {  	[tilespmem:s12], [sflag:$0x2] =	stream.indirect_vreg.gather [hbm4b:s5+s3], $0x80, v19, vm0, $0xb8;
	[tilespmem:$0x10980] =	vst v63  }
0x500: {  	v40 =	vsub.f32 v38, v40;
	s18 =	simm.s32 $0xF900;
	v3 =	vadd.f32 v39, v3  }
0x501: {  	[tilespmem:s18], [sflag:$0x2] =	stream.indirect_vreg.gather [hbm4b:s6+s3], $0x80, v19, vm0, $0xb8;
	[tilespmem:$0x10980] =	vst v63  }
0x502: {  	v42 =	vsub.f32 v42, v44;
	s8 =	simm.s32 $0x10100;
	v3 =	vadd.f32 v40, v3  }
0x503: {  	v44 =	vsub.f32 v41, v43;
	[tilespmem:s8], [sflag:$0x2] =	stream.indirect_vreg.gather [hbm4b:s7+s3], $0x80, v19, vm0, $0xb8;
	[tilespmem:$0x10980] =	vst v63  }
0x504: {  	v45 =	vsub.f32 v45, v47;
	v47 =	vld [tilespmem:$0x4D0];
	v3 =	vadd.f32 v42, v3  }
0x505: {  	v19 =	vld [tilespmem:$0x4C0]  }
0x506: {  	v3 =	vadd.f32 v44, v3;
	_ =	sdelay $0x1  }
0x507: {  	v20 =	vsub.f32 v46, v48;
	v3 =	vadd.f32 v45, v3  }
0x508: {  	v23 =	vsub.f32 v51, v52;
	v22 =	vld [tilespmem:$0x240];
	v52 =	vshll.u32 v47, $0x3;
	v18 =	vand.u32 $0x7F, v47  }
0x509: {  	v24 =	vand.u32 $0xFFFFFC00, v52;
	v3 =	vadd.f32 v20, v3;
	v20 =	vshll.u32 v19, $0x3  }
0x50a: {  	v18 =	vor.u32 v18, v24;
	v19 =	vand.u32 $0x7F, v19;
	v20 =	vand.u32 $0xFFFFFC00, v20  }
0x50b: {  	v19 =	vor.u32 v19, v20;
	v20 =	vld [tilespmem:$0x250];
	v3 =	vadd.f32 v23, v3;
	v23 =	vsub.f32 v49, v50  }
0x50c: {  	v18 =	vadd.s32 v4, v18  }
0x50d: {  	v19 =	vadd.s32 v21, v19;
	v3 =	vadd.f32 v23, v3;
	v23 =	vsub.f32 v53, v55;
	_ =	sdelay $0x1  }
0x50e: {  	v3 =	vadd.f32 v23, v3;
	v23 =	vsub.f32 v54, v56  }
0x50f: {  	v22 =	vld.idx.msk [tilespmem:v22+s10+$0x0], $0xffff  }
0x510: {  	v18 =	vld.idx.msk [tilespmem:v18+s11+$0x0], $0xffff;
	v3 =	vadd.f32 v23, v3;
	v23 =	vsub.f32 v59, v60  }
0x511: {  	s18 =	rddreg [dreg:$0x17];
	v19 =	vld.idx.msk [tilespmem:v19+s11+$0x0], $0xffff  }
0x512: {  	v20 =	vld.idx.msk [tilespmem:v20+s10+$0x0], $0xffff;
	v3 =	vadd.f32 v23, v3;
	v23 =	vsub.f32 v57, v58;
	[hbm4b:s18+s3] =	stream.linear.scatter [tilespmem:s11], [sflag:$0x3], $0x8000, $0x38  }
0x513: {  	_ =	swait.ge [sflag:s22], $0x8000  }
0x514: {  	v17 =	vsub.f32 v63, v17;
	v3 =	vadd.f32 v23, v3;
	[sflag:s22] =	ssyncset.done $0x0  }
0x515: {  	[sflag:s22] =	ssyncadd.s32 $0xFFFF8000  }
0x516: {  	v53 =	vsub.f32 v61, v62;
	v3 =	vadd.f32 v17, v3;
	v23 =	vld [tilespmem:$0x4E0];
	_ =	sdelay $0x1  }
0x517: {  	v13 =	vsub.f32 v15, v13;
	v54 =	vld [tilespmem:$0x4F0];
	v3 =	vadd.f32 v53, v3;
	_ =	sdelay $0x1  }
0x518: {  	v14 =	vsub.f32 v16, v14;
	v55 =	vld [tilespmem:$0x260];
	v3 =	vadd.f32 v13, v3  }
0x519: {  	v9 =	vsub.f32 v10, v9;
	v59 =	vsub.f32 v12, v11;
	v56 =	vshll.u32 v23, $0x3  }
0x51a: {  	v58 =	vld [tilespmem:$0x270];
	v57 =	vand.u32 $0x7F, v23;
	v3 =	vadd.f32 v14, v3;
	v14 =	vand.u32 $0xFFFFFC00, v56  }
0x51b: {  	v60 =	vshll.u32 v54, $0x3;
	v61 =	vand.u32 $0x7F, v54;
	v10 =	vor.u32 v57, v14  }
0x51c: {  	v11 =	vand.u32 $0xFFFFFC00, v60;
	v3 =	vadd.f32 v9, v3;
	v10 =	vadd.s32 v21, v10  }
0x51d: {  	v11 =	vor.u32 v61, v11  }
0x51e: {  	v5 =	vsub.f32 v7, v5;
	v7 =	vadd.s32 v4, v11;
	v3 =	vadd.f32 v59, v3;
	_ =	sdelay $0x1  }
0x51f: {  	v3 =	vadd.f32 v5, v3;
	v5 =	vsub.f32 v8, v6;
	v6 =	vld.idx.msk [tilespmem:v55+s10+$0x0], $0xffff  }
0x520: {  	v62 =	vld.idx.msk [tilespmem:v10+s29+$0x0], $0xffff  }
0x521: {  	v63 =	vld.idx.msk [tilespmem:v58+s10+$0x0], $0xffff;
	v3 =	vadd.f32 v5, v3;
	v5 =	vsub.f32 v22, v19  }
0x522: {  	v7 =	vld.idx.msk [tilespmem:v7+s29+$0x0], $0xffff  }
0x523: {  	s19 =	rddreg [dreg:$0x18];
	v3 =	vadd.f32 v5, v3;
	v5 =	vsub.f32 v20, v18  }
0x524: {  	[hbm4b:s19+s3] =	stream.linear.scatter [tilespmem:s29], [sflag:$0x4], $0x8000, $0x38;
	[tilespmem:$0x10980] =	vst v63  }
0x525: {  	_ =	swait.ge [sflag:s23], $0x8000;
	v3 =	vadd.f32 v5, v3;
	v5 =	vsub.f32 v6, v62  }
0x526: {  	[sflag:s23] =	ssyncset.done $0x0  }
0x527: {  	[sflag:s23] =	ssyncadd.s32 $0xFFFF8000;
	v3 =	vadd.f32 v5, v3;
	v5 =	vsub.f32 v63, v7  }
0x528: {  	_ =	swait.ge [sflag:s24], $0x8000  }
0x529: {  	[sflag:s24] =	ssyncset.done $0x0;
	v3 =	vadd.f32 v5, v3  }
0x52a: {  	p0 =	sne.s32 s4, $0x1;
	s20 =	rddreg [dreg:$0x19];
	[sflag:s24] =	ssyncadd.s32 $0xFFFF8000  }
.Ltmp0:
0x52b: {  	s30 =	simm.s32 $0x5;
	s21 =	rddreg [dreg:$0x1b];
	[tilespmem:$0x10900] =	vst v3;
	(pc) =	sbr.rel @p0 .LBB2_1-.Ltmp0, $4  }
0x52c: {  	[hbm4b:s20+s3] =	stream.linear.scatter [tilespmem:s21], [sflag:$0x5], $0x10, $0x38;
	[tilespmem:$0x10980] =	vst v63  }
0x52d: {  	_ =	swait.ge [sflag:s30], $0x10  }
0x52e: {  	s31 =	simm.s32 $0x5;
	[sflag:s30] =	ssyncset.done $0x0  }
0x52f: {  	s4 =	sadd.s32 $0xFFFFFFFF, s4;
	[sflag:s31] =	ssyncadd.s32 $0xFFFFFFF0  }
0x530: {  	_ =	sfence.sel $0x180000  }
0x531: {  	[bflag:$0x0] =	sbarrier.arrive $0xFFFF  }
0x532: {  	_ =	strace $0x90000047  }
0x533: {  	s0 =	stileid.u32;
	[bflag:$0x2] =	sbarrier.arrive $0xFFFF  }
0x534: {  	p0 =	sne.s32 s0, $0x0;
	s0 =	rddreg [dreg:$0x2]  }
0x535: {  	s0 =	sadd.s32 @!p0 $0x100000, s0  }
0x536: {  	[sflag:s0] =	ssyncadd.tile.s32 @!p0 $0x1;
	_ =	shalt  }
.Lfunc_end2:
_tile_overlayer_lowered:
.L_overlay_start_2:
0x537: {  	(tag) =	ssettag $0x2  }
0x538: {  	s0 =	rddreg [dreg:$0x0];
	s2 =	stileid.u32  }
0x539: {  	s1 =	rddreg [dreg:$0x1];
	p0 =	sne.s32 s2, $0x0  }
0x53a: {  	s3 =	rddreg [dreg:$0x2];
	[bflag:$0x3] =	sbarrier.arrive $0xFFFF;
	s2 =	simm.s32 @!p0 $0x1C05  }
0x53b: {  	[timem:s3], [sflag:s2] =	dma.local @!p0 [hbm:s0], s1  }
0x53c: {  	s0 =	simm.s32 @!p0 $0x5  }
0x53d: {  	_ =	swait.ge @!p0 [sflag:s0], s1  }
0x53e: {  	s1 =	ssub.s32 @!p0 $0x0, s1;
	[sflag:s0] =	ssyncset.done @!p0 $0x0  }
0x53f: {  	[sflag:s0] =	ssyncadd.s32 @!p0 s1  }
0x540: {  	[bflag:$0x3] =	sbarrier.arrive $0xFFFF  }
0x541: {  	_ =	shalt  }

// kernel: sparse-core-data-format-call.cloned.1.call-start
scs
called_computation_lowered:
.L_overlay_start_0:
0x0: {  	s2 =	sld [smem:$0x3FD9]  }
0x1: {  	s3 =	sld [smem:$0x3FFE];
	_ =	sdelay $0x1  }
0x2: {  	s1 =	srdreg.scid  }
0x3: {  	s0 =	sand.u32 $0x1, s1  }
0x4: {  	s15 =	sshll.u32 s0, $0xA;
	s2 =	sadd.s32 s3, s2  }
0x5: {  	s2 =	sadd.s32 s2, s15  }
0x6: {  	[smem:$0x3FC5] =	sst s2  }
0x7: {  	_ = 	snop  }
0x8: {  	s2 =	sld [smem:$0x3FD0];
	_ =	sdelay $0x2  }
0x9: {  	s16 =	simm.s32 $0xA;
	s4 =	simm.s32 $0x10  }
0xa: {  	[smem:s4], [sflag:s16] =	dma.local [hbm:s2], $0x1  }
0xb: {  	_ =	swait.eq [sflag:s16], $0x1  }
0xc: {  	[sflag:s16] =	ssyncset.done $0x0  }
0xd: {  	[sflag:s16] =	ssyncadd.s32 $0xFFFFFFFF  }
0xe: {  	s17 =	sld [smem:$0x10];
	(tm) =	ssettm $0x1  }
0xf: {  	s18 =	sld [smem:$0x3FFB];
	_ =	sdelay $0x3  }
0x10: {  	_ =	strace s18  }
0x11: {  	s3 =	sld [smem:$0x3FFC];
	_ =	sdelay $0x3  }
0x12: {  	_ =	strace s3  }
0x13: {  	s3 =	sld [smem:$0x3FFD];
	_ =	sdelay $0x3  }
0x14: {  	_ =	strace s3  }
0x15: {  	_ =	strace $0x8FFFFFFF  }
0x16: {  	s19 =	sld [smem:$0x3FDB];
	_ =	sdelay $0x1  }
0x17: {  	s20 =	simm.s32 $_scs_section_size  }
0x18: {  	s5 =	simm.s32 $_size__tile_overlayer_lowered;
	s6 =	simm.s32 $_tile_overlayer_lowered  }
0x19: {  	s23 =	simm.s32 $0x1BFF;
	s22 =	sshll.u32 s6, $0x1;
	s3 =	sadd.s32 s20, s19  }
0x1a: {  	s7 =	simm.s32 $0x0;
	s21 =	sshll.u32 s5, $0x1;
	s5 =	sadd.s32 s22, s3  }
0x1b: {  	[timem:s7], [sflag:s23] =	dma.local [hbm:s5], s21  }
0x1c: {  	_ =	swait.ge [sflag:s23], s21  }
0x1d: {  	s4 =	ssub.s32 $0x0, s21;
	[sflag:s23] =	ssyncset.done $0x0  }
0x1e: {  	[sflag:s23] =	ssyncadd.s32 s4;
	_ =	sdelay $0x1  }
0x1f: {  	s24 =	simm.s32 $0x1B8B  }
0x20: {  	_ =	swait.ge [sflag:s24], $0x1  }
0x21: {  	[sflag:s24] =	ssyncset.done $0x0  }
0x22: {  	s26 =	simm.s32 $0x1B8E;
	s25 =	sld [smem:$0x3FFE];
	[sflag:s24] =	ssyncadd.s32 $0xFFFFFFFF  }
0x23: {  	s27 =	simm.s32 $execute0_lowered;
	[smem:$0x3FD2] =	sst s26  }
0x24: {  	s5 =	sshll.u32 s27, $0x1;
	_ =	strace $0x80000049;
	[dreg:$0x1] =	wrdreg $0xFFFFFFFF  }
0x25: {  	s28 =	simm.s32 $_size_execute0_lowered;
	s3 =	sadd.s32 s3, s5;
	[dreg:$0x0] =	wrdreg $0x0  }
0x26: {  	s5 =	sshll.u32 s28, $0x1;
	[dreg:$0x2] =	wrdreg s3  }
0x27: {  	[dreg:$0x3] =	wrdreg s5  }
0x28: {  	[dreg:$0x4] =	wrdreg $0xC0  }
0x29: {  	_ =	task [dreg:s7], $0x5FFFF  }
0x2a: {  	[dreg:$0x1] =	wrdreg $0xFFFFFFFF  }
0x2b: {  	[dreg:$0x0] =	wrdreg $0x60  }
0x2c: {  	[dreg:$0x2] =	wrdreg s25  }
0x2d: {  	[dreg:$0x3] =	wrdreg s17  }
0x2e: {  	[dreg:$0x4] =	wrdreg $0x9  }
0x2f: {  	_ =	task.clear_ibuf [dreg:s7], $0x5FFFF;
	_ =	strace $0x90000049  }
0x30: {  	s29 =	simm.s32 $0x9;
	_ =	strace $0x8000004B  }
0x31: {  	_ =	swait.ge [sflag:s29], $0x1  }
0x32: {  	[sflag:s29] =	ssyncadd.s32 $0xFFFFFFFF  }
0x33: {  	_ =	strace $0x9000004B  }
0x34: {  	_ =	sfence  }
0x35: {  	s30 =	sld [smem:$0x0];
	_ =	sdelay $0x2  }
0x36: {  	s31 =	sshll.u32 s1, $0xD;
	s1 =	sshrl.u32 s1, $0x2  }
0x37: {  	s3 =	sand.u32 $0x4000, s31;
	s1 =	sadd.s32 s1, s30  }
0x38: {  	s0 =	sor.u32 s3, s0;
	s1 =	sshll.u32 s1, $0x11  }
0x39: {  	s0 =	sor.u32 s1, s0  }
0x3a: {  	s0 =	sadd.s32 $0x8F2B, s0  }
0x3b: {  	[sflag:s0] =	ssyncadd.remote.s32 $0x1  }
0x3c: {  	_ =	sfence.sel $0xFFFF  }
0x3d: {  	[dreg:$0x0] =	wrdreg $0xFFFFFFFF;
	(pc) =	sbr.abs _section_cstart, $3  }
0x3e: {  	[dreg:$0x1] =	wrdreg $0xFFFFFFFF  }
0x3f: {  	_ =	task.clear_ibuf [dreg:s7], $0x2FFFF;
	_ =	strace $0x9FFFFFFF  }
0x40: {  	(tm) =	ssettm $0x7FFFFFFF  }
0x41: {  	_ =	shalt  }
tec
execute0_lowered:
.L_overlay_start_1:
0x0: {  	(tag) =	ssettag $0x1  }
0x1: {  	s0 =	srdreg.scid;
	s5 =	rddreg [dreg:$0x0]  }
0x2: {  	s3 =	rddreg [dreg:$0x1];
	s1 =	sshll.u32 s0, $0x4  }
0x3: {  	s7 =	simm.s32 $0x1;
	s0 =	stileid.u32;
	s1 =	sand.u32 $0x10, s1  }
0x4: {  	s8 =	simm.s32 $0x2;
	s15 =	simm.s32 $0x0;
	s1 =	sor.u32 s0, s1  }
0x5: {  	s14 =	simm.s32 $0x0;
	s9 =	simm.s32 $0x0;
	s2 =	sshll.u32 s1, $0x7  }
0x6: {  	s10 =	simm.s32 $0x0;
	s11 =	simm.s32 $0x0;
	s6 =	ssub.s32 $0x5000, s2  }
0x7: {  	s13 =	simm.s32 $0x0;
	s5 =	sadd.s32 $0x2800, s5;
	s4 =	sand.u32 $0xF80, s6  }
.Ltmp0:
0x8: {  	s1 =	rddreg [dreg:$0x2];
	p0 =	sne.s32 s4, $0x0;
	(pc) =	sbr.rel .LBB1_1-.Ltmp0, $4  }
0x9: {  	_ =	strace $0x8000004A;
	s6 =	sshrl.u32 s6, $0xC;
	s7 =	simm.s32 @!p0 $0x0  }
0xa: {  	s12 =	smov.u32 s2;
	s4 =	simm.s32 $0x1;
	s6 =	sadd.s32 s7, s6  }
0xb: {  	[sflag:s4] =	ssyncpa.u1 $0x0;
	p0 =	por $0x0, $0x0;
	s6 =	sshll.u32 s6, $0x3  }
0xc: {  	[sflag:s8] =	ssyncpa.u1 $0x0;
	s8 =	simm.s32 $0x28000;
	s7 =	sor.u32 $0x1, s6  }
.LBB1_4:
0xd: {  	s21 =	sshrl.u32 s9, $0x3;
	s22 =	sshll.u32 s10, $0x3;
	s23 =	sshll.u32 s9, $0x7  }
0xe: {  	s24 =	sand.u32 $0x7F, s10;
	s20 =	sshra.s32 s20, $0x2;
	p1 =	sgt.s32 s9, $0x368  }
0xf: {  	s27 =	sshra.s32 s9, $0x1F;
	s21 =	smul.u32 $0x28000, s21;
	s22 =	sand.u32 $0xFFFFFC00, s22  }
0x10: {  	s23 =	sand.u32 $0x380, s23;
	s19 =	sadd.s32 s20, s19;
	s20 =	smov.u32 s9  }
0x11: {  	s25 =	sor.u32 s24, s23;
	s20 =	simm.s32 @!p1 $0x368;
	s21 =	sadd.s32 s22, s21  }
0x12: {  	v5 =	vld [tilespmem:s17+$0xFFFFFFD0];
	[tilespmem:s18+$0x2040 ss:$0x81] =	vst.msk $0xffff, v4;
	s24 =	sand.u32 s27, s9;
	s22 =	sor.u32 s21, s25;
	s21 =	smulhi.u32 $0xCCCCCCCD, s21  }
0x13: {  	v58 =	vld [tilespmem:s17+$0xFFFFFFE0];
	[tilespmem:s18+$0x2850 ss:$0x81] =	vst.msk $0xffff, v3;
	p1 =	sgt.s32 s10, $0x4F80;
	s20 =	ssub.s32 s20, s24;
	s26 =	smulhi.u32 $0xCCCCCCCD, s22  }
0x14: {  	v59 =	vld [tilespmem:s17+$0xFFFFFFF0];
	[tilespmem:s18+$0x3060 ss:$0x81] =	vst.msk $0xffff, v2;
	s25 =	smov.u32 s10;
	s31 =	sadd.s32 $0xFFFFFC98, s20;
	s28 =	sshrl.u32 s21, $0xE  }
0x15: {  	v60 =	vld [tilespmem:s17+$0x0];
	[tilespmem:s18+$0x0 ss:$0x81] =	vst.msk $0xffff, v0;
	s23 =	sshrl.u32 s26, $0xE;
	s26 =	sshra.s32 s10, $0x1F;
	s30 =	smulhi.u32 $0x418938, s28  }
0x16: {  	v61 =	vld [tilespmem:s17+$0x10];
	[tilespmem:s19+$0x3870 ss:$0x81] =	vst.msk $0xffff, v1;
	s20 =	ssub.s32 $0x3E8, s20;
	s25 =	simm.s32 @!p1 $0x4F80;
	s26 =	sand.u32 s26, s10  }
0x17: {  	v62 =	vld [tilespmem:s17+$0x20];
	p1 =	sgt.s32 s31, $0x7F;
	[tilespmem:s19+$0x810 ss:$0x81] =	vst.msk $0xffff, v5;
	s29 =	ssub.s32 s25, s26;
	s27 =	smul.u32 $0x3E8, s30  }
0x18: {  	v63 =	vld [tilespmem:s17+$0xFFFFFFC0];
	[tilespmem:s19+$0x1020 ss:$0x81] =	vst.msk $0xffff, v58;
	s20 =	simm.s32 @p1 $0x0;
	s23 =	smul.u32 $0x5000, s23;
	s26 =	sadd.s32 $0xFFFFB080, s29  }
0x19: {  	[tilespmem:s19+$0x1830 ss:$0x81] =	vst.msk $0xffff, v59;
	s21 =	ssub.s32 $0x5000, s29;
	p2 =	sgt.s32 s26, $0x7F;
	s17 =	ssub.s32 s28, s27  }
0x1a: {  	[tilespmem:s19+$0x2040 ss:$0x81] =	vst.msk $0xffff, v60;
	s22 =	ssub.s32 s22, s23;
	s21 =	simm.s32 @p2 $0x0;
	s17 =	smul.u32 $0xA00, s17  }
0x1b: {  	[tilespmem:s19+$0x2850 ss:$0x81] =	vst.msk $0xffff, v61;
	s29 =	sshrl.u32 s22, $0x3;
	s30 =	sand.u32 $0x7, s22;
	s28 =	smul.u32 s21, s20  }
0x1c: {  	[tilespmem:s19+$0x3060 ss:$0x81] =	vst.msk $0xffff, v62;
	s20 =	sadd.s32 s3, s29;
	s21 =	sshll.u32 s30, $0x12  }
0x1d: {  	[tilespmem:s19+$0x0 ss:$0x81] =	vst.msk $0xffff, v63;
	s17 =	sadd.s32 s17, s20;
	s31 =	sor.u32 $0x400, s21;
	s18 =	sand.u32 $0x3FFFFFFF, s28  }
0x1e: {  	[hbm4b:s17+s31] =	stream.strided.scatter [tilespmem:s16], [sflag:$0x2], s18, s8, s31, $0x20;
	[tilespmem:$0x10100] =	vst v63  }
.LBB1_5:
0x1f: {  	p1 =	slt.u32 s13, $0x2  }
0x20: {  	s17 =	smov.u32 s15;
	p2 =	sgt.s32 @!p1 s15, $0x368;
	s16 =	sshra.s32 @!p1 s15, $0x1F  }
0x21: {  	p3 =	sgt.s32 @!p1 s14, $0x4F80;
	s18 =	sshra.s32 @!p1 s14, $0x1F;
	p2 =	por !p2, p1  }
0x22: {  	s15 =	sand.u32 @!p1 s16, s15;
	p3 =	por !p3, p1;
	s16 =	smov.u32 s14  }
0x23: {  	s14 =	sand.u32 @!p1 s18, s14;
	s17 =	simm.s32 @p2 $0x368;
	s16 =	simm.s32 @p3 $0x4F80  }
0x24: {  	s15 =	ssub.s32 @!p1 s17, s15;
	s14 =	ssub.s32 @!p1 s16, s14  }
0x25: {  	s18 =	smov.u32 s12;
	s16 =	sadd.s32 @!p1 $0xFFFFFC98, s15;
	s17 =	sadd.s32 @!p1 $0xFFFFB080, s14  }
0x26: {  	s15 =	ssub.s32 @!p1 $0x3E8, s15;
	p2 =	sgt.s32 @!p1 s16, $0x7F;
	p3 =	sgt.s32 @!p1 s17, $0x7F  }
0x27: {  	s14 =	ssub.s32 @!p1 $0x5000, s14;
	p2 =	por !p2, p1;
	p3 =	por !p3, p1  }
0x28: {  	s16 =	sadd.s32 $0x80, s11;
	s15 =	simm.s32 @!p2 $0x0;
	s14 =	simm.s32 @!p3 $0x0  }
0x29: {  	p2 =	sgt.s32 s16, $0x3E7;
	s14 =	smul.u32 @!p1 s14, s15;
	s15 =	sadd.s32 $0x1000, s12  }
0x2a: {  	s18 =	smov.u32 @p2 s15  }
0x2b: {  	s16 =	simm.s32 @p2 $0x0;
	p2 =	sgt.s32 s18, $0x4FFF  }
0x2c: {  	s18 =	smov.u32 @p2 s2;
	p2 =	sne.s32 s13, s7  }
.Ltmp1:
0x2d: {  	p0 =	por !p0, !p0;
	s17 =	simm.s32 @!p1 $0x2;
	(pc) =	sbr.rel @!p2 .LBB1_6-.Ltmp1, $4  }
0x2e: {  	s15 =	smov.u32 s9;
	s9 =	smov.u32 s11;
	s14 =	sand.u32 @!p1 $0x3FFFFFFF, s14  }
0x2f: {  	s11 =	smov.u32 s16;
	_ =	swait.ge @!p1 [sflag:s17], s14;
	s19 =	ssub.s32 @!p1 $0x0, s14  }
0x30: {  	s14 =	smov.u32 s10;
	s13 =	sadd.s32 $0x1, s13;
	[sflag:s17] =	ssyncset.done @!p1 $0x0  }
0x31: {  	s10 =	smov.u32 s12;
	s12 =	smov.u32 s18;
	[sflag:s17] =	ssyncadd.s32 @!p1 s19  }
.LBB1_1:
0x32: {  	p1 =	sge.u32 s13, s6  }
0x33: {  	s16 =	sshll.u32 @!p1 s12, $0xA  }
0x34: {  	s17 =	sshll.u32 @!p1 s11, $0x3;
	s16 =	sand.u32 @!p1 $0xFFFFE000, s16  }
0x35: {  	s16 =	sadd.s32 @!p1 s16, s17  }
0x36: {  	s16 =	sshrl.u32 @!p1 s16, $0xA  }
0x37: {  	s17 =	smulhi.u32 @!p1 $0xCCCCD, s16  }
0x38: {  	s18 =	sxor.u32 @!p1 $0xFFFFFFFF, s13  }
0x39: {  	s19 =	sshll.u32 @!p1 s12, $0x7;
	s20 =	sand.u32 @!p1 $0x78, s11;
	s17 =	sshrl.u32 @!p1 s17, $0x2  }
0x3a: {  	s18 =	sshll.u32 @!p1 s18, $0xE;
	s19 =	sand.u32 @!p1 $0x380, s19;
	s17 =	smul.u32 @!p1 $0x5000, s17  }
0x3b: {  	s31 =	sadd.s32 $0xFFFFFFFF, s13;
	s19 =	sor.u32 @!p1 s20, s19;
	s18 =	sand.u32 @!p1 $0x4000, s18  }
0x3c: {  	s16 =	ssub.s32 @!p1 s16, s17;
	s17 =	sshrl.u32 @!p1 s19, $0x3;
	s19 =	sand.u32 @!p1 $0x7, s11  }
0x3d: {  	s16 =	sshll.u32 @!p1 s16, $0x7;
	s17 =	sadd.s32 @!p1 s5, s17;
	s19 =	sshll.u32 @!p1 s19, $0x12  }
0x3e: {  	s16 =	sadd.s32 @!p1 s16, s17;
	s17 =	sor.u32 @!p1 $0x400, s19;
	s19 =	simm.s32 @!p1 $0x2000  }
0x3f: {  	[tilespmem:s18], [sflag:$0x1] =	stream.strided.gather @!p1 [hbm4b:s16+s17], $0x4000, s19, s17, $0x38;
	[tilespmem:$0x10100] =	vst v63  }
0x40: {  	p1 =	sge.u32 s31, s6  }
.Ltmp2:
0x41: {  	_ = 	snop;
	(pc) =	sbr.rel @p1 .LBB1_5-.Ltmp2, $1  }
0x42: {  	_ =	sdelay $0x3  }
0x43: {  	s16 =	simm.s32 $0x1  }
0x44: {  	_ =	swait.ge [sflag:s4], $0x4000;
	s16 =	simm.s32 @!p0 $0x0  }
0x45: {  	[sflag:s4] =	ssyncset.done $0x0;
	s17 =	sshll.u32 s16, $0xE  }
0x46: {  	[sflag:s4] =	ssyncadd.s32 $0xFFFFC000;
	s17 =	sor.u32 $0x40, s17  }
0x47: {  	s16 =	smul.u32 $0x10200, s16;
	v0 =	vld [tilespmem:s17+$0x30]  }
0x48: {  	v1 =	vld [tilespmem:s17+$0xFFFFFFD0]  }
0x49: {  	s16 =	sshrl.u32 s16, $0x2;
	v5 =	vld [tilespmem:s17+$0xFFFFFFE0]  }
0x4a: {  	v6 =	vld [tilespmem:s17+$0xFFFFFFF0];
	s19 =	sor.u32 $0x8000, s16  }
0x4b: {  	s31 =	sand.u32 $0x1, s13;
	v4 =	vld [tilespmem:s17+$0x0];
	s18 =	sadd.s32 $0x0, s19  }
0x4c: {  	v3 =	vld [tilespmem:s17+$0x10];
	s16 =	smul.u32 $0x10200, s31;
	[tilespmem:s18+$0x3870 ss:$0x81] =	vst.msk $0xffff, v0  }
0x4d: {  	v2 =	vld [tilespmem:s17+$0x20];
	[tilespmem:s18+$0x810 ss:$0x81] =	vst.msk $0xffff, v1  }
0x4e: {  	s16 =	sshrl.u32 s16, $0x2;
	v0 =	vld [tilespmem:s17+$0xFFFFFFC0];
	[tilespmem:s18+$0x1020 ss:$0x81] =	vst.msk $0xffff, v5;
	s17 =	sadd.s32 $0x80, s17  }
0x4f: {  	s20 =	simm.s32 $0x4;
	s21 =	simm.s32 $0x8;
	s16 =	sor.u32 $0x8000, s16;
	[tilespmem:s18+$0x1830 ss:$0x81] =	vst.msk $0xffff, v6;
	v1 =	vld [tilespmem:s17+$0x30]  }
.LBB1_3:
0x50: {  	p1 =	sne.s32 s21, $0x1FC;
	v5 =	vld [tilespmem:s17+$0xFFFFFFD0];
	[tilespmem:s18+$0x2040 ss:$0x81] =	vst.msk $0xffff, v4  }
0x51: {  	v6 =	vld [tilespmem:s17+$0xFFFFFFE0];
	[tilespmem:s18+$0x2850 ss:$0x81] =	vst.msk $0xffff, v3  }
0x52: {  	s22 =	sshra.s32 s20, $0x2;
	s20 =	smov.u32 s21;
	v7 =	vld [tilespmem:s17+$0xFFFFFFF0];
	[tilespmem:s18+$0x3060 ss:$0x81] =	vst.msk $0xffff, v2  }
.Ltmp3:
0x53: {  	v4 =	vld [tilespmem:s17+$0x0];
	[tilespmem:s18+$0x0 ss:$0x81] =	vst.msk $0xffff, v0;
	s18 =	sadd.s32 s22, s19;
	(pc) =	sbr.rel @p1 .LBB1_3-.Ltmp3, $4  }
0x54: {  	v3 =	vld [tilespmem:s17+$0x10];
	[tilespmem:s18+$0x3870 ss:$0x81] =	vst.msk $0xffff, v1  }
0x55: {  	[tilespmem:s18+$0x810 ss:$0x81] =	vst.msk $0xffff, v5;
	v2 =	vld [tilespmem:s17+$0x20]  }
0x56: {  	v0 =	vld [tilespmem:s17+$0xFFFFFFC0];
	[tilespmem:s18+$0x1020 ss:$0x81] =	vst.msk $0xffff, v6;
	s17 =	sadd.s32 $0x80, s17  }
0x57: {  	s21 =	sadd.s32 $0x4, s21;
	v1 =	vld [tilespmem:s17+$0x30];
	[tilespmem:s18+$0x1830 ss:$0x81] =	vst.msk $0xffff, v7  }
.Ltmp4:
0x58: {  	_ = 	snop;
	(pc) =	sbr.rel .LBB1_4-.Ltmp4, $1  }
0x59: {  	_ =	sdelay $0x3  }
.LBB1_6:
0x5a: {  	_ =	sfence.sel $0x180000  }
0x5b: {  	s2 =	simm.s32 $0x1;
	[bflag:$0x0] =	sbarrier.arrive $0xFFFF  }
0x5c: {  	s31 =	simm.s32 $0x2;
	[sflag:s2] =	ssyncpa.u1 $0x1  }
0x5d: {  	[sflag:s31] =	ssyncpa.u1 $0x1  }
0x5e: {  	p0 =	sne.s32 s0, $0x0;
	_ =	strace $0x9000004A  }
0x5f: {  	s0 =	sadd.s32 @!p0 $0x100000, s1;
	[bflag:$0x2] =	sbarrier.arrive $0xFFFF  }
0x60: {  	[sflag:s0] =	ssyncadd.tile.s32 @!p0 $0x1;
	_ =	shalt  }
.Lfunc_end1:
_tile_overlayer_lowered:
.L_overlay_start_2:
0x61: {  	(tag) =	ssettag $0x2  }
0x62: {  	s0 =	rddreg [dreg:$0x0];
	s2 =	stileid.u32  }
0x63: {  	s1 =	rddreg [dreg:$0x1];
	p0 =	sne.s32 s2, $0x0  }
0x64: {  	s3 =	rddreg [dreg:$0x2];
	[bflag:$0x3] =	sbarrier.arrive $0xFFFF;
	s2 =	simm.s32 @!p0 $0x1C01  }
0x65: {  	[timem:s3], [sflag:s2] =	dma.local @!p0 [hbm:s0], s1  }
0x66: {  	s0 =	simm.s32 @!p0 $0x1  }
0x67: {  	_ =	swait.ge @!p0 [sflag:s0], s1  }
0x68: {  	s1 =	ssub.s32 @!p0 $0x0, s1;
	[sflag:s0] =	ssyncset.done @!p0 $0x0  }
0x69: {  	[sflag:s0] =	ssyncadd.s32 @!p0 s1  }
0x6a: {  	[bflag:$0x3] =	sbarrier.arrive $0xFFFF  }
0x6b: {  	_ =	shalt  }

</sc_bundles>
